<compile_context>
chip_gen: v7x
topology: tpu7x:2x2x1
jax: 0.10.2.dev20260603
libtpu: 0.0.44.dev20260713+nightly
codegen_flags: <defaults>
</compile_context>

<pallas_src>
import jax
import jax.numpy as jnp
from jax import lax
from jax.experimental import pallas as pl
from jax.experimental.pallas import tpu as pltpu
from jax.experimental.pallas import tpu_sc as plsc

N_NODES = 10000
D_IN = 128
D_REL = 64
WIDTH = 80
N_EDGES = 320000
CHUNK = 128
NCH = 160
NROWS = N_EDGES // CHUNK
NCH_LAST = NROWS - 15 * NCH
ACC_ROWS = 10112
TBL_ROWS = 10008
RPT = ACC_ROWS // 16
IBC = 20


def _proj_body(xu_ref, wu_ref, xi_ref, wi_ref, au_ref, ai_ref):
    ones_then_zeros = (
        lax.broadcasted_iota(jnp.int32, (N_NODES, WIDTH - D_REL), 1) == 0
    ).astype(jnp.float32)
    for x_ref, w_ref, o_ref in ((xu_ref, wu_ref, au_ref), (xi_ref, wi_ref, ai_ref)):
        xw = jnp.dot(x_ref[...], w_ref[...], preferred_element_type=jnp.float32)
        o_ref[0:N_NODES, :] = jnp.concatenate([xw, ones_then_zeros], axis=1)
        o_ref[N_NODES:TBL_ROWS, :] = jnp.zeros(
            (TBL_ROWS - N_NODES, WIDTH), jnp.float32)


def _project(x_user, W_user, x_item, W_item):
    out = jax.ShapeDtypeStruct((TBL_ROWS, WIDTH), jnp.float32)
    return pl.pallas_call(
        _proj_body,
        out_shape=(out, out),
    )(x_user, W_user, x_item, W_item)


NBUF = 5
PREF = NBUF - 2


def _edge_body(au_hbm, ai_hbm, eidx_hbm, z_hbm, out_hbm,
               gidx, sidx, r0b, r1b, r2b, r3b, r4b, acc,
               g0, g1, g2, g3, g4, s0, s1, s2, s3, s4):
    c = lax.axis_index("c")
    s = lax.axis_index("s")
    R = (r0b, r1b, r2b, r3b, r4b)
    G = (g0, g1, g2, g3, g4)
    S = (s0, s1, s2, s3, s4)

    pltpu.sync_copy(z_hbm, r0b)
    base = s * RPT
    for k in range(5):
        n = CHUNK if k < 4 else RPT - 4 * CHUNK
        pltpu.sync_copy(r0b.at[pl.ds(0, n)], acc.at[pl.ds(base + k * CHUNK, n)])
    plsc.subcore_barrier()

    def wg(b):
        pltpu.make_async_copy(z_hbm, R[b], G[b]).wait()

    def ws(b):
        pltpu.make_async_copy(z_hbm, R[b], S[b]).wait()

    def main_loop(table):
        start = s * NCH

        def gat(j, b):
            pltpu.async_copy(table.at[gidx.at[j]], R[b], G[b])

        def sca(j, b):
            pltpu.async_copy(R[b], acc.at[sidx.at[j]], S[b], add=True)

        nblk = jnp.where(s == 15, NCH_LAST // IBC, NCH // IBC)

        @pl.loop(0, nblk)
        def _(blk):
            pltpu.sync_copy(eidx_hbm.at[c, pl.ds(start + blk * IBC, IBC)], gidx)
            pltpu.sync_copy(eidx_hbm.at[1 - c, pl.ds(start + blk * IBC, IBC)], sidx)
            for t in range(PREF):
                gat(t, t)

            @pl.loop(0, IBC, step=NBUF)
            def _(j):
                for b in range(NBUF):
                    jj = j + b
                    wg(b)
                    sca(jj, b)
                    b2 = (b + PREF) % NBUF

                    @pl.when(jj + PREF < IBC)
                    def _():
                        @pl.when(jj >= NBUF - PREF)
                        def _():
                            ws(b2)
                        gat(jj + PREF, b2)

            for b in range(NBUF):
                ws(b)

    @pl.when(c == 0)
    def _():
        main_loop(au_hbm)

    @pl.when(c == 1)
    def _():
        main_loop(ai_hbm)

    plsc.subcore_barrier()

    for k in range(5):
        n = CHUNK if k < 4 else RPT - 4 * CHUNK
        r0 = base + k * CHUNK
        pltpu.sync_copy(acc.at[pl.ds(r0, n)], r0b.at[pl.ds(0, n)])

        @pl.loop(0, n)
        def _(r):
            degv = r0b[r, pl.ds(D_REL, 16)]
            recv = 1.0 / jnp.maximum(degv, 1.0)
            rec = jnp.take(recv, jnp.zeros((16,), jnp.int32))
            for q in range(D_REL // 16):
                r0b[r, pl.ds(q * 16, 16)] = r0b[r, pl.ds(q * 16, 16)] * rec

        pltpu.sync_copy(r0b.at[pl.ds(0, n)], out_hbm.at[c, pl.ds(r0, n)])


def _edge_aggregate(aug_u, aug_i, eidx, zblk):
    mesh = plsc.VectorSubcoreMesh(core_axis_name="c", subcore_axis_name="s")
    run = pl.kernel(
        _edge_body,
        out_type=jax.ShapeDtypeStruct((2, ACC_ROWS, WIDTH), jnp.float32),
        mesh=mesh,
        compiler_params=pltpu.CompilerParams(use_tc_tiling_on_sc=False),
        scratch_types=[
            pltpu.VMEM((IBC, CHUNK), jnp.int32),
            pltpu.VMEM((IBC, CHUNK), jnp.int32),
            pltpu.VMEM((CHUNK, WIDTH), jnp.float32),
            pltpu.VMEM((CHUNK, WIDTH), jnp.float32),
            pltpu.VMEM((CHUNK, WIDTH), jnp.float32),
            pltpu.VMEM((CHUNK, WIDTH), jnp.float32),
            pltpu.VMEM((CHUNK, WIDTH), jnp.float32),
            pltpu.VMEM_SHARED((ACC_ROWS, WIDTH), jnp.float32),
        ] + [pltpu.SemaphoreType.DMA] * 10,
    )
    return run(aug_u, aug_i, eidx, zblk)


def kernel(x_user, x_item, edge_index, W_user, W_item):
    aug_u, aug_i = _project(x_user, W_user, x_item, W_item)
    xp_u = aug_u[:N_NODES, :D_REL]
    xp_i = aug_i[:N_NODES, :D_REL]

    eidx = edge_index.astype(jnp.int32).reshape(2, NROWS, CHUNK)
    zblk = jnp.zeros((CHUNK, WIDTH), jnp.float32)

    normed = _edge_aggregate(aug_u, aug_i, eidx, zblk)
    return (normed[0, :N_NODES, :D_REL], xp_u,
            normed[1, :N_NODES, :D_REL], xp_i)

# --- scband reference (transcript-rebuilt; emitter-appended) ---
"""Pipeline reference for scband-rel-kdadapter-39633958208184 (READ-ONLY COPY).

The authoritative reference and input builder live on the scoring server;
editing this copy changes nothing except your own understanding.
"""

import jax, jax.numpy as jnp
import numpy as np

N_USER = 10000
N_ITEM = 10000
E = 320000
D_IN = 128
D_REL = 64


def setup_inputs(seed: int = 0) -> dict:
    key = jax.random.key(seed)
    k1, k2, k3, k4, k5 = jax.random.split(key, 5)
    x_user = jax.random.normal(k1, (N_USER, D_IN), dtype=jnp.float32)
    x_item = jax.random.normal(k2, (N_ITEM, D_IN), dtype=jnp.float32)
    edge_index = jax.random.randint(k3, (2, E), 0, N_USER)
    # learned params: per-node-type linear projections (no bias), as in nn.ModuleDict of nn.Linear
    W_user = jax.random.normal(k4, (D_IN, D_REL), dtype=jnp.float32) / np.sqrt(D_IN)
    W_item = jax.random.normal(k5, (D_IN, D_REL), dtype=jnp.float32) / np.sqrt(D_IN)
    return {"x_user": x_user, "x_item": x_item, "edge_index": edge_index, "W_user": W_user, "W_item": W_item}


def reference(x_user, x_item, edge_index, W_user, W_item):
    # RelKDAdapter.forward over hetero graph with two edge types:
    #   ('user','to','item')  with edge_index (src=user row 0, dst=item row 1)
    #   ('item','rev','user') with reversed edge_index
    xp_u = x_user @ W_user  # self.proj['user'](x)
    xp_i = x_item @ W_item  # self.proj['item'](x)
    src = edge_index[0]
    dst = edge_index[1]
    # etype ('user','to','item'): A (nd x ns) @ xp_u, normalized by in-degree of dst
    deg_i = jnp.clip(jnp.zeros((N_ITEM,), dtype=jnp.float32).at[dst].add(1.0), 1.0, None)
    agg_ui = jnp.zeros((N_ITEM, D_REL), dtype=jnp.float32).at[dst].add(jnp.take(xp_u, src, axis=0))
    dst_ui = agg_ui / deg_i[:, None]
    # etype ('item','rev','user'): reversed edges, dst = user
    deg_u = jnp.clip(jnp.zeros((N_USER,), dtype=jnp.float32).at[src].add(1.0), 1.0, None)
    agg_iu = jnp.zeros((N_USER, D_REL), dtype=jnp.float32).at[src].add(jnp.take(xp_i, dst, axis=0))
    dst_iu = agg_iu / deg_u[:, None]
    # rel_embs[('user','to','item')] = {'dst': dst_ui, 'src_in': xp_u}
    # rel_embs[('item','rev','user')] = {'dst': dst_iu, 'src_in': xp_i}
    return (dst_ui, xp_u, dst_iu, xp_i)

if __name__ == "__main__":
    import jax
    _d = setup_inputs()
    print(jax.jit(kernel)(*tuple(_d.values())))

</pallas_src>

<mosaic_0001>
#map = affine_map<(d0, d1) -> (0, 0)>
#map1 = affine_map<(d0, d1) -> (0, 0, 0)>
module attributes {stable_mosaic.version = 14 : i64} {
  func.func @_edge_body(%arg0: i32, %arg1: i32, %arg2: memref<10008x80xf32, #tpu.memory_space<hbm>>, %arg3: memref<10008x80xf32, #tpu.memory_space<hbm>>, %arg4: memref<2x2500x128xi32, #tpu.memory_space<hbm>>, %arg5: memref<128x80xf32, #tpu.memory_space<hbm>>, %arg6: memref<2x10112x80xf32, #tpu.memory_space<hbm>>, %arg7: memref<20x128xi32, #tpu.memory_space<vmem>>, %arg8: memref<20x128xi32, #tpu.memory_space<vmem>>, %arg9: memref<128x80xf32, #tpu.memory_space<vmem>>, %arg10: memref<128x80xf32, #tpu.memory_space<vmem>>, %arg11: memref<128x80xf32, #tpu.memory_space<vmem>>, %arg12: memref<128x80xf32, #tpu.memory_space<vmem>>, %arg13: memref<128x80xf32, #tpu.memory_space<vmem>>, %arg14: memref<10112x80xf32, #tpu.memory_space<vmem_shared>>, %arg15: memref<!tpu.dma_semaphore, #tpu.memory_space<semaphore_mem>>, %arg16: memref<!tpu.dma_semaphore, #tpu.memory_space<semaphore_mem>>, %arg17: memref<!tpu.dma_semaphore, #tpu.memory_space<semaphore_mem>>, %arg18: memref<!tpu.dma_semaphore, #tpu.memory_space<semaphore_mem>>, %arg19: memref<!tpu.dma_semaphore, #tpu.memory_space<semaphore_mem>>, %arg20: memref<!tpu.dma_semaphore, #tpu.memory_space<semaphore_mem>>, %arg21: memref<!tpu.dma_semaphore, #tpu.memory_space<semaphore_mem>>, %arg22: memref<!tpu.dma_semaphore, #tpu.memory_space<semaphore_mem>>, %arg23: memref<!tpu.dma_semaphore, #tpu.memory_space<semaphore_mem>>, %arg24: memref<!tpu.dma_semaphore, #tpu.memory_space<semaphore_mem>>) attributes {dimension_semantics = [#tpu.dimension_semantics<core_parallel>, #tpu.dimension_semantics<subcore_parallel>], iteration_bounds = array<i64: 2, 16>, scalar_prefetch = 0 : i64, scratch_operands = 18 : i64, tpu.core_type = #tpu.core_type<sc_vector_subcore>, window_params = [{transform_indices = #map}, {transform_indices = #map}, {transform_indices = #map1}, {transform_indices = #map}, {transform_indices = #map1}]} {
    "tpu.region"() ({
      %run_scoped3A = tpu.sem_alloc : memref<!tpu.dma_semaphore, #tpu.memory_space<semaphore_mem>>
      tpu.enqueue_dma source(%arg5 : memref<128x80xf32, #tpu.memory_space<hbm>>) target(%arg9 : memref<128x80xf32, #tpu.memory_space<vmem>>) target_semaphore(%run_scoped3A : memref<!tpu.dma_semaphore, #tpu.memory_space<semaphore_mem>>)
      tpu.wait_dma2 semaphore(%run_scoped3A : memref<!tpu.dma_semaphore, #tpu.memory_space<semaphore_mem>>) src(%arg5 : memref<128x80xf32, #tpu.memory_space<hbm>>) dst(%arg9 : memref<128x80xf32, #tpu.memory_space<vmem>>)
      tpu.yield
    }) : () -> ()
    %mul3A = arith.constant 632 : i32
    %mul3A_0 = arith.muli %arg1, %mul3A : i32
    %add3A = arith.constant 0 : i32
    %add3A_1 = arith.addi %mul3A_0, %add3A : i32
    "tpu.region"() ({
      %run_scoped3A = tpu.sem_alloc : memref<!tpu.dma_semaphore, #tpu.memory_space<semaphore_mem>>
      %dma_start3A = arith.constant 0 : i32
      %dma_start3A_52 = arith.constant 0 : i32
      %dma_start3A_53 = tpu.memref_slice %arg9[%dma_start3A, %dma_start3A_52] : memref<128x80xf32, #tpu.memory_space<vmem>> -> memref<128x80xf32, #tpu.memory_space<vmem>>
      %dma_start3A_54 = arith.constant 0 : i32
      %dma_start3A_55 = tpu.memref_slice %arg14[%add3A_1, %dma_start3A_54] : memref<10112x80xf32, #tpu.memory_space<vmem_shared>> -> memref<128x80xf32, #tpu.memory_space<vmem_shared>>
      %dma_start3A_56 = arith.constant 0 : i32
      %dma_start3A_57 = tpu.memref_slice %arg14[%add3A_1, %dma_start3A_56] : memref<10112x80xf32, #tpu.memory_space<vmem_shared>> -> memref<128x80xf32, #tpu.memory_space<vmem_shared>>
      %dma_start3A_58 = arith.constant 0 : i32
      %dma_start3A_59 = arith.constant 0 : i32
      %dma_start3A_60 = tpu.memref_slice %arg9[%dma_start3A_58, %dma_start3A_59] : memref<128x80xf32, #tpu.memory_space<vmem>> -> memref<128x80xf32, #tpu.memory_space<vmem>>
      tpu.enqueue_dma source(%dma_start3A_60 : memref<128x80xf32, #tpu.memory_space<vmem>>) target(%dma_start3A_57 : memref<128x80xf32, #tpu.memory_space<vmem_shared>>) target_semaphore(%run_scoped3A : memref<!tpu.dma_semaphore, #tpu.memory_space<semaphore_mem>>)
      %dma_wait3A = arith.constant 0 : i32
      %dma_wait3A_61 = arith.constant 0 : i32
      %dma_wait3A_62 = tpu.memref_slice %arg9[%dma_wait3A, %dma_wait3A_61] : memref<128x80xf32, #tpu.memory_space<vmem>> -> memref<128x80xf32, #tpu.memory_space<vmem>>
      %dma_wait3A_63 = arith.constant 0 : i32
      %dma_wait3A_64 = tpu.memref_slice %arg14[%add3A_1, %dma_wait3A_63] : memref<10112x80xf32, #tpu.memory_space<vmem_shared>> -> memref<128x80xf32, #tpu.memory_space<vmem_shared>>
      %dma_wait3A_65 = arith.constant 0 : i32
      %dma_wait3A_66 = tpu.memref_slice %arg14[%add3A_1, %dma_wait3A_65] : memref<10112x80xf32, #tpu.memory_space<vmem_shared>> -> memref<128x80xf32, #tpu.memory_space<vmem_shared>>
      %dma_wait3A_67 = arith.constant 0 : i32
      %dma_wait3A_68 = arith.constant 0 : i32
      %dma_wait3A_69 = tpu.memref_slice %arg9[%dma_wait3A_67, %dma_wait3A_68] : memref<128x80xf32, #tpu.memory_space<vmem>> -> memref<128x80xf32, #tpu.memory_space<vmem>>
      tpu.wait_dma2 semaphore(%run_scoped3A : memref<!tpu.dma_semaphore, #tpu.memory_space<semaphore_mem>>) src(%dma_wait3A_69 : memref<128x80xf32, #tpu.memory_space<vmem>>) dst(%dma_wait3A_66 : memref<128x80xf32, #tpu.memory_space<vmem_shared>>)
      tpu.yield
    }) : () -> ()
    %add3A_2 = arith.constant 128 : i32
    %add3A_3 = arith.addi %mul3A_0, %add3A_2 : i32
    "tpu.region"() ({
      %run_scoped3A = tpu.sem_alloc : memref<!tpu.dma_semaphore, #tpu.memory_space<semaphore_mem>>
      %dma_start3A = arith.constant 0 : i32
      %dma_start3A_52 = arith.constant 0 : i32
      %dma_start3A_53 = tpu.memref_slice %arg9[%dma_start3A, %dma_start3A_52] : memref<128x80xf32, #tpu.memory_space<vmem>> -> memref<128x80xf32, #tpu.memory_space<vmem>>
      %dma_start3A_54 = arith.constant 0 : i32
      %dma_start3A_55 = tpu.memref_slice %arg14[%add3A_3, %dma_start3A_54] : memref<10112x80xf32, #tpu.memory_space<vmem_shared>> -> memref<128x80xf32, #tpu.memory_space<vmem_shared>>
      %dma_start3A_56 = arith.constant 0 : i32
      %dma_start3A_57 = tpu.memref_slice %arg14[%add3A_3, %dma_start3A_56] : memref<10112x80xf32, #tpu.memory_space<vmem_shared>> -> memref<128x80xf32, #tpu.memory_space<vmem_shared>>
      %dma_start3A_58 = arith.constant 0 : i32
      %dma_start3A_59 = arith.constant 0 : i32
      %dma_start3A_60 = tpu.memref_slice %arg9[%dma_start3A_58, %dma_start3A_59] : memref<128x80xf32, #tpu.memory_space<vmem>> -> memref<128x80xf32, #tpu.memory_space<vmem>>
      tpu.enqueue_dma source(%dma_start3A_60 : memref<128x80xf32, #tpu.memory_space<vmem>>) target(%dma_start3A_57 : memref<128x80xf32, #tpu.memory_space<vmem_shared>>) target_semaphore(%run_scoped3A : memref<!tpu.dma_semaphore, #tpu.memory_space<semaphore_mem>>)
      %dma_wait3A = arith.constant 0 : i32
      %dma_wait3A_61 = arith.constant 0 : i32
      %dma_wait3A_62 = tpu.memref_slice %arg9[%dma_wait3A, %dma_wait3A_61] : memref<128x80xf32, #tpu.memory_space<vmem>> -> memref<128x80xf32, #tpu.memory_space<vmem>>
      %dma_wait3A_63 = arith.constant 0 : i32
      %dma_wait3A_64 = tpu.memref_slice %arg14[%add3A_3, %dma_wait3A_63] : memref<10112x80xf32, #tpu.memory_space<vmem_shared>> -> memref<128x80xf32, #tpu.memory_space<vmem_shared>>
      %dma_wait3A_65 = arith.constant 0 : i32
      %dma_wait3A_66 = tpu.memref_slice %arg14[%add3A_3, %dma_wait3A_65] : memref<10112x80xf32, #tpu.memory_space<vmem_shared>> -> memref<128x80xf32, #tpu.memory_space<vmem_shared>>
      %dma_wait3A_67 = arith.constant 0 : i32
      %dma_wait3A_68 = arith.constant 0 : i32
      %dma_wait3A_69 = tpu.memref_slice %arg9[%dma_wait3A_67, %dma_wait3A_68] : memref<128x80xf32, #tpu.memory_space<vmem>> -> memref<128x80xf32, #tpu.memory_space<vmem>>
      tpu.wait_dma2 semaphore(%run_scoped3A : memref<!tpu.dma_semaphore, #tpu.memory_space<semaphore_mem>>) src(%dma_wait3A_69 : memref<128x80xf32, #tpu.memory_space<vmem>>) dst(%dma_wait3A_66 : memref<128x80xf32, #tpu.memory_space<vmem_shared>>)
      tpu.yield
    }) : () -> ()
    %add3A_4 = arith.constant 256 : i32
    %add3A_5 = arith.addi %mul3A_0, %add3A_4 : i32
    "tpu.region"() ({
      %run_scoped3A = tpu.sem_alloc : memref<!tpu.dma_semaphore, #tpu.memory_space<semaphore_mem>>
      %dma_start3A = arith.constant 0 : i32
      %dma_start3A_52 = arith.constant 0 : i32
      %dma_start3A_53 = tpu.memref_slice %arg9[%dma_start3A, %dma_start3A_52] : memref<128x80xf32, #tpu.memory_space<vmem>> -> memref<128x80xf32, #tpu.memory_space<vmem>>
      %dma_start3A_54 = arith.constant 0 : i32
      %dma_start3A_55 = tpu.memref_slice %arg14[%add3A_5, %dma_start3A_54] : memref<10112x80xf32, #tpu.memory_space<vmem_shared>> -> memref<128x80xf32, #tpu.memory_space<vmem_shared>>
      %dma_start3A_56 = arith.constant 0 : i32
      %dma_start3A_57 = tpu.memref_slice %arg14[%add3A_5, %dma_start3A_56] : memref<10112x80xf32, #tpu.memory_space<vmem_shared>> -> memref<128x80xf32, #tpu.memory_space<vmem_shared>>
      %dma_start3A_58 = arith.constant 0 : i32
      %dma_start3A_59 = arith.constant 0 : i32
      %dma_start3A_60 = tpu.memref_slice %arg9[%dma_start3A_58, %dma_start3A_59] : memref<128x80xf32, #tpu.memory_space<vmem>> -> memref<128x80xf32, #tpu.memory_space<vmem>>
      tpu.enqueue_dma source(%dma_start3A_60 : memref<128x80xf32, #tpu.memory_space<vmem>>) target(%dma_start3A_57 : memref<128x80xf32, #tpu.memory_space<vmem_shared>>) target_semaphore(%run_scoped3A : memref<!tpu.dma_semaphore, #tpu.memory_space<semaphore_mem>>)
      %dma_wait3A = arith.constant 0 : i32
      %dma_wait3A_61 = arith.constant 0 : i32
      %dma_wait3A_62 = tpu.memref_slice %arg9[%dma_wait3A, %dma_wait3A_61] : memref<128x80xf32, #tpu.memory_space<vmem>> -> memref<128x80xf32, #tpu.memory_space<vmem>>
      %dma_wait3A_63 = arith.constant 0 : i32
      %dma_wait3A_64 = tpu.memref_slice %arg14[%add3A_5, %dma_wait3A_63] : memref<10112x80xf32, #tpu.memory_space<vmem_shared>> -> memref<128x80xf32, #tpu.memory_space<vmem_shared>>
      %dma_wait3A_65 = arith.constant 0 : i32
      %dma_wait3A_66 = tpu.memref_slice %arg14[%add3A_5, %dma_wait3A_65] : memref<10112x80xf32, #tpu.memory_space<vmem_shared>> -> memref<128x80xf32, #tpu.memory_space<vmem_shared>>
      %dma_wait3A_67 = arith.constant 0 : i32
      %dma_wait3A_68 = arith.constant 0 : i32
      %dma_wait3A_69 = tpu.memref_slice %arg9[%dma_wait3A_67, %dma_wait3A_68] : memref<128x80xf32, #tpu.memory_space<vmem>> -> memref<128x80xf32, #tpu.memory_space<vmem>>
      tpu.wait_dma2 semaphore(%run_scoped3A : memref<!tpu.dma_semaphore, #tpu.memory_space<semaphore_mem>>) src(%dma_wait3A_69 : memref<128x80xf32, #tpu.memory_space<vmem>>) dst(%dma_wait3A_66 : memref<128x80xf32, #tpu.memory_space<vmem_shared>>)
      tpu.yield
    }) : () -> ()
    %add3A_6 = arith.constant 384 : i32
    %add3A_7 = arith.addi %mul3A_0, %add3A_6 : i32
    "tpu.region"() ({
      %run_scoped3A = tpu.sem_alloc : memref<!tpu.dma_semaphore, #tpu.memory_space<semaphore_mem>>
      %dma_start3A = arith.constant 0 : i32
      %dma_start3A_52 = arith.constant 0 : i32
      %dma_start3A_53 = tpu.memref_slice %arg9[%dma_start3A, %dma_start3A_52] : memref<128x80xf32, #tpu.memory_space<vmem>> -> memref<128x80xf32, #tpu.memory_space<vmem>>
      %dma_start3A_54 = arith.constant 0 : i32
      %dma_start3A_55 = tpu.memref_slice %arg14[%add3A_7, %dma_start3A_54] : memref<10112x80xf32, #tpu.memory_space<vmem_shared>> -> memref<128x80xf32, #tpu.memory_space<vmem_shared>>
      %dma_start3A_56 = arith.constant 0 : i32
      %dma_start3A_57 = tpu.memref_slice %arg14[%add3A_7, %dma_start3A_56] : memref<10112x80xf32, #tpu.memory_space<vmem_shared>> -> memref<128x80xf32, #tpu.memory_space<vmem_shared>>
      %dma_start3A_58 = arith.constant 0 : i32
      %dma_start3A_59 = arith.constant 0 : i32
      %dma_start3A_60 = tpu.memref_slice %arg9[%dma_start3A_58, %dma_start3A_59] : memref<128x80xf32, #tpu.memory_space<vmem>> -> memref<128x80xf32, #tpu.memory_space<vmem>>
      tpu.enqueue_dma source(%dma_start3A_60 : memref<128x80xf32, #tpu.memory_space<vmem>>) target(%dma_start3A_57 : memref<128x80xf32, #tpu.memory_space<vmem_shared>>) target_semaphore(%run_scoped3A : memref<!tpu.dma_semaphore, #tpu.memory_space<semaphore_mem>>)
      %dma_wait3A = arith.constant 0 : i32
      %dma_wait3A_61 = arith.constant 0 : i32
      %dma_wait3A_62 = tpu.memref_slice %arg9[%dma_wait3A, %dma_wait3A_61] : memref<128x80xf32, #tpu.memory_space<vmem>> -> memref<128x80xf32, #tpu.memory_space<vmem>>
      %dma_wait3A_63 = arith.constant 0 : i32
      %dma_wait3A_64 = tpu.memref_slice %arg14[%add3A_7, %dma_wait3A_63] : memref<10112x80xf32, #tpu.memory_space<vmem_shared>> -> memref<128x80xf32, #tpu.memory_space<vmem_shared>>
      %dma_wait3A_65 = arith.constant 0 : i32
      %dma_wait3A_66 = tpu.memref_slice %arg14[%add3A_7, %dma_wait3A_65] : memref<10112x80xf32, #tpu.memory_space<vmem_shared>> -> memref<128x80xf32, #tpu.memory_space<vmem_shared>>
      %dma_wait3A_67 = arith.constant 0 : i32
      %dma_wait3A_68 = arith.constant 0 : i32
      %dma_wait3A_69 = tpu.memref_slice %arg9[%dma_wait3A_67, %dma_wait3A_68] : memref<128x80xf32, #tpu.memory_space<vmem>> -> memref<128x80xf32, #tpu.memory_space<vmem>>
      tpu.wait_dma2 semaphore(%run_scoped3A : memref<!tpu.dma_semaphore, #tpu.memory_space<semaphore_mem>>) src(%dma_wait3A_69 : memref<128x80xf32, #tpu.memory_space<vmem>>) dst(%dma_wait3A_66 : memref<128x80xf32, #tpu.memory_space<vmem_shared>>)
      tpu.yield
    }) : () -> ()
    %add3A_8 = arith.constant 512 : i32
    %add3A_9 = arith.addi %mul3A_0, %add3A_8 : i32
    "tpu.region"() ({
      %run_scoped3A = tpu.sem_alloc : memref<!tpu.dma_semaphore, #tpu.memory_space<semaphore_mem>>
      %dma_start3A = arith.constant 0 : i32
      %dma_start3A_52 = arith.constant 0 : i32
      %dma_start3A_53 = tpu.memref_slice %arg9[%dma_start3A, %dma_start3A_52] : memref<128x80xf32, #tpu.memory_space<vmem>> -> memref<120x80xf32, #tpu.memory_space<vmem>>
      %dma_start3A_54 = arith.constant 0 : i32
      %dma_start3A_55 = tpu.memref_slice %arg14[%add3A_9, %dma_start3A_54] : memref<10112x80xf32, #tpu.memory_space<vmem_shared>> -> memref<120x80xf32, #tpu.memory_space<vmem_shared>>
      %dma_start3A_56 = arith.constant 0 : i32
      %dma_start3A_57 = tpu.memref_slice %arg14[%add3A_9, %dma_start3A_56] : memref<10112x80xf32, #tpu.memory_space<vmem_shared>> -> memref<120x80xf32, #tpu.memory_space<vmem_shared>>
      %dma_start3A_58 = arith.constant 0 : i32
      %dma_start3A_59 = arith.constant 0 : i32
      %dma_start3A_60 = tpu.memref_slice %arg9[%dma_start3A_58, %dma_start3A_59] : memref<128x80xf32, #tpu.memory_space<vmem>> -> memref<120x80xf32, #tpu.memory_space<vmem>>
      tpu.enqueue_dma source(%dma_start3A_60 : memref<120x80xf32, #tpu.memory_space<vmem>>) target(%dma_start3A_57 : memref<120x80xf32, #tpu.memory_space<vmem_shared>>) target_semaphore(%run_scoped3A : memref<!tpu.dma_semaphore, #tpu.memory_space<semaphore_mem>>)
      %dma_wait3A = arith.constant 0 : i32
      %dma_wait3A_61 = arith.constant 0 : i32
      %dma_wait3A_62 = tpu.memref_slice %arg9[%dma_wait3A, %dma_wait3A_61] : memref<128x80xf32, #tpu.memory_space<vmem>> -> memref<120x80xf32, #tpu.memory_space<vmem>>
      %dma_wait3A_63 = arith.constant 0 : i32
      %dma_wait3A_64 = tpu.memref_slice %arg14[%add3A_9, %dma_wait3A_63] : memref<10112x80xf32, #tpu.memory_space<vmem_shared>> -> memref<120x80xf32, #tpu.memory_space<vmem_shared>>
      %dma_wait3A_65 = arith.constant 0 : i32
      %dma_wait3A_66 = tpu.memref_slice %arg14[%add3A_9, %dma_wait3A_65] : memref<10112x80xf32, #tpu.memory_space<vmem_shared>> -> memref<120x80xf32, #tpu.memory_space<vmem_shared>>
      %dma_wait3A_67 = arith.constant 0 : i32
      %dma_wait3A_68 = arith.constant 0 : i32
      %dma_wait3A_69 = tpu.memref_slice %arg9[%dma_wait3A_67, %dma_wait3A_68] : memref<128x80xf32, #tpu.memory_space<vmem>> -> memref<120x80xf32, #tpu.memory_space<vmem>>
      tpu.wait_dma2 semaphore(%run_scoped3A : memref<!tpu.dma_semaphore, #tpu.memory_space<semaphore_mem>>) src(%dma_wait3A_69 : memref<120x80xf32, #tpu.memory_space<vmem>>) dst(%dma_wait3A_66 : memref<120x80xf32, #tpu.memory_space<vmem_shared>>)
      tpu.yield
    }) : () -> ()
    %barrier3A = arith.constant 0 : index
    tpu.barrier barrier_id(%barrier3A)
    %eq3A = arith.constant 0 : i32
    %eq3A_10 = arith.cmpi eq, %arg0, %eq3A : i32
    %convert_element_type3A = arith.extui %eq3A_10 : i1 to i32
    %cond3A = arith.constant 0 : i32
    %cond3A_11 = arith.cmpi ne, %convert_element_type3A, %cond3A : i32
    scf.if %cond3A_11 {
      %mul3A_52 = arith.constant 160 : i32
      %mul3A_53 = arith.muli %arg1, %mul3A_52 : i32
      %eq3A_54 = arith.constant 15 : i32
      %eq3A_55 = arith.cmpi eq, %arg1, %eq3A_54 : i32
      %jit3A = arith.constant 5 : i32
      %jit3A_56 = arith.constant 8 : i32
      %select_n3A = arith.select %eq3A_55, %jit3A, %jit3A_56 : i32
      %sub3A = arith.constant 0 : i32
      %sub3A_57 = arith.subi %select_n3A, %sub3A : i32
      %sub3A_58 = arith.constant 1 : i32
      %sub3A_59 = arith.constant 1 : i32
      %sub3A_60 = arith.subi %sub3A_58, %sub3A_59 : i32
      %add3A_61 = arith.addi %sub3A_57, %sub3A_60 : i32
      %div3A = arith.constant 1 : i32
      %div3A_62 = arith.divsi %add3A_61, %div3A : i32
      %while3A = arith.constant 1 : i32
      %while3A_63 = arith.constant 0 : i32
      %while3A_64 = arith.constant 0 : i32
      %while3A_65 = arith.subi %div3A_62, %while3A_64 : i32
      %while3A_66 = arith.addi %while3A_64, %while3A_65 : i32
      %while3A_67 = arith.constant 1 : i32
      %while3A_68 = arith.divsi %while3A_65, %while3A_67 : i32
      %while3A_69 = arith.muli %while3A_68, %while3A_67 : i32
      %while3A_70 = arith.addi %while3A_64, %while3A_69 : i32
      %while3A_71 = arith.constant 1 : i32
      scf.for %while3A_73 = %while3A_64 to %while3A_70 step %while3A_71  : i32 {
        %mul3A_74 = arith.muli %while3A_73, %while3A : i32
        %add3A_75 = arith.addi %while3A_63, %mul3A_74 : i32
        %mul3A_76 = arith.constant 20 : i32
        %mul3A_77 = arith.muli %add3A_75, %mul3A_76 : i32
        %add3A_78 = arith.addi %mul3A_53, %mul3A_77 : i32
        "tpu.region"() ({
          %run_scoped3A = tpu.sem_alloc : memref<!tpu.dma_semaphore, #tpu.memory_space<semaphore_mem>>
          %dma_start3A_109 = arith.constant 0 : i32
          %dma_start3A_110 = tpu.memref_slice %arg4[%arg0, %add3A_78, %dma_start3A_109] : memref<2x2500x128xi32, #tpu.memory_space<hbm>> -> memref<1x20x128xi32, #tpu.memory_space<hbm>>
          %dma_start3A_111 = tpu.memref_squeeze %dma_start3A_110 : memref<1x20x128xi32, #tpu.memory_space<hbm>> -> memref<20x128xi32, #tpu.memory_space<hbm>>
          %dma_start3A_112 = arith.constant 0 : i32
          %dma_start3A_113 = tpu.memref_slice %arg4[%arg0, %add3A_78, %dma_start3A_112] : memref<2x2500x128xi32, #tpu.memory_space<hbm>> -> memref<1x20x128xi32, #tpu.memory_space<hbm>>
          %dma_start3A_114 = tpu.memref_squeeze %dma_start3A_113 : memref<1x20x128xi32, #tpu.memory_space<hbm>> -> memref<20x128xi32, #tpu.memory_space<hbm>>
          tpu.enqueue_dma source(%dma_start3A_114 : memref<20x128xi32, #tpu.memory_space<hbm>>) target(%arg7 : memref<20x128xi32, #tpu.memory_space<vmem>>) target_semaphore(%run_scoped3A : memref<!tpu.dma_semaphore, #tpu.memory_space<semaphore_mem>>)
          %dma_wait3A = arith.constant 0 : i32
          %dma_wait3A_115 = tpu.memref_slice %arg4[%arg0, %add3A_78, %dma_wait3A] : memref<2x2500x128xi32, #tpu.memory_space<hbm>> -> memref<1x20x128xi32, #tpu.memory_space<hbm>>
          %dma_wait3A_116 = tpu.memref_squeeze %dma_wait3A_115 : memref<1x20x128xi32, #tpu.memory_space<hbm>> -> memref<20x128xi32, #tpu.memory_space<hbm>>
          %dma_wait3A_117 = arith.constant 0 : i32
          %dma_wait3A_118 = tpu.memref_slice %arg4[%arg0, %add3A_78, %dma_wait3A_117] : memref<2x2500x128xi32, #tpu.memory_space<hbm>> -> memref<1x20x128xi32, #tpu.memory_space<hbm>>
          %dma_wait3A_119 = tpu.memref_squeeze %dma_wait3A_118 : memref<1x20x128xi32, #tpu.memory_space<hbm>> -> memref<20x128xi32, #tpu.memory_space<hbm>>
          tpu.wait_dma2 semaphore(%run_scoped3A : memref<!tpu.dma_semaphore, #tpu.memory_space<semaphore_mem>>) src(%dma_wait3A_119 : memref<20x128xi32, #tpu.memory_space<hbm>>) dst(%arg7 : memref<20x128xi32, #tpu.memory_space<vmem>>)
          tpu.yield
        }) : () -> ()
        %sub3A_79 = arith.constant 1 : i32
        %sub3A_80 = arith.subi %sub3A_79, %arg0 : i32
        %mul3A_81 = arith.constant 20 : i32
        %mul3A_82 = arith.muli %add3A_75, %mul3A_81 : i32
        %add3A_83 = arith.addi %mul3A_53, %mul3A_82 : i32
        "tpu.region"() ({
          %run_scoped3A = tpu.sem_alloc : memref<!tpu.dma_semaphore, #tpu.memory_space<semaphore_mem>>
          %dma_start3A_109 = arith.constant 0 : i32
          %dma_start3A_110 = tpu.memref_slice %arg4[%sub3A_80, %add3A_83, %dma_start3A_109] : memref<2x2500x128xi32, #tpu.memory_space<hbm>> -> memref<1x20x128xi32, #tpu.memory_space<hbm>>
          %dma_start3A_111 = tpu.memref_squeeze %dma_start3A_110 : memref<1x20x128xi32, #tpu.memory_space<hbm>> -> memref<20x128xi32, #tpu.memory_space<hbm>>
          %dma_start3A_112 = arith.constant 0 : i32
          %dma_start3A_113 = tpu.memref_slice %arg4[%sub3A_80, %add3A_83, %dma_start3A_112] : memref<2x2500x128xi32, #tpu.memory_space<hbm>> -> memref<1x20x128xi32, #tpu.memory_space<hbm>>
          %dma_start3A_114 = tpu.memref_squeeze %dma_start3A_113 : memref<1x20x128xi32, #tpu.memory_space<hbm>> -> memref<20x128xi32, #tpu.memory_space<hbm>>
          tpu.enqueue_dma source(%dma_start3A_114 : memref<20x128xi32, #tpu.memory_space<hbm>>) target(%arg8 : memref<20x128xi32, #tpu.memory_space<vmem>>) target_semaphore(%run_scoped3A : memref<!tpu.dma_semaphore, #tpu.memory_space<semaphore_mem>>)
          %dma_wait3A = arith.constant 0 : i32
          %dma_wait3A_115 = tpu.memref_slice %arg4[%sub3A_80, %add3A_83, %dma_wait3A] : memref<2x2500x128xi32, #tpu.memory_space<hbm>> -> memref<1x20x128xi32, #tpu.memory_space<hbm>>
          %dma_wait3A_116 = tpu.memref_squeeze %dma_wait3A_115 : memref<1x20x128xi32, #tpu.memory_space<hbm>> -> memref<20x128xi32, #tpu.memory_space<hbm>>
          %dma_wait3A_117 = arith.constant 0 : i32
          %dma_wait3A_118 = tpu.memref_slice %arg4[%sub3A_80, %add3A_83, %dma_wait3A_117] : memref<2x2500x128xi32, #tpu.memory_space<hbm>> -> memref<1x20x128xi32, #tpu.memory_space<hbm>>
          %dma_wait3A_119 = tpu.memref_squeeze %dma_wait3A_118 : memref<1x20x128xi32, #tpu.memory_space<hbm>> -> memref<20x128xi32, #tpu.memory_space<hbm>>
          tpu.wait_dma2 semaphore(%run_scoped3A : memref<!tpu.dma_semaphore, #tpu.memory_space<semaphore_mem>>) src(%dma_wait3A_119 : memref<20x128xi32, #tpu.memory_space<hbm>>) dst(%arg8 : memref<20x128xi32, #tpu.memory_space<vmem>>)
          tpu.yield
        }) : () -> ()
        %dma_start3A = arith.constant 0 : i32
        %dma_start3A_84 = arith.constant 0 : i32
        %dma_start3A_85 = tpu.memref_slice %arg7[%dma_start3A, %dma_start3A_84] : memref<20x128xi32, #tpu.memory_space<vmem>> -> memref<1x128xi32, #tpu.memory_space<vmem>>
        %dma_start3A_86 = tpu.memref_squeeze %dma_start3A_85 : memref<1x128xi32, #tpu.memory_space<vmem>> -> memref<128xi32, #tpu.memory_space<vmem>>
        %dma_start3A_87 = arith.constant 0 : i32
        %dma_start3A_88 = arith.constant 0 : i32
        %dma_start3A_89 = tpu.memref_slice %arg2[%dma_start3A_87, %dma_start3A_88] : memref<10008x80xf32, #tpu.memory_space<hbm>> -> memref<10008x80xf32, #tpu.memory_space<hbm>>
        tpu.enqueue_indirect_dma source(%dma_start3A_89 : memref<10008x80xf32, #tpu.memory_space<hbm>>) target(%arg9 : memref<128x80xf32, #tpu.memory_space<vmem>>) offsets(%dma_start3A_86 : memref<128xi32, #tpu.memory_space<vmem>>) semaphore(%arg15 : memref<!tpu.dma_semaphore, #tpu.memory_space<semaphore_mem>>)
        %dma_start3A_90 = arith.constant 1 : i32
        %dma_start3A_91 = arith.constant 0 : i32
        %dma_start3A_92 = tpu.memref_slice %arg7[%dma_start3A_90, %dma_start3A_91] : memref<20x128xi32, #tpu.memory_space<vmem>> -> memref<1x128xi32, #tpu.memory_space<vmem>>
        %dma_start3A_93 = tpu.memref_squeeze %dma_start3A_92 : memref<1x128xi32, #tpu.memory_space<vmem>> -> memref<128xi32, #tpu.memory_space<vmem>>
        %dma_start3A_94 = arith.constant 0 : i32
        %dma_start3A_95 = arith.constant 0 : i32
        %dma_start3A_96 = tpu.memref_slice %arg2[%dma_start3A_94, %dma_start3A_95] : memref<10008x80xf32, #tpu.memory_space<hbm>> -> memref<10008x80xf32, #tpu.memory_space<hbm>>
        tpu.enqueue_indirect_dma source(%dma_start3A_96 : memref<10008x80xf32, #tpu.memory_space<hbm>>) target(%arg10 : memref<128x80xf32, #tpu.memory_space<vmem>>) offsets(%dma_start3A_93 : memref<128xi32, #tpu.memory_space<vmem>>) semaphore(%arg16 : memref<!tpu.dma_semaphore, #tpu.memory_space<semaphore_mem>>)
        %dma_start3A_97 = arith.constant 2 : i32
        %dma_start3A_98 = arith.constant 0 : i32
        %dma_start3A_99 = tpu.memref_slice %arg7[%dma_start3A_97, %dma_start3A_98] : memref<20x128xi32, #tpu.memory_space<vmem>> -> memref<1x128xi32, #tpu.memory_space<vmem>>
        %dma_start3A_100 = tpu.memref_squeeze %dma_start3A_99 : memref<1x128xi32, #tpu.memory_space<vmem>> -> memref<128xi32, #tpu.memory_space<vmem>>
        %dma_start3A_101 = arith.constant 0 : i32
        %dma_start3A_102 = arith.constant 0 : i32
        %dma_start3A_103 = tpu.memref_slice %arg2[%dma_start3A_101, %dma_start3A_102] : memref<10008x80xf32, #tpu.memory_space<hbm>> -> memref<10008x80xf32, #tpu.memory_space<hbm>>
        tpu.enqueue_indirect_dma source(%dma_start3A_103 : memref<10008x80xf32, #tpu.memory_space<hbm>>) target(%arg11 : memref<128x80xf32, #tpu.memory_space<vmem>>) offsets(%dma_start3A_100 : memref<128xi32, #tpu.memory_space<vmem>>) semaphore(%arg17 : memref<!tpu.dma_semaphore, #tpu.memory_space<semaphore_mem>>)
        %scan3A_104 = arith.constant 0 : i32
        %scan3A_105 = arith.constant 4 : i32
        %scan3A_106 = arith.addi %scan3A_104, %scan3A_105 : i32
        %scan3A_107 = arith.constant 1 : i32
        scf.for %scan3A_109 = %scan3A_104 to %scan3A_106 step %scan3A_107  : i32 {
          %mul3A_110 = arith.constant 5 : i32
          %mul3A_111 = arith.muli %scan3A_109, %mul3A_110 : i32
          %add3A_112 = arith.constant 0 : i32
          %add3A_113 = arith.addi %add3A_112, %mul3A_111 : i32
          %add3A_114 = arith.constant 0 : i32
          %add3A_115 = arith.addi %add3A_113, %add3A_114 : i32
          tpu.wait_dma2 semaphore(%arg15 : memref<!tpu.dma_semaphore, #tpu.memory_space<semaphore_mem>>) src(%arg5 : memref<128x80xf32, #tpu.memory_space<hbm>>) dst(%arg9 : memref<128x80xf32, #tpu.memory_space<vmem>>)
          %dma_start3A_116 = arith.constant 0 : i32
          %dma_start3A_117 = tpu.memref_slice %arg8[%add3A_115, %dma_start3A_116] : memref<20x128xi32, #tpu.memory_space<vmem>> -> memref<1x128xi32, #tpu.memory_space<vmem>>
          %dma_start3A_118 = tpu.memref_squeeze %dma_start3A_117 : memref<1x128xi32, #tpu.memory_space<vmem>> -> memref<128xi32, #tpu.memory_space<vmem>>
          %dma_start3A_119 = arith.constant 0 : i32
          %dma_start3A_120 = arith.constant 0 : i32
          %dma_start3A_121 = tpu.memref_slice %arg14[%dma_start3A_119, %dma_start3A_120] : memref<10112x80xf32, #tpu.memory_space<vmem_shared>> -> memref<10112x80xf32, #tpu.memory_space<vmem_shared>>
          tpu.enqueue_indirect_dma source(%arg9 : memref<128x80xf32, #tpu.memory_space<vmem>>) target(%dma_start3A_121 : memref<10112x80xf32, #tpu.memory_space<vmem_shared>>) offsets(%dma_start3A_118 : memref<128xi32, #tpu.memory_space<vmem>>) semaphore(%arg20 : memref<!tpu.dma_semaphore, #tpu.memory_space<semaphore_mem>>) {add = true}
          %add3A_122 = arith.constant 3 : i32
          %add3A_123 = arith.addi %add3A_115, %add3A_122 : i32
          %lt3A = arith.constant 20 : i32
          %lt3A_124 = arith.cmpi slt, %add3A_123, %lt3A : i32
          %convert_element_type3A_125 = arith.extui %lt3A_124 : i1 to i32
          %cond3A_126 = arith.constant 0 : i32
          %cond3A_127 = arith.cmpi ne, %convert_element_type3A_125, %cond3A_126 : i32
          scf.if %cond3A_127 {
            %ge3A = arith.constant 2 : i32
            %ge3A_188 = arith.cmpi sge, %add3A_115, %ge3A : i32
            %convert_element_type3A_189 = arith.extui %ge3A_188 : i1 to i32
            %cond3A_190 = arith.constant 0 : i32
            %cond3A_191 = arith.cmpi ne, %convert_element_type3A_189, %cond3A_190 : i32
            scf.if %cond3A_191 {
              tpu.wait_dma2 semaphore(%arg23 : memref<!tpu.dma_semaphore, #tpu.memory_space<semaphore_mem>>) src(%arg5 : memref<128x80xf32, #tpu.memory_space<hbm>>) dst(%arg12 : memref<128x80xf32, #tpu.memory_space<vmem>>)
            } else {
            }
            %add3A_192 = arith.constant 3 : i32
            %add3A_193 = arith.addi %add3A_115, %add3A_192 : i32
            %dma_start3A_194 = arith.constant 0 : i32
            %dma_start3A_195 = tpu.memref_slice %arg7[%add3A_193, %dma_start3A_194] : memref<20x128xi32, #tpu.memory_space<vmem>> -> memref<1x128xi32, #tpu.memory_space<vmem>>
            %dma_start3A_196 = tpu.memref_squeeze %dma_start3A_195 : memref<1x128xi32, #tpu.memory_space<vmem>> -> memref<128xi32, #tpu.memory_space<vmem>>
            %dma_start3A_197 = arith.constant 0 : i32
            %dma_start3A_198 = arith.constant 0 : i32
            %dma_start3A_199 = tpu.memref_slice %arg2[%dma_start3A_197, %dma_start3A_198] : memref<10008x80xf32, #tpu.memory_space<hbm>> -> memref<10008x80xf32, #tpu.memory_space<hbm>>
            tpu.enqueue_indirect_dma source(%dma_start3A_199 : memref<10008x80xf32, #tpu.memory_space<hbm>>) target(%arg12 : memref<128x80xf32, #tpu.memory_space<vmem>>) offsets(%dma_start3A_196 : memref<128xi32, #tpu.memory_space<vmem>>) semaphore(%arg18 : memref<!tpu.dma_semaphore, #tpu.memory_space<semaphore_mem>>)
          } else {
          }
          %add3A_128 = arith.constant 1 : i32
          %add3A_129 = arith.addi %add3A_113, %add3A_128 : i32
          tpu.wait_dma2 semaphore(%arg16 : memref<!tpu.dma_semaphore, #tpu.memory_space<semaphore_mem>>) src(%arg5 : memref<128x80xf32, #tpu.memory_space<hbm>>) dst(%arg10 : memref<128x80xf32, #tpu.memory_space<vmem>>)
          %dma_start3A_130 = arith.constant 0 : i32
          %dma_start3A_131 = tpu.memref_slice %arg8[%add3A_129, %dma_start3A_130] : memref<20x128xi32, #tpu.memory_space<vmem>> -> memref<1x128xi32, #tpu.memory_space<vmem>>
          %dma_start3A_132 = tpu.memref_squeeze %dma_start3A_131 : memref<1x128xi32, #tpu.memory_space<vmem>> -> memref<128xi32, #tpu.memory_space<vmem>>
          %dma_start3A_133 = arith.constant 0 : i32
          %dma_start3A_134 = arith.constant 0 : i32
          %dma_start3A_135 = tpu.memref_slice %arg14[%dma_start3A_133, %dma_start3A_134] : memref<10112x80xf32, #tpu.memory_space<vmem_shared>> -> memref<10112x80xf32, #tpu.memory_space<vmem_shared>>
          tpu.enqueue_indirect_dma source(%arg10 : memref<128x80xf32, #tpu.memory_space<vmem>>) target(%dma_start3A_135 : memref<10112x80xf32, #tpu.memory_space<vmem_shared>>) offsets(%dma_start3A_132 : memref<128xi32, #tpu.memory_space<vmem>>) semaphore(%arg21 : memref<!tpu.dma_semaphore, #tpu.memory_space<semaphore_mem>>) {add = true}
          %add3A_136 = arith.constant 3 : i32
          %add3A_137 = arith.addi %add3A_129, %add3A_136 : i32
          %lt3A_138 = arith.constant 20 : i32
          %lt3A_139 = arith.cmpi slt, %add3A_137, %lt3A_138 : i32
          %convert_element_type3A_140 = arith.extui %lt3A_139 : i1 to i32
          %cond3A_141 = arith.constant 0 : i32
          %cond3A_142 = arith.cmpi ne, %convert_element_type3A_140, %cond3A_141 : i32
          scf.if %cond3A_142 {
            %ge3A = arith.constant 2 : i32
            %ge3A_188 = arith.cmpi sge, %add3A_129, %ge3A : i32
            %convert_element_type3A_189 = arith.extui %ge3A_188 : i1 to i32
            %cond3A_190 = arith.constant 0 : i32
            %cond3A_191 = arith.cmpi ne, %convert_element_type3A_189, %cond3A_190 : i32
            scf.if %cond3A_191 {
              tpu.wait_dma2 semaphore(%arg24 : memref<!tpu.dma_semaphore, #tpu.memory_space<semaphore_mem>>) src(%arg5 : memref<128x80xf32, #tpu.memory_space<hbm>>) dst(%arg13 : memref<128x80xf32, #tpu.memory_space<vmem>>)
            } else {
            }
            %add3A_192 = arith.constant 3 : i32
            %add3A_193 = arith.addi %add3A_129, %add3A_192 : i32
            %dma_start3A_194 = arith.constant 0 : i32
            %dma_start3A_195 = tpu.memref_slice %arg7[%add3A_193, %dma_start3A_194] : memref<20x128xi32, #tpu.memory_space<vmem>> -> memref<1x128xi32, #tpu.memory_space<vmem>>
            %dma_start3A_196 = tpu.memref_squeeze %dma_start3A_195 : memref<1x128xi32, #tpu.memory_space<vmem>> -> memref<128xi32, #tpu.memory_space<vmem>>
            %dma_start3A_197 = arith.constant 0 : i32
            %dma_start3A_198 = arith.constant 0 : i32
            %dma_start3A_199 = tpu.memref_slice %arg2[%dma_start3A_197, %dma_start3A_198] : memref<10008x80xf32, #tpu.memory_space<hbm>> -> memref<10008x80xf32, #tpu.memory_space<hbm>>
            tpu.enqueue_indirect_dma source(%dma_start3A_199 : memref<10008x80xf32, #tpu.memory_space<hbm>>) target(%arg13 : memref<128x80xf32, #tpu.memory_space<vmem>>) offsets(%dma_start3A_196 : memref<128xi32, #tpu.memory_space<vmem>>) semaphore(%arg19 : memref<!tpu.dma_semaphore, #tpu.memory_space<semaphore_mem>>)
          } else {
          }
          %add3A_143 = arith.constant 2 : i32
          %add3A_144 = arith.addi %add3A_113, %add3A_143 : i32
          tpu.wait_dma2 semaphore(%arg17 : memref<!tpu.dma_semaphore, #tpu.memory_space<semaphore_mem>>) src(%arg5 : memref<128x80xf32, #tpu.memory_space<hbm>>) dst(%arg11 : memref<128x80xf32, #tpu.memory_space<vmem>>)
          %dma_start3A_145 = arith.constant 0 : i32
          %dma_start3A_146 = tpu.memref_slice %arg8[%add3A_144, %dma_start3A_145] : memref<20x128xi32, #tpu.memory_space<vmem>> -> memref<1x128xi32, #tpu.memory_space<vmem>>
          %dma_start3A_147 = tpu.memref_squeeze %dma_start3A_146 : memref<1x128xi32, #tpu.memory_space<vmem>> -> memref<128xi32, #tpu.memory_space<vmem>>
          %dma_start3A_148 = arith.constant 0 : i32
          %dma_start3A_149 = arith.constant 0 : i32
          %dma_start3A_150 = tpu.memref_slice %arg14[%dma_start3A_148, %dma_start3A_149] : memref<10112x80xf32, #tpu.memory_space<vmem_shared>> -> memref<10112x80xf32, #tpu.memory_space<vmem_shared>>
          tpu.enqueue_indirect_dma source(%arg11 : memref<128x80xf32, #tpu.memory_space<vmem>>) target(%dma_start3A_150 : memref<10112x80xf32, #tpu.memory_space<vmem_shared>>) offsets(%dma_start3A_147 : memref<128xi32, #tpu.memory_space<vmem>>) semaphore(%arg22 : memref<!tpu.dma_semaphore, #tpu.memory_space<semaphore_mem>>) {add = true}
          %add3A_151 = arith.constant 3 : i32
          %add3A_152 = arith.addi %add3A_144, %add3A_151 : i32
          %lt3A_153 = arith.constant 20 : i32
          %lt3A_154 = arith.cmpi slt, %add3A_152, %lt3A_153 : i32
          %convert_element_type3A_155 = arith.extui %lt3A_154 : i1 to i32
          %cond3A_156 = arith.constant 0 : i32
          %cond3A_157 = arith.cmpi ne, %convert_element_type3A_155, %cond3A_156 : i32
          scf.if %cond3A_157 {
            %ge3A = arith.constant 2 : i32
            %ge3A_188 = arith.cmpi sge, %add3A_144, %ge3A : i32
            %convert_element_type3A_189 = arith.extui %ge3A_188 : i1 to i32
            %cond3A_190 = arith.constant 0 : i32
            %cond3A_191 = arith.cmpi ne, %convert_element_type3A_189, %cond3A_190 : i32
            scf.if %cond3A_191 {
              tpu.wait_dma2 semaphore(%arg20 : memref<!tpu.dma_semaphore, #tpu.memory_space<semaphore_mem>>) src(%arg5 : memref<128x80xf32, #tpu.memory_space<hbm>>) dst(%arg9 : memref<128x80xf32, #tpu.memory_space<vmem>>)
            } else {
            }
            %add3A_192 = arith.constant 3 : i32
            %add3A_193 = arith.addi %add3A_144, %add3A_192 : i32
            %dma_start3A_194 = arith.constant 0 : i32
            %dma_start3A_195 = tpu.memref_slice %arg7[%add3A_193, %dma_start3A_194] : memref<20x128xi32, #tpu.memory_space<vmem>> -> memref<1x128xi32, #tpu.memory_space<vmem>>
            %dma_start3A_196 = tpu.memref_squeeze %dma_start3A_195 : memref<1x128xi32, #tpu.memory_space<vmem>> -> memref<128xi32, #tpu.memory_space<vmem>>
            %dma_start3A_197 = arith.constant 0 : i32
            %dma_start3A_198 = arith.constant 0 : i32
            %dma_start3A_199 = tpu.memref_slice %arg2[%dma_start3A_197, %dma_start3A_198] : memref<10008x80xf32, #tpu.memory_space<hbm>> -> memref<10008x80xf32, #tpu.memory_space<hbm>>
            tpu.enqueue_indirect_dma source(%dma_start3A_199 : memref<10008x80xf32, #tpu.memory_space<hbm>>) target(%arg9 : memref<128x80xf32, #tpu.memory_space<vmem>>) offsets(%dma_start3A_196 : memref<128xi32, #tpu.memory_space<vmem>>) semaphore(%arg15 : memref<!tpu.dma_semaphore, #tpu.memory_space<semaphore_mem>>)
          } else {
          }
          %add3A_158 = arith.constant 3 : i32
          %add3A_159 = arith.addi %add3A_113, %add3A_158 : i32
          tpu.wait_dma2 semaphore(%arg18 : memref<!tpu.dma_semaphore, #tpu.memory_space<semaphore_mem>>) src(%arg5 : memref<128x80xf32, #tpu.memory_space<hbm>>) dst(%arg12 : memref<128x80xf32, #tpu.memory_space<vmem>>)
          %dma_start3A_160 = arith.constant 0 : i32
          %dma_start3A_161 = tpu.memref_slice %arg8[%add3A_159, %dma_start3A_160] : memref<20x128xi32, #tpu.memory_space<vmem>> -> memref<1x128xi32, #tpu.memory_space<vmem>>
          %dma_start3A_162 = tpu.memref_squeeze %dma_start3A_161 : memref<1x128xi32, #tpu.memory_space<vmem>> -> memref<128xi32, #tpu.memory_space<vmem>>
          %dma_start3A_163 = arith.constant 0 : i32
          %dma_start3A_164 = arith.constant 0 : i32
          %dma_start3A_165 = tpu.memref_slice %arg14[%dma_start3A_163, %dma_start3A_164] : memref<10112x80xf32, #tpu.memory_space<vmem_shared>> -> memref<10112x80xf32, #tpu.memory_space<vmem_shared>>
          tpu.enqueue_indirect_dma source(%arg12 : memref<128x80xf32, #tpu.memory_space<vmem>>) target(%dma_start3A_165 : memref<10112x80xf32, #tpu.memory_space<vmem_shared>>) offsets(%dma_start3A_162 : memref<128xi32, #tpu.memory_space<vmem>>) semaphore(%arg23 : memref<!tpu.dma_semaphore, #tpu.memory_space<semaphore_mem>>) {add = true}
          %add3A_166 = arith.constant 3 : i32
          %add3A_167 = arith.addi %add3A_159, %add3A_166 : i32
          %lt3A_168 = arith.constant 20 : i32
          %lt3A_169 = arith.cmpi slt, %add3A_167, %lt3A_168 : i32
          %convert_element_type3A_170 = arith.extui %lt3A_169 : i1 to i32
          %cond3A_171 = arith.constant 0 : i32
          %cond3A_172 = arith.cmpi ne, %convert_element_type3A_170, %cond3A_171 : i32
          scf.if %cond3A_172 {
            %ge3A = arith.constant 2 : i32
            %ge3A_188 = arith.cmpi sge, %add3A_159, %ge3A : i32
            %convert_element_type3A_189 = arith.extui %ge3A_188 : i1 to i32
            %cond3A_190 = arith.constant 0 : i32
            %cond3A_191 = arith.cmpi ne, %convert_element_type3A_189, %cond3A_190 : i32
            scf.if %cond3A_191 {
              tpu.wait_dma2 semaphore(%arg21 : memref<!tpu.dma_semaphore, #tpu.memory_space<semaphore_mem>>) src(%arg5 : memref<128x80xf32, #tpu.memory_space<hbm>>) dst(%arg10 : memref<128x80xf32, #tpu.memory_space<vmem>>)
            } else {
            }
            %add3A_192 = arith.constant 3 : i32
            %add3A_193 = arith.addi %add3A_159, %add3A_192 : i32
            %dma_start3A_194 = arith.constant 0 : i32
            %dma_start3A_195 = tpu.memref_slice %arg7[%add3A_193, %dma_start3A_194] : memref<20x128xi32, #tpu.memory_space<vmem>> -> memref<1x128xi32, #tpu.memory_space<vmem>>
            %dma_start3A_196 = tpu.memref_squeeze %dma_start3A_195 : memref<1x128xi32, #tpu.memory_space<vmem>> -> memref<128xi32, #tpu.memory_space<vmem>>
            %dma_start3A_197 = arith.constant 0 : i32
            %dma_start3A_198 = arith.constant 0 : i32
            %dma_start3A_199 = tpu.memref_slice %arg2[%dma_start3A_197, %dma_start3A_198] : memref<10008x80xf32, #tpu.memory_space<hbm>> -> memref<10008x80xf32, #tpu.memory_space<hbm>>
            tpu.enqueue_indirect_dma source(%dma_start3A_199 : memref<10008x80xf32, #tpu.memory_space<hbm>>) target(%arg10 : memref<128x80xf32, #tpu.memory_space<vmem>>) offsets(%dma_start3A_196 : memref<128xi32, #tpu.memory_space<vmem>>) semaphore(%arg16 : memref<!tpu.dma_semaphore, #tpu.memory_space<semaphore_mem>>)
          } else {
          }
          %add3A_173 = arith.constant 4 : i32
          %add3A_174 = arith.addi %add3A_113, %add3A_173 : i32
          tpu.wait_dma2 semaphore(%arg19 : memref<!tpu.dma_semaphore, #tpu.memory_space<semaphore_mem>>) src(%arg5 : memref<128x80xf32, #tpu.memory_space<hbm>>) dst(%arg13 : memref<128x80xf32, #tpu.memory_space<vmem>>)
          %dma_start3A_175 = arith.constant 0 : i32
          %dma_start3A_176 = tpu.memref_slice %arg8[%add3A_174, %dma_start3A_175] : memref<20x128xi32, #tpu.memory_space<vmem>> -> memref<1x128xi32, #tpu.memory_space<vmem>>
          %dma_start3A_177 = tpu.memref_squeeze %dma_start3A_176 : memref<1x128xi32, #tpu.memory_space<vmem>> -> memref<128xi32, #tpu.memory_space<vmem>>
          %dma_start3A_178 = arith.constant 0 : i32
          %dma_start3A_179 = arith.constant 0 : i32
          %dma_start3A_180 = tpu.memref_slice %arg14[%dma_start3A_178, %dma_start3A_179] : memref<10112x80xf32, #tpu.memory_space<vmem_shared>> -> memref<10112x80xf32, #tpu.memory_space<vmem_shared>>
          tpu.enqueue_indirect_dma source(%arg13 : memref<128x80xf32, #tpu.memory_space<vmem>>) target(%dma_start3A_180 : memref<10112x80xf32, #tpu.memory_space<vmem_shared>>) offsets(%dma_start3A_177 : memref<128xi32, #tpu.memory_space<vmem>>) semaphore(%arg24 : memref<!tpu.dma_semaphore, #tpu.memory_space<semaphore_mem>>) {add = true}
          %add3A_181 = arith.constant 3 : i32
          %add3A_182 = arith.addi %add3A_174, %add3A_181 : i32
          %lt3A_183 = arith.constant 20 : i32
          %lt3A_184 = arith.cmpi slt, %add3A_182, %lt3A_183 : i32
          %convert_element_type3A_185 = arith.extui %lt3A_184 : i1 to i32
          %cond3A_186 = arith.constant 0 : i32
          %cond3A_187 = arith.cmpi ne, %convert_element_type3A_185, %cond3A_186 : i32
          scf.if %cond3A_187 {
            %ge3A = arith.constant 2 : i32
            %ge3A_188 = arith.cmpi sge, %add3A_174, %ge3A : i32
            %convert_element_type3A_189 = arith.extui %ge3A_188 : i1 to i32
            %cond3A_190 = arith.constant 0 : i32
            %cond3A_191 = arith.cmpi ne, %convert_element_type3A_189, %cond3A_190 : i32
            scf.if %cond3A_191 {
              tpu.wait_dma2 semaphore(%arg22 : memref<!tpu.dma_semaphore, #tpu.memory_space<semaphore_mem>>) src(%arg5 : memref<128x80xf32, #tpu.memory_space<hbm>>) dst(%arg11 : memref<128x80xf32, #tpu.memory_space<vmem>>)
            } else {
            }
            %add3A_192 = arith.constant 3 : i32
            %add3A_193 = arith.addi %add3A_174, %add3A_192 : i32
            %dma_start3A_194 = arith.constant 0 : i32
            %dma_start3A_195 = tpu.memref_slice %arg7[%add3A_193, %dma_start3A_194] : memref<20x128xi32, #tpu.memory_space<vmem>> -> memref<1x128xi32, #tpu.memory_space<vmem>>
            %dma_start3A_196 = tpu.memref_squeeze %dma_start3A_195 : memref<1x128xi32, #tpu.memory_space<vmem>> -> memref<128xi32, #tpu.memory_space<vmem>>
            %dma_start3A_197 = arith.constant 0 : i32
            %dma_start3A_198 = arith.constant 0 : i32
            %dma_start3A_199 = tpu.memref_slice %arg2[%dma_start3A_197, %dma_start3A_198] : memref<10008x80xf32, #tpu.memory_space<hbm>> -> memref<10008x80xf32, #tpu.memory_space<hbm>>
            tpu.enqueue_indirect_dma source(%dma_start3A_199 : memref<10008x80xf32, #tpu.memory_space<hbm>>) target(%arg11 : memref<128x80xf32, #tpu.memory_space<vmem>>) offsets(%dma_start3A_196 : memref<128xi32, #tpu.memory_space<vmem>>) semaphore(%arg17 : memref<!tpu.dma_semaphore, #tpu.memory_space<semaphore_mem>>)
          } else {
          }
        }
        %scan3A_108 = arith.constant 4 : i32
        tpu.wait_dma2 semaphore(%arg20 : memref<!tpu.dma_semaphore, #tpu.memory_space<semaphore_mem>>) src(%arg5 : memref<128x80xf32, #tpu.memory_space<hbm>>) dst(%arg9 : memref<128x80xf32, #tpu.memory_space<vmem>>)
        tpu.wait_dma2 semaphore(%arg21 : memref<!tpu.dma_semaphore, #tpu.memory_space<semaphore_mem>>) src(%arg5 : memref<128x80xf32, #tpu.memory_space<hbm>>) dst(%arg10 : memref<128x80xf32, #tpu.memory_space<vmem>>)
        tpu.wait_dma2 semaphore(%arg22 : memref<!tpu.dma_semaphore, #tpu.memory_space<semaphore_mem>>) src(%arg5 : memref<128x80xf32, #tpu.memory_space<hbm>>) dst(%arg11 : memref<128x80xf32, #tpu.memory_space<vmem>>)
        tpu.wait_dma2 semaphore(%arg23 : memref<!tpu.dma_semaphore, #tpu.memory_space<semaphore_mem>>) src(%arg5 : memref<128x80xf32, #tpu.memory_space<hbm>>) dst(%arg12 : memref<128x80xf32, #tpu.memory_space<vmem>>)
        tpu.wait_dma2 semaphore(%arg24 : memref<!tpu.dma_semaphore, #tpu.memory_space<semaphore_mem>>) src(%arg5 : memref<128x80xf32, #tpu.memory_space<hbm>>) dst(%arg13 : memref<128x80xf32, #tpu.memory_space<vmem>>)
      }
      %while3A_72 = arith.constant 1 : i32
      scf.for %while3A_73 = %while3A_70 to %while3A_66 step %while3A_72  : i32 {
        %mul3A_74 = arith.muli %while3A_73, %while3A : i32
        %add3A_75 = arith.addi %while3A_63, %mul3A_74 : i32
        %mul3A_76 = arith.constant 20 : i32
        %mul3A_77 = arith.muli %add3A_75, %mul3A_76 : i32
        %add3A_78 = arith.addi %mul3A_53, %mul3A_77 : i32
        "tpu.region"() ({
          %run_scoped3A = tpu.sem_alloc : memref<!tpu.dma_semaphore, #tpu.memory_space<semaphore_mem>>
          %dma_start3A_109 = arith.constant 0 : i32
          %dma_start3A_110 = tpu.memref_slice %arg4[%arg0, %add3A_78, %dma_start3A_109] : memref<2x2500x128xi32, #tpu.memory_space<hbm>> -> memref<1x20x128xi32, #tpu.memory_space<hbm>>
          %dma_start3A_111 = tpu.memref_squeeze %dma_start3A_110 : memref<1x20x128xi32, #tpu.memory_space<hbm>> -> memref<20x128xi32, #tpu.memory_space<hbm>>
          %dma_start3A_112 = arith.constant 0 : i32
          %dma_start3A_113 = tpu.memref_slice %arg4[%arg0, %add3A_78, %dma_start3A_112] : memref<2x2500x128xi32, #tpu.memory_space<hbm>> -> memref<1x20x128xi32, #tpu.memory_space<hbm>>
          %dma_start3A_114 = tpu.memref_squeeze %dma_start3A_113 : memref<1x20x128xi32, #tpu.memory_space<hbm>> -> memref<20x128xi32, #tpu.memory_space<hbm>>
          tpu.enqueue_dma source(%dma_start3A_114 : memref<20x128xi32, #tpu.memory_space<hbm>>) target(%arg7 : memref<20x128xi32, #tpu.memory_space<vmem>>) target_semaphore(%run_scoped3A : memref<!tpu.dma_semaphore, #tpu.memory_space<semaphore_mem>>)
          %dma_wait3A = arith.constant 0 : i32
          %dma_wait3A_115 = tpu.memref_slice %arg4[%arg0, %add3A_78, %dma_wait3A] : memref<2x2500x128xi32, #tpu.memory_space<hbm>> -> memref<1x20x128xi32, #tpu.memory_space<hbm>>
          %dma_wait3A_116 = tpu.memref_squeeze %dma_wait3A_115 : memref<1x20x128xi32, #tpu.memory_space<hbm>> -> memref<20x128xi32, #tpu.memory_space<hbm>>
          %dma_wait3A_117 = arith.constant 0 : i32
          %dma_wait3A_118 = tpu.memref_slice %arg4[%arg0, %add3A_78, %dma_wait3A_117] : memref<2x2500x128xi32, #tpu.memory_space<hbm>> -> memref<1x20x128xi32, #tpu.memory_space<hbm>>
          %dma_wait3A_119 = tpu.memref_squeeze %dma_wait3A_118 : memref<1x20x128xi32, #tpu.memory_space<hbm>> -> memref<20x128xi32, #tpu.memory_space<hbm>>
          tpu.wait_dma2 semaphore(%run_scoped3A : memref<!tpu.dma_semaphore, #tpu.memory_space<semaphore_mem>>) src(%dma_wait3A_119 : memref<20x128xi32, #tpu.memory_space<hbm>>) dst(%arg7 : memref<20x128xi32, #tpu.memory_space<vmem>>)
          tpu.yield
        }) : () -> ()
        %sub3A_79 = arith.constant 1 : i32
        %sub3A_80 = arith.subi %sub3A_79, %arg0 : i32
        %mul3A_81 = arith.constant 20 : i32
        %mul3A_82 = arith.muli %add3A_75, %mul3A_81 : i32
        %add3A_83 = arith.addi %mul3A_53, %mul3A_82 : i32
        "tpu.region"() ({
          %run_scoped3A = tpu.sem_alloc : memref<!tpu.dma_semaphore, #tpu.memory_space<semaphore_mem>>
          %dma_start3A_109 = arith.constant 0 : i32
          %dma_start3A_110 = tpu.memref_slice %arg4[%sub3A_80, %add3A_83, %dma_start3A_109] : memref<2x2500x128xi32, #tpu.memory_space<hbm>> -> memref<1x20x128xi32, #tpu.memory_space<hbm>>
          %dma_start3A_111 = tpu.memref_squeeze %dma_start3A_110 : memref<1x20x128xi32, #tpu.memory_space<hbm>> -> memref<20x128xi32, #tpu.memory_space<hbm>>
          %dma_start3A_112 = arith.constant 0 : i32
          %dma_start3A_113 = tpu.memref_slice %arg4[%sub3A_80, %add3A_83, %dma_start3A_112] : memref<2x2500x128xi32, #tpu.memory_space<hbm>> -> memref<1x20x128xi32, #tpu.memory_space<hbm>>
          %dma_start3A_114 = tpu.memref_squeeze %dma_start3A_113 : memref<1x20x128xi32, #tpu.memory_space<hbm>> -> memref<20x128xi32, #tpu.memory_space<hbm>>
          tpu.enqueue_dma source(%dma_start3A_114 : memref<20x128xi32, #tpu.memory_space<hbm>>) target(%arg8 : memref<20x128xi32, #tpu.memory_space<vmem>>) target_semaphore(%run_scoped3A : memref<!tpu.dma_semaphore, #tpu.memory_space<semaphore_mem>>)
          %dma_wait3A = arith.constant 0 : i32
          %dma_wait3A_115 = tpu.memref_slice %arg4[%sub3A_80, %add3A_83, %dma_wait3A] : memref<2x2500x128xi32, #tpu.memory_space<hbm>> -> memref<1x20x128xi32, #tpu.memory_space<hbm>>
          %dma_wait3A_116 = tpu.memref_squeeze %dma_wait3A_115 : memref<1x20x128xi32, #tpu.memory_space<hbm>> -> memref<20x128xi32, #tpu.memory_space<hbm>>
          %dma_wait3A_117 = arith.constant 0 : i32
          %dma_wait3A_118 = tpu.memref_slice %arg4[%sub3A_80, %add3A_83, %dma_wait3A_117] : memref<2x2500x128xi32, #tpu.memory_space<hbm>> -> memref<1x20x128xi32, #tpu.memory_space<hbm>>
          %dma_wait3A_119 = tpu.memref_squeeze %dma_wait3A_118 : memref<1x20x128xi32, #tpu.memory_space<hbm>> -> memref<20x128xi32, #tpu.memory_space<hbm>>
          tpu.wait_dma2 semaphore(%run_scoped3A : memref<!tpu.dma_semaphore, #tpu.memory_space<semaphore_mem>>) src(%dma_wait3A_119 : memref<20x128xi32, #tpu.memory_space<hbm>>) dst(%arg8 : memref<20x128xi32, #tpu.memory_space<vmem>>)
          tpu.yield
        }) : () -> ()
        %dma_start3A = arith.constant 0 : i32
        %dma_start3A_84 = arith.constant 0 : i32
        %dma_start3A_85 = tpu.memref_slice %arg7[%dma_start3A, %dma_start3A_84] : memref<20x128xi32, #tpu.memory_space<vmem>> -> memref<1x128xi32, #tpu.memory_space<vmem>>
        %dma_start3A_86 = tpu.memref_squeeze %dma_start3A_85 : memref<1x128xi32, #tpu.memory_space<vmem>> -> memref<128xi32, #tpu.memory_space<vmem>>
        %dma_start3A_87 = arith.constant 0 : i32
        %dma_start3A_88 = arith.constant 0 : i32
        %dma_start3A_89 = tpu.memref_slice %arg2[%dma_start3A_87, %dma_start3A_88] : memref<10008x80xf32, #tpu.memory_space<hbm>> -> memref<10008x80xf32, #tpu.memory_space<hbm>>
        tpu.enqueue_indirect_dma source(%dma_start3A_89 : memref<10008x80xf32, #tpu.memory_space<hbm>>) target(%arg9 : memref<128x80xf32, #tpu.memory_space<vmem>>) offsets(%dma_start3A_86 : memref<128xi32, #tpu.memory_space<vmem>>) semaphore(%arg15 : memref<!tpu.dma_semaphore, #tpu.memory_space<semaphore_mem>>)
        %dma_start3A_90 = arith.constant 1 : i32
        %dma_start3A_91 = arith.constant 0 : i32
        %dma_start3A_92 = tpu.memref_slice %arg7[%dma_start3A_90, %dma_start3A_91] : memref<20x128xi32, #tpu.memory_space<vmem>> -> memref<1x128xi32, #tpu.memory_space<vmem>>
        %dma_start3A_93 = tpu.memref_squeeze %dma_start3A_92 : memref<1x128xi32, #tpu.memory_space<vmem>> -> memref<128xi32, #tpu.memory_space<vmem>>
        %dma_start3A_94 = arith.constant 0 : i32
        %dma_start3A_95 = arith.constant 0 : i32
        %dma_start3A_96 = tpu.memref_slice %arg2[%dma_start3A_94, %dma_start3A_95] : memref<10008x80xf32, #tpu.memory_space<hbm>> -> memref<10008x80xf32, #tpu.memory_space<hbm>>
        tpu.enqueue_indirect_dma source(%dma_start3A_96 : memref<10008x80xf32, #tpu.memory_space<hbm>>) target(%arg10 : memref<128x80xf32, #tpu.memory_space<vmem>>) offsets(%dma_start3A_93 : memref<128xi32, #tpu.memory_space<vmem>>) semaphore(%arg16 : memref<!tpu.dma_semaphore, #tpu.memory_space<semaphore_mem>>)
        %dma_start3A_97 = arith.constant 2 : i32
        %dma_start3A_98 = arith.constant 0 : i32
        %dma_start3A_99 = tpu.memref_slice %arg7[%dma_start3A_97, %dma_start3A_98] : memref<20x128xi32, #tpu.memory_space<vmem>> -> memref<1x128xi32, #tpu.memory_space<vmem>>
        %dma_start3A_100 = tpu.memref_squeeze %dma_start3A_99 : memref<1x128xi32, #tpu.memory_space<vmem>> -> memref<128xi32, #tpu.memory_space<vmem>>
        %dma_start3A_101 = arith.constant 0 : i32
        %dma_start3A_102 = arith.constant 0 : i32
        %dma_start3A_103 = tpu.memref_slice %arg2[%dma_start3A_101, %dma_start3A_102] : memref<10008x80xf32, #tpu.memory_space<hbm>> -> memref<10008x80xf32, #tpu.memory_space<hbm>>
        tpu.enqueue_indirect_dma source(%dma_start3A_103 : memref<10008x80xf32, #tpu.memory_space<hbm>>) target(%arg11 : memref<128x80xf32, #tpu.memory_space<vmem>>) offsets(%dma_start3A_100 : memref<128xi32, #tpu.memory_space<vmem>>) semaphore(%arg17 : memref<!tpu.dma_semaphore, #tpu.memory_space<semaphore_mem>>)
        %scan3A_104 = arith.constant 0 : i32
        %scan3A_105 = arith.constant 4 : i32
        %scan3A_106 = arith.addi %scan3A_104, %scan3A_105 : i32
        %scan3A_107 = arith.constant 1 : i32
        scf.for %scan3A_109 = %scan3A_104 to %scan3A_106 step %scan3A_107  : i32 {
          %mul3A_110 = arith.constant 5 : i32
          %mul3A_111 = arith.muli %scan3A_109, %mul3A_110 : i32
          %add3A_112 = arith.constant 0 : i32
          %add3A_113 = arith.addi %add3A_112, %mul3A_111 : i32
          %add3A_114 = arith.constant 0 : i32
          %add3A_115 = arith.addi %add3A_113, %add3A_114 : i32
          tpu.wait_dma2 semaphore(%arg15 : memref<!tpu.dma_semaphore, #tpu.memory_space<semaphore_mem>>) src(%arg5 : memref<128x80xf32, #tpu.memory_space<hbm>>) dst(%arg9 : memref<128x80xf32, #tpu.memory_space<vmem>>)
          %dma_start3A_116 = arith.constant 0 : i32
          %dma_start3A_117 = tpu.memref_slice %arg8[%add3A_115, %dma_start3A_116] : memref<20x128xi32, #tpu.memory_space<vmem>> -> memref<1x128xi32, #tpu.memory_space<vmem>>
          %dma_start3A_118 = tpu.memref_squeeze %dma_start3A_117 : memref<1x128xi32, #tpu.memory_space<vmem>> -> memref<128xi32, #tpu.memory_space<vmem>>
          %dma_start3A_119 = arith.constant 0 : i32
          %dma_start3A_120 = arith.constant 0 : i32
          %dma_start3A_121 = tpu.memref_slice %arg14[%dma_start3A_119, %dma_start3A_120] : memref<10112x80xf32, #tpu.memory_space<vmem_shared>> -> memref<10112x80xf32, #tpu.memory_space<vmem_shared>>
          tpu.enqueue_indirect_dma source(%arg9 : memref<128x80xf32, #tpu.memory_space<vmem>>) target(%dma_start3A_121 : memref<10112x80xf32, #tpu.memory_space<vmem_shared>>) offsets(%dma_start3A_118 : memref<128xi32, #tpu.memory_space<vmem>>) semaphore(%arg20 : memref<!tpu.dma_semaphore, #tpu.memory_space<semaphore_mem>>) {add = true}
          %add3A_122 = arith.constant 3 : i32
          %add3A_123 = arith.addi %add3A_115, %add3A_122 : i32
          %lt3A = arith.constant 20 : i32
          %lt3A_124 = arith.cmpi slt, %add3A_123, %lt3A : i32
          %convert_element_type3A_125 = arith.extui %lt3A_124 : i1 to i32
          %cond3A_126 = arith.constant 0 : i32
          %cond3A_127 = arith.cmpi ne, %convert_element_type3A_125, %cond3A_126 : i32
          scf.if %cond3A_127 {
            %ge3A = arith.constant 2 : i32
            %ge3A_188 = arith.cmpi sge, %add3A_115, %ge3A : i32
            %convert_element_type3A_189 = arith.extui %ge3A_188 : i1 to i32
            %cond3A_190 = arith.constant 0 : i32
            %cond3A_191 = arith.cmpi ne, %convert_element_type3A_189, %cond3A_190 : i32
            scf.if %cond3A_191 {
              tpu.wait_dma2 semaphore(%arg23 : memref<!tpu.dma_semaphore, #tpu.memory_space<semaphore_mem>>) src(%arg5 : memref<128x80xf32, #tpu.memory_space<hbm>>) dst(%arg12 : memref<128x80xf32, #tpu.memory_space<vmem>>)
            } else {
            }
            %add3A_192 = arith.constant 3 : i32
            %add3A_193 = arith.addi %add3A_115, %add3A_192 : i32
            %dma_start3A_194 = arith.constant 0 : i32
            %dma_start3A_195 = tpu.memref_slice %arg7[%add3A_193, %dma_start3A_194] : memref<20x128xi32, #tpu.memory_space<vmem>> -> memref<1x128xi32, #tpu.memory_space<vmem>>
            %dma_start3A_196 = tpu.memref_squeeze %dma_start3A_195 : memref<1x128xi32, #tpu.memory_space<vmem>> -> memref<128xi32, #tpu.memory_space<vmem>>
            %dma_start3A_197 = arith.constant 0 : i32
            %dma_start3A_198 = arith.constant 0 : i32
            %dma_start3A_199 = tpu.memref_slice %arg2[%dma_start3A_197, %dma_start3A_198] : memref<10008x80xf32, #tpu.memory_space<hbm>> -> memref<10008x80xf32, #tpu.memory_space<hbm>>
            tpu.enqueue_indirect_dma source(%dma_start3A_199 : memref<10008x80xf32, #tpu.memory_space<hbm>>) target(%arg12 : memref<128x80xf32, #tpu.memory_space<vmem>>) offsets(%dma_start3A_196 : memref<128xi32, #tpu.memory_space<vmem>>) semaphore(%arg18 : memref<!tpu.dma_semaphore, #tpu.memory_space<semaphore_mem>>)
          } else {
          }
          %add3A_128 = arith.constant 1 : i32
          %add3A_129 = arith.addi %add3A_113, %add3A_128 : i32
          tpu.wait_dma2 semaphore(%arg16 : memref<!tpu.dma_semaphore, #tpu.memory_space<semaphore_mem>>) src(%arg5 : memref<128x80xf32, #tpu.memory_space<hbm>>) dst(%arg10 : memref<128x80xf32, #tpu.memory_space<vmem>>)
          %dma_start3A_130 = arith.constant 0 : i32
          %dma_start3A_131 = tpu.memref_slice %arg8[%add3A_129, %dma_start3A_130] : memref<20x128xi32, #tpu.memory_space<vmem>> -> memref<1x128xi32, #tpu.memory_space<vmem>>
          %dma_start3A_132 = tpu.memref_squeeze %dma_start3A_131 : memref<1x128xi32, #tpu.memory_space<vmem>> -> memref<128xi32, #tpu.memory_space<vmem>>
          %dma_start3A_133 = arith.constant 0 : i32
          %dma_start3A_134 = arith.constant 0 : i32
          %dma_start3A_135 = tpu.memref_slice %arg14[%dma_start3A_133, %dma_start3A_134] : memref<10112x80xf32, #tpu.memory_space<vmem_shared>> -> memref<10112x80xf32, #tpu.memory_space<vmem_shared>>
          tpu.enqueue_indirect_dma source(%arg10 : memref<128x80xf32, #tpu.memory_space<vmem>>) target(%dma_start3A_135 : memref<10112x80xf32, #tpu.memory_space<vmem_shared>>) offsets(%dma_start3A_132 : memref<128xi32, #tpu.memory_space<vmem>>) semaphore(%arg21 : memref<!tpu.dma_semaphore, #tpu.memory_space<semaphore_mem>>) {add = true}
          %add3A_136 = arith.constant 3 : i32
          %add3A_137 = arith.addi %add3A_129, %add3A_136 : i32
          %lt3A_138 = arith.constant 20 : i32
          %lt3A_139 = arith.cmpi slt, %add3A_137, %lt3A_138 : i32
          %convert_element_type3A_140 = arith.extui %lt3A_139 : i1 to i32
          %cond3A_141 = arith.constant 0 : i32
          %cond3A_142 = arith.cmpi ne, %convert_element_type3A_140, %cond3A_141 : i32
          scf.if %cond3A_142 {
            %ge3A = arith.constant 2 : i32
            %ge3A_188 = arith.cmpi sge, %add3A_129, %ge3A : i32
            %convert_element_type3A_189 = arith.extui %ge3A_188 : i1 to i32
            %cond3A_190 = arith.constant 0 : i32
            %cond3A_191 = arith.cmpi ne, %convert_element_type3A_189, %cond3A_190 : i32
            scf.if %cond3A_191 {
              tpu.wait_dma2 semaphore(%arg24 : memref<!tpu.dma_semaphore, #tpu.memory_space<semaphore_mem>>) src(%arg5 : memref<128x80xf32, #tpu.memory_space<hbm>>) dst(%arg13 : memref<128x80xf32, #tpu.memory_space<vmem>>)
            } else {
            }
            %add3A_192 = arith.constant 3 : i32
            %add3A_193 = arith.addi %add3A_129, %add3A_192 : i32
            %dma_start3A_194 = arith.constant 0 : i32
            %dma_start3A_195 = tpu.memref_slice %arg7[%add3A_193, %dma_start3A_194] : memref<20x128xi32, #tpu.memory_space<vmem>> -> memref<1x128xi32, #tpu.memory_space<vmem>>
            %dma_start3A_196 = tpu.memref_squeeze %dma_start3A_195 : memref<1x128xi32, #tpu.memory_space<vmem>> -> memref<128xi32, #tpu.memory_space<vmem>>
            %dma_start3A_197 = arith.constant 0 : i32
            %dma_start3A_198 = arith.constant 0 : i32
            %dma_start3A_199 = tpu.memref_slice %arg2[%dma_start3A_197, %dma_start3A_198] : memref<10008x80xf32, #tpu.memory_space<hbm>> -> memref<10008x80xf32, #tpu.memory_space<hbm>>
            tpu.enqueue_indirect_dma source(%dma_start3A_199 : memref<10008x80xf32, #tpu.memory_space<hbm>>) target(%arg13 : memref<128x80xf32, #tpu.memory_space<vmem>>) offsets(%dma_start3A_196 : memref<128xi32, #tpu.memory_space<vmem>>) semaphore(%arg19 : memref<!tpu.dma_semaphore, #tpu.memory_space<semaphore_mem>>)
          } else {
          }
          %add3A_143 = arith.constant 2 : i32
          %add3A_144 = arith.addi %add3A_113, %add3A_143 : i32
          tpu.wait_dma2 semaphore(%arg17 : memref<!tpu.dma_semaphore, #tpu.memory_space<semaphore_mem>>) src(%arg5 : memref<128x80xf32, #tpu.memory_space<hbm>>) dst(%arg11 : memref<128x80xf32, #tpu.memory_space<vmem>>)
          %dma_start3A_145 = arith.constant 0 : i32
          %dma_start3A_146 = tpu.memref_slice %arg8[%add3A_144, %dma_start3A_145] : memref<20x128xi32, #tpu.memory_space<vmem>> -> memref<1x128xi32, #tpu.memory_space<vmem>>
          %dma_start3A_147 = tpu.memref_squeeze %dma_start3A_146 : memref<1x128xi32, #tpu.memory_space<vmem>> -> memref<128xi32, #tpu.memory_space<vmem>>
          %dma_start3A_148 = arith.constant 0 : i32
          %dma_start3A_149 = arith.constant 0 : i32
          %dma_start3A_150 = tpu.memref_slice %arg14[%dma_start3A_148, %dma_start3A_149] : memref<10112x80xf32, #tpu.memory_space<vmem_shared>> -> memref<10112x80xf32, #tpu.memory_space<vmem_shared>>
          tpu.enqueue_indirect_dma source(%arg11 : memref<128x80xf32, #tpu.memory_space<vmem>>) target(%dma_start3A_150 : memref<10112x80xf32, #tpu.memory_space<vmem_shared>>) offsets(%dma_start3A_147 : memref<128xi32, #tpu.memory_space<vmem>>) semaphore(%arg22 : memref<!tpu.dma_semaphore, #tpu.memory_space<semaphore_mem>>) {add = true}
          %add3A_151 = arith.constant 3 : i32
          %add3A_152 = arith.addi %add3A_144, %add3A_151 : i32
          %lt3A_153 = arith.constant 20 : i32
          %lt3A_154 = arith.cmpi slt, %add3A_152, %lt3A_153 : i32
          %convert_element_type3A_155 = arith.extui %lt3A_154 : i1 to i32
          %cond3A_156 = arith.constant 0 : i32
          %cond3A_157 = arith.cmpi ne, %convert_element_type3A_155, %cond3A_156 : i32
          scf.if %cond3A_157 {
            %ge3A = arith.constant 2 : i32
            %ge3A_188 = arith.cmpi sge, %add3A_144, %ge3A : i32
            %convert_element_type3A_189 = arith.extui %ge3A_188 : i1 to i32
            %cond3A_190 = arith.constant 0 : i32
            %cond3A_191 = arith.cmpi ne, %convert_element_type3A_189, %cond3A_190 : i32
            scf.if %cond3A_191 {
              tpu.wait_dma2 semaphore(%arg20 : memref<!tpu.dma_semaphore, #tpu.memory_space<semaphore_mem>>) src(%arg5 : memref<128x80xf32, #tpu.memory_space<hbm>>) dst(%arg9 : memref<128x80xf32, #tpu.memory_space<vmem>>)
            } else {
            }
            %add3A_192 = arith.constant 3 : i32
            %add3A_193 = arith.addi %add3A_144, %add3A_192 : i32
            %dma_start3A_194 = arith.constant 0 : i32
            %dma_start3A_195 = tpu.memref_slice %arg7[%add3A_193, %dma_start3A_194] : memref<20x128xi32, #tpu.memory_space<vmem>> -> memref<1x128xi32, #tpu.memory_space<vmem>>
            %dma_start3A_196 = tpu.memref_squeeze %dma_start3A_195 : memref<1x128xi32, #tpu.memory_space<vmem>> -> memref<128xi32, #tpu.memory_space<vmem>>
            %dma_start3A_197 = arith.constant 0 : i32
            %dma_start3A_198 = arith.constant 0 : i32
            %dma_start3A_199 = tpu.memref_slice %arg2[%dma_start3A_197, %dma_start3A_198] : memref<10008x80xf32, #tpu.memory_space<hbm>> -> memref<10008x80xf32, #tpu.memory_space<hbm>>
            tpu.enqueue_indirect_dma source(%dma_start3A_199 : memref<10008x80xf32, #tpu.memory_space<hbm>>) target(%arg9 : memref<128x80xf32, #tpu.memory_space<vmem>>) offsets(%dma_start3A_196 : memref<128xi32, #tpu.memory_space<vmem>>) semaphore(%arg15 : memref<!tpu.dma_semaphore, #tpu.memory_space<semaphore_mem>>)
          } else {
          }
          %add3A_158 = arith.constant 3 : i32
          %add3A_159 = arith.addi %add3A_113, %add3A_158 : i32
          tpu.wait_dma2 semaphore(%arg18 : memref<!tpu.dma_semaphore, #tpu.memory_space<semaphore_mem>>) src(%arg5 : memref<128x80xf32, #tpu.memory_space<hbm>>) dst(%arg12 : memref<128x80xf32, #tpu.memory_space<vmem>>)
          %dma_start3A_160 = arith.constant 0 : i32
          %dma_start3A_161 = tpu.memref_slice %arg8[%add3A_159, %dma_start3A_160] : memref<20x128xi32, #tpu.memory_space<vmem>> -> memref<1x128xi32, #tpu.memory_space<vmem>>
          %dma_start3A_162 = tpu.memref_squeeze %dma_start3A_161 : memref<1x128xi32, #tpu.memory_space<vmem>> -> memref<128xi32, #tpu.memory_space<vmem>>
          %dma_start3A_163 = arith.constant 0 : i32
          %dma_start3A_164 = arith.constant 0 : i32
          %dma_start3A_165 = tpu.memref_slice %arg14[%dma_start3A_163, %dma_start3A_164] : memref<10112x80xf32, #tpu.memory_space<vmem_shared>> -> memref<10112x80xf32, #tpu.memory_space<vmem_shared>>
          tpu.enqueue_indirect_dma source(%arg12 : memref<128x80xf32, #tpu.memory_space<vmem>>) target(%dma_start3A_165 : memref<10112x80xf32, #tpu.memory_space<vmem_shared>>) offsets(%dma_start3A_162 : memref<128xi32, #tpu.memory_space<vmem>>) semaphore(%arg23 : memref<!tpu.dma_semaphore, #tpu.memory_space<semaphore_mem>>) {add = true}
          %add3A_166 = arith.constant 3 : i32
          %add3A_167 = arith.addi %add3A_159, %add3A_166 : i32
          %lt3A_168 = arith.constant 20 : i32
          %lt3A_169 = arith.cmpi slt, %add3A_167, %lt3A_168 : i32
          %convert_element_type3A_170 = arith.extui %lt3A_169 : i1 to i32
          %cond3A_171 = arith.constant 0 : i32
          %cond3A_172 = arith.cmpi ne, %convert_element_type3A_170, %cond3A_171 : i32
          scf.if %cond3A_172 {
            %ge3A = arith.constant 2 : i32
            %ge3A_188 = arith.cmpi sge, %add3A_159, %ge3A : i32
            %convert_element_type3A_189 = arith.extui %ge3A_188 : i1 to i32
            %cond3A_190 = arith.constant 0 : i32
            %cond3A_191 = arith.cmpi ne, %convert_element_type3A_189, %cond3A_190 : i32
            scf.if %cond3A_191 {
              tpu.wait_dma2 semaphore(%arg21 : memref<!tpu.dma_semaphore, #tpu.memory_space<semaphore_mem>>) src(%arg5 : memref<128x80xf32, #tpu.memory_space<hbm>>) dst(%arg10 : memref<128x80xf32, #tpu.memory_space<vmem>>)
            } else {
            }
            %add3A_192 = arith.constant 3 : i32
            %add3A_193 = arith.addi %add3A_159, %add3A_192 : i32
            %dma_start3A_194 = arith.constant 0 : i32
            %dma_start3A_195 = tpu.memref_slice %arg7[%add3A_193, %dma_start3A_194] : memref<20x128xi32, #tpu.memory_space<vmem>> -> memref<1x128xi32, #tpu.memory_space<vmem>>
            %dma_start3A_196 = tpu.memref_squeeze %dma_start3A_195 : memref<1x128xi32, #tpu.memory_space<vmem>> -> memref<128xi32, #tpu.memory_space<vmem>>
            %dma_start3A_197 = arith.constant 0 : i32
            %dma_start3A_198 = arith.constant 0 : i32
            %dma_start3A_199 = tpu.memref_slice %arg2[%dma_start3A_197, %dma_start3A_198] : memref<10008x80xf32, #tpu.memory_space<hbm>> -> memref<10008x80xf32, #tpu.memory_space<hbm>>
            tpu.enqueue_indirect_dma source(%dma_start3A_199 : memref<10008x80xf32, #tpu.memory_space<hbm>>) target(%arg10 : memref<128x80xf32, #tpu.memory_space<vmem>>) offsets(%dma_start3A_196 : memref<128xi32, #tpu.memory_space<vmem>>) semaphore(%arg16 : memref<!tpu.dma_semaphore, #tpu.memory_space<semaphore_mem>>)
          } else {
          }
          %add3A_173 = arith.constant 4 : i32
          %add3A_174 = arith.addi %add3A_113, %add3A_173 : i32
          tpu.wait_dma2 semaphore(%arg19 : memref<!tpu.dma_semaphore, #tpu.memory_space<semaphore_mem>>) src(%arg5 : memref<128x80xf32, #tpu.memory_space<hbm>>) dst(%arg13 : memref<128x80xf32, #tpu.memory_space<vmem>>)
          %dma_start3A_175 = arith.constant 0 : i32
          %dma_start3A_176 = tpu.memref_slice %arg8[%add3A_174, %dma_start3A_175] : memref<20x128xi32, #tpu.memory_space<vmem>> -> memref<1x128xi32, #tpu.memory_space<vmem>>
          %dma_start3A_177 = tpu.memref_squeeze %dma_start3A_176 : memref<1x128xi32, #tpu.memory_space<vmem>> -> memref<128xi32, #tpu.memory_space<vmem>>
          %dma_start3A_178 = arith.constant 0 : i32
          %dma_start3A_179 = arith.constant 0 : i32
          %dma_start3A_180 = tpu.memref_slice %arg14[%dma_start3A_178, %dma_start3A_179] : memref<10112x80xf32, #tpu.memory_space<vmem_shared>> -> memref<10112x80xf32, #tpu.memory_space<vmem_shared>>
          tpu.enqueue_indirect_dma source(%arg13 : memref<128x80xf32, #tpu.memory_space<vmem>>) target(%dma_start3A_180 : memref<10112x80xf32, #tpu.memory_space<vmem_shared>>) offsets(%dma_start3A_177 : memref<128xi32, #tpu.memory_space<vmem>>) semaphore(%arg24 : memref<!tpu.dma_semaphore, #tpu.memory_space<semaphore_mem>>) {add = true}
          %add3A_181 = arith.constant 3 : i32
          %add3A_182 = arith.addi %add3A_174, %add3A_181 : i32
          %lt3A_183 = arith.constant 20 : i32
          %lt3A_184 = arith.cmpi slt, %add3A_182, %lt3A_183 : i32
          %convert_element_type3A_185 = arith.extui %lt3A_184 : i1 to i32
          %cond3A_186 = arith.constant 0 : i32
          %cond3A_187 = arith.cmpi ne, %convert_element_type3A_185, %cond3A_186 : i32
          scf.if %cond3A_187 {
            %ge3A = arith.constant 2 : i32
            %ge3A_188 = arith.cmpi sge, %add3A_174, %ge3A : i32
            %convert_element_type3A_189 = arith.extui %ge3A_188 : i1 to i32
            %cond3A_190 = arith.constant 0 : i32
            %cond3A_191 = arith.cmpi ne, %convert_element_type3A_189, %cond3A_190 : i32
            scf.if %cond3A_191 {
              tpu.wait_dma2 semaphore(%arg22 : memref<!tpu.dma_semaphore, #tpu.memory_space<semaphore_mem>>) src(%arg5 : memref<128x80xf32, #tpu.memory_space<hbm>>) dst(%arg11 : memref<128x80xf32, #tpu.memory_space<vmem>>)
            } else {
            }
            %add3A_192 = arith.constant 3 : i32
            %add3A_193 = arith.addi %add3A_174, %add3A_192 : i32
            %dma_start3A_194 = arith.constant 0 : i32
            %dma_start3A_195 = tpu.memref_slice %arg7[%add3A_193, %dma_start3A_194] : memref<20x128xi32, #tpu.memory_space<vmem>> -> memref<1x128xi32, #tpu.memory_space<vmem>>
            %dma_start3A_196 = tpu.memref_squeeze %dma_start3A_195 : memref<1x128xi32, #tpu.memory_space<vmem>> -> memref<128xi32, #tpu.memory_space<vmem>>
            %dma_start3A_197 = arith.constant 0 : i32
            %dma_start3A_198 = arith.constant 0 : i32
            %dma_start3A_199 = tpu.memref_slice %arg2[%dma_start3A_197, %dma_start3A_198] : memref<10008x80xf32, #tpu.memory_space<hbm>> -> memref<10008x80xf32, #tpu.memory_space<hbm>>
            tpu.enqueue_indirect_dma source(%dma_start3A_199 : memref<10008x80xf32, #tpu.memory_space<hbm>>) target(%arg11 : memref<128x80xf32, #tpu.memory_space<vmem>>) offsets(%dma_start3A_196 : memref<128xi32, #tpu.memory_space<vmem>>) semaphore(%arg17 : memref<!tpu.dma_semaphore, #tpu.memory_space<semaphore_mem>>)
          } else {
          }
        }
        %scan3A_108 = arith.constant 4 : i32
        tpu.wait_dma2 semaphore(%arg20 : memref<!tpu.dma_semaphore, #tpu.memory_space<semaphore_mem>>) src(%arg5 : memref<128x80xf32, #tpu.memory_space<hbm>>) dst(%arg9 : memref<128x80xf32, #tpu.memory_space<vmem>>)
        tpu.wait_dma2 semaphore(%arg21 : memref<!tpu.dma_semaphore, #tpu.memory_space<semaphore_mem>>) src(%arg5 : memref<128x80xf32, #tpu.memory_space<hbm>>) dst(%arg10 : memref<128x80xf32, #tpu.memory_space<vmem>>)
        tpu.wait_dma2 semaphore(%arg22 : memref<!tpu.dma_semaphore, #tpu.memory_space<semaphore_mem>>) src(%arg5 : memref<128x80xf32, #tpu.memory_space<hbm>>) dst(%arg11 : memref<128x80xf32, #tpu.memory_space<vmem>>)
        tpu.wait_dma2 semaphore(%arg23 : memref<!tpu.dma_semaphore, #tpu.memory_space<semaphore_mem>>) src(%arg5 : memref<128x80xf32, #tpu.memory_space<hbm>>) dst(%arg12 : memref<128x80xf32, #tpu.memory_space<vmem>>)
        tpu.wait_dma2 semaphore(%arg24 : memref<!tpu.dma_semaphore, #tpu.memory_space<semaphore_mem>>) src(%arg5 : memref<128x80xf32, #tpu.memory_space<hbm>>) dst(%arg13 : memref<128x80xf32, #tpu.memory_space<vmem>>)
      }
    } else {
    }
    %eq3A_12 = arith.constant 1 : i32
    %eq3A_13 = arith.cmpi eq, %arg0, %eq3A_12 : i32
    %convert_element_type3A_14 = arith.extui %eq3A_13 : i1 to i32
    %cond3A_15 = arith.constant 0 : i32
    %cond3A_16 = arith.cmpi ne, %convert_element_type3A_14, %cond3A_15 : i32
    scf.if %cond3A_16 {
      %mul3A_52 = arith.constant 160 : i32
      %mul3A_53 = arith.muli %arg1, %mul3A_52 : i32
      %eq3A_54 = arith.constant 15 : i32
      %eq3A_55 = arith.cmpi eq, %arg1, %eq3A_54 : i32
      %jit3A = arith.constant 5 : i32
      %jit3A_56 = arith.constant 8 : i32
      %select_n3A = arith.select %eq3A_55, %jit3A, %jit3A_56 : i32
      %sub3A = arith.constant 0 : i32
      %sub3A_57 = arith.subi %select_n3A, %sub3A : i32
      %sub3A_58 = arith.constant 1 : i32
      %sub3A_59 = arith.constant 1 : i32
      %sub3A_60 = arith.subi %sub3A_58, %sub3A_59 : i32
      %add3A_61 = arith.addi %sub3A_57, %sub3A_60 : i32
      %div3A = arith.constant 1 : i32
      %div3A_62 = arith.divsi %add3A_61, %div3A : i32
      %while3A = arith.constant 1 : i32
      %while3A_63 = arith.constant 0 : i32
      %while3A_64 = arith.constant 0 : i32
      %while3A_65 = arith.subi %div3A_62, %while3A_64 : i32
      %while3A_66 = arith.addi %while3A_64, %while3A_65 : i32
      %while3A_67 = arith.constant 1 : i32
      %while3A_68 = arith.divsi %while3A_65, %while3A_67 : i32
      %while3A_69 = arith.muli %while3A_68, %while3A_67 : i32
      %while3A_70 = arith.addi %while3A_64, %while3A_69 : i32
      %while3A_71 = arith.constant 1 : i32
      scf.for %while3A_73 = %while3A_64 to %while3A_70 step %while3A_71  : i32 {
        %mul3A_74 = arith.muli %while3A_73, %while3A : i32
        %add3A_75 = arith.addi %while3A_63, %mul3A_74 : i32
        %mul3A_76 = arith.constant 20 : i32
        %mul3A_77 = arith.muli %add3A_75, %mul3A_76 : i32
        %add3A_78 = arith.addi %mul3A_53, %mul3A_77 : i32
        "tpu.region"() ({
          %run_scoped3A = tpu.sem_alloc : memref<!tpu.dma_semaphore, #tpu.memory_space<semaphore_mem>>
          %dma_start3A_109 = arith.constant 0 : i32
          %dma_start3A_110 = tpu.memref_slice %arg4[%arg0, %add3A_78, %dma_start3A_109] : memref<2x2500x128xi32, #tpu.memory_space<hbm>> -> memref<1x20x128xi32, #tpu.memory_space<hbm>>
          %dma_start3A_111 = tpu.memref_squeeze %dma_start3A_110 : memref<1x20x128xi32, #tpu.memory_space<hbm>> -> memref<20x128xi32, #tpu.memory_space<hbm>>
          %dma_start3A_112 = arith.constant 0 : i32
          %dma_start3A_113 = tpu.memref_slice %arg4[%arg0, %add3A_78, %dma_start3A_112] : memref<2x2500x128xi32, #tpu.memory_space<hbm>> -> memref<1x20x128xi32, #tpu.memory_space<hbm>>
          %dma_start3A_114 = tpu.memref_squeeze %dma_start3A_113 : memref<1x20x128xi32, #tpu.memory_space<hbm>> -> memref<20x128xi32, #tpu.memory_space<hbm>>
          tpu.enqueue_dma source(%dma_start3A_114 : memref<20x128xi32, #tpu.memory_space<hbm>>) target(%arg7 : memref<20x128xi32, #tpu.memory_space<vmem>>) target_semaphore(%run_scoped3A : memref<!tpu.dma_semaphore, #tpu.memory_space<semaphore_mem>>)
          %dma_wait3A = arith.constant 0 : i32
          %dma_wait3A_115 = tpu.memref_slice %arg4[%arg0, %add3A_78, %dma_wait3A] : memref<2x2500x128xi32, #tpu.memory_space<hbm>> -> memref<1x20x128xi32, #tpu.memory_space<hbm>>
          %dma_wait3A_116 = tpu.memref_squeeze %dma_wait3A_115 : memref<1x20x128xi32, #tpu.memory_space<hbm>> -> memref<20x128xi32, #tpu.memory_space<hbm>>
          %dma_wait3A_117 = arith.constant 0 : i32
          %dma_wait3A_118 = tpu.memref_slice %arg4[%arg0, %add3A_78, %dma_wait3A_117] : memref<2x2500x128xi32, #tpu.memory_space<hbm>> -> memref<1x20x128xi32, #tpu.memory_space<hbm>>
          %dma_wait3A_119 = tpu.memref_squeeze %dma_wait3A_118 : memref<1x20x128xi32, #tpu.memory_space<hbm>> -> memref<20x128xi32, #tpu.memory_space<hbm>>
          tpu.wait_dma2 semaphore(%run_scoped3A : memref<!tpu.dma_semaphore, #tpu.memory_space<semaphore_mem>>) src(%dma_wait3A_119 : memref<20x128xi32, #tpu.memory_space<hbm>>) dst(%arg7 : memref<20x128xi32, #tpu.memory_space<vmem>>)
          tpu.yield
        }) : () -> ()
        %sub3A_79 = arith.constant 1 : i32
        %sub3A_80 = arith.subi %sub3A_79, %arg0 : i32
        %mul3A_81 = arith.constant 20 : i32
        %mul3A_82 = arith.muli %add3A_75, %mul3A_81 : i32
        %add3A_83 = arith.addi %mul3A_53, %mul3A_82 : i32
        "tpu.region"() ({
          %run_scoped3A = tpu.sem_alloc : memref<!tpu.dma_semaphore, #tpu.memory_space<semaphore_mem>>
          %dma_start3A_109 = arith.constant 0 : i32
          %dma_start3A_110 = tpu.memref_slice %arg4[%sub3A_80, %add3A_83, %dma_start3A_109] : memref<2x2500x128xi32, #tpu.memory_space<hbm>> -> memref<1x20x128xi32, #tpu.memory_space<hbm>>
          %dma_start3A_111 = tpu.memref_squeeze %dma_start3A_110 : memref<1x20x128xi32, #tpu.memory_space<hbm>> -> memref<20x128xi32, #tpu.memory_space<hbm>>
          %dma_start3A_112 = arith.constant 0 : i32
          %dma_start3A_113 = tpu.memref_slice %arg4[%sub3A_80, %add3A_83, %dma_start3A_112] : memref<2x2500x128xi32, #tpu.memory_space<hbm>> -> memref<1x20x128xi32, #tpu.memory_space<hbm>>
          %dma_start3A_114 = tpu.memref_squeeze %dma_start3A_113 : memref<1x20x128xi32, #tpu.memory_space<hbm>> -> memref<20x128xi32, #tpu.memory_space<hbm>>
          tpu.enqueue_dma source(%dma_start3A_114 : memref<20x128xi32, #tpu.memory_space<hbm>>) target(%arg8 : memref<20x128xi32, #tpu.memory_space<vmem>>) target_semaphore(%run_scoped3A : memref<!tpu.dma_semaphore, #tpu.memory_space<semaphore_mem>>)
          %dma_wait3A = arith.constant 0 : i32
          %dma_wait3A_115 = tpu.memref_slice %arg4[%sub3A_80, %add3A_83, %dma_wait3A] : memref<2x2500x128xi32, #tpu.memory_space<hbm>> -> memref<1x20x128xi32, #tpu.memory_space<hbm>>
          %dma_wait3A_116 = tpu.memref_squeeze %dma_wait3A_115 : memref<1x20x128xi32, #tpu.memory_space<hbm>> -> memref<20x128xi32, #tpu.memory_space<hbm>>
          %dma_wait3A_117 = arith.constant 0 : i32
          %dma_wait3A_118 = tpu.memref_slice %arg4[%sub3A_80, %add3A_83, %dma_wait3A_117] : memref<2x2500x128xi32, #tpu.memory_space<hbm>> -> memref<1x20x128xi32, #tpu.memory_space<hbm>>
          %dma_wait3A_119 = tpu.memref_squeeze %dma_wait3A_118 : memref<1x20x128xi32, #tpu.memory_space<hbm>> -> memref<20x128xi32, #tpu.memory_space<hbm>>
          tpu.wait_dma2 semaphore(%run_scoped3A : memref<!tpu.dma_semaphore, #tpu.memory_space<semaphore_mem>>) src(%dma_wait3A_119 : memref<20x128xi32, #tpu.memory_space<hbm>>) dst(%arg8 : memref<20x128xi32, #tpu.memory_space<vmem>>)
          tpu.yield
        }) : () -> ()
        %dma_start3A = arith.constant 0 : i32
        %dma_start3A_84 = arith.constant 0 : i32
        %dma_start3A_85 = tpu.memref_slice %arg7[%dma_start3A, %dma_start3A_84] : memref<20x128xi32, #tpu.memory_space<vmem>> -> memref<1x128xi32, #tpu.memory_space<vmem>>
        %dma_start3A_86 = tpu.memref_squeeze %dma_start3A_85 : memref<1x128xi32, #tpu.memory_space<vmem>> -> memref<128xi32, #tpu.memory_space<vmem>>
        %dma_start3A_87 = arith.constant 0 : i32
        %dma_start3A_88 = arith.constant 0 : i32
        %dma_start3A_89 = tpu.memref_slice %arg3[%dma_start3A_87, %dma_start3A_88] : memref<10008x80xf32, #tpu.memory_space<hbm>> -> memref<10008x80xf32, #tpu.memory_space<hbm>>
        tpu.enqueue_indirect_dma source(%dma_start3A_89 : memref<10008x80xf32, #tpu.memory_space<hbm>>) target(%arg9 : memref<128x80xf32, #tpu.memory_space<vmem>>) offsets(%dma_start3A_86 : memref<128xi32, #tpu.memory_space<vmem>>) semaphore(%arg15 : memref<!tpu.dma_semaphore, #tpu.memory_space<semaphore_mem>>)
        %dma_start3A_90 = arith.constant 1 : i32
        %dma_start3A_91 = arith.constant 0 : i32
        %dma_start3A_92 = tpu.memref_slice %arg7[%dma_start3A_90, %dma_start3A_91] : memref<20x128xi32, #tpu.memory_space<vmem>> -> memref<1x128xi32, #tpu.memory_space<vmem>>
        %dma_start3A_93 = tpu.memref_squeeze %dma_start3A_92 : memref<1x128xi32, #tpu.memory_space<vmem>> -> memref<128xi32, #tpu.memory_space<vmem>>
        %dma_start3A_94 = arith.constant 0 : i32
        %dma_start3A_95 = arith.constant 0 : i32
        %dma_start3A_96 = tpu.memref_slice %arg3[%dma_start3A_94, %dma_start3A_95] : memref<10008x80xf32, #tpu.memory_space<hbm>> -> memref<10008x80xf32, #tpu.memory_space<hbm>>
        tpu.enqueue_indirect_dma source(%dma_start3A_96 : memref<10008x80xf32, #tpu.memory_space<hbm>>) target(%arg10 : memref<128x80xf32, #tpu.memory_space<vmem>>) offsets(%dma_start3A_93 : memref<128xi32, #tpu.memory_space<vmem>>) semaphore(%arg16 : memref<!tpu.dma_semaphore, #tpu.memory_space<semaphore_mem>>)
        %dma_start3A_97 = arith.constant 2 : i32
        %dma_start3A_98 = arith.constant 0 : i32
        %dma_start3A_99 = tpu.memref_slice %arg7[%dma_start3A_97, %dma_start3A_98] : memref<20x128xi32, #tpu.memory_space<vmem>> -> memref<1x128xi32, #tpu.memory_space<vmem>>
        %dma_start3A_100 = tpu.memref_squeeze %dma_start3A_99 : memref<1x128xi32, #tpu.memory_space<vmem>> -> memref<128xi32, #tpu.memory_space<vmem>>
        %dma_start3A_101 = arith.constant 0 : i32
        %dma_start3A_102 = arith.constant 0 : i32
        %dma_start3A_103 = tpu.memref_slice %arg3[%dma_start3A_101, %dma_start3A_102] : memref<10008x80xf32, #tpu.memory_space<hbm>> -> memref<10008x80xf32, #tpu.memory_space<hbm>>
        tpu.enqueue_indirect_dma source(%dma_start3A_103 : memref<10008x80xf32, #tpu.memory_space<hbm>>) target(%arg11 : memref<128x80xf32, #tpu.memory_space<vmem>>) offsets(%dma_start3A_100 : memref<128xi32, #tpu.memory_space<vmem>>) semaphore(%arg17 : memref<!tpu.dma_semaphore, #tpu.memory_space<semaphore_mem>>)
        %scan3A_104 = arith.constant 0 : i32
        %scan3A_105 = arith.constant 4 : i32
        %scan3A_106 = arith.addi %scan3A_104, %scan3A_105 : i32
        %scan3A_107 = arith.constant 1 : i32
        scf.for %scan3A_109 = %scan3A_104 to %scan3A_106 step %scan3A_107  : i32 {
          %mul3A_110 = arith.constant 5 : i32
          %mul3A_111 = arith.muli %scan3A_109, %mul3A_110 : i32
          %add3A_112 = arith.constant 0 : i32
          %add3A_113 = arith.addi %add3A_112, %mul3A_111 : i32
          %add3A_114 = arith.constant 0 : i32
          %add3A_115 = arith.addi %add3A_113, %add3A_114 : i32
          tpu.wait_dma2 semaphore(%arg15 : memref<!tpu.dma_semaphore, #tpu.memory_space<semaphore_mem>>) src(%arg5 : memref<128x80xf32, #tpu.memory_space<hbm>>) dst(%arg9 : memref<128x80xf32, #tpu.memory_space<vmem>>)
          %dma_start3A_116 = arith.constant 0 : i32
          %dma_start3A_117 = tpu.memref_slice %arg8[%add3A_115, %dma_start3A_116] : memref<20x128xi32, #tpu.memory_space<vmem>> -> memref<1x128xi32, #tpu.memory_space<vmem>>
          %dma_start3A_118 = tpu.memref_squeeze %dma_start3A_117 : memref<1x128xi32, #tpu.memory_space<vmem>> -> memref<128xi32, #tpu.memory_space<vmem>>
          %dma_start3A_119 = arith.constant 0 : i32
          %dma_start3A_120 = arith.constant 0 : i32
          %dma_start3A_121 = tpu.memref_slice %arg14[%dma_start3A_119, %dma_start3A_120] : memref<10112x80xf32, #tpu.memory_space<vmem_shared>> -> memref<10112x80xf32, #tpu.memory_space<vmem_shared>>
          tpu.enqueue_indirect_dma source(%arg9 : memref<128x80xf32, #tpu.memory_space<vmem>>) target(%dma_start3A_121 : memref<10112x80xf32, #tpu.memory_space<vmem_shared>>) offsets(%dma_start3A_118 : memref<128xi32, #tpu.memory_space<vmem>>) semaphore(%arg20 : memref<!tpu.dma_semaphore, #tpu.memory_space<semaphore_mem>>) {add = true}
          %add3A_122 = arith.constant 3 : i32
          %add3A_123 = arith.addi %add3A_115, %add3A_122 : i32
          %lt3A = arith.constant 20 : i32
          %lt3A_124 = arith.cmpi slt, %add3A_123, %lt3A : i32
          %convert_element_type3A_125 = arith.extui %lt3A_124 : i1 to i32
          %cond3A_126 = arith.constant 0 : i32
          %cond3A_127 = arith.cmpi ne, %convert_element_type3A_125, %cond3A_126 : i32
          scf.if %cond3A_127 {
            %ge3A = arith.constant 2 : i32
            %ge3A_188 = arith.cmpi sge, %add3A_115, %ge3A : i32
            %convert_element_type3A_189 = arith.extui %ge3A_188 : i1 to i32
            %cond3A_190 = arith.constant 0 : i32
            %cond3A_191 = arith.cmpi ne, %convert_element_type3A_189, %cond3A_190 : i32
            scf.if %cond3A_191 {
              tpu.wait_dma2 semaphore(%arg23 : memref<!tpu.dma_semaphore, #tpu.memory_space<semaphore_mem>>) src(%arg5 : memref<128x80xf32, #tpu.memory_space<hbm>>) dst(%arg12 : memref<128x80xf32, #tpu.memory_space<vmem>>)
            } else {
            }
            %add3A_192 = arith.constant 3 : i32
            %add3A_193 = arith.addi %add3A_115, %add3A_192 : i32
            %dma_start3A_194 = arith.constant 0 : i32
            %dma_start3A_195 = tpu.memref_slice %arg7[%add3A_193, %dma_start3A_194] : memref<20x128xi32, #tpu.memory_space<vmem>> -> memref<1x128xi32, #tpu.memory_space<vmem>>
            %dma_start3A_196 = tpu.memref_squeeze %dma_start3A_195 : memref<1x128xi32, #tpu.memory_space<vmem>> -> memref<128xi32, #tpu.memory_space<vmem>>
            %dma_start3A_197 = arith.constant 0 : i32
            %dma_start3A_198 = arith.constant 0 : i32
            %dma_start3A_199 = tpu.memref_slice %arg3[%dma_start3A_197, %dma_start3A_198] : memref<10008x80xf32, #tpu.memory_space<hbm>> -> memref<10008x80xf32, #tpu.memory_space<hbm>>
            tpu.enqueue_indirect_dma source(%dma_start3A_199 : memref<10008x80xf32, #tpu.memory_space<hbm>>) target(%arg12 : memref<128x80xf32, #tpu.memory_space<vmem>>) offsets(%dma_start3A_196 : memref<128xi32, #tpu.memory_space<vmem>>) semaphore(%arg18 : memref<!tpu.dma_semaphore, #tpu.memory_space<semaphore_mem>>)
          } else {
          }
          %add3A_128 = arith.constant 1 : i32
          %add3A_129 = arith.addi %add3A_113, %add3A_128 : i32
          tpu.wait_dma2 semaphore(%arg16 : memref<!tpu.dma_semaphore, #tpu.memory_space<semaphore_mem>>) src(%arg5 : memref<128x80xf32, #tpu.memory_space<hbm>>) dst(%arg10 : memref<128x80xf32, #tpu.memory_space<vmem>>)
          %dma_start3A_130 = arith.constant 0 : i32
          %dma_start3A_131 = tpu.memref_slice %arg8[%add3A_129, %dma_start3A_130] : memref<20x128xi32, #tpu.memory_space<vmem>> -> memref<1x128xi32, #tpu.memory_space<vmem>>
          %dma_start3A_132 = tpu.memref_squeeze %dma_start3A_131 : memref<1x128xi32, #tpu.memory_space<vmem>> -> memref<128xi32, #tpu.memory_space<vmem>>
          %dma_start3A_133 = arith.constant 0 : i32
          %dma_start3A_134 = arith.constant 0 : i32
          %dma_start3A_135 = tpu.memref_slice %arg14[%dma_start3A_133, %dma_start3A_134] : memref<10112x80xf32, #tpu.memory_space<vmem_shared>> -> memref<10112x80xf32, #tpu.memory_space<vmem_shared>>
          tpu.enqueue_indirect_dma source(%arg10 : memref<128x80xf32, #tpu.memory_space<vmem>>) target(%dma_start3A_135 : memref<10112x80xf32, #tpu.memory_space<vmem_shared>>) offsets(%dma_start3A_132 : memref<128xi32, #tpu.memory_space<vmem>>) semaphore(%arg21 : memref<!tpu.dma_semaphore, #tpu.memory_space<semaphore_mem>>) {add = true}
          %add3A_136 = arith.constant 3 : i32
          %add3A_137 = arith.addi %add3A_129, %add3A_136 : i32
          %lt3A_138 = arith.constant 20 : i32
          %lt3A_139 = arith.cmpi slt, %add3A_137, %lt3A_138 : i32
          %convert_element_type3A_140 = arith.extui %lt3A_139 : i1 to i32
          %cond3A_141 = arith.constant 0 : i32
          %cond3A_142 = arith.cmpi ne, %convert_element_type3A_140, %cond3A_141 : i32
          scf.if %cond3A_142 {
            %ge3A = arith.constant 2 : i32
            %ge3A_188 = arith.cmpi sge, %add3A_129, %ge3A : i32
            %convert_element_type3A_189 = arith.extui %ge3A_188 : i1 to i32
            %cond3A_190 = arith.constant 0 : i32
            %cond3A_191 = arith.cmpi ne, %convert_element_type3A_189, %cond3A_190 : i32
            scf.if %cond3A_191 {
              tpu.wait_dma2 semaphore(%arg24 : memref<!tpu.dma_semaphore, #tpu.memory_space<semaphore_mem>>) src(%arg5 : memref<128x80xf32, #tpu.memory_space<hbm>>) dst(%arg13 : memref<128x80xf32, #tpu.memory_space<vmem>>)
            } else {
            }
            %add3A_192 = arith.constant 3 : i32
            %add3A_193 = arith.addi %add3A_129, %add3A_192 : i32
            %dma_start3A_194 = arith.constant 0 : i32
            %dma_start3A_195 = tpu.memref_slice %arg7[%add3A_193, %dma_start3A_194] : memref<20x128xi32, #tpu.memory_space<vmem>> -> memref<1x128xi32, #tpu.memory_space<vmem>>
            %dma_start3A_196 = tpu.memref_squeeze %dma_start3A_195 : memref<1x128xi32, #tpu.memory_space<vmem>> -> memref<128xi32, #tpu.memory_space<vmem>>
            %dma_start3A_197 = arith.constant 0 : i32
            %dma_start3A_198 = arith.constant 0 : i32
            %dma_start3A_199 = tpu.memref_slice %arg3[%dma_start3A_197, %dma_start3A_198] : memref<10008x80xf32, #tpu.memory_space<hbm>> -> memref<10008x80xf32, #tpu.memory_space<hbm>>
            tpu.enqueue_indirect_dma source(%dma_start3A_199 : memref<10008x80xf32, #tpu.memory_space<hbm>>) target(%arg13 : memref<128x80xf32, #tpu.memory_space<vmem>>) offsets(%dma_start3A_196 : memref<128xi32, #tpu.memory_space<vmem>>) semaphore(%arg19 : memref<!tpu.dma_semaphore, #tpu.memory_space<semaphore_mem>>)
          } else {
          }
          %add3A_143 = arith.constant 2 : i32
          %add3A_144 = arith.addi %add3A_113, %add3A_143 : i32
          tpu.wait_dma2 semaphore(%arg17 : memref<!tpu.dma_semaphore, #tpu.memory_space<semaphore_mem>>) src(%arg5 : memref<128x80xf32, #tpu.memory_space<hbm>>) dst(%arg11 : memref<128x80xf32, #tpu.memory_space<vmem>>)
          %dma_start3A_145 = arith.constant 0 : i32
          %dma_start3A_146 = tpu.memref_slice %arg8[%add3A_144, %dma_start3A_145] : memref<20x128xi32, #tpu.memory_space<vmem>> -> memref<1x128xi32, #tpu.memory_space<vmem>>
          %dma_start3A_147 = tpu.memref_squeeze %dma_start3A_146 : memref<1x128xi32, #tpu.memory_space<vmem>> -> memref<128xi32, #tpu.memory_space<vmem>>
          %dma_start3A_148 = arith.constant 0 : i32
          %dma_start3A_149 = arith.constant 0 : i32
          %dma_start3A_150 = tpu.memref_slice %arg14[%dma_start3A_148, %dma_start3A_149] : memref<10112x80xf32, #tpu.memory_space<vmem_shared>> -> memref<10112x80xf32, #tpu.memory_space<vmem_shared>>
          tpu.enqueue_indirect_dma source(%arg11 : memref<128x80xf32, #tpu.memory_space<vmem>>) target(%dma_start3A_150 : memref<10112x80xf32, #tpu.memory_space<vmem_shared>>) offsets(%dma_start3A_147 : memref<128xi32, #tpu.memory_space<vmem>>) semaphore(%arg22 : memref<!tpu.dma_semaphore, #tpu.memory_space<semaphore_mem>>) {add = true}
          %add3A_151 = arith.constant 3 : i32
          %add3A_152 = arith.addi %add3A_144, %add3A_151 : i32
          %lt3A_153 = arith.constant 20 : i32
          %lt3A_154 = arith.cmpi slt, %add3A_152, %lt3A_153 : i32
          %convert_element_type3A_155 = arith.extui %lt3A_154 : i1 to i32
          %cond3A_156 = arith.constant 0 : i32
          %cond3A_157 = arith.cmpi ne, %convert_element_type3A_155, %cond3A_156 : i32
          scf.if %cond3A_157 {
            %ge3A = arith.constant 2 : i32
            %ge3A_188 = arith.cmpi sge, %add3A_144, %ge3A : i32
            %convert_element_type3A_189 = arith.extui %ge3A_188 : i1 to i32
            %cond3A_190 = arith.constant 0 : i32
            %cond3A_191 = arith.cmpi ne, %convert_element_type3A_189, %cond3A_190 : i32
            scf.if %cond3A_191 {
              tpu.wait_dma2 semaphore(%arg20 : memref<!tpu.dma_semaphore, #tpu.memory_space<semaphore_mem>>) src(%arg5 : memref<128x80xf32, #tpu.memory_space<hbm>>) dst(%arg9 : memref<128x80xf32, #tpu.memory_space<vmem>>)
            } else {
            }
            %add3A_192 = arith.constant 3 : i32
            %add3A_193 = arith.addi %add3A_144, %add3A_192 : i32
            %dma_start3A_194 = arith.constant 0 : i32
            %dma_start3A_195 = tpu.memref_slice %arg7[%add3A_193, %dma_start3A_194] : memref<20x128xi32, #tpu.memory_space<vmem>> -> memref<1x128xi32, #tpu.memory_space<vmem>>
            %dma_start3A_196 = tpu.memref_squeeze %dma_start3A_195 : memref<1x128xi32, #tpu.memory_space<vmem>> -> memref<128xi32, #tpu.memory_space<vmem>>
            %dma_start3A_197 = arith.constant 0 : i32
            %dma_start3A_198 = arith.constant 0 : i32
            %dma_start3A_199 = tpu.memref_slice %arg3[%dma_start3A_197, %dma_start3A_198] : memref<10008x80xf32, #tpu.memory_space<hbm>> -> memref<10008x80xf32, #tpu.memory_space<hbm>>
            tpu.enqueue_indirect_dma source(%dma_start3A_199 : memref<10008x80xf32, #tpu.memory_space<hbm>>) target(%arg9 : memref<128x80xf32, #tpu.memory_space<vmem>>) offsets(%dma_start3A_196 : memref<128xi32, #tpu.memory_space<vmem>>) semaphore(%arg15 : memref<!tpu.dma_semaphore, #tpu.memory_space<semaphore_mem>>)
          } else {
          }
          %add3A_158 = arith.constant 3 : i32
          %add3A_159 = arith.addi %add3A_113, %add3A_158 : i32
          tpu.wait_dma2 semaphore(%arg18 : memref<!tpu.dma_semaphore, #tpu.memory_space<semaphore_mem>>) src(%arg5 : memref<128x80xf32, #tpu.memory_space<hbm>>) dst(%arg12 : memref<128x80xf32, #tpu.memory_space<vmem>>)
          %dma_start3A_160 = arith.constant 0 : i32
          %dma_start3A_161 = tpu.memref_slice %arg8[%add3A_159, %dma_start3A_160] : memref<20x128xi32, #tpu.memory_space<vmem>> -> memref<1x128xi32, #tpu.memory_space<vmem>>
          %dma_start3A_162 = tpu.memref_squeeze %dma_start3A_161 : memref<1x128xi32, #tpu.memory_space<vmem>> -> memref<128xi32, #tpu.memory_space<vmem>>
          %dma_start3A_163 = arith.constant 0 : i32
          %dma_start3A_164 = arith.constant 0 : i32
          %dma_start3A_165 = tpu.memref_slice %arg14[%dma_start3A_163, %dma_start3A_164] : memref<10112x80xf32, #tpu.memory_space<vmem_shared>> -> memref<10112x80xf32, #tpu.memory_space<vmem_shared>>
          tpu.enqueue_indirect_dma source(%arg12 : memref<128x80xf32, #tpu.memory_space<vmem>>) target(%dma_start3A_165 : memref<10112x80xf32, #tpu.memory_space<vmem_shared>>) offsets(%dma_start3A_162 : memref<128xi32, #tpu.memory_space<vmem>>) semaphore(%arg23 : memref<!tpu.dma_semaphore, #tpu.memory_space<semaphore_mem>>) {add = true}
          %add3A_166 = arith.constant 3 : i32
          %add3A_167 = arith.addi %add3A_159, %add3A_166 : i32
          %lt3A_168 = arith.constant 20 : i32
          %lt3A_169 = arith.cmpi slt, %add3A_167, %lt3A_168 : i32
          %convert_element_type3A_170 = arith.extui %lt3A_169 : i1 to i32
          %cond3A_171 = arith.constant 0 : i32
          %cond3A_172 = arith.cmpi ne, %convert_element_type3A_170, %cond3A_171 : i32
          scf.if %cond3A_172 {
            %ge3A = arith.constant 2 : i32
            %ge3A_188 = arith.cmpi sge, %add3A_159, %ge3A : i32
            %convert_element_type3A_189 = arith.extui %ge3A_188 : i1 to i32
            %cond3A_190 = arith.constant 0 : i32
            %cond3A_191 = arith.cmpi ne, %convert_element_type3A_189, %cond3A_190 : i32
            scf.if %cond3A_191 {
              tpu.wait_dma2 semaphore(%arg21 : memref<!tpu.dma_semaphore, #tpu.memory_space<semaphore_mem>>) src(%arg5 : memref<128x80xf32, #tpu.memory_space<hbm>>) dst(%arg10 : memref<128x80xf32, #tpu.memory_space<vmem>>)
            } else {
            }
            %add3A_192 = arith.constant 3 : i32
            %add3A_193 = arith.addi %add3A_159, %add3A_192 : i32
            %dma_start3A_194 = arith.constant 0 : i32
            %dma_start3A_195 = tpu.memref_slice %arg7[%add3A_193, %dma_start3A_194] : memref<20x128xi32, #tpu.memory_space<vmem>> -> memref<1x128xi32, #tpu.memory_space<vmem>>
            %dma_start3A_196 = tpu.memref_squeeze %dma_start3A_195 : memref<1x128xi32, #tpu.memory_space<vmem>> -> memref<128xi32, #tpu.memory_space<vmem>>
            %dma_start3A_197 = arith.constant 0 : i32
            %dma_start3A_198 = arith.constant 0 : i32
            %dma_start3A_199 = tpu.memref_slice %arg3[%dma_start3A_197, %dma_start3A_198] : memref<10008x80xf32, #tpu.memory_space<hbm>> -> memref<10008x80xf32, #tpu.memory_space<hbm>>
            tpu.enqueue_indirect_dma source(%dma_start3A_199 : memref<10008x80xf32, #tpu.memory_space<hbm>>) target(%arg10 : memref<128x80xf32, #tpu.memory_space<vmem>>) offsets(%dma_start3A_196 : memref<128xi32, #tpu.memory_space<vmem>>) semaphore(%arg16 : memref<!tpu.dma_semaphore, #tpu.memory_space<semaphore_mem>>)
          } else {
          }
          %add3A_173 = arith.constant 4 : i32
          %add3A_174 = arith.addi %add3A_113, %add3A_173 : i32
          tpu.wait_dma2 semaphore(%arg19 : memref<!tpu.dma_semaphore, #tpu.memory_space<semaphore_mem>>) src(%arg5 : memref<128x80xf32, #tpu.memory_space<hbm>>) dst(%arg13 : memref<128x80xf32, #tpu.memory_space<vmem>>)
          %dma_start3A_175 = arith.constant 0 : i32
          %dma_start3A_176 = tpu.memref_slice %arg8[%add3A_174, %dma_start3A_175] : memref<20x128xi32, #tpu.memory_space<vmem>> -> memref<1x128xi32, #tpu.memory_space<vmem>>
          %dma_start3A_177 = tpu.memref_squeeze %dma_start3A_176 : memref<1x128xi32, #tpu.memory_space<vmem>> -> memref<128xi32, #tpu.memory_space<vmem>>
          %dma_start3A_178 = arith.constant 0 : i32
          %dma_start3A_179 = arith.constant 0 : i32
          %dma_start3A_180 = tpu.memref_slice %arg14[%dma_start3A_178, %dma_start3A_179] : memref<10112x80xf32, #tpu.memory_space<vmem_shared>> -> memref<10112x80xf32, #tpu.memory_space<vmem_shared>>
          tpu.enqueue_indirect_dma source(%arg13 : memref<128x80xf32, #tpu.memory_space<vmem>>) target(%dma_start3A_180 : memref<10112x80xf32, #tpu.memory_space<vmem_shared>>) offsets(%dma_start3A_177 : memref<128xi32, #tpu.memory_space<vmem>>) semaphore(%arg24 : memref<!tpu.dma_semaphore, #tpu.memory_space<semaphore_mem>>) {add = true}
          %add3A_181 = arith.constant 3 : i32
          %add3A_182 = arith.addi %add3A_174, %add3A_181 : i32
          %lt3A_183 = arith.constant 20 : i32
          %lt3A_184 = arith.cmpi slt, %add3A_182, %lt3A_183 : i32
          %convert_element_type3A_185 = arith.extui %lt3A_184 : i1 to i32
          %cond3A_186 = arith.constant 0 : i32
          %cond3A_187 = arith.cmpi ne, %convert_element_type3A_185, %cond3A_186 : i32
          scf.if %cond3A_187 {
            %ge3A = arith.constant 2 : i32
            %ge3A_188 = arith.cmpi sge, %add3A_174, %ge3A : i32
            %convert_element_type3A_189 = arith.extui %ge3A_188 : i1 to i32
            %cond3A_190 = arith.constant 0 : i32
            %cond3A_191 = arith.cmpi ne, %convert_element_type3A_189, %cond3A_190 : i32
            scf.if %cond3A_191 {
              tpu.wait_dma2 semaphore(%arg22 : memref<!tpu.dma_semaphore, #tpu.memory_space<semaphore_mem>>) src(%arg5 : memref<128x80xf32, #tpu.memory_space<hbm>>) dst(%arg11 : memref<128x80xf32, #tpu.memory_space<vmem>>)
            } else {
            }
            %add3A_192 = arith.constant 3 : i32
            %add3A_193 = arith.addi %add3A_174, %add3A_192 : i32
            %dma_start3A_194 = arith.constant 0 : i32
            %dma_start3A_195 = tpu.memref_slice %arg7[%add3A_193, %dma_start3A_194] : memref<20x128xi32, #tpu.memory_space<vmem>> -> memref<1x128xi32, #tpu.memory_space<vmem>>
            %dma_start3A_196 = tpu.memref_squeeze %dma_start3A_195 : memref<1x128xi32, #tpu.memory_space<vmem>> -> memref<128xi32, #tpu.memory_space<vmem>>
            %dma_start3A_197 = arith.constant 0 : i32
            %dma_start3A_198 = arith.constant 0 : i32
            %dma_start3A_199 = tpu.memref_slice %arg3[%dma_start3A_197, %dma_start3A_198] : memref<10008x80xf32, #tpu.memory_space<hbm>> -> memref<10008x80xf32, #tpu.memory_space<hbm>>
            tpu.enqueue_indirect_dma source(%dma_start3A_199 : memref<10008x80xf32, #tpu.memory_space<hbm>>) target(%arg11 : memref<128x80xf32, #tpu.memory_space<vmem>>) offsets(%dma_start3A_196 : memref<128xi32, #tpu.memory_space<vmem>>) semaphore(%arg17 : memref<!tpu.dma_semaphore, #tpu.memory_space<semaphore_mem>>)
          } else {
          }
        }
        %scan3A_108 = arith.constant 4 : i32
        tpu.wait_dma2 semaphore(%arg20 : memref<!tpu.dma_semaphore, #tpu.memory_space<semaphore_mem>>) src(%arg5 : memref<128x80xf32, #tpu.memory_space<hbm>>) dst(%arg9 : memref<128x80xf32, #tpu.memory_space<vmem>>)
        tpu.wait_dma2 semaphore(%arg21 : memref<!tpu.dma_semaphore, #tpu.memory_space<semaphore_mem>>) src(%arg5 : memref<128x80xf32, #tpu.memory_space<hbm>>) dst(%arg10 : memref<128x80xf32, #tpu.memory_space<vmem>>)
        tpu.wait_dma2 semaphore(%arg22 : memref<!tpu.dma_semaphore, #tpu.memory_space<semaphore_mem>>) src(%arg5 : memref<128x80xf32, #tpu.memory_space<hbm>>) dst(%arg11 : memref<128x80xf32, #tpu.memory_space<vmem>>)
        tpu.wait_dma2 semaphore(%arg23 : memref<!tpu.dma_semaphore, #tpu.memory_space<semaphore_mem>>) src(%arg5 : memref<128x80xf32, #tpu.memory_space<hbm>>) dst(%arg12 : memref<128x80xf32, #tpu.memory_space<vmem>>)
        tpu.wait_dma2 semaphore(%arg24 : memref<!tpu.dma_semaphore, #tpu.memory_space<semaphore_mem>>) src(%arg5 : memref<128x80xf32, #tpu.memory_space<hbm>>) dst(%arg13 : memref<128x80xf32, #tpu.memory_space<vmem>>)
      }
      %while3A_72 = arith.constant 1 : i32
      scf.for %while3A_73 = %while3A_70 to %while3A_66 step %while3A_72  : i32 {
        %mul3A_74 = arith.muli %while3A_73, %while3A : i32
        %add3A_75 = arith.addi %while3A_63, %mul3A_74 : i32
        %mul3A_76 = arith.constant 20 : i32
        %mul3A_77 = arith.muli %add3A_75, %mul3A_76 : i32
        %add3A_78 = arith.addi %mul3A_53, %mul3A_77 : i32
        "tpu.region"() ({
          %run_scoped3A = tpu.sem_alloc : memref<!tpu.dma_semaphore, #tpu.memory_space<semaphore_mem>>
          %dma_start3A_109 = arith.constant 0 : i32
          %dma_start3A_110 = tpu.memref_slice %arg4[%arg0, %add3A_78, %dma_start3A_109] : memref<2x2500x128xi32, #tpu.memory_space<hbm>> -> memref<1x20x128xi32, #tpu.memory_space<hbm>>
          %dma_start3A_111 = tpu.memref_squeeze %dma_start3A_110 : memref<1x20x128xi32, #tpu.memory_space<hbm>> -> memref<20x128xi32, #tpu.memory_space<hbm>>
          %dma_start3A_112 = arith.constant 0 : i32
          %dma_start3A_113 = tpu.memref_slice %arg4[%arg0, %add3A_78, %dma_start3A_112] : memref<2x2500x128xi32, #tpu.memory_space<hbm>> -> memref<1x20x128xi32, #tpu.memory_space<hbm>>
          %dma_start3A_114 = tpu.memref_squeeze %dma_start3A_113 : memref<1x20x128xi32, #tpu.memory_space<hbm>> -> memref<20x128xi32, #tpu.memory_space<hbm>>
          tpu.enqueue_dma source(%dma_start3A_114 : memref<20x128xi32, #tpu.memory_space<hbm>>) target(%arg7 : memref<20x128xi32, #tpu.memory_space<vmem>>) target_semaphore(%run_scoped3A : memref<!tpu.dma_semaphore, #tpu.memory_space<semaphore_mem>>)
          %dma_wait3A = arith.constant 0 : i32
          %dma_wait3A_115 = tpu.memref_slice %arg4[%arg0, %add3A_78, %dma_wait3A] : memref<2x2500x128xi32, #tpu.memory_space<hbm>> -> memref<1x20x128xi32, #tpu.memory_space<hbm>>
          %dma_wait3A_116 = tpu.memref_squeeze %dma_wait3A_115 : memref<1x20x128xi32, #tpu.memory_space<hbm>> -> memref<20x128xi32, #tpu.memory_space<hbm>>
          %dma_wait3A_117 = arith.constant 0 : i32
          %dma_wait3A_118 = tpu.memref_slice %arg4[%arg0, %add3A_78, %dma_wait3A_117] : memref<2x2500x128xi32, #tpu.memory_space<hbm>> -> memref<1x20x128xi32, #tpu.memory_space<hbm>>
          %dma_wait3A_119 = tpu.memref_squeeze %dma_wait3A_118 : memref<1x20x128xi32, #tpu.memory_space<hbm>> -> memref<20x128xi32, #tpu.memory_space<hbm>>
          tpu.wait_dma2 semaphore(%run_scoped3A : memref<!tpu.dma_semaphore, #tpu.memory_space<semaphore_mem>>) src(%dma_wait3A_119 : memref<20x128xi32, #tpu.memory_space<hbm>>) dst(%arg7 : memref<20x128xi32, #tpu.memory_space<vmem>>)
          tpu.yield
        }) : () -> ()
        %sub3A_79 = arith.constant 1 : i32
        %sub3A_80 = arith.subi %sub3A_79, %arg0 : i32
        %mul3A_81 = arith.constant 20 : i32
        %mul3A_82 = arith.muli %add3A_75, %mul3A_81 : i32
        %add3A_83 = arith.addi %mul3A_53, %mul3A_82 : i32
        "tpu.region"() ({
          %run_scoped3A = tpu.sem_alloc : memref<!tpu.dma_semaphore, #tpu.memory_space<semaphore_mem>>
          %dma_start3A_109 = arith.constant 0 : i32
          %dma_start3A_110 = tpu.memref_slice %arg4[%sub3A_80, %add3A_83, %dma_start3A_109] : memref<2x2500x128xi32, #tpu.memory_space<hbm>> -> memref<1x20x128xi32, #tpu.memory_space<hbm>>
          %dma_start3A_111 = tpu.memref_squeeze %dma_start3A_110 : memref<1x20x128xi32, #tpu.memory_space<hbm>> -> memref<20x128xi32, #tpu.memory_space<hbm>>
          %dma_start3A_112 = arith.constant 0 : i32
          %dma_start3A_113 = tpu.memref_slice %arg4[%sub3A_80, %add3A_83, %dma_start3A_112] : memref<2x2500x128xi32, #tpu.memory_space<hbm>> -> memref<1x20x128xi32, #tpu.memory_space<hbm>>
          %dma_start3A_114 = tpu.memref_squeeze %dma_start3A_113 : memref<1x20x128xi32, #tpu.memory_space<hbm>> -> memref<20x128xi32, #tpu.memory_space<hbm>>
          tpu.enqueue_dma source(%dma_start3A_114 : memref<20x128xi32, #tpu.memory_space<hbm>>) target(%arg8 : memref<20x128xi32, #tpu.memory_space<vmem>>) target_semaphore(%run_scoped3A : memref<!tpu.dma_semaphore, #tpu.memory_space<semaphore_mem>>)
          %dma_wait3A = arith.constant 0 : i32
          %dma_wait3A_115 = tpu.memref_slice %arg4[%sub3A_80, %add3A_83, %dma_wait3A] : memref<2x2500x128xi32, #tpu.memory_space<hbm>> -> memref<1x20x128xi32, #tpu.memory_space<hbm>>
          %dma_wait3A_116 = tpu.memref_squeeze %dma_wait3A_115 : memref<1x20x128xi32, #tpu.memory_space<hbm>> -> memref<20x128xi32, #tpu.memory_space<hbm>>
          %dma_wait3A_117 = arith.constant 0 : i32
          %dma_wait3A_118 = tpu.memref_slice %arg4[%sub3A_80, %add3A_83, %dma_wait3A_117] : memref<2x2500x128xi32, #tpu.memory_space<hbm>> -> memref<1x20x128xi32, #tpu.memory_space<hbm>>
          %dma_wait3A_119 = tpu.memref_squeeze %dma_wait3A_118 : memref<1x20x128xi32, #tpu.memory_space<hbm>> -> memref<20x128xi32, #tpu.memory_space<hbm>>
          tpu.wait_dma2 semaphore(%run_scoped3A : memref<!tpu.dma_semaphore, #tpu.memory_space<semaphore_mem>>) src(%dma_wait3A_119 : memref<20x128xi32, #tpu.memory_space<hbm>>) dst(%arg8 : memref<20x128xi32, #tpu.memory_space<vmem>>)
          tpu.yield
        }) : () -> ()
        %dma_start3A = arith.constant 0 : i32
        %dma_start3A_84 = arith.constant 0 : i32
        %dma_start3A_85 = tpu.memref_slice %arg7[%dma_start3A, %dma_start3A_84] : memref<20x128xi32, #tpu.memory_space<vmem>> -> memref<1x128xi32, #tpu.memory_space<vmem>>
        %dma_start3A_86 = tpu.memref_squeeze %dma_start3A_85 : memref<1x128xi32, #tpu.memory_space<vmem>> -> memref<128xi32, #tpu.memory_space<vmem>>
        %dma_start3A_87 = arith.constant 0 : i32
        %dma_start3A_88 = arith.constant 0 : i32
        %dma_start3A_89 = tpu.memref_slice %arg3[%dma_start3A_87, %dma_start3A_88] : memref<10008x80xf32, #tpu.memory_space<hbm>> -> memref<10008x80xf32, #tpu.memory_space<hbm>>
        tpu.enqueue_indirect_dma source(%dma_start3A_89 : memref<10008x80xf32, #tpu.memory_space<hbm>>) target(%arg9 : memref<128x80xf32, #tpu.memory_space<vmem>>) offsets(%dma_start3A_86 : memref<128xi32, #tpu.memory_space<vmem>>) semaphore(%arg15 : memref<!tpu.dma_semaphore, #tpu.memory_space<semaphore_mem>>)
        %dma_start3A_90 = arith.constant 1 : i32
        %dma_start3A_91 = arith.constant 0 : i32
        %dma_start3A_92 = tpu.memref_slice %arg7[%dma_start3A_90, %dma_start3A_91] : memref<20x128xi32, #tpu.memory_space<vmem>> -> memref<1x128xi32, #tpu.memory_space<vmem>>
        %dma_start3A_93 = tpu.memref_squeeze %dma_start3A_92 : memref<1x128xi32, #tpu.memory_space<vmem>> -> memref<128xi32, #tpu.memory_space<vmem>>
        %dma_start3A_94 = arith.constant 0 : i32
        %dma_start3A_95 = arith.constant 0 : i32
        %dma_start3A_96 = tpu.memref_slice %arg3[%dma_start3A_94, %dma_start3A_95] : memref<10008x80xf32, #tpu.memory_space<hbm>> -> memref<10008x80xf32, #tpu.memory_space<hbm>>
        tpu.enqueue_indirect_dma source(%dma_start3A_96 : memref<10008x80xf32, #tpu.memory_space<hbm>>) target(%arg10 : memref<128x80xf32, #tpu.memory_space<vmem>>) offsets(%dma_start3A_93 : memref<128xi32, #tpu.memory_space<vmem>>) semaphore(%arg16 : memref<!tpu.dma_semaphore, #tpu.memory_space<semaphore_mem>>)
        %dma_start3A_97 = arith.constant 2 : i32
        %dma_start3A_98 = arith.constant 0 : i32
        %dma_start3A_99 = tpu.memref_slice %arg7[%dma_start3A_97, %dma_start3A_98] : memref<20x128xi32, #tpu.memory_space<vmem>> -> memref<1x128xi32, #tpu.memory_space<vmem>>
        %dma_start3A_100 = tpu.memref_squeeze %dma_start3A_99 : memref<1x128xi32, #tpu.memory_space<vmem>> -> memref<128xi32, #tpu.memory_space<vmem>>
        %dma_start3A_101 = arith.constant 0 : i32
        %dma_start3A_102 = arith.constant 0 : i32
        %dma_start3A_103 = tpu.memref_slice %arg3[%dma_start3A_101, %dma_start3A_102] : memref<10008x80xf32, #tpu.memory_space<hbm>> -> memref<10008x80xf32, #tpu.memory_space<hbm>>
        tpu.enqueue_indirect_dma source(%dma_start3A_103 : memref<10008x80xf32, #tpu.memory_space<hbm>>) target(%arg11 : memref<128x80xf32, #tpu.memory_space<vmem>>) offsets(%dma_start3A_100 : memref<128xi32, #tpu.memory_space<vmem>>) semaphore(%arg17 : memref<!tpu.dma_semaphore, #tpu.memory_space<semaphore_mem>>)
        %scan3A_104 = arith.constant 0 : i32
        %scan3A_105 = arith.constant 4 : i32
        %scan3A_106 = arith.addi %scan3A_104, %scan3A_105 : i32
        %scan3A_107 = arith.constant 1 : i32
        scf.for %scan3A_109 = %scan3A_104 to %scan3A_106 step %scan3A_107  : i32 {
          %mul3A_110 = arith.constant 5 : i32
          %mul3A_111 = arith.muli %scan3A_109, %mul3A_110 : i32
          %add3A_112 = arith.constant 0 : i32
          %add3A_113 = arith.addi %add3A_112, %mul3A_111 : i32
          %add3A_114 = arith.constant 0 : i32
          %add3A_115 = arith.addi %add3A_113, %add3A_114 : i32
          tpu.wait_dma2 semaphore(%arg15 : memref<!tpu.dma_semaphore, #tpu.memory_space<semaphore_mem>>) src(%arg5 : memref<128x80xf32, #tpu.memory_space<hbm>>) dst(%arg9 : memref<128x80xf32, #tpu.memory_space<vmem>>)
          %dma_start3A_116 = arith.constant 0 : i32
          %dma_start3A_117 = tpu.memref_slice %arg8[%add3A_115, %dma_start3A_116] : memref<20x128xi32, #tpu.memory_space<vmem>> -> memref<1x128xi32, #tpu.memory_space<vmem>>
          %dma_start3A_118 = tpu.memref_squeeze %dma_start3A_117 : memref<1x128xi32, #tpu.memory_space<vmem>> -> memref<128xi32, #tpu.memory_space<vmem>>
          %dma_start3A_119 = arith.constant 0 : i32
          %dma_start3A_120 = arith.constant 0 : i32
          %dma_start3A_121 = tpu.memref_slice %arg14[%dma_start3A_119, %dma_start3A_120] : memref<10112x80xf32, #tpu.memory_space<vmem_shared>> -> memref<10112x80xf32, #tpu.memory_space<vmem_shared>>
          tpu.enqueue_indirect_dma source(%arg9 : memref<128x80xf32, #tpu.memory_space<vmem>>) target(%dma_start3A_121 : memref<10112x80xf32, #tpu.memory_space<vmem_shared>>) offsets(%dma_start3A_118 : memref<128xi32, #tpu.memory_space<vmem>>) semaphore(%arg20 : memref<!tpu.dma_semaphore, #tpu.memory_space<semaphore_mem>>) {add = true}
          %add3A_122 = arith.constant 3 : i32
          %add3A_123 = arith.addi %add3A_115, %add3A_122 : i32
          %lt3A = arith.constant 20 : i32
          %lt3A_124 = arith.cmpi slt, %add3A_123, %lt3A : i32
          %convert_element_type3A_125 = arith.extui %lt3A_124 : i1 to i32
          %cond3A_126 = arith.constant 0 : i32
          %cond3A_127 = arith.cmpi ne, %convert_element_type3A_125, %cond3A_126 : i32
          scf.if %cond3A_127 {
            %ge3A = arith.constant 2 : i32
            %ge3A_188 = arith.cmpi sge, %add3A_115, %ge3A : i32
            %convert_element_type3A_189 = arith.extui %ge3A_188 : i1 to i32
            %cond3A_190 = arith.constant 0 : i32
            %cond3A_191 = arith.cmpi ne, %convert_element_type3A_189, %cond3A_190 : i32
            scf.if %cond3A_191 {
              tpu.wait_dma2 semaphore(%arg23 : memref<!tpu.dma_semaphore, #tpu.memory_space<semaphore_mem>>) src(%arg5 : memref<128x80xf32, #tpu.memory_space<hbm>>) dst(%arg12 : memref<128x80xf32, #tpu.memory_space<vmem>>)
            } else {
            }
            %add3A_192 = arith.constant 3 : i32
            %add3A_193 = arith.addi %add3A_115, %add3A_192 : i32
            %dma_start3A_194 = arith.constant 0 : i32
            %dma_start3A_195 = tpu.memref_slice %arg7[%add3A_193, %dma_start3A_194] : memref<20x128xi32, #tpu.memory_space<vmem>> -> memref<1x128xi32, #tpu.memory_space<vmem>>
            %dma_start3A_196 = tpu.memref_squeeze %dma_start3A_195 : memref<1x128xi32, #tpu.memory_space<vmem>> -> memref<128xi32, #tpu.memory_space<vmem>>
            %dma_start3A_197 = arith.constant 0 : i32
            %dma_start3A_198 = arith.constant 0 : i32
            %dma_start3A_199 = tpu.memref_slice %arg3[%dma_start3A_197, %dma_start3A_198] : memref<10008x80xf32, #tpu.memory_space<hbm>> -> memref<10008x80xf32, #tpu.memory_space<hbm>>
            tpu.enqueue_indirect_dma source(%dma_start3A_199 : memref<10008x80xf32, #tpu.memory_space<hbm>>) target(%arg12 : memref<128x80xf32, #tpu.memory_space<vmem>>) offsets(%dma_start3A_196 : memref<128xi32, #tpu.memory_space<vmem>>) semaphore(%arg18 : memref<!tpu.dma_semaphore, #tpu.memory_space<semaphore_mem>>)
          } else {
          }
          %add3A_128 = arith.constant 1 : i32
          %add3A_129 = arith.addi %add3A_113, %add3A_128 : i32
          tpu.wait_dma2 semaphore(%arg16 : memref<!tpu.dma_semaphore, #tpu.memory_space<semaphore_mem>>) src(%arg5 : memref<128x80xf32, #tpu.memory_space<hbm>>) dst(%arg10 : memref<128x80xf32, #tpu.memory_space<vmem>>)
          %dma_start3A_130 = arith.constant 0 : i32
          %dma_start3A_131 = tpu.memref_slice %arg8[%add3A_129, %dma_start3A_130] : memref<20x128xi32, #tpu.memory_space<vmem>> -> memref<1x128xi32, #tpu.memory_space<vmem>>
          %dma_start3A_132 = tpu.memref_squeeze %dma_start3A_131 : memref<1x128xi32, #tpu.memory_space<vmem>> -> memref<128xi32, #tpu.memory_space<vmem>>
          %dma_start3A_133 = arith.constant 0 : i32
          %dma_start3A_134 = arith.constant 0 : i32
          %dma_start3A_135 = tpu.memref_slice %arg14[%dma_start3A_133, %dma_start3A_134] : memref<10112x80xf32, #tpu.memory_space<vmem_shared>> -> memref<10112x80xf32, #tpu.memory_space<vmem_shared>>
          tpu.enqueue_indirect_dma source(%arg10 : memref<128x80xf32, #tpu.memory_space<vmem>>) target(%dma_start3A_135 : memref<10112x80xf32, #tpu.memory_space<vmem_shared>>) offsets(%dma_start3A_132 : memref<128xi32, #tpu.memory_space<vmem>>) semaphore(%arg21 : memref<!tpu.dma_semaphore, #tpu.memory_space<semaphore_mem>>) {add = true}
          %add3A_136 = arith.constant 3 : i32
          %add3A_137 = arith.addi %add3A_129, %add3A_136 : i32
          %lt3A_138 = arith.constant 20 : i32
          %lt3A_139 = arith.cmpi slt, %add3A_137, %lt3A_138 : i32
          %convert_element_type3A_140 = arith.extui %lt3A_139 : i1 to i32
          %cond3A_141 = arith.constant 0 : i32
          %cond3A_142 = arith.cmpi ne, %convert_element_type3A_140, %cond3A_141 : i32
          scf.if %cond3A_142 {
            %ge3A = arith.constant 2 : i32
            %ge3A_188 = arith.cmpi sge, %add3A_129, %ge3A : i32
            %convert_element_type3A_189 = arith.extui %ge3A_188 : i1 to i32
            %cond3A_190 = arith.constant 0 : i32
            %cond3A_191 = arith.cmpi ne, %convert_element_type3A_189, %cond3A_190 : i32
            scf.if %cond3A_191 {
              tpu.wait_dma2 semaphore(%arg24 : memref<!tpu.dma_semaphore, #tpu.memory_space<semaphore_mem>>) src(%arg5 : memref<128x80xf32, #tpu.memory_space<hbm>>) dst(%arg13 : memref<128x80xf32, #tpu.memory_space<vmem>>)
            } else {
            }
            %add3A_192 = arith.constant 3 : i32
            %add3A_193 = arith.addi %add3A_129, %add3A_192 : i32
            %dma_start3A_194 = arith.constant 0 : i32
            %dma_start3A_195 = tpu.memref_slice %arg7[%add3A_193, %dma_start3A_194] : memref<20x128xi32, #tpu.memory_space<vmem>> -> memref<1x128xi32, #tpu.memory_space<vmem>>
            %dma_start3A_196 = tpu.memref_squeeze %dma_start3A_195 : memref<1x128xi32, #tpu.memory_space<vmem>> -> memref<128xi32, #tpu.memory_space<vmem>>
            %dma_start3A_197 = arith.constant 0 : i32
            %dma_start3A_198 = arith.constant 0 : i32
            %dma_start3A_199 = tpu.memref_slice %arg3[%dma_start3A_197, %dma_start3A_198] : memref<10008x80xf32, #tpu.memory_space<hbm>> -> memref<10008x80xf32, #tpu.memory_space<hbm>>
            tpu.enqueue_indirect_dma source(%dma_start3A_199 : memref<10008x80xf32, #tpu.memory_space<hbm>>) target(%arg13 : memref<128x80xf32, #tpu.memory_space<vmem>>) offsets(%dma_start3A_196 : memref<128xi32, #tpu.memory_space<vmem>>) semaphore(%arg19 : memref<!tpu.dma_semaphore, #tpu.memory_space<semaphore_mem>>)
          } else {
          }
          %add3A_143 = arith.constant 2 : i32
          %add3A_144 = arith.addi %add3A_113, %add3A_143 : i32
          tpu.wait_dma2 semaphore(%arg17 : memref<!tpu.dma_semaphore, #tpu.memory_space<semaphore_mem>>) src(%arg5 : memref<128x80xf32, #tpu.memory_space<hbm>>) dst(%arg11 : memref<128x80xf32, #tpu.memory_space<vmem>>)
          %dma_start3A_145 = arith.constant 0 : i32
          %dma_start3A_146 = tpu.memref_slice %arg8[%add3A_144, %dma_start3A_145] : memref<20x128xi32, #tpu.memory_space<vmem>> -> memref<1x128xi32, #tpu.memory_space<vmem>>
          %dma_start3A_147 = tpu.memref_squeeze %dma_start3A_146 : memref<1x128xi32, #tpu.memory_space<vmem>> -> memref<128xi32, #tpu.memory_space<vmem>>
          %dma_start3A_148 = arith.constant 0 : i32
          %dma_start3A_149 = arith.constant 0 : i32
          %dma_start3A_150 = tpu.memref_slice %arg14[%dma_start3A_148, %dma_start3A_149] : memref<10112x80xf32, #tpu.memory_space<vmem_shared>> -> memref<10112x80xf32, #tpu.memory_space<vmem_shared>>
          tpu.enqueue_indirect_dma source(%arg11 : memref<128x80xf32, #tpu.memory_space<vmem>>) target(%dma_start3A_150 : memref<10112x80xf32, #tpu.memory_space<vmem_shared>>) offsets(%dma_start3A_147 : memref<128xi32, #tpu.memory_space<vmem>>) semaphore(%arg22 : memref<!tpu.dma_semaphore, #tpu.memory_space<semaphore_mem>>) {add = true}
          %add3A_151 = arith.constant 3 : i32
          %add3A_152 = arith.addi %add3A_144, %add3A_151 : i32
          %lt3A_153 = arith.constant 20 : i32
          %lt3A_154 = arith.cmpi slt, %add3A_152, %lt3A_153 : i32
          %convert_element_type3A_155 = arith.extui %lt3A_154 : i1 to i32
          %cond3A_156 = arith.constant 0 : i32
          %cond3A_157 = arith.cmpi ne, %convert_element_type3A_155, %cond3A_156 : i32
          scf.if %cond3A_157 {
            %ge3A = arith.constant 2 : i32
            %ge3A_188 = arith.cmpi sge, %add3A_144, %ge3A : i32
            %convert_element_type3A_189 = arith.extui %ge3A_188 : i1 to i32
            %cond3A_190 = arith.constant 0 : i32
            %cond3A_191 = arith.cmpi ne, %convert_element_type3A_189, %cond3A_190 : i32
            scf.if %cond3A_191 {
              tpu.wait_dma2 semaphore(%arg20 : memref<!tpu.dma_semaphore, #tpu.memory_space<semaphore_mem>>) src(%arg5 : memref<128x80xf32, #tpu.memory_space<hbm>>) dst(%arg9 : memref<128x80xf32, #tpu.memory_space<vmem>>)
            } else {
            }
            %add3A_192 = arith.constant 3 : i32
            %add3A_193 = arith.addi %add3A_144, %add3A_192 : i32
            %dma_start3A_194 = arith.constant 0 : i32
            %dma_start3A_195 = tpu.memref_slice %arg7[%add3A_193, %dma_start3A_194] : memref<20x128xi32, #tpu.memory_space<vmem>> -> memref<1x128xi32, #tpu.memory_space<vmem>>
            %dma_start3A_196 = tpu.memref_squeeze %dma_start3A_195 : memref<1x128xi32, #tpu.memory_space<vmem>> -> memref<128xi32, #tpu.memory_space<vmem>>
            %dma_start3A_197 = arith.constant 0 : i32
            %dma_start3A_198 = arith.constant 0 : i32
            %dma_start3A_199 = tpu.memref_slice %arg3[%dma_start3A_197, %dma_start3A_198] : memref<10008x80xf32, #tpu.memory_space<hbm>> -> memref<10008x80xf32, #tpu.memory_space<hbm>>
            tpu.enqueue_indirect_dma source(%dma_start3A_199 : memref<10008x80xf32, #tpu.memory_space<hbm>>) target(%arg9 : memref<128x80xf32, #tpu.memory_space<vmem>>) offsets(%dma_start3A_196 : memref<128xi32, #tpu.memory_space<vmem>>) semaphore(%arg15 : memref<!tpu.dma_semaphore, #tpu.memory_space<semaphore_mem>>)
          } else {
          }
          %add3A_158 = arith.constant 3 : i32
          %add3A_159 = arith.addi %add3A_113, %add3A_158 : i32
          tpu.wait_dma2 semaphore(%arg18 : memref<!tpu.dma_semaphore, #tpu.memory_space<semaphore_mem>>) src(%arg5 : memref<128x80xf32, #tpu.memory_space<hbm>>) dst(%arg12 : memref<128x80xf32, #tpu.memory_space<vmem>>)
          %dma_start3A_160 = arith.constant 0 : i32
          %dma_start3A_161 = tpu.memref_slice %arg8[%add3A_159, %dma_start3A_160] : memref<20x128xi32, #tpu.memory_space<vmem>> -> memref<1x128xi32, #tpu.memory_space<vmem>>
          %dma_start3A_162 = tpu.memref_squeeze %dma_start3A_161 : memref<1x128xi32, #tpu.memory_space<vmem>> -> memref<128xi32, #tpu.memory_space<vmem>>
          %dma_start3A_163 = arith.constant 0 : i32
          %dma_start3A_164 = arith.constant 0 : i32
          %dma_start3A_165 = tpu.memref_slice %arg14[%dma_start3A_163, %dma_start3A_164] : memref<10112x80xf32, #tpu.memory_space<vmem_shared>> -> memref<10112x80xf32, #tpu.memory_space<vmem_shared>>
          tpu.enqueue_indirect_dma source(%arg12 : memref<128x80xf32, #tpu.memory_space<vmem>>) target(%dma_start3A_165 : memref<10112x80xf32, #tpu.memory_space<vmem_shared>>) offsets(%dma_start3A_162 : memref<128xi32, #tpu.memory_space<vmem>>) semaphore(%arg23 : memref<!tpu.dma_semaphore, #tpu.memory_space<semaphore_mem>>) {add = true}
          %add3A_166 = arith.constant 3 : i32
          %add3A_167 = arith.addi %add3A_159, %add3A_166 : i32
          %lt3A_168 = arith.constant 20 : i32
          %lt3A_169 = arith.cmpi slt, %add3A_167, %lt3A_168 : i32
          %convert_element_type3A_170 = arith.extui %lt3A_169 : i1 to i32
          %cond3A_171 = arith.constant 0 : i32
          %cond3A_172 = arith.cmpi ne, %convert_element_type3A_170, %cond3A_171 : i32
          scf.if %cond3A_172 {
            %ge3A = arith.constant 2 : i32
            %ge3A_188 = arith.cmpi sge, %add3A_159, %ge3A : i32
            %convert_element_type3A_189 = arith.extui %ge3A_188 : i1 to i32
            %cond3A_190 = arith.constant 0 : i32
            %cond3A_191 = arith.cmpi ne, %convert_element_type3A_189, %cond3A_190 : i32
            scf.if %cond3A_191 {
              tpu.wait_dma2 semaphore(%arg21 : memref<!tpu.dma_semaphore, #tpu.memory_space<semaphore_mem>>) src(%arg5 : memref<128x80xf32, #tpu.memory_space<hbm>>) dst(%arg10 : memref<128x80xf32, #tpu.memory_space<vmem>>)
            } else {
            }
            %add3A_192 = arith.constant 3 : i32
            %add3A_193 = arith.addi %add3A_159, %add3A_192 : i32
            %dma_start3A_194 = arith.constant 0 : i32
            %dma_start3A_195 = tpu.memref_slice %arg7[%add3A_193, %dma_start3A_194] : memref<20x128xi32, #tpu.memory_space<vmem>> -> memref<1x128xi32, #tpu.memory_space<vmem>>
            %dma_start3A_196 = tpu.memref_squeeze %dma_start3A_195 : memref<1x128xi32, #tpu.memory_space<vmem>> -> memref<128xi32, #tpu.memory_space<vmem>>
            %dma_start3A_197 = arith.constant 0 : i32
            %dma_start3A_198 = arith.constant 0 : i32
            %dma_start3A_199 = tpu.memref_slice %arg3[%dma_start3A_197, %dma_start3A_198] : memref<10008x80xf32, #tpu.memory_space<hbm>> -> memref<10008x80xf32, #tpu.memory_space<hbm>>
            tpu.enqueue_indirect_dma source(%dma_start3A_199 : memref<10008x80xf32, #tpu.memory_space<hbm>>) target(%arg10 : memref<128x80xf32, #tpu.memory_space<vmem>>) offsets(%dma_start3A_196 : memref<128xi32, #tpu.memory_space<vmem>>) semaphore(%arg16 : memref<!tpu.dma_semaphore, #tpu.memory_space<semaphore_mem>>)
          } else {
          }
          %add3A_173 = arith.constant 4 : i32
          %add3A_174 = arith.addi %add3A_113, %add3A_173 : i32
          tpu.wait_dma2 semaphore(%arg19 : memref<!tpu.dma_semaphore, #tpu.memory_space<semaphore_mem>>) src(%arg5 : memref<128x80xf32, #tpu.memory_space<hbm>>) dst(%arg13 : memref<128x80xf32, #tpu.memory_space<vmem>>)
          %dma_start3A_175 = arith.constant 0 : i32
          %dma_start3A_176 = tpu.memref_slice %arg8[%add3A_174, %dma_start3A_175] : memref<20x128xi32, #tpu.memory_space<vmem>> -> memref<1x128xi32, #tpu.memory_space<vmem>>
          %dma_start3A_177 = tpu.memref_squeeze %dma_start3A_176 : memref<1x128xi32, #tpu.memory_space<vmem>> -> memref<128xi32, #tpu.memory_space<vmem>>
          %dma_start3A_178 = arith.constant 0 : i32
          %dma_start3A_179 = arith.constant 0 : i32
          %dma_start3A_180 = tpu.memref_slice %arg14[%dma_start3A_178, %dma_start3A_179] : memref<10112x80xf32, #tpu.memory_space<vmem_shared>> -> memref<10112x80xf32, #tpu.memory_space<vmem_shared>>
          tpu.enqueue_indirect_dma source(%arg13 : memref<128x80xf32, #tpu.memory_space<vmem>>) target(%dma_start3A_180 : memref<10112x80xf32, #tpu.memory_space<vmem_shared>>) offsets(%dma_start3A_177 : memref<128xi32, #tpu.memory_space<vmem>>) semaphore(%arg24 : memref<!tpu.dma_semaphore, #tpu.memory_space<semaphore_mem>>) {add = true}
          %add3A_181 = arith.constant 3 : i32
          %add3A_182 = arith.addi %add3A_174, %add3A_181 : i32
          %lt3A_183 = arith.constant 20 : i32
          %lt3A_184 = arith.cmpi slt, %add3A_182, %lt3A_183 : i32
          %convert_element_type3A_185 = arith.extui %lt3A_184 : i1 to i32
          %cond3A_186 = arith.constant 0 : i32
          %cond3A_187 = arith.cmpi ne, %convert_element_type3A_185, %cond3A_186 : i32
          scf.if %cond3A_187 {
            %ge3A = arith.constant 2 : i32
            %ge3A_188 = arith.cmpi sge, %add3A_174, %ge3A : i32
            %convert_element_type3A_189 = arith.extui %ge3A_188 : i1 to i32
            %cond3A_190 = arith.constant 0 : i32
            %cond3A_191 = arith.cmpi ne, %convert_element_type3A_189, %cond3A_190 : i32
            scf.if %cond3A_191 {
              tpu.wait_dma2 semaphore(%arg22 : memref<!tpu.dma_semaphore, #tpu.memory_space<semaphore_mem>>) src(%arg5 : memref<128x80xf32, #tpu.memory_space<hbm>>) dst(%arg11 : memref<128x80xf32, #tpu.memory_space<vmem>>)
            } else {
            }
            %add3A_192 = arith.constant 3 : i32
            %add3A_193 = arith.addi %add3A_174, %add3A_192 : i32
            %dma_start3A_194 = arith.constant 0 : i32
            %dma_start3A_195 = tpu.memref_slice %arg7[%add3A_193, %dma_start3A_194] : memref<20x128xi32, #tpu.memory_space<vmem>> -> memref<1x128xi32, #tpu.memory_space<vmem>>
            %dma_start3A_196 = tpu.memref_squeeze %dma_start3A_195 : memref<1x128xi32, #tpu.memory_space<vmem>> -> memref<128xi32, #tpu.memory_space<vmem>>
            %dma_start3A_197 = arith.constant 0 : i32
            %dma_start3A_198 = arith.constant 0 : i32
            %dma_start3A_199 = tpu.memref_slice %arg3[%dma_start3A_197, %dma_start3A_198] : memref<10008x80xf32, #tpu.memory_space<hbm>> -> memref<10008x80xf32, #tpu.memory_space<hbm>>
            tpu.enqueue_indirect_dma source(%dma_start3A_199 : memref<10008x80xf32, #tpu.memory_space<hbm>>) target(%arg11 : memref<128x80xf32, #tpu.memory_space<vmem>>) offsets(%dma_start3A_196 : memref<128xi32, #tpu.memory_space<vmem>>) semaphore(%arg17 : memref<!tpu.dma_semaphore, #tpu.memory_space<semaphore_mem>>)
          } else {
          }
        }
        %scan3A_108 = arith.constant 4 : i32
        tpu.wait_dma2 semaphore(%arg20 : memref<!tpu.dma_semaphore, #tpu.memory_space<semaphore_mem>>) src(%arg5 : memref<128x80xf32, #tpu.memory_space<hbm>>) dst(%arg9 : memref<128x80xf32, #tpu.memory_space<vmem>>)
        tpu.wait_dma2 semaphore(%arg21 : memref<!tpu.dma_semaphore, #tpu.memory_space<semaphore_mem>>) src(%arg5 : memref<128x80xf32, #tpu.memory_space<hbm>>) dst(%arg10 : memref<128x80xf32, #tpu.memory_space<vmem>>)
        tpu.wait_dma2 semaphore(%arg22 : memref<!tpu.dma_semaphore, #tpu.memory_space<semaphore_mem>>) src(%arg5 : memref<128x80xf32, #tpu.memory_space<hbm>>) dst(%arg11 : memref<128x80xf32, #tpu.memory_space<vmem>>)
        tpu.wait_dma2 semaphore(%arg23 : memref<!tpu.dma_semaphore, #tpu.memory_space<semaphore_mem>>) src(%arg5 : memref<128x80xf32, #tpu.memory_space<hbm>>) dst(%arg12 : memref<128x80xf32, #tpu.memory_space<vmem>>)
        tpu.wait_dma2 semaphore(%arg24 : memref<!tpu.dma_semaphore, #tpu.memory_space<semaphore_mem>>) src(%arg5 : memref<128x80xf32, #tpu.memory_space<hbm>>) dst(%arg13 : memref<128x80xf32, #tpu.memory_space<vmem>>)
      }
    } else {
    }
    %barrier3A_17 = arith.constant 0 : index
    tpu.barrier barrier_id(%barrier3A_17)
    %add3A_18 = arith.constant 0 : i32
    %add3A_19 = arith.addi %mul3A_0, %add3A_18 : i32
    "tpu.region"() ({
      %run_scoped3A = tpu.sem_alloc : memref<!tpu.dma_semaphore, #tpu.memory_space<semaphore_mem>>
      %dma_start3A = arith.constant 0 : i32
      %dma_start3A_52 = arith.constant 0 : i32
      %dma_start3A_53 = tpu.memref_slice %arg9[%dma_start3A, %dma_start3A_52] : memref<128x80xf32, #tpu.memory_space<vmem>> -> memref<128x80xf32, #tpu.memory_space<vmem>>
      %dma_start3A_54 = arith.constant 0 : i32
      %dma_start3A_55 = tpu.memref_slice %arg14[%add3A_19, %dma_start3A_54] : memref<10112x80xf32, #tpu.memory_space<vmem_shared>> -> memref<128x80xf32, #tpu.memory_space<vmem_shared>>
      %dma_start3A_56 = arith.constant 0 : i32
      %dma_start3A_57 = arith.constant 0 : i32
      %dma_start3A_58 = tpu.memref_slice %arg9[%dma_start3A_56, %dma_start3A_57] : memref<128x80xf32, #tpu.memory_space<vmem>> -> memref<128x80xf32, #tpu.memory_space<vmem>>
      %dma_start3A_59 = arith.constant 0 : i32
      %dma_start3A_60 = tpu.memref_slice %arg14[%add3A_19, %dma_start3A_59] : memref<10112x80xf32, #tpu.memory_space<vmem_shared>> -> memref<128x80xf32, #tpu.memory_space<vmem_shared>>
      tpu.enqueue_dma source(%dma_start3A_60 : memref<128x80xf32, #tpu.memory_space<vmem_shared>>) target(%dma_start3A_58 : memref<128x80xf32, #tpu.memory_space<vmem>>) target_semaphore(%run_scoped3A : memref<!tpu.dma_semaphore, #tpu.memory_space<semaphore_mem>>)
      %dma_wait3A = arith.constant 0 : i32
      %dma_wait3A_61 = arith.constant 0 : i32
      %dma_wait3A_62 = tpu.memref_slice %arg9[%dma_wait3A, %dma_wait3A_61] : memref<128x80xf32, #tpu.memory_space<vmem>> -> memref<128x80xf32, #tpu.memory_space<vmem>>
      %dma_wait3A_63 = arith.constant 0 : i32
      %dma_wait3A_64 = tpu.memref_slice %arg14[%add3A_19, %dma_wait3A_63] : memref<10112x80xf32, #tpu.memory_space<vmem_shared>> -> memref<128x80xf32, #tpu.memory_space<vmem_shared>>
      %dma_wait3A_65 = arith.constant 0 : i32
      %dma_wait3A_66 = arith.constant 0 : i32
      %dma_wait3A_67 = tpu.memref_slice %arg9[%dma_wait3A_65, %dma_wait3A_66] : memref<128x80xf32, #tpu.memory_space<vmem>> -> memref<128x80xf32, #tpu.memory_space<vmem>>
      %dma_wait3A_68 = arith.constant 0 : i32
      %dma_wait3A_69 = tpu.memref_slice %arg14[%add3A_19, %dma_wait3A_68] : memref<10112x80xf32, #tpu.memory_space<vmem_shared>> -> memref<128x80xf32, #tpu.memory_space<vmem_shared>>
      tpu.wait_dma2 semaphore(%run_scoped3A : memref<!tpu.dma_semaphore, #tpu.memory_space<semaphore_mem>>) src(%dma_wait3A_69 : memref<128x80xf32, #tpu.memory_space<vmem_shared>>) dst(%dma_wait3A_67 : memref<128x80xf32, #tpu.memory_space<vmem>>)
      tpu.yield
    }) : () -> ()
    %scan3A = arith.constant 0 : i32
    %scan3A_20 = arith.constant 128 : i32
    %scan3A_21 = arith.addi %scan3A, %scan3A_20 : i32
    %scan3A_22 = arith.constant 1 : i32
    scf.for %scan3A_52 = %scan3A to %scan3A_21 step %scan3A_22  : i32 {
      %mul3A_53 = arith.constant 1 : i32
      %mul3A_54 = arith.muli %scan3A_52, %mul3A_53 : i32
      %add3A_55 = arith.constant 0 : i32
      %add3A_56 = arith.addi %add3A_55, %mul3A_54 : i32
      %get3A = arith.index_cast %add3A_56 : i32 to index
      %get3A_57 = arith.constant 64 : index
      %get3A_58 = tpu.vector_load %arg9[%get3A, %get3A_57] {strides = array<i32>} : memref<128x80xf32, #tpu.memory_space<vmem>>, vector<1x16xf32>,
      %get3A_59 = vector.shape_cast %get3A_58 : vector<1x16xf32> to vector<16xf32>
      %max3A = arith.constant 1.000000e+00 : f32
      %max3A_60 = vector.broadcast %max3A : f32 to vector<16xf32>
      %max3A_61 = arith.maximumf %get3A_59, %max3A_60 : vector<16xf32>
      %div3A = arith.constant 1.000000e+00 : f32
      %div3A_62 = vector.broadcast %div3A : f32 to vector<16xf32>
      %div3A_63 = arith.divf %div3A_62, %max3A_61 : vector<16xf32>
      %broadcast_in_dim3A = arith.constant 0 : i32
      %broadcast_in_dim3A_64 = vector.broadcast %broadcast_in_dim3A : i32 to vector<16xi32>
      %lt3A = arith.constant 0 : i32
      %lt3A_65 = vector.broadcast %lt3A : i32 to vector<16xi32>
      %lt3A_66 = arith.cmpi slt, %broadcast_in_dim3A_64, %lt3A_65 : vector<16xi32>
      %add3A_67 = arith.constant 16 : i32
      %add3A_68 = vector.broadcast %add3A_67 : i32 to vector<16xi32>
      %add3A_69 = arith.addi %broadcast_in_dim3A_64, %add3A_68 : vector<16xi32>
      %select_n3A = arith.select %lt3A_66, %add3A_69, %broadcast_in_dim3A_64 : vector<16xi1>, vector<16xi32>
      %broadcast_in_dim3A_70 = vector.shape_cast %select_n3A : vector<16xi32> to vector<16x1xi32>
      %gather3A = vector.shape_cast %broadcast_in_dim3A_70 : vector<16x1xi32> to vector<16xi32>
      %gather3A_71 = tpu.dynamic_gather %div3A_63[%gather3A] in [0] : vector<16xf32>, vector<16xi32> -> vector<16xf32>
      %get3A_72 = arith.index_cast %add3A_56 : i32 to index
      %get3A_73 = arith.constant 0 : index
      %get3A_74 = tpu.vector_load %arg9[%get3A_72, %get3A_73] {strides = array<i32>} : memref<128x80xf32, #tpu.memory_space<vmem>>, vector<1x16xf32>,
      %get3A_75 = vector.shape_cast %get3A_74 : vector<1x16xf32> to vector<16xf32>
      %mul3A_76 = arith.mulf %get3A_75, %gather3A_71 : vector<16xf32>
      %swap3A = arith.index_cast %add3A_56 : i32 to index
      %swap3A_77 = arith.constant 0 : index
      %swap3A_78 = tpu.vector_load %arg9[%swap3A, %swap3A_77] {strides = array<i32>} : memref<128x80xf32, #tpu.memory_space<vmem>>, vector<1x16xf32>,
      %swap3A_79 = vector.shape_cast %swap3A_78 : vector<1x16xf32> to vector<16xf32>
      %swap3A_80 = vector.shape_cast %mul3A_76 : vector<16xf32> to vector<1x16xf32>
      tpu.vector_store %arg9[%swap3A, %swap3A_77], %swap3A_80 {strides = array<i32>} : memref<128x80xf32, #tpu.memory_space<vmem>>, vector<1x16xf32>,
      %get3A_81 = arith.index_cast %add3A_56 : i32 to index
      %get3A_82 = arith.constant 16 : index
      %get3A_83 = tpu.vector_load %arg9[%get3A_81, %get3A_82] {strides = array<i32>} : memref<128x80xf32, #tpu.memory_space<vmem>>, vector<1x16xf32>,
      %get3A_84 = vector.shape_cast %get3A_83 : vector<1x16xf32> to vector<16xf32>
      %mul3A_85 = arith.mulf %get3A_84, %gather3A_71 : vector<16xf32>
      %swap3A_86 = arith.index_cast %add3A_56 : i32 to index
      %swap3A_87 = arith.constant 16 : index
      %swap3A_88 = tpu.vector_load %arg9[%swap3A_86, %swap3A_87] {strides = array<i32>} : memref<128x80xf32, #tpu.memory_space<vmem>>, vector<1x16xf32>,
      %swap3A_89 = vector.shape_cast %swap3A_88 : vector<1x16xf32> to vector<16xf32>
      %swap3A_90 = vector.shape_cast %mul3A_85 : vector<16xf32> to vector<1x16xf32>
      tpu.vector_store %arg9[%swap3A_86, %swap3A_87], %swap3A_90 {strides = array<i32>} : memref<128x80xf32, #tpu.memory_space<vmem>>, vector<1x16xf32>,
      %get3A_91 = arith.index_cast %add3A_56 : i32 to index
      %get3A_92 = arith.constant 32 : index
      %get3A_93 = tpu.vector_load %arg9[%get3A_91, %get3A_92] {strides = array<i32>} : memref<128x80xf32, #tpu.memory_space<vmem>>, vector<1x16xf32>,
      %get3A_94 = vector.shape_cast %get3A_93 : vector<1x16xf32> to vector<16xf32>
      %mul3A_95 = arith.mulf %get3A_94, %gather3A_71 : vector<16xf32>
      %swap3A_96 = arith.index_cast %add3A_56 : i32 to index
      %swap3A_97 = arith.constant 32 : index
      %swap3A_98 = tpu.vector_load %arg9[%swap3A_96, %swap3A_97] {strides = array<i32>} : memref<128x80xf32, #tpu.memory_space<vmem>>, vector<1x16xf32>,
      %swap3A_99 = vector.shape_cast %swap3A_98 : vector<1x16xf32> to vector<16xf32>
      %swap3A_100 = vector.shape_cast %mul3A_95 : vector<16xf32> to vector<1x16xf32>
      tpu.vector_store %arg9[%swap3A_96, %swap3A_97], %swap3A_100 {strides = array<i32>} : memref<128x80xf32, #tpu.memory_space<vmem>>, vector<1x16xf32>,
      %get3A_101 = arith.index_cast %add3A_56 : i32 to index
      %get3A_102 = arith.constant 48 : index
      %get3A_103 = tpu.vector_load %arg9[%get3A_101, %get3A_102] {strides = array<i32>} : memref<128x80xf32, #tpu.memory_space<vmem>>, vector<1x16xf32>,
      %get3A_104 = vector.shape_cast %get3A_103 : vector<1x16xf32> to vector<16xf32>
      %mul3A_105 = arith.mulf %get3A_104, %gather3A_71 : vector<16xf32>
      %swap3A_106 = arith.index_cast %add3A_56 : i32 to index
      %swap3A_107 = arith.constant 48 : index
      %swap3A_108 = tpu.vector_load %arg9[%swap3A_106, %swap3A_107] {strides = array<i32>} : memref<128x80xf32, #tpu.memory_space<vmem>>, vector<1x16xf32>,
      %swap3A_109 = vector.shape_cast %swap3A_108 : vector<1x16xf32> to vector<16xf32>
      %swap3A_110 = vector.shape_cast %mul3A_105 : vector<16xf32> to vector<1x16xf32>
      tpu.vector_store %arg9[%swap3A_106, %swap3A_107], %swap3A_110 {strides = array<i32>} : memref<128x80xf32, #tpu.memory_space<vmem>>, vector<1x16xf32>,
    }
    %scan3A_23 = arith.constant 128 : i32
    "tpu.region"() ({
      %run_scoped3A = tpu.sem_alloc : memref<!tpu.dma_semaphore, #tpu.memory_space<semaphore_mem>>
      %dma_start3A = arith.constant 0 : i32
      %dma_start3A_52 = arith.constant 0 : i32
      %dma_start3A_53 = tpu.memref_slice %arg9[%dma_start3A, %dma_start3A_52] : memref<128x80xf32, #tpu.memory_space<vmem>> -> memref<128x80xf32, #tpu.memory_space<vmem>>
      %dma_start3A_54 = arith.constant 0 : i32
      %dma_start3A_55 = tpu.memref_slice %arg6[%arg0, %add3A_19, %dma_start3A_54] : memref<2x10112x80xf32, #tpu.memory_space<hbm>> -> memref<1x128x80xf32, #tpu.memory_space<hbm>>
      %dma_start3A_56 = tpu.memref_squeeze %dma_start3A_55 : memref<1x128x80xf32, #tpu.memory_space<hbm>> -> memref<128x80xf32, #tpu.memory_space<hbm>>
      %dma_start3A_57 = arith.constant 0 : i32
      %dma_start3A_58 = tpu.memref_slice %arg6[%arg0, %add3A_19, %dma_start3A_57] : memref<2x10112x80xf32, #tpu.memory_space<hbm>> -> memref<1x128x80xf32, #tpu.memory_space<hbm>>
      %dma_start3A_59 = tpu.memref_squeeze %dma_start3A_58 : memref<1x128x80xf32, #tpu.memory_space<hbm>> -> memref<128x80xf32, #tpu.memory_space<hbm>>
      %dma_start3A_60 = arith.constant 0 : i32
      %dma_start3A_61 = arith.constant 0 : i32
      %dma_start3A_62 = tpu.memref_slice %arg9[%dma_start3A_60, %dma_start3A_61] : memref<128x80xf32, #tpu.memory_space<vmem>> -> memref<128x80xf32, #tpu.memory_space<vmem>>
      tpu.enqueue_dma source(%dma_start3A_62 : memref<128x80xf32, #tpu.memory_space<vmem>>) target(%dma_start3A_59 : memref<128x80xf32, #tpu.memory_space<hbm>>) target_semaphore(%run_scoped3A : memref<!tpu.dma_semaphore, #tpu.memory_space<semaphore_mem>>)
      %dma_wait3A = arith.constant 0 : i32
      %dma_wait3A_63 = arith.constant 0 : i32
      %dma_wait3A_64 = tpu.memref_slice %arg9[%dma_wait3A, %dma_wait3A_63] : memref<128x80xf32, #tpu.memory_space<vmem>> -> memref<128x80xf32, #tpu.memory_space<vmem>>
      %dma_wait3A_65 = arith.constant 0 : i32
      %dma_wait3A_66 = tpu.memref_slice %arg6[%arg0, %add3A_19, %dma_wait3A_65] : memref<2x10112x80xf32, #tpu.memory_space<hbm>> -> memref<1x128x80xf32, #tpu.memory_space<hbm>>
      %dma_wait3A_67 = tpu.memref_squeeze %dma_wait3A_66 : memref<1x128x80xf32, #tpu.memory_space<hbm>> -> memref<128x80xf32, #tpu.memory_space<hbm>>
      %dma_wait3A_68 = arith.constant 0 : i32
      %dma_wait3A_69 = tpu.memref_slice %arg6[%arg0, %add3A_19, %dma_wait3A_68] : memref<2x10112x80xf32, #tpu.memory_space<hbm>> -> memref<1x128x80xf32, #tpu.memory_space<hbm>>
      %dma_wait3A_70 = tpu.memref_squeeze %dma_wait3A_69 : memref<1x128x80xf32, #tpu.memory_space<hbm>> -> memref<128x80xf32, #tpu.memory_space<hbm>>
      %dma_wait3A_71 = arith.constant 0 : i32
      %dma_wait3A_72 = arith.constant 0 : i32
      %dma_wait3A_73 = tpu.memref_slice %arg9[%dma_wait3A_71, %dma_wait3A_72] : memref<128x80xf32, #tpu.memory_space<vmem>> -> memref<128x80xf32, #tpu.memory_space<vmem>>
      tpu.wait_dma2 semaphore(%run_scoped3A : memref<!tpu.dma_semaphore, #tpu.memory_space<semaphore_mem>>) src(%dma_wait3A_73 : memref<128x80xf32, #tpu.memory_space<vmem>>) dst(%dma_wait3A_70 : memref<128x80xf32, #tpu.memory_space<hbm>>)
      tpu.yield
    }) : () -> ()
    %add3A_24 = arith.constant 128 : i32
    %add3A_25 = arith.addi %mul3A_0, %add3A_24 : i32
    "tpu.region"() ({
      %run_scoped3A = tpu.sem_alloc : memref<!tpu.dma_semaphore, #tpu.memory_space<semaphore_mem>>
      %dma_start3A = arith.constant 0 : i32
      %dma_start3A_52 = arith.constant 0 : i32
      %dma_start3A_53 = tpu.memref_slice %arg9[%dma_start3A, %dma_start3A_52] : memref<128x80xf32, #tpu.memory_space<vmem>> -> memref<128x80xf32, #tpu.memory_space<vmem>>
      %dma_start3A_54 = arith.constant 0 : i32
      %dma_start3A_55 = tpu.memref_slice %arg14[%add3A_25, %dma_start3A_54] : memref<10112x80xf32, #tpu.memory_space<vmem_shared>> -> memref<128x80xf32, #tpu.memory_space<vmem_shared>>
      %dma_start3A_56 = arith.constant 0 : i32
      %dma_start3A_57 = arith.constant 0 : i32
      %dma_start3A_58 = tpu.memref_slice %arg9[%dma_start3A_56, %dma_start3A_57] : memref<128x80xf32, #tpu.memory_space<vmem>> -> memref<128x80xf32, #tpu.memory_space<vmem>>
      %dma_start3A_59 = arith.constant 0 : i32
      %dma_start3A_60 = tpu.memref_slice %arg14[%add3A_25, %dma_start3A_59] : memref<10112x80xf32, #tpu.memory_space<vmem_shared>> -> memref<128x80xf32, #tpu.memory_space<vmem_shared>>
      tpu.enqueue_dma source(%dma_start3A_60 : memref<128x80xf32, #tpu.memory_space<vmem_shared>>) target(%dma_start3A_58 : memref<128x80xf32, #tpu.memory_space<vmem>>) target_semaphore(%run_scoped3A : memref<!tpu.dma_semaphore, #tpu.memory_space<semaphore_mem>>)
      %dma_wait3A = arith.constant 0 : i32
      %dma_wait3A_61 = arith.constant 0 : i32
      %dma_wait3A_62 = tpu.memref_slice %arg9[%dma_wait3A, %dma_wait3A_61] : memref<128x80xf32, #tpu.memory_space<vmem>> -> memref<128x80xf32, #tpu.memory_space<vmem>>
      %dma_wait3A_63 = arith.constant 0 : i32
      %dma_wait3A_64 = tpu.memref_slice %arg14[%add3A_25, %dma_wait3A_63] : memref<10112x80xf32, #tpu.memory_space<vmem_shared>> -> memref<128x80xf32, #tpu.memory_space<vmem_shared>>
      %dma_wait3A_65 = arith.constant 0 : i32
      %dma_wait3A_66 = arith.constant 0 : i32
      %dma_wait3A_67 = tpu.memref_slice %arg9[%dma_wait3A_65, %dma_wait3A_66] : memref<128x80xf32, #tpu.memory_space<vmem>> -> memref<128x80xf32, #tpu.memory_space<vmem>>
      %dma_wait3A_68 = arith.constant 0 : i32
      %dma_wait3A_69 = tpu.memref_slice %arg14[%add3A_25, %dma_wait3A_68] : memref<10112x80xf32, #tpu.memory_space<vmem_shared>> -> memref<128x80xf32, #tpu.memory_space<vmem_shared>>
      tpu.wait_dma2 semaphore(%run_scoped3A : memref<!tpu.dma_semaphore, #tpu.memory_space<semaphore_mem>>) src(%dma_wait3A_69 : memref<128x80xf32, #tpu.memory_space<vmem_shared>>) dst(%dma_wait3A_67 : memref<128x80xf32, #tpu.memory_space<vmem>>)
      tpu.yield
    }) : () -> ()
    %scan3A_26 = arith.constant 0 : i32
    %scan3A_27 = arith.constant 128 : i32
    %scan3A_28 = arith.addi %scan3A_26, %scan3A_27 : i32
    %scan3A_29 = arith.constant 1 : i32
    scf.for %scan3A_52 = %scan3A_26 to %scan3A_28 step %scan3A_29  : i32 {
      %mul3A_53 = arith.constant 1 : i32
      %mul3A_54 = arith.muli %scan3A_52, %mul3A_53 : i32
      %add3A_55 = arith.constant 0 : i32
      %add3A_56 = arith.addi %add3A_55, %mul3A_54 : i32
      %get3A = arith.index_cast %add3A_56 : i32 to index
      %get3A_57 = arith.constant 64 : index
      %get3A_58 = tpu.vector_load %arg9[%get3A, %get3A_57] {strides = array<i32>} : memref<128x80xf32, #tpu.memory_space<vmem>>, vector<1x16xf32>,
      %get3A_59 = vector.shape_cast %get3A_58 : vector<1x16xf32> to vector<16xf32>
      %max3A = arith.constant 1.000000e+00 : f32
      %max3A_60 = vector.broadcast %max3A : f32 to vector<16xf32>
      %max3A_61 = arith.maximumf %get3A_59, %max3A_60 : vector<16xf32>
      %div3A = arith.constant 1.000000e+00 : f32
      %div3A_62 = vector.broadcast %div3A : f32 to vector<16xf32>
      %div3A_63 = arith.divf %div3A_62, %max3A_61 : vector<16xf32>
      %broadcast_in_dim3A = arith.constant 0 : i32
      %broadcast_in_dim3A_64 = vector.broadcast %broadcast_in_dim3A : i32 to vector<16xi32>
      %lt3A = arith.constant 0 : i32
      %lt3A_65 = vector.broadcast %lt3A : i32 to vector<16xi32>
      %lt3A_66 = arith.cmpi slt, %broadcast_in_dim3A_64, %lt3A_65 : vector<16xi32>
      %add3A_67 = arith.constant 16 : i32
      %add3A_68 = vector.broadcast %add3A_67 : i32 to vector<16xi32>
      %add3A_69 = arith.addi %broadcast_in_dim3A_64, %add3A_68 : vector<16xi32>
      %select_n3A = arith.select %lt3A_66, %add3A_69, %broadcast_in_dim3A_64 : vector<16xi1>, vector<16xi32>
      %broadcast_in_dim3A_70 = vector.shape_cast %select_n3A : vector<16xi32> to vector<16x1xi32>
      %gather3A = vector.shape_cast %broadcast_in_dim3A_70 : vector<16x1xi32> to vector<16xi32>
      %gather3A_71 = tpu.dynamic_gather %div3A_63[%gather3A] in [0] : vector<16xf32>, vector<16xi32> -> vector<16xf32>
      %get3A_72 = arith.index_cast %add3A_56 : i32 to index
      %get3A_73 = arith.constant 0 : index
      %get3A_74 = tpu.vector_load %arg9[%get3A_72, %get3A_73] {strides = array<i32>} : memref<128x80xf32, #tpu.memory_space<vmem>>, vector<1x16xf32>,
      %get3A_75 = vector.shape_cast %get3A_74 : vector<1x16xf32> to vector<16xf32>
      %mul3A_76 = arith.mulf %get3A_75, %gather3A_71 : vector<16xf32>
      %swap3A = arith.index_cast %add3A_56 : i32 to index
      %swap3A_77 = arith.constant 0 : index
      %swap3A_78 = tpu.vector_load %arg9[%swap3A, %swap3A_77] {strides = array<i32>} : memref<128x80xf32, #tpu.memory_space<vmem>>, vector<1x16xf32>,
      %swap3A_79 = vector.shape_cast %swap3A_78 : vector<1x16xf32> to vector<16xf32>
      %swap3A_80 = vector.shape_cast %mul3A_76 : vector<16xf32> to vector<1x16xf32>
      tpu.vector_store %arg9[%swap3A, %swap3A_77], %swap3A_80 {strides = array<i32>} : memref<128x80xf32, #tpu.memory_space<vmem>>, vector<1x16xf32>,
      %get3A_81 = arith.index_cast %add3A_56 : i32 to index
      %get3A_82 = arith.constant 16 : index
      %get3A_83 = tpu.vector_load %arg9[%get3A_81, %get3A_82] {strides = array<i32>} : memref<128x80xf32, #tpu.memory_space<vmem>>, vector<1x16xf32>,
      %get3A_84 = vector.shape_cast %get3A_83 : vector<1x16xf32> to vector<16xf32>
      %mul3A_85 = arith.mulf %get3A_84, %gather3A_71 : vector<16xf32>
      %swap3A_86 = arith.index_cast %add3A_56 : i32 to index
      %swap3A_87 = arith.constant 16 : index
      %swap3A_88 = tpu.vector_load %arg9[%swap3A_86, %swap3A_87] {strides = array<i32>} : memref<128x80xf32, #tpu.memory_space<vmem>>, vector<1x16xf32>,
      %swap3A_89 = vector.shape_cast %swap3A_88 : vector<1x16xf32> to vector<16xf32>
      %swap3A_90 = vector.shape_cast %mul3A_85 : vector<16xf32> to vector<1x16xf32>
      tpu.vector_store %arg9[%swap3A_86, %swap3A_87], %swap3A_90 {strides = array<i32>} : memref<128x80xf32, #tpu.memory_space<vmem>>, vector<1x16xf32>,
      %get3A_91 = arith.index_cast %add3A_56 : i32 to index
      %get3A_92 = arith.constant 32 : index
      %get3A_93 = tpu.vector_load %arg9[%get3A_91, %get3A_92] {strides = array<i32>} : memref<128x80xf32, #tpu.memory_space<vmem>>, vector<1x16xf32>,
      %get3A_94 = vector.shape_cast %get3A_93 : vector<1x16xf32> to vector<16xf32>
      %mul3A_95 = arith.mulf %get3A_94, %gather3A_71 : vector<16xf32>
      %swap3A_96 = arith.index_cast %add3A_56 : i32 to index
      %swap3A_97 = arith.constant 32 : index
      %swap3A_98 = tpu.vector_load %arg9[%swap3A_96, %swap3A_97] {strides = array<i32>} : memref<128x80xf32, #tpu.memory_space<vmem>>, vector<1x16xf32>,
      %swap3A_99 = vector.shape_cast %swap3A_98 : vector<1x16xf32> to vector<16xf32>
      %swap3A_100 = vector.shape_cast %mul3A_95 : vector<16xf32> to vector<1x16xf32>
      tpu.vector_store %arg9[%swap3A_96, %swap3A_97], %swap3A_100 {strides = array<i32>} : memref<128x80xf32, #tpu.memory_space<vmem>>, vector<1x16xf32>,
      %get3A_101 = arith.index_cast %add3A_56 : i32 to index
      %get3A_102 = arith.constant 48 : index
      %get3A_103 = tpu.vector_load %arg9[%get3A_101, %get3A_102] {strides = array<i32>} : memref<128x80xf32, #tpu.memory_space<vmem>>, vector<1x16xf32>,
      %get3A_104 = vector.shape_cast %get3A_103 : vector<1x16xf32> to vector<16xf32>
      %mul3A_105 = arith.mulf %get3A_104, %gather3A_71 : vector<16xf32>
      %swap3A_106 = arith.index_cast %add3A_56 : i32 to index
      %swap3A_107 = arith.constant 48 : index
      %swap3A_108 = tpu.vector_load %arg9[%swap3A_106, %swap3A_107] {strides = array<i32>} : memref<128x80xf32, #tpu.memory_space<vmem>>, vector<1x16xf32>,
      %swap3A_109 = vector.shape_cast %swap3A_108 : vector<1x16xf32> to vector<16xf32>
      %swap3A_110 = vector.shape_cast %mul3A_105 : vector<16xf32> to vector<1x16xf32>
      tpu.vector_store %arg9[%swap3A_106, %swap3A_107], %swap3A_110 {strides = array<i32>} : memref<128x80xf32, #tpu.memory_space<vmem>>, vector<1x16xf32>,
    }
    %scan3A_30 = arith.constant 128 : i32
    "tpu.region"() ({
      %run_scoped3A = tpu.sem_alloc : memref<!tpu.dma_semaphore, #tpu.memory_space<semaphore_mem>>
      %dma_start3A = arith.constant 0 : i32
      %dma_start3A_52 = arith.constant 0 : i32
      %dma_start3A_53 = tpu.memref_slice %arg9[%dma_start3A, %dma_start3A_52] : memref<128x80xf32, #tpu.memory_space<vmem>> -> memref<128x80xf32, #tpu.memory_space<vmem>>
      %dma_start3A_54 = arith.constant 0 : i32
      %dma_start3A_55 = tpu.memref_slice %arg6[%arg0, %add3A_25, %dma_start3A_54] : memref<2x10112x80xf32, #tpu.memory_space<hbm>> -> memref<1x128x80xf32, #tpu.memory_space<hbm>>
      %dma_start3A_56 = tpu.memref_squeeze %dma_start3A_55 : memref<1x128x80xf32, #tpu.memory_space<hbm>> -> memref<128x80xf32, #tpu.memory_space<hbm>>
      %dma_start3A_57 = arith.constant 0 : i32
      %dma_start3A_58 = tpu.memref_slice %arg6[%arg0, %add3A_25, %dma_start3A_57] : memref<2x10112x80xf32, #tpu.memory_space<hbm>> -> memref<1x128x80xf32, #tpu.memory_space<hbm>>
      %dma_start3A_59 = tpu.memref_squeeze %dma_start3A_58 : memref<1x128x80xf32, #tpu.memory_space<hbm>> -> memref<128x80xf32, #tpu.memory_space<hbm>>
      %dma_start3A_60 = arith.constant 0 : i32
      %dma_start3A_61 = arith.constant 0 : i32
      %dma_start3A_62 = tpu.memref_slice %arg9[%dma_start3A_60, %dma_start3A_61] : memref<128x80xf32, #tpu.memory_space<vmem>> -> memref<128x80xf32, #tpu.memory_space<vmem>>
      tpu.enqueue_dma source(%dma_start3A_62 : memref<128x80xf32, #tpu.memory_space<vmem>>) target(%dma_start3A_59 : memref<128x80xf32, #tpu.memory_space<hbm>>) target_semaphore(%run_scoped3A : memref<!tpu.dma_semaphore, #tpu.memory_space<semaphore_mem>>)
      %dma_wait3A = arith.constant 0 : i32
      %dma_wait3A_63 = arith.constant 0 : i32
      %dma_wait3A_64 = tpu.memref_slice %arg9[%dma_wait3A, %dma_wait3A_63] : memref<128x80xf32, #tpu.memory_space<vmem>> -> memref<128x80xf32, #tpu.memory_space<vmem>>
      %dma_wait3A_65 = arith.constant 0 : i32
      %dma_wait3A_66 = tpu.memref_slice %arg6[%arg0, %add3A_25, %dma_wait3A_65] : memref<2x10112x80xf32, #tpu.memory_space<hbm>> -> memref<1x128x80xf32, #tpu.memory_space<hbm>>
      %dma_wait3A_67 = tpu.memref_squeeze %dma_wait3A_66 : memref<1x128x80xf32, #tpu.memory_space<hbm>> -> memref<128x80xf32, #tpu.memory_space<hbm>>
      %dma_wait3A_68 = arith.constant 0 : i32
      %dma_wait3A_69 = tpu.memref_slice %arg6[%arg0, %add3A_25, %dma_wait3A_68] : memref<2x10112x80xf32, #tpu.memory_space<hbm>> -> memref<1x128x80xf32, #tpu.memory_space<hbm>>
      %dma_wait3A_70 = tpu.memref_squeeze %dma_wait3A_69 : memref<1x128x80xf32, #tpu.memory_space<hbm>> -> memref<128x80xf32, #tpu.memory_space<hbm>>
      %dma_wait3A_71 = arith.constant 0 : i32
      %dma_wait3A_72 = arith.constant 0 : i32
      %dma_wait3A_73 = tpu.memref_slice %arg9[%dma_wait3A_71, %dma_wait3A_72] : memref<128x80xf32, #tpu.memory_space<vmem>> -> memref<128x80xf32, #tpu.memory_space<vmem>>
      tpu.wait_dma2 semaphore(%run_scoped3A : memref<!tpu.dma_semaphore, #tpu.memory_space<semaphore_mem>>) src(%dma_wait3A_73 : memref<128x80xf32, #tpu.memory_space<vmem>>) dst(%dma_wait3A_70 : memref<128x80xf32, #tpu.memory_space<hbm>>)
      tpu.yield
    }) : () -> ()
    %add3A_31 = arith.constant 256 : i32
    %add3A_32 = arith.addi %mul3A_0, %add3A_31 : i32
    "tpu.region"() ({
      %run_scoped3A = tpu.sem_alloc : memref<!tpu.dma_semaphore, #tpu.memory_space<semaphore_mem>>
      %dma_start3A = arith.constant 0 : i32
      %dma_start3A_52 = arith.constant 0 : i32
      %dma_start3A_53 = tpu.memref_slice %arg9[%dma_start3A, %dma_start3A_52] : memref<128x80xf32, #tpu.memory_space<vmem>> -> memref<128x80xf32, #tpu.memory_space<vmem>>
      %dma_start3A_54 = arith.constant 0 : i32
      %dma_start3A_55 = tpu.memref_slice %arg14[%add3A_32, %dma_start3A_54] : memref<10112x80xf32, #tpu.memory_space<vmem_shared>> -> memref<128x80xf32, #tpu.memory_space<vmem_shared>>
      %dma_start3A_56 = arith.constant 0 : i32
      %dma_start3A_57 = arith.constant 0 : i32
      %dma_start3A_58 = tpu.memref_slice %arg9[%dma_start3A_56, %dma_start3A_57] : memref<128x80xf32, #tpu.memory_space<vmem>> -> memref<128x80xf32, #tpu.memory_space<vmem>>
      %dma_start3A_59 = arith.constant 0 : i32
      %dma_start3A_60 = tpu.memref_slice %arg14[%add3A_32, %dma_start3A_59] : memref<10112x80xf32, #tpu.memory_space<vmem_shared>> -> memref<128x80xf32, #tpu.memory_space<vmem_shared>>
      tpu.enqueue_dma source(%dma_start3A_60 : memref<128x80xf32, #tpu.memory_space<vmem_shared>>) target(%dma_start3A_58 : memref<128x80xf32, #tpu.memory_space<vmem>>) target_semaphore(%run_scoped3A : memref<!tpu.dma_semaphore, #tpu.memory_space<semaphore_mem>>)
      %dma_wait3A = arith.constant 0 : i32
      %dma_wait3A_61 = arith.constant 0 : i32
      %dma_wait3A_62 = tpu.memref_slice %arg9[%dma_wait3A, %dma_wait3A_61] : memref<128x80xf32, #tpu.memory_space<vmem>> -> memref<128x80xf32, #tpu.memory_space<vmem>>
      %dma_wait3A_63 = arith.constant 0 : i32
      %dma_wait3A_64 = tpu.memref_slice %arg14[%add3A_32, %dma_wait3A_63] : memref<10112x80xf32, #tpu.memory_space<vmem_shared>> -> memref<128x80xf32, #tpu.memory_space<vmem_shared>>
      %dma_wait3A_65 = arith.constant 0 : i32
      %dma_wait3A_66 = arith.constant 0 : i32
      %dma_wait3A_67 = tpu.memref_slice %arg9[%dma_wait3A_65, %dma_wait3A_66] : memref<128x80xf32, #tpu.memory_space<vmem>> -> memref<128x80xf32, #tpu.memory_space<vmem>>
      %dma_wait3A_68 = arith.constant 0 : i32
      %dma_wait3A_69 = tpu.memref_slice %arg14[%add3A_32, %dma_wait3A_68] : memref<10112x80xf32, #tpu.memory_space<vmem_shared>> -> memref<128x80xf32, #tpu.memory_space<vmem_shared>>
      tpu.wait_dma2 semaphore(%run_scoped3A : memref<!tpu.dma_semaphore, #tpu.memory_space<semaphore_mem>>) src(%dma_wait3A_69 : memref<128x80xf32, #tpu.memory_space<vmem_shared>>) dst(%dma_wait3A_67 : memref<128x80xf32, #tpu.memory_space<vmem>>)
      tpu.yield
    }) : () -> ()
    %scan3A_33 = arith.constant 0 : i32
    %scan3A_34 = arith.constant 128 : i32
    %scan3A_35 = arith.addi %scan3A_33, %scan3A_34 : i32
    %scan3A_36 = arith.constant 1 : i32
    scf.for %scan3A_52 = %scan3A_33 to %scan3A_35 step %scan3A_36  : i32 {
      %mul3A_53 = arith.constant 1 : i32
      %mul3A_54 = arith.muli %scan3A_52, %mul3A_53 : i32
      %add3A_55 = arith.constant 0 : i32
      %add3A_56 = arith.addi %add3A_55, %mul3A_54 : i32
      %get3A = arith.index_cast %add3A_56 : i32 to index
      %get3A_57 = arith.constant 64 : index
      %get3A_58 = tpu.vector_load %arg9[%get3A, %get3A_57] {strides = array<i32>} : memref<128x80xf32, #tpu.memory_space<vmem>>, vector<1x16xf32>,
      %get3A_59 = vector.shape_cast %get3A_58 : vector<1x16xf32> to vector<16xf32>
      %max3A = arith.constant 1.000000e+00 : f32
      %max3A_60 = vector.broadcast %max3A : f32 to vector<16xf32>
      %max3A_61 = arith.maximumf %get3A_59, %max3A_60 : vector<16xf32>
      %div3A = arith.constant 1.000000e+00 : f32
      %div3A_62 = vector.broadcast %div3A : f32 to vector<16xf32>
      %div3A_63 = arith.divf %div3A_62, %max3A_61 : vector<16xf32>
      %broadcast_in_dim3A = arith.constant 0 : i32
      %broadcast_in_dim3A_64 = vector.broadcast %broadcast_in_dim3A : i32 to vector<16xi32>
      %lt3A = arith.constant 0 : i32
      %lt3A_65 = vector.broadcast %lt3A : i32 to vector<16xi32>
      %lt3A_66 = arith.cmpi slt, %broadcast_in_dim3A_64, %lt3A_65 : vector<16xi32>
      %add3A_67 = arith.constant 16 : i32
      %add3A_68 = vector.broadcast %add3A_67 : i32 to vector<16xi32>
      %add3A_69 = arith.addi %broadcast_in_dim3A_64, %add3A_68 : vector<16xi32>
      %select_n3A = arith.select %lt3A_66, %add3A_69, %broadcast_in_dim3A_64 : vector<16xi1>, vector<16xi32>
      %broadcast_in_dim3A_70 = vector.shape_cast %select_n3A : vector<16xi32> to vector<16x1xi32>
      %gather3A = vector.shape_cast %broadcast_in_dim3A_70 : vector<16x1xi32> to vector<16xi32>
      %gather3A_71 = tpu.dynamic_gather %div3A_63[%gather3A] in [0] : vector<16xf32>, vector<16xi32> -> vector<16xf32>
      %get3A_72 = arith.index_cast %add3A_56 : i32 to index
      %get3A_73 = arith.constant 0 : index
      %get3A_74 = tpu.vector_load %arg9[%get3A_72, %get3A_73] {strides = array<i32>} : memref<128x80xf32, #tpu.memory_space<vmem>>, vector<1x16xf32>,
      %get3A_75 = vector.shape_cast %get3A_74 : vector<1x16xf32> to vector<16xf32>
      %mul3A_76 = arith.mulf %get3A_75, %gather3A_71 : vector<16xf32>
      %swap3A = arith.index_cast %add3A_56 : i32 to index
      %swap3A_77 = arith.constant 0 : index
      %swap3A_78 = tpu.vector_load %arg9[%swap3A, %swap3A_77] {strides = array<i32>} : memref<128x80xf32, #tpu.memory_space<vmem>>, vector<1x16xf32>,
      %swap3A_79 = vector.shape_cast %swap3A_78 : vector<1x16xf32> to vector<16xf32>
      %swap3A_80 = vector.shape_cast %mul3A_76 : vector<16xf32> to vector<1x16xf32>
      tpu.vector_store %arg9[%swap3A, %swap3A_77], %swap3A_80 {strides = array<i32>} : memref<128x80xf32, #tpu.memory_space<vmem>>, vector<1x16xf32>,
      %get3A_81 = arith.index_cast %add3A_56 : i32 to index
      %get3A_82 = arith.constant 16 : index
      %get3A_83 = tpu.vector_load %arg9[%get3A_81, %get3A_82] {strides = array<i32>} : memref<128x80xf32, #tpu.memory_space<vmem>>, vector<1x16xf32>,
      %get3A_84 = vector.shape_cast %get3A_83 : vector<1x16xf32> to vector<16xf32>
      %mul3A_85 = arith.mulf %get3A_84, %gather3A_71 : vector<16xf32>
      %swap3A_86 = arith.index_cast %add3A_56 : i32 to index
      %swap3A_87 = arith.constant 16 : index
      %swap3A_88 = tpu.vector_load %arg9[%swap3A_86, %swap3A_87] {strides = array<i32>} : memref<128x80xf32, #tpu.memory_space<vmem>>, vector<1x16xf32>,
      %swap3A_89 = vector.shape_cast %swap3A_88 : vector<1x16xf32> to vector<16xf32>
      %swap3A_90 = vector.shape_cast %mul3A_85 : vector<16xf32> to vector<1x16xf32>
      tpu.vector_store %arg9[%swap3A_86, %swap3A_87], %swap3A_90 {strides = array<i32>} : memref<128x80xf32, #tpu.memory_space<vmem>>, vector<1x16xf32>,
      %get3A_91 = arith.index_cast %add3A_56 : i32 to index
      %get3A_92 = arith.constant 32 : index
      %get3A_93 = tpu.vector_load %arg9[%get3A_91, %get3A_92] {strides = array<i32>} : memref<128x80xf32, #tpu.memory_space<vmem>>, vector<1x16xf32>,
      %get3A_94 = vector.shape_cast %get3A_93 : vector<1x16xf32> to vector<16xf32>
      %mul3A_95 = arith.mulf %get3A_94, %gather3A_71 : vector<16xf32>
      %swap3A_96 = arith.index_cast %add3A_56 : i32 to index
      %swap3A_97 = arith.constant 32 : index
      %swap3A_98 = tpu.vector_load %arg9[%swap3A_96, %swap3A_97] {strides = array<i32>} : memref<128x80xf32, #tpu.memory_space<vmem>>, vector<1x16xf32>,
      %swap3A_99 = vector.shape_cast %swap3A_98 : vector<1x16xf32> to vector<16xf32>
      %swap3A_100 = vector.shape_cast %mul3A_95 : vector<16xf32> to vector<1x16xf32>
      tpu.vector_store %arg9[%swap3A_96, %swap3A_97], %swap3A_100 {strides = array<i32>} : memref<128x80xf32, #tpu.memory_space<vmem>>, vector<1x16xf32>,
      %get3A_101 = arith.index_cast %add3A_56 : i32 to index
      %get3A_102 = arith.constant 48 : index
      %get3A_103 = tpu.vector_load %arg9[%get3A_101, %get3A_102] {strides = array<i32>} : memref<128x80xf32, #tpu.memory_space<vmem>>, vector<1x16xf32>,
      %get3A_104 = vector.shape_cast %get3A_103 : vector<1x16xf32> to vector<16xf32>
      %mul3A_105 = arith.mulf %get3A_104, %gather3A_71 : vector<16xf32>
      %swap3A_106 = arith.index_cast %add3A_56 : i32 to index
      %swap3A_107 = arith.constant 48 : index
      %swap3A_108 = tpu.vector_load %arg9[%swap3A_106, %swap3A_107] {strides = array<i32>} : memref<128x80xf32, #tpu.memory_space<vmem>>, vector<1x16xf32>,
      %swap3A_109 = vector.shape_cast %swap3A_108 : vector<1x16xf32> to vector<16xf32>
      %swap3A_110 = vector.shape_cast %mul3A_105 : vector<16xf32> to vector<1x16xf32>
      tpu.vector_store %arg9[%swap3A_106, %swap3A_107], %swap3A_110 {strides = array<i32>} : memref<128x80xf32, #tpu.memory_space<vmem>>, vector<1x16xf32>,
    }
    %scan3A_37 = arith.constant 128 : i32
    "tpu.region"() ({
      %run_scoped3A = tpu.sem_alloc : memref<!tpu.dma_semaphore, #tpu.memory_space<semaphore_mem>>
      %dma_start3A = arith.constant 0 : i32
      %dma_start3A_52 = arith.constant 0 : i32
      %dma_start3A_53 = tpu.memref_slice %arg9[%dma_start3A, %dma_start3A_52] : memref<128x80xf32, #tpu.memory_space<vmem>> -> memref<128x80xf32, #tpu.memory_space<vmem>>
      %dma_start3A_54 = arith.constant 0 : i32
      %dma_start3A_55 = tpu.memref_slice %arg6[%arg0, %add3A_32, %dma_start3A_54] : memref<2x10112x80xf32, #tpu.memory_space<hbm>> -> memref<1x128x80xf32, #tpu.memory_space<hbm>>
      %dma_start3A_56 = tpu.memref_squeeze %dma_start3A_55 : memref<1x128x80xf32, #tpu.memory_space<hbm>> -> memref<128x80xf32, #tpu.memory_space<hbm>>
      %dma_start3A_57 = arith.constant 0 : i32
      %dma_start3A_58 = tpu.memref_slice %arg6[%arg0, %add3A_32, %dma_start3A_57] : memref<2x10112x80xf32, #tpu.memory_space<hbm>> -> memref<1x128x80xf32, #tpu.memory_space<hbm>>
      %dma_start3A_59 = tpu.memref_squeeze %dma_start3A_58 : memref<1x128x80xf32, #tpu.memory_space<hbm>> -> memref<128x80xf32, #tpu.memory_space<hbm>>
      %dma_start3A_60 = arith.constant 0 : i32
      %dma_start3A_61 = arith.constant 0 : i32
      %dma_start3A_62 = tpu.memref_slice %arg9[%dma_start3A_60, %dma_start3A_61] : memref<128x80xf32, #tpu.memory_space<vmem>> -> memref<128x80xf32, #tpu.memory_space<vmem>>
      tpu.enqueue_dma source(%dma_start3A_62 : memref<128x80xf32, #tpu.memory_space<vmem>>) target(%dma_start3A_59 : memref<128x80xf32, #tpu.memory_space<hbm>>) target_semaphore(%run_scoped3A : memref<!tpu.dma_semaphore, #tpu.memory_space<semaphore_mem>>)
      %dma_wait3A = arith.constant 0 : i32
      %dma_wait3A_63 = arith.constant 0 : i32
      %dma_wait3A_64 = tpu.memref_slice %arg9[%dma_wait3A, %dma_wait3A_63] : memref<128x80xf32, #tpu.memory_space<vmem>> -> memref<128x80xf32, #tpu.memory_space<vmem>>
      %dma_wait3A_65 = arith.constant 0 : i32
      %dma_wait3A_66 = tpu.memref_slice %arg6[%arg0, %add3A_32, %dma_wait3A_65] : memref<2x10112x80xf32, #tpu.memory_space<hbm>> -> memref<1x128x80xf32, #tpu.memory_space<hbm>>
      %dma_wait3A_67 = tpu.memref_squeeze %dma_wait3A_66 : memref<1x128x80xf32, #tpu.memory_space<hbm>> -> memref<128x80xf32, #tpu.memory_space<hbm>>
      %dma_wait3A_68 = arith.constant 0 : i32
      %dma_wait3A_69 = tpu.memref_slice %arg6[%arg0, %add3A_32, %dma_wait3A_68] : memref<2x10112x80xf32, #tpu.memory_space<hbm>> -> memref<1x128x80xf32, #tpu.memory_space<hbm>>
      %dma_wait3A_70 = tpu.memref_squeeze %dma_wait3A_69 : memref<1x128x80xf32, #tpu.memory_space<hbm>> -> memref<128x80xf32, #tpu.memory_space<hbm>>
      %dma_wait3A_71 = arith.constant 0 : i32
      %dma_wait3A_72 = arith.constant 0 : i32
      %dma_wait3A_73 = tpu.memref_slice %arg9[%dma_wait3A_71, %dma_wait3A_72] : memref<128x80xf32, #tpu.memory_space<vmem>> -> memref<128x80xf32, #tpu.memory_space<vmem>>
      tpu.wait_dma2 semaphore(%run_scoped3A : memref<!tpu.dma_semaphore, #tpu.memory_space<semaphore_mem>>) src(%dma_wait3A_73 : memref<128x80xf32, #tpu.memory_space<vmem>>) dst(%dma_wait3A_70 : memref<128x80xf32, #tpu.memory_space<hbm>>)
      tpu.yield
    }) : () -> ()
    %add3A_38 = arith.constant 384 : i32
    %add3A_39 = arith.addi %mul3A_0, %add3A_38 : i32
    "tpu.region"() ({
      %run_scoped3A = tpu.sem_alloc : memref<!tpu.dma_semaphore, #tpu.memory_space<semaphore_mem>>
      %dma_start3A = arith.constant 0 : i32
      %dma_start3A_52 = arith.constant 0 : i32
      %dma_start3A_53 = tpu.memref_slice %arg9[%dma_start3A, %dma_start3A_52] : memref<128x80xf32, #tpu.memory_space<vmem>> -> memref<128x80xf32, #tpu.memory_space<vmem>>
      %dma_start3A_54 = arith.constant 0 : i32
      %dma_start3A_55 = tpu.memref_slice %arg14[%add3A_39, %dma_start3A_54] : memref<10112x80xf32, #tpu.memory_space<vmem_shared>> -> memref<128x80xf32, #tpu.memory_space<vmem_shared>>
      %dma_start3A_56 = arith.constant 0 : i32
      %dma_start3A_57 = arith.constant 0 : i32
      %dma_start3A_58 = tpu.memref_slice %arg9[%dma_start3A_56, %dma_start3A_57] : memref<128x80xf32, #tpu.memory_space<vmem>> -> memref<128x80xf32, #tpu.memory_space<vmem>>
      %dma_start3A_59 = arith.constant 0 : i32
      %dma_start3A_60 = tpu.memref_slice %arg14[%add3A_39, %dma_start3A_59] : memref<10112x80xf32, #tpu.memory_space<vmem_shared>> -> memref<128x80xf32, #tpu.memory_space<vmem_shared>>
      tpu.enqueue_dma source(%dma_start3A_60 : memref<128x80xf32, #tpu.memory_space<vmem_shared>>) target(%dma_start3A_58 : memref<128x80xf32, #tpu.memory_space<vmem>>) target_semaphore(%run_scoped3A : memref<!tpu.dma_semaphore, #tpu.memory_space<semaphore_mem>>)
      %dma_wait3A = arith.constant 0 : i32
      %dma_wait3A_61 = arith.constant 0 : i32
      %dma_wait3A_62 = tpu.memref_slice %arg9[%dma_wait3A, %dma_wait3A_61] : memref<128x80xf32, #tpu.memory_space<vmem>> -> memref<128x80xf32, #tpu.memory_space<vmem>>
      %dma_wait3A_63 = arith.constant 0 : i32
      %dma_wait3A_64 = tpu.memref_slice %arg14[%add3A_39, %dma_wait3A_63] : memref<10112x80xf32, #tpu.memory_space<vmem_shared>> -> memref<128x80xf32, #tpu.memory_space<vmem_shared>>
      %dma_wait3A_65 = arith.constant 0 : i32
      %dma_wait3A_66 = arith.constant 0 : i32
      %dma_wait3A_67 = tpu.memref_slice %arg9[%dma_wait3A_65, %dma_wait3A_66] : memref<128x80xf32, #tpu.memory_space<vmem>> -> memref<128x80xf32, #tpu.memory_space<vmem>>
      %dma_wait3A_68 = arith.constant 0 : i32
      %dma_wait3A_69 = tpu.memref_slice %arg14[%add3A_39, %dma_wait3A_68] : memref<10112x80xf32, #tpu.memory_space<vmem_shared>> -> memref<128x80xf32, #tpu.memory_space<vmem_shared>>
      tpu.wait_dma2 semaphore(%run_scoped3A : memref<!tpu.dma_semaphore, #tpu.memory_space<semaphore_mem>>) src(%dma_wait3A_69 : memref<128x80xf32, #tpu.memory_space<vmem_shared>>) dst(%dma_wait3A_67 : memref<128x80xf32, #tpu.memory_space<vmem>>)
      tpu.yield
    }) : () -> ()
    %scan3A_40 = arith.constant 0 : i32
    %scan3A_41 = arith.constant 128 : i32
    %scan3A_42 = arith.addi %scan3A_40, %scan3A_41 : i32
    %scan3A_43 = arith.constant 1 : i32
    scf.for %scan3A_52 = %scan3A_40 to %scan3A_42 step %scan3A_43  : i32 {
      %mul3A_53 = arith.constant 1 : i32
      %mul3A_54 = arith.muli %scan3A_52, %mul3A_53 : i32
      %add3A_55 = arith.constant 0 : i32
      %add3A_56 = arith.addi %add3A_55, %mul3A_54 : i32
      %get3A = arith.index_cast %add3A_56 : i32 to index
      %get3A_57 = arith.constant 64 : index
      %get3A_58 = tpu.vector_load %arg9[%get3A, %get3A_57] {strides = array<i32>} : memref<128x80xf32, #tpu.memory_space<vmem>>, vector<1x16xf32>,
      %get3A_59 = vector.shape_cast %get3A_58 : vector<1x16xf32> to vector<16xf32>
      %max3A = arith.constant 1.000000e+00 : f32
      %max3A_60 = vector.broadcast %max3A : f32 to vector<16xf32>
      %max3A_61 = arith.maximumf %get3A_59, %max3A_60 : vector<16xf32>
      %div3A = arith.constant 1.000000e+00 : f32
      %div3A_62 = vector.broadcast %div3A : f32 to vector<16xf32>
      %div3A_63 = arith.divf %div3A_62, %max3A_61 : vector<16xf32>
      %broadcast_in_dim3A = arith.constant 0 : i32
      %broadcast_in_dim3A_64 = vector.broadcast %broadcast_in_dim3A : i32 to vector<16xi32>
      %lt3A = arith.constant 0 : i32
      %lt3A_65 = vector.broadcast %lt3A : i32 to vector<16xi32>
      %lt3A_66 = arith.cmpi slt, %broadcast_in_dim3A_64, %lt3A_65 : vector<16xi32>
      %add3A_67 = arith.constant 16 : i32
      %add3A_68 = vector.broadcast %add3A_67 : i32 to vector<16xi32>
      %add3A_69 = arith.addi %broadcast_in_dim3A_64, %add3A_68 : vector<16xi32>
      %select_n3A = arith.select %lt3A_66, %add3A_69, %broadcast_in_dim3A_64 : vector<16xi1>, vector<16xi32>
      %broadcast_in_dim3A_70 = vector.shape_cast %select_n3A : vector<16xi32> to vector<16x1xi32>
      %gather3A = vector.shape_cast %broadcast_in_dim3A_70 : vector<16x1xi32> to vector<16xi32>
      %gather3A_71 = tpu.dynamic_gather %div3A_63[%gather3A] in [0] : vector<16xf32>, vector<16xi32> -> vector<16xf32>
      %get3A_72 = arith.index_cast %add3A_56 : i32 to index
      %get3A_73 = arith.constant 0 : index
      %get3A_74 = tpu.vector_load %arg9[%get3A_72, %get3A_73] {strides = array<i32>} : memref<128x80xf32, #tpu.memory_space<vmem>>, vector<1x16xf32>,
      %get3A_75 = vector.shape_cast %get3A_74 : vector<1x16xf32> to vector<16xf32>
      %mul3A_76 = arith.mulf %get3A_75, %gather3A_71 : vector<16xf32>
      %swap3A = arith.index_cast %add3A_56 : i32 to index
      %swap3A_77 = arith.constant 0 : index
      %swap3A_78 = tpu.vector_load %arg9[%swap3A, %swap3A_77] {strides = array<i32>} : memref<128x80xf32, #tpu.memory_space<vmem>>, vector<1x16xf32>,
      %swap3A_79 = vector.shape_cast %swap3A_78 : vector<1x16xf32> to vector<16xf32>
      %swap3A_80 = vector.shape_cast %mul3A_76 : vector<16xf32> to vector<1x16xf32>
      tpu.vector_store %arg9[%swap3A, %swap3A_77], %swap3A_80 {strides = array<i32>} : memref<128x80xf32, #tpu.memory_space<vmem>>, vector<1x16xf32>,
      %get3A_81 = arith.index_cast %add3A_56 : i32 to index
      %get3A_82 = arith.constant 16 : index
      %get3A_83 = tpu.vector_load %arg9[%get3A_81, %get3A_82] {strides = array<i32>} : memref<128x80xf32, #tpu.memory_space<vmem>>, vector<1x16xf32>,
      %get3A_84 = vector.shape_cast %get3A_83 : vector<1x16xf32> to vector<16xf32>
      %mul3A_85 = arith.mulf %get3A_84, %gather3A_71 : vector<16xf32>
      %swap3A_86 = arith.index_cast %add3A_56 : i32 to index
      %swap3A_87 = arith.constant 16 : index
      %swap3A_88 = tpu.vector_load %arg9[%swap3A_86, %swap3A_87] {strides = array<i32>} : memref<128x80xf32, #tpu.memory_space<vmem>>, vector<1x16xf32>,
      %swap3A_89 = vector.shape_cast %swap3A_88 : vector<1x16xf32> to vector<16xf32>
      %swap3A_90 = vector.shape_cast %mul3A_85 : vector<16xf32> to vector<1x16xf32>
      tpu.vector_store %arg9[%swap3A_86, %swap3A_87], %swap3A_90 {strides = array<i32>} : memref<128x80xf32, #tpu.memory_space<vmem>>, vector<1x16xf32>,
      %get3A_91 = arith.index_cast %add3A_56 : i32 to index
      %get3A_92 = arith.constant 32 : index
      %get3A_93 = tpu.vector_load %arg9[%get3A_91, %get3A_92] {strides = array<i32>} : memref<128x80xf32, #tpu.memory_space<vmem>>, vector<1x16xf32>,
      %get3A_94 = vector.shape_cast %get3A_93 : vector<1x16xf32> to vector<16xf32>
      %mul3A_95 = arith.mulf %get3A_94, %gather3A_71 : vector<16xf32>
      %swap3A_96 = arith.index_cast %add3A_56 : i32 to index
      %swap3A_97 = arith.constant 32 : index
      %swap3A_98 = tpu.vector_load %arg9[%swap3A_96, %swap3A_97] {strides = array<i32>} : memref<128x80xf32, #tpu.memory_space<vmem>>, vector<1x16xf32>,
      %swap3A_99 = vector.shape_cast %swap3A_98 : vector<1x16xf32> to vector<16xf32>
      %swap3A_100 = vector.shape_cast %mul3A_95 : vector<16xf32> to vector<1x16xf32>
      tpu.vector_store %arg9[%swap3A_96, %swap3A_97], %swap3A_100 {strides = array<i32>} : memref<128x80xf32, #tpu.memory_space<vmem>>, vector<1x16xf32>,
      %get3A_101 = arith.index_cast %add3A_56 : i32 to index
      %get3A_102 = arith.constant 48 : index
      %get3A_103 = tpu.vector_load %arg9[%get3A_101, %get3A_102] {strides = array<i32>} : memref<128x80xf32, #tpu.memory_space<vmem>>, vector<1x16xf32>,
      %get3A_104 = vector.shape_cast %get3A_103 : vector<1x16xf32> to vector<16xf32>
      %mul3A_105 = arith.mulf %get3A_104, %gather3A_71 : vector<16xf32>
      %swap3A_106 = arith.index_cast %add3A_56 : i32 to index
      %swap3A_107 = arith.constant 48 : index
      %swap3A_108 = tpu.vector_load %arg9[%swap3A_106, %swap3A_107] {strides = array<i32>} : memref<128x80xf32, #tpu.memory_space<vmem>>, vector<1x16xf32>,
      %swap3A_109 = vector.shape_cast %swap3A_108 : vector<1x16xf32> to vector<16xf32>
      %swap3A_110 = vector.shape_cast %mul3A_105 : vector<16xf32> to vector<1x16xf32>
      tpu.vector_store %arg9[%swap3A_106, %swap3A_107], %swap3A_110 {strides = array<i32>} : memref<128x80xf32, #tpu.memory_space<vmem>>, vector<1x16xf32>,
    }
    %scan3A_44 = arith.constant 128 : i32
    "tpu.region"() ({
      %run_scoped3A = tpu.sem_alloc : memref<!tpu.dma_semaphore, #tpu.memory_space<semaphore_mem>>
      %dma_start3A = arith.constant 0 : i32
      %dma_start3A_52 = arith.constant 0 : i32
      %dma_start3A_53 = tpu.memref_slice %arg9[%dma_start3A, %dma_start3A_52] : memref<128x80xf32, #tpu.memory_space<vmem>> -> memref<128x80xf32, #tpu.memory_space<vmem>>
      %dma_start3A_54 = arith.constant 0 : i32
      %dma_start3A_55 = tpu.memref_slice %arg6[%arg0, %add3A_39, %dma_start3A_54] : memref<2x10112x80xf32, #tpu.memory_space<hbm>> -> memref<1x128x80xf32, #tpu.memory_space<hbm>>
      %dma_start3A_56 = tpu.memref_squeeze %dma_start3A_55 : memref<1x128x80xf32, #tpu.memory_space<hbm>> -> memref<128x80xf32, #tpu.memory_space<hbm>>
      %dma_start3A_57 = arith.constant 0 : i32
      %dma_start3A_58 = tpu.memref_slice %arg6[%arg0, %add3A_39, %dma_start3A_57] : memref<2x10112x80xf32, #tpu.memory_space<hbm>> -> memref<1x128x80xf32, #tpu.memory_space<hbm>>
      %dma_start3A_59 = tpu.memref_squeeze %dma_start3A_58 : memref<1x128x80xf32, #tpu.memory_space<hbm>> -> memref<128x80xf32, #tpu.memory_space<hbm>>
      %dma_start3A_60 = arith.constant 0 : i32
      %dma_start3A_61 = arith.constant 0 : i32
      %dma_start3A_62 = tpu.memref_slice %arg9[%dma_start3A_60, %dma_start3A_61] : memref<128x80xf32, #tpu.memory_space<vmem>> -> memref<128x80xf32, #tpu.memory_space<vmem>>
      tpu.enqueue_dma source(%dma_start3A_62 : memref<128x80xf32, #tpu.memory_space<vmem>>) target(%dma_start3A_59 : memref<128x80xf32, #tpu.memory_space<hbm>>) target_semaphore(%run_scoped3A : memref<!tpu.dma_semaphore, #tpu.memory_space<semaphore_mem>>)
      %dma_wait3A = arith.constant 0 : i32
      %dma_wait3A_63 = arith.constant 0 : i32
      %dma_wait3A_64 = tpu.memref_slice %arg9[%dma_wait3A, %dma_wait3A_63] : memref<128x80xf32, #tpu.memory_space<vmem>> -> memref<128x80xf32, #tpu.memory_space<vmem>>
      %dma_wait3A_65 = arith.constant 0 : i32
      %dma_wait3A_66 = tpu.memref_slice %arg6[%arg0, %add3A_39, %dma_wait3A_65] : memref<2x10112x80xf32, #tpu.memory_space<hbm>> -> memref<1x128x80xf32, #tpu.memory_space<hbm>>
      %dma_wait3A_67 = tpu.memref_squeeze %dma_wait3A_66 : memref<1x128x80xf32, #tpu.memory_space<hbm>> -> memref<128x80xf32, #tpu.memory_space<hbm>>
      %dma_wait3A_68 = arith.constant 0 : i32
      %dma_wait3A_69 = tpu.memref_slice %arg6[%arg0, %add3A_39, %dma_wait3A_68] : memref<2x10112x80xf32, #tpu.memory_space<hbm>> -> memref<1x128x80xf32, #tpu.memory_space<hbm>>
      %dma_wait3A_70 = tpu.memref_squeeze %dma_wait3A_69 : memref<1x128x80xf32, #tpu.memory_space<hbm>> -> memref<128x80xf32, #tpu.memory_space<hbm>>
      %dma_wait3A_71 = arith.constant 0 : i32
      %dma_wait3A_72 = arith.constant 0 : i32
      %dma_wait3A_73 = tpu.memref_slice %arg9[%dma_wait3A_71, %dma_wait3A_72] : memref<128x80xf32, #tpu.memory_space<vmem>> -> memref<128x80xf32, #tpu.memory_space<vmem>>
      tpu.wait_dma2 semaphore(%run_scoped3A : memref<!tpu.dma_semaphore, #tpu.memory_space<semaphore_mem>>) src(%dma_wait3A_73 : memref<128x80xf32, #tpu.memory_space<vmem>>) dst(%dma_wait3A_70 : memref<128x80xf32, #tpu.memory_space<hbm>>)
      tpu.yield
    }) : () -> ()
    %add3A_45 = arith.constant 512 : i32
    %add3A_46 = arith.addi %mul3A_0, %add3A_45 : i32
    "tpu.region"() ({
      %run_scoped3A = tpu.sem_alloc : memref<!tpu.dma_semaphore, #tpu.memory_space<semaphore_mem>>
      %dma_start3A = arith.constant 0 : i32
      %dma_start3A_52 = arith.constant 0 : i32
      %dma_start3A_53 = tpu.memref_slice %arg9[%dma_start3A, %dma_start3A_52] : memref<128x80xf32, #tpu.memory_space<vmem>> -> memref<120x80xf32, #tpu.memory_space<vmem>>
      %dma_start3A_54 = arith.constant 0 : i32
      %dma_start3A_55 = tpu.memref_slice %arg14[%add3A_46, %dma_start3A_54] : memref<10112x80xf32, #tpu.memory_space<vmem_shared>> -> memref<120x80xf32, #tpu.memory_space<vmem_shared>>
      %dma_start3A_56 = arith.constant 0 : i32
      %dma_start3A_57 = arith.constant 0 : i32
      %dma_start3A_58 = tpu.memref_slice %arg9[%dma_start3A_56, %dma_start3A_57] : memref<128x80xf32, #tpu.memory_space<vmem>> -> memref<120x80xf32, #tpu.memory_space<vmem>>
      %dma_start3A_59 = arith.constant 0 : i32
      %dma_start3A_60 = tpu.memref_slice %arg14[%add3A_46, %dma_start3A_59] : memref<10112x80xf32, #tpu.memory_space<vmem_shared>> -> memref<120x80xf32, #tpu.memory_space<vmem_shared>>
      tpu.enqueue_dma source(%dma_start3A_60 : memref<120x80xf32, #tpu.memory_space<vmem_shared>>) target(%dma_start3A_58 : memref<120x80xf32, #tpu.memory_space<vmem>>) target_semaphore(%run_scoped3A : memref<!tpu.dma_semaphore, #tpu.memory_space<semaphore_mem>>)
      %dma_wait3A = arith.constant 0 : i32
      %dma_wait3A_61 = arith.constant 0 : i32
      %dma_wait3A_62 = tpu.memref_slice %arg9[%dma_wait3A, %dma_wait3A_61] : memref<128x80xf32, #tpu.memory_space<vmem>> -> memref<120x80xf32, #tpu.memory_space<vmem>>
      %dma_wait3A_63 = arith.constant 0 : i32
      %dma_wait3A_64 = tpu.memref_slice %arg14[%add3A_46, %dma_wait3A_63] : memref<10112x80xf32, #tpu.memory_space<vmem_shared>> -> memref<120x80xf32, #tpu.memory_space<vmem_shared>>
      %dma_wait3A_65 = arith.constant 0 : i32
      %dma_wait3A_66 = arith.constant 0 : i32
      %dma_wait3A_67 = tpu.memref_slice %arg9[%dma_wait3A_65, %dma_wait3A_66] : memref<128x80xf32, #tpu.memory_space<vmem>> -> memref<120x80xf32, #tpu.memory_space<vmem>>
      %dma_wait3A_68 = arith.constant 0 : i32
      %dma_wait3A_69 = tpu.memref_slice %arg14[%add3A_46, %dma_wait3A_68] : memref<10112x80xf32, #tpu.memory_space<vmem_shared>> -> memref<120x80xf32, #tpu.memory_space<vmem_shared>>
      tpu.wait_dma2 semaphore(%run_scoped3A : memref<!tpu.dma_semaphore, #tpu.memory_space<semaphore_mem>>) src(%dma_wait3A_69 : memref<120x80xf32, #tpu.memory_space<vmem_shared>>) dst(%dma_wait3A_67 : memref<120x80xf32, #tpu.memory_space<vmem>>)
      tpu.yield
    }) : () -> ()
    %scan3A_47 = arith.constant 0 : i32
    %scan3A_48 = arith.constant 120 : i32
    %scan3A_49 = arith.addi %scan3A_47, %scan3A_48 : i32
    %scan3A_50 = arith.constant 1 : i32
    scf.for %scan3A_52 = %scan3A_47 to %scan3A_49 step %scan3A_50  : i32 {
      %mul3A_53 = arith.constant 1 : i32
      %mul3A_54 = arith.muli %scan3A_52, %mul3A_53 : i32
      %add3A_55 = arith.constant 0 : i32
      %add3A_56 = arith.addi %add3A_55, %mul3A_54 : i32
      %get3A = arith.index_cast %add3A_56 : i32 to index
      %get3A_57 = arith.constant 64 : index
      %get3A_58 = tpu.vector_load %arg9[%get3A, %get3A_57] {strides = array<i32>} : memref<128x80xf32, #tpu.memory_space<vmem>>, vector<1x16xf32>,
      %get3A_59 = vector.shape_cast %get3A_58 : vector<1x16xf32> to vector<16xf32>
      %max3A = arith.constant 1.000000e+00 : f32
      %max3A_60 = vector.broadcast %max3A : f32 to vector<16xf32>
      %max3A_61 = arith.maximumf %get3A_59, %max3A_60 : vector<16xf32>
      %div3A = arith.constant 1.000000e+00 : f32
      %div3A_62 = vector.broadcast %div3A : f32 to vector<16xf32>
      %div3A_63 = arith.divf %div3A_62, %max3A_61 : vector<16xf32>
      %broadcast_in_dim3A = arith.constant 0 : i32
      %broadcast_in_dim3A_64 = vector.broadcast %broadcast_in_dim3A : i32 to vector<16xi32>
      %lt3A = arith.constant 0 : i32
      %lt3A_65 = vector.broadcast %lt3A : i32 to vector<16xi32>
      %lt3A_66 = arith.cmpi slt, %broadcast_in_dim3A_64, %lt3A_65 : vector<16xi32>
      %add3A_67 = arith.constant 16 : i32
      %add3A_68 = vector.broadcast %add3A_67 : i32 to vector<16xi32>
      %add3A_69 = arith.addi %broadcast_in_dim3A_64, %add3A_68 : vector<16xi32>
      %select_n3A = arith.select %lt3A_66, %add3A_69, %broadcast_in_dim3A_64 : vector<16xi1>, vector<16xi32>
      %broadcast_in_dim3A_70 = vector.shape_cast %select_n3A : vector<16xi32> to vector<16x1xi32>
      %gather3A = vector.shape_cast %broadcast_in_dim3A_70 : vector<16x1xi32> to vector<16xi32>
      %gather3A_71 = tpu.dynamic_gather %div3A_63[%gather3A] in [0] : vector<16xf32>, vector<16xi32> -> vector<16xf32>
      %get3A_72 = arith.index_cast %add3A_56 : i32 to index
      %get3A_73 = arith.constant 0 : index
      %get3A_74 = tpu.vector_load %arg9[%get3A_72, %get3A_73] {strides = array<i32>} : memref<128x80xf32, #tpu.memory_space<vmem>>, vector<1x16xf32>,
      %get3A_75 = vector.shape_cast %get3A_74 : vector<1x16xf32> to vector<16xf32>
      %mul3A_76 = arith.mulf %get3A_75, %gather3A_71 : vector<16xf32>
      %swap3A = arith.index_cast %add3A_56 : i32 to index
      %swap3A_77 = arith.constant 0 : index
      %swap3A_78 = tpu.vector_load %arg9[%swap3A, %swap3A_77] {strides = array<i32>} : memref<128x80xf32, #tpu.memory_space<vmem>>, vector<1x16xf32>,
      %swap3A_79 = vector.shape_cast %swap3A_78 : vector<1x16xf32> to vector<16xf32>
      %swap3A_80 = vector.shape_cast %mul3A_76 : vector<16xf32> to vector<1x16xf32>
      tpu.vector_store %arg9[%swap3A, %swap3A_77], %swap3A_80 {strides = array<i32>} : memref<128x80xf32, #tpu.memory_space<vmem>>, vector<1x16xf32>,
      %get3A_81 = arith.index_cast %add3A_56 : i32 to index
      %get3A_82 = arith.constant 16 : index
      %get3A_83 = tpu.vector_load %arg9[%get3A_81, %get3A_82] {strides = array<i32>} : memref<128x80xf32, #tpu.memory_space<vmem>>, vector<1x16xf32>,
      %get3A_84 = vector.shape_cast %get3A_83 : vector<1x16xf32> to vector<16xf32>
      %mul3A_85 = arith.mulf %get3A_84, %gather3A_71 : vector<16xf32>
      %swap3A_86 = arith.index_cast %add3A_56 : i32 to index
      %swap3A_87 = arith.constant 16 : index
      %swap3A_88 = tpu.vector_load %arg9[%swap3A_86, %swap3A_87] {strides = array<i32>} : memref<128x80xf32, #tpu.memory_space<vmem>>, vector<1x16xf32>,
      %swap3A_89 = vector.shape_cast %swap3A_88 : vector<1x16xf32> to vector<16xf32>
      %swap3A_90 = vector.shape_cast %mul3A_85 : vector<16xf32> to vector<1x16xf32>
      tpu.vector_store %arg9[%swap3A_86, %swap3A_87], %swap3A_90 {strides = array<i32>} : memref<128x80xf32, #tpu.memory_space<vmem>>, vector<1x16xf32>,
      %get3A_91 = arith.index_cast %add3A_56 : i32 to index
      %get3A_92 = arith.constant 32 : index
      %get3A_93 = tpu.vector_load %arg9[%get3A_91, %get3A_92] {strides = array<i32>} : memref<128x80xf32, #tpu.memory_space<vmem>>, vector<1x16xf32>,
      %get3A_94 = vector.shape_cast %get3A_93 : vector<1x16xf32> to vector<16xf32>
      %mul3A_95 = arith.mulf %get3A_94, %gather3A_71 : vector<16xf32>
      %swap3A_96 = arith.index_cast %add3A_56 : i32 to index
      %swap3A_97 = arith.constant 32 : index
      %swap3A_98 = tpu.vector_load %arg9[%swap3A_96, %swap3A_97] {strides = array<i32>} : memref<128x80xf32, #tpu.memory_space<vmem>>, vector<1x16xf32>,
      %swap3A_99 = vector.shape_cast %swap3A_98 : vector<1x16xf32> to vector<16xf32>
      %swap3A_100 = vector.shape_cast %mul3A_95 : vector<16xf32> to vector<1x16xf32>
      tpu.vector_store %arg9[%swap3A_96, %swap3A_97], %swap3A_100 {strides = array<i32>} : memref<128x80xf32, #tpu.memory_space<vmem>>, vector<1x16xf32>,
      %get3A_101 = arith.index_cast %add3A_56 : i32 to index
      %get3A_102 = arith.constant 48 : index
      %get3A_103 = tpu.vector_load %arg9[%get3A_101, %get3A_102] {strides = array<i32>} : memref<128x80xf32, #tpu.memory_space<vmem>>, vector<1x16xf32>,
      %get3A_104 = vector.shape_cast %get3A_103 : vector<1x16xf32> to vector<16xf32>
      %mul3A_105 = arith.mulf %get3A_104, %gather3A_71 : vector<16xf32>
      %swap3A_106 = arith.index_cast %add3A_56 : i32 to index
      %swap3A_107 = arith.constant 48 : index
      %swap3A_108 = tpu.vector_load %arg9[%swap3A_106, %swap3A_107] {strides = array<i32>} : memref<128x80xf32, #tpu.memory_space<vmem>>, vector<1x16xf32>,
      %swap3A_109 = vector.shape_cast %swap3A_108 : vector<1x16xf32> to vector<16xf32>
      %swap3A_110 = vector.shape_cast %mul3A_105 : vector<16xf32> to vector<1x16xf32>
      tpu.vector_store %arg9[%swap3A_106, %swap3A_107], %swap3A_110 {strides = array<i32>} : memref<128x80xf32, #tpu.memory_space<vmem>>, vector<1x16xf32>,
    }
    %scan3A_51 = arith.constant 120 : i32
    "tpu.region"() ({
      %run_scoped3A = tpu.sem_alloc : memref<!tpu.dma_semaphore, #tpu.memory_space<semaphore_mem>>
      %dma_start3A = arith.constant 0 : i32
      %dma_start3A_52 = arith.constant 0 : i32
      %dma_start3A_53 = tpu.memref_slice %arg9[%dma_start3A, %dma_start3A_52] : memref<128x80xf32, #tpu.memory_space<vmem>> -> memref<120x80xf32, #tpu.memory_space<vmem>>
      %dma_start3A_54 = arith.constant 0 : i32
      %dma_start3A_55 = tpu.memref_slice %arg6[%arg0, %add3A_46, %dma_start3A_54] : memref<2x10112x80xf32, #tpu.memory_space<hbm>> -> memref<1x120x80xf32, #tpu.memory_space<hbm>>
      %dma_start3A_56 = tpu.memref_squeeze %dma_start3A_55 : memref<1x120x80xf32, #tpu.memory_space<hbm>> -> memref<120x80xf32, #tpu.memory_space<hbm>>
      %dma_start3A_57 = arith.constant 0 : i32
      %dma_start3A_58 = tpu.memref_slice %arg6[%arg0, %add3A_46, %dma_start3A_57] : memref<2x10112x80xf32, #tpu.memory_space<hbm>> -> memref<1x120x80xf32, #tpu.memory_space<hbm>>
      %dma_start3A_59 = tpu.memref_squeeze %dma_start3A_58 : memref<1x120x80xf32, #tpu.memory_space<hbm>> -> memref<120x80xf32, #tpu.memory_space<hbm>>
      %dma_start3A_60 = arith.constant 0 : i32
      %dma_start3A_61 = arith.constant 0 : i32
      %dma_start3A_62 = tpu.memref_slice %arg9[%dma_start3A_60, %dma_start3A_61] : memref<128x80xf32, #tpu.memory_space<vmem>> -> memref<120x80xf32, #tpu.memory_space<vmem>>
      tpu.enqueue_dma source(%dma_start3A_62 : memref<120x80xf32, #tpu.memory_space<vmem>>) target(%dma_start3A_59 : memref<120x80xf32, #tpu.memory_space<hbm>>) target_semaphore(%run_scoped3A : memref<!tpu.dma_semaphore, #tpu.memory_space<semaphore_mem>>)
      %dma_wait3A = arith.constant 0 : i32
      %dma_wait3A_63 = arith.constant 0 : i32
      %dma_wait3A_64 = tpu.memref_slice %arg9[%dma_wait3A, %dma_wait3A_63] : memref<128x80xf32, #tpu.memory_space<vmem>> -> memref<120x80xf32, #tpu.memory_space<vmem>>
      %dma_wait3A_65 = arith.constant 0 : i32
      %dma_wait3A_66 = tpu.memref_slice %arg6[%arg0, %add3A_46, %dma_wait3A_65] : memref<2x10112x80xf32, #tpu.memory_space<hbm>> -> memref<1x120x80xf32, #tpu.memory_space<hbm>>
      %dma_wait3A_67 = tpu.memref_squeeze %dma_wait3A_66 : memref<1x120x80xf32, #tpu.memory_space<hbm>> -> memref<120x80xf32, #tpu.memory_space<hbm>>
      %dma_wait3A_68 = arith.constant 0 : i32
      %dma_wait3A_69 = tpu.memref_slice %arg6[%arg0, %add3A_46, %dma_wait3A_68] : memref<2x10112x80xf32, #tpu.memory_space<hbm>> -> memref<1x120x80xf32, #tpu.memory_space<hbm>>
      %dma_wait3A_70 = tpu.memref_squeeze %dma_wait3A_69 : memref<1x120x80xf32, #tpu.memory_space<hbm>> -> memref<120x80xf32, #tpu.memory_space<hbm>>
      %dma_wait3A_71 = arith.constant 0 : i32
      %dma_wait3A_72 = arith.constant 0 : i32
      %dma_wait3A_73 = tpu.memref_slice %arg9[%dma_wait3A_71, %dma_wait3A_72] : memref<128x80xf32, #tpu.memory_space<vmem>> -> memref<120x80xf32, #tpu.memory_space<vmem>>
      tpu.wait_dma2 semaphore(%run_scoped3A : memref<!tpu.dma_semaphore, #tpu.memory_space<semaphore_mem>>) src(%dma_wait3A_73 : memref<120x80xf32, #tpu.memory_space<vmem>>) dst(%dma_wait3A_70 : memref<120x80xf32, #tpu.memory_space<hbm>>)
      tpu.yield
    }) : () -> ()
    return
  }
}

module attributes {stable_mosaic.version = 14 : i64} {
  func.func @_proj_body(%arg0: memref<10000x128xf32, #tpu.memory_space<vmem>>, %arg1: memref<128x64xf32, #tpu.memory_space<vmem>>, %arg2: memref<10000x128xf32, #tpu.memory_space<vmem>>, %arg3: memref<128x64xf32, #tpu.memory_space<vmem>>, %arg4: memref<10008x80xf32, #tpu.memory_space<vmem>>, %arg5: memref<10008x80xf32, #tpu.memory_space<vmem>>) attributes {dimension_semantics = [], scalar_prefetch = 0 : i64, scratch_operands = 0 : i64, tpu.core_type = #tpu.core_type<tc>} {
    %iota3A = tpu.iota {dimensions = array<i32: 1>} : vector<10000x16xi32>
    %eq3A = arith.constant 0 : i32
    %eq3A_0 = vector.broadcast %eq3A : i32 to vector<10000x16xi32>
    %eq3A_1 = arith.cmpi eq, %iota3A, %eq3A_0 : vector<10000x16xi32>
    %convert_element_type3A = arith.extui %eq3A_1 : vector<10000x16xi1> to vector<10000x16xi32>
    %convert_element_type3A_2 = arith.sitofp %convert_element_type3A : vector<10000x16xi32> to vector<10000x16xf32>
    %get3A = arith.constant 0 : index
    %get3A_3 = arith.constant 0 : index
    %get3A_4 = vector.load %arg0[%get3A, %get3A_3] : memref<10000x128xf32, #tpu.memory_space<vmem>>, vector<10000x128xf32>
    %get3A_5 = arith.constant 0 : index
    %get3A_6 = arith.constant 0 : index
    %get3A_7 = vector.load %arg1[%get3A_5, %get3A_6] : memref<128x64xf32, #tpu.memory_space<vmem>>, vector<128x64xf32>
    %dot_general3A = arith.constant dense<0.000000e+00> : vector<10000x64xf32>
    %dot_general3A_8 = tpu.matmul %get3A_4, %get3A_7, %dot_general3A {dimension_numbers = #tpu.dot_dimension_numbers<[1], [0], [0], [1], [0, 0, 1, 1], [], []>, transpose_lhs_hint = false} : vector<10000x128xf32>, vector<128x64xf32>, vector<10000x64xf32> -> vector<10000x64xf32>
    %concatenate3A = tpu.concatenate %dot_general3A_8, %convert_element_type3A_2 in 1 : vector<10000x64xf32>, vector<10000x16xf32> -> vector<10000x80xf32>
    %swap3A = arith.constant 0 : index
    %swap3A_9 = arith.constant 0 : index
    %swap3A_10 = vector.load %arg4[%swap3A, %swap3A_9] : memref<10008x80xf32, #tpu.memory_space<vmem>>, vector<10000x80xf32>
    tpu.vector_store %arg4[%swap3A, %swap3A_9], %concatenate3A {strides = array<i32>} : memref<10008x80xf32, #tpu.memory_space<vmem>>, vector<10000x80xf32>,
    %broadcast_in_dim3A = arith.constant 0.000000e+00 : f32
    %broadcast_in_dim3A_11 = vector.broadcast %broadcast_in_dim3A : f32 to vector<8x80xf32>
    %swap3A_12 = arith.constant 10000 : index
    %swap3A_13 = arith.constant 0 : index
    %swap3A_14 = vector.load %arg4[%swap3A_12, %swap3A_13] : memref<10008x80xf32, #tpu.memory_space<vmem>>, vector<8x80xf32>
    tpu.vector_store %arg4[%swap3A_12, %swap3A_13], %broadcast_in_dim3A_11 {strides = array<i32>} : memref<10008x80xf32, #tpu.memory_space<vmem>>, vector<8x80xf32>,
    %get3A_15 = arith.constant 0 : index
    %get3A_16 = arith.constant 0 : index
    %get3A_17 = vector.load %arg2[%get3A_15, %get3A_16] : memref<10000x128xf32, #tpu.memory_space<vmem>>, vector<10000x128xf32>
    %get3A_18 = arith.constant 0 : index
    %get3A_19 = arith.constant 0 : index
    %get3A_20 = vector.load %arg3[%get3A_18, %get3A_19] : memref<128x64xf32, #tpu.memory_space<vmem>>, vector<128x64xf32>
    %dot_general3A_21 = arith.constant dense<0.000000e+00> : vector<10000x64xf32>
    %dot_general3A_22 = tpu.matmul %get3A_17, %get3A_20, %dot_general3A_21 {dimension_numbers = #tpu.dot_dimension_numbers<[1], [0], [0], [1], [0, 0, 1, 1], [], []>, transpose_lhs_hint = false} : vector<10000x128xf32>, vector<128x64xf32>, vector<10000x64xf32> -> vector<10000x64xf32>
    %concatenate3A_23 = tpu.concatenate %dot_general3A_22, %convert_element_type3A_2 in 1 : vector<10000x64xf32>, vector<10000x16xf32> -> vector<10000x80xf32>
    %swap3A_24 = arith.constant 0 : index
    %swap3A_25 = arith.constant 0 : index
    %swap3A_26 = vector.load %arg5[%swap3A_24, %swap3A_25] : memref<10008x80xf32, #tpu.memory_space<vmem>>, vector<10000x80xf32>
    tpu.vector_store %arg5[%swap3A_24, %swap3A_25], %concatenate3A_23 {strides = array<i32>} : memref<10008x80xf32, #tpu.memory_space<vmem>>, vector<10000x80xf32>,
    %broadcast_in_dim3A_27 = arith.constant 0.000000e+00 : f32
    %broadcast_in_dim3A_28 = vector.broadcast %broadcast_in_dim3A_27 : f32 to vector<8x80xf32>
    %swap3A_29 = arith.constant 10000 : index
    %swap3A_30 = arith.constant 0 : index
    %swap3A_31 = vector.load %arg5[%swap3A_29, %swap3A_30] : memref<10008x80xf32, #tpu.memory_space<vmem>>, vector<8x80xf32>
    tpu.vector_store %arg5[%swap3A_29, %swap3A_30], %broadcast_in_dim3A_28 {strides = array<i32>} : memref<10008x80xf32, #tpu.memory_space<vmem>>, vector<8x80xf32>,
    return
  }
}

</mosaic_0001>

<sc_bundles>
// kernel: kernel.4.cloned.1.call-start
scs
__scs_entry_jumppad:
0x0: {  	(pc) =	sbr.rel $0x88, $3  }
0x1: {  	(tag) =	ssettag $0x0;
	lr =	simm.s32 $0x1  }
0x2: {  	[smem:$0x3F9C] =	sst lr;
	_ =	strace $0xD0000000  }
0x3: {  	_ = 	snop  }
0x4: {  	_ = 	snop  }
0x5: {  	_ = 	snop  }
0x6: {  	_ = 	snop  }
0x7: {  	_ = 	snop  }
__scs_overlays_trampoline_lowered:
0x8: {  	[smem:$0x3FAB] =	sst s0  }
0x9: {  	[smem:$0x3FAC] =	sst s1  }
0xa: {  	[smem:$0x3FAD] =	sst s2  }
0xb: {  	[smem:$0x3FAE] =	sst s3  }
0xc: {  	[smem:$0x3FAF] =	sst s4  }
0xd: {  	[smem:$0x3FB0] =	sst s5  }
0xe: {  	[smem:$0x3FB1] =	sst s6  }
0xf: {  	[smem:$0x3FB2] =	sst s7  }
0x10: {  	[smem:$0x3FB3] =	sst s8  }
0x11: {  	[smem:$0x3FB4] =	sst s9;
	s0 =	simm.s32 @!p0 $0x0  }
0x12: {  	s1 =	sld [smem:$0x3F9A];
	s0 =	simm.s32 @p0 $0x1  }
0x13: {  	[smem:$0x3FB5] =	sst s0;
	s0 =	simm.s32 @!p1 $0x0  }
0x14: {  	s2 =	sld [smem:$0x3F99];
	s0 =	simm.s32 @p1 $0x1  }
0x15: {  	[smem:$0x3FB6] =	sst s0;
	s0 =	simm.s32 @!p2 $0x0  }
0x16: {  	s3 =	sld [smem:$0x3FDB];
	s0 =	simm.s32 @p2 $0x1  }
0x17: {  	s4 =	simm.s32 $0x1BF5;
	[smem:$0x3FB8] =	sst s0  }
0x18: {  	s0 =	sld [smem:$0x3F9B];
	_ =	swait.ge [sflag:s4], $0x0  }
0x19: {  	s7 =	sld [smem:$0x3F9C]  }
0x1a: {  	s8 =	sadd.s32 $0xFFFFE003, lr  }
0x1b: {  	s9 =	sadd.s32 $0xFFFFFEF7, lr;
	s5 =	simm.s32 $0xFFFFFFFF;
	p2 =	slt.u32 s8, $0xFFFFF086  }
0x1c: {  	p1 =	slt.u32 s9, $0xF7A;
	s5 =	simm.s32 @!p2 $0x0  }
0x1d: {  	s5 =	simm.s32 @p1 $0x1;
	p0 =	seq.s32 s7, s2  }
0x1e: {  	s7 =	smul.u32 @!p0 $0xF7A, s2;
	p2 =	seq.s32 @!p0 s5, $0x0  }
0x1f: {  	s9 =	smul.u32 $0xF7A, s1;
	s8 =	simm.s32 @!p0 $0x1BF5;
	p2 =	por !p2, p0  }
0x20: {  	[sflag:s8] =	ssyncset.s32 @!p0 $0xFFFFF086;
	s6 =	sadd.s32 @!p0 s3, s7;
	s7 =	simm.s32 @!p0 $0x108  }
0x21: {  	s3 =	sadd.s32 s3, s9;
	s6 =	sadd.s32 @!p0 $0x88, s6;
	s7 =	simm.s32 @p2 $0x1082  }
0x22: {  	[simem:s7], [sflag:s8] =	dma.local @!p0 [hbm:s6], $0xF7A  }
0x23: {  	s9 =	sor.u32 $0xD0000000, s2;
	s6 =	simm.s32 $0x108;
	_ =	swait.ge @!p0 [sflag:s8], $0x0  }
0x24: {  	s3 =	sadd.s32 $0x88, s3;
	s6 =	simm.s32 @!p1 $0x1082;
	[sflag:s4] =	ssyncset.s32 $0xFFFFF086  }
0x25: {  	[simem:s6], [sflag:s4] =	dma.local [hbm:s3], $0xF7A  }
0x26: {  	[smem:$0x3F9C] =	sst s1;
	(tag) =	ssettag s2;
	_ =	strace s9  }
0x27: {  	s1 =	sld [smem:$0x3FAC]  }
0x28: {  	s2 =	sld [smem:$0x3FAD]  }
0x29: {  	s4 =	sld [smem:$0x3FAF]  }
0x2a: {  	p0 =	seq.s32 s5, $0x0;
	s5 =	sld [smem:$0x3FB0]  }
0x2b: {  	s6 =	sld [smem:$0x3FB1]  }
0x2c: {  	s7 =	sld [smem:$0x3FB2]  }
0x2d: {  	s3 =	simm.s32 $0x108;
	s8 =	sld [smem:$0x3FB3]  }
0x2e: {  	s3 =	simm.s32 @!p0 $0x1082;
	s9 =	sld [smem:$0x3FB4]  }
0x2f: {  	lr =	sadd.s32 s0, s3;
	s0 =	sld [smem:$0x3FAB]  }
0x30: {  	s3 =	sld [smem:$0x3FAE]  }
0x31: {  	[smem:$0x3FB7] =	sst s10  }
0x32: {  	s10 =	sld [smem:$0x3FB5];
	_ =	sdelay $0x3  }
0x33: {  	p0 =	seq.s32 s10, $0x1;
	s10 =	sld [smem:$0x3FB7];
	_ =	sdelay $0x3  }
0x34: {  	[smem:$0x3FB7] =	sst s10  }
0x35: {  	s10 =	sld [smem:$0x3FB6];
	_ =	sdelay $0x3  }
0x36: {  	p1 =	seq.s32 s10, $0x1;
	s10 =	sld [smem:$0x3FB7];
	_ =	sdelay $0x3  }
0x37: {  	[smem:$0x3FB7] =	sst s10  }
0x38: {  	s10 =	sld [smem:$0x3FB8]  }
0x39: {  	_ = 	snop;
	(pc) =	sbr.ind lr, $3  }
0x3a: {  	_ = 	snop  }
0x3b: {  	_ = 	snop  }
0x3c: {  	p2 =	seq.s32 s10, $0x1;
	s10 =	sld [smem:$0x3FB7]  }
0x3d: {  	_ =	shalt  }
0x3e: {  	_ =	shalt  }
0x3f: {  	_ =	shalt  }
0x40: {  	_ =	shalt  }
0x41: {  	_ =	shalt  }
0x42: {  	_ =	shalt  }
0x43: {  	_ =	shalt  }
0x44: {  	_ =	shalt  }
0x45: {  	_ =	shalt  }
0x46: {  	_ =	shalt  }
0x47: {  	_ =	shalt  }
0x48: {  	_ =	shalt  }
0x49: {  	_ =	shalt  }
0x4a: {  	_ =	shalt  }
0x4b: {  	_ =	shalt  }
0x4c: {  	_ =	shalt  }
0x4d: {  	_ =	shalt  }
0x4e: {  	_ =	shalt  }
0x4f: {  	_ =	shalt  }
0x50: {  	_ =	shalt  }
0x51: {  	_ =	shalt  }
0x52: {  	_ =	shalt  }
0x53: {  	_ =	shalt  }
0x54: {  	_ =	shalt  }
0x55: {  	_ =	shalt  }
0x56: {  	_ =	shalt  }
0x57: {  	_ =	shalt  }
0x58: {  	_ =	shalt  }
0x59: {  	_ =	shalt  }
0x5a: {  	_ =	shalt  }
0x5b: {  	_ =	shalt  }
0x5c: {  	_ =	shalt  }
0x5d: {  	_ =	shalt  }
0x5e: {  	_ =	shalt  }
0x5f: {  	_ =	shalt  }
0x60: {  	_ =	shalt  }
0x61: {  	_ =	shalt  }
0x62: {  	_ =	shalt  }
0x63: {  	_ =	shalt  }
0x64: {  	_ =	shalt  }
0x65: {  	_ =	shalt  }
0x66: {  	_ =	shalt  }
0x67: {  	_ =	shalt  }
0x68: {  	_ =	shalt  }
0x69: {  	_ =	shalt  }
0x6a: {  	_ =	shalt  }
0x6b: {  	_ =	shalt  }
0x6c: {  	_ =	shalt  }
0x6d: {  	_ =	shalt  }
0x6e: {  	_ =	shalt  }
0x6f: {  	_ =	shalt  }
0x70: {  	_ =	shalt  }
0x71: {  	_ =	shalt  }
0x72: {  	_ =	shalt  }
0x73: {  	_ =	shalt  }
0x74: {  	_ =	shalt  }
0x75: {  	_ =	shalt  }
0x76: {  	_ =	shalt  }
0x77: {  	_ =	shalt  }
0x78: {  	_ =	shalt  }
0x79: {  	_ =	shalt  }
0x7a: {  	_ =	shalt  }
0x7b: {  	_ =	shalt  }
0x7c: {  	_ =	shalt  }
0x7d: {  	_ =	shalt  }
0x7e: {  	_ =	shalt  }
0x7f: {  	_ =	shalt  }
0x80: {  	_ =	shalt  }
0x81: {  	_ =	shalt  }
0x82: {  	_ =	shalt  }
0x83: {  	_ =	shalt  }
0x84: {  	_ =	shalt  }
0x85: {  	_ =	shalt  }
0x86: {  	_ =	shalt  }
0x87: {  	_ =	shalt  }
.Lfunc_end0:
.L_simem_size_0:
called_computation_lowered:
.L_overlay_start_0:
0x88: {  	s2 =	sld [smem:$0x3FD9]  }
0x89: {  	s3 =	sld [smem:$0x3FFE];
	_ =	sdelay $0x1  }
0x8a: {  	s1 =	srdreg.scid  }
0x8b: {  	s0 =	sand.u32 $0x1, s1  }
0x8c: {  	s14 =	sshll.u32 s0, $0xA;
	s2 =	sadd.s32 s3, s2  }
0x8d: {  	s2 =	sadd.s32 s2, s14  }
0x8e: {  	[smem:$0x3FC3] =	sst s2  }
0x8f: {  	_ = 	snop  }
0x90: {  	s2 =	sld [smem:$0x3FD0];
	_ =	sdelay $0x2  }
0x91: {  	s15 =	simm.s32 $0xA;
	s4 =	simm.s32 $0x10  }
0x92: {  	[smem:s4], [sflag:s15] =	dma.local [hbm:s2], $0x1  }
0x93: {  	_ =	swait.eq [sflag:s15], $0x1  }
0x94: {  	[sflag:s15] =	ssyncset.done $0x0  }
0x95: {  	s16 =	sld [smem:$0x10];
	[sflag:s15] =	ssyncadd.s32 $0xFFFFFFFF  }
0x96: {  	s17 =	sld [smem:$0x12];
	(tm) =	ssettm $0x1  }
0x97: {  	s18 =	sld [smem:$0x3FFB];
	_ =	sdelay $0x3  }
0x98: {  	_ =	strace s18  }
0x99: {  	s4 =	sld [smem:$0x3FFC];
	_ =	sdelay $0x3  }
0x9a: {  	_ =	strace s4  }
0x9b: {  	s4 =	sld [smem:$0x3FFD];
	_ =	sdelay $0x3  }
0x9c: {  	_ =	strace s4  }
0x9d: {  	_ =	strace $0x8FFFFFFF  }
0x9e: {  	s19 =	sld [smem:$0x3FDB];
	_ =	sdelay $0x1  }
0x9f: {  	s5 =	simm.s32 $_scs_section_size  }
0xa0: {  	s6 =	simm.s32 $_size__tile_overlayer_lowered;
	s7 =	simm.s32 $_tile_overlayer_lowered  }
0xa1: {  	s22 =	simm.s32 $0x1BFF;
	s21 =	sshll.u32 s7, $0x1;
	s4 =	sadd.s32 s5, s19  }
0xa2: {  	s8 =	simm.s32 $0x0;
	s20 =	sshll.u32 s6, $0x1;
	s6 =	sadd.s32 s21, s4  }
0xa3: {  	[timem:s8], [sflag:s22] =	dma.local [hbm:s6], s20  }
0xa4: {  	_ =	swait.ge [sflag:s22], s20  }
0xa5: {  	s5 =	ssub.s32 $0x0, s20;
	[sflag:s22] =	ssyncset.done $0x0  }
0xa6: {  	[sflag:s22] =	ssyncadd.s32 s5;
	_ =	sdelay $0x1  }
0xa7: {  	s23 =	simm.s32 $0x1B8B  }
0xa8: {  	_ =	swait.ge [sflag:s23], $0x1  }
0xa9: {  	[sflag:s23] =	ssyncset.done $0x0  }
0xaa: {  	s25 =	simm.s32 $0x1B8E;
	s24 =	sld [smem:$0x3FFE];
	[sflag:s23] =	ssyncadd.s32 $0xFFFFFFFF  }
0xab: {  	s26 =	simm.s32 $execute0_lowered;
	[smem:$0x3FD2] =	sst s25  }
0xac: {  	s6 =	sshll.u32 s26, $0x1;
	_ =	strace $0x80000046;
	[dreg:$0x1] =	wrdreg $0xFFFFFFFF  }
0xad: {  	s28 =	simm.s32 $_size_execute0_lowered;
	s4 =	sadd.s32 s4, s6;
	[dreg:$0x0] =	wrdreg $0x0  }
0xae: {  	s6 =	sshll.u32 s28, $0x1;
	[dreg:$0x2] =	wrdreg s4  }
0xaf: {  	[dreg:$0x3] =	wrdreg s6  }
0xb0: {  	[dreg:$0x4] =	wrdreg $0xC0  }
0xb1: {  	_ =	task [dreg:s8], $0x5FFFF  }
0xb2: {  	[dreg:$0x1] =	wrdreg $0xFFFFFFFF  }
0xb3: {  	[dreg:$0x0] =	wrdreg $0x60  }
0xb4: {  	[dreg:$0x2] =	wrdreg s24  }
0xb5: {  	[dreg:$0x3] =	wrdreg s17  }
0xb6: {  	[dreg:$0x4] =	wrdreg s16  }
0xb7: {  	[dreg:$0x5] =	wrdreg $0xDC000  }
0xb8: {  	[dreg:$0x6] =	wrdreg $0x9  }
0xb9: {  	_ =	task.clear_ibuf [dreg:s8], $0x7FFFF;
	_ =	strace $0x90000046  }
0xba: {  	s29 =	simm.s32 $0x9;
	_ =	strace $0x80000048  }
0xbb: {  	_ =	swait.ge [sflag:s29], $0x1  }
0xbc: {  	[sflag:s29] =	ssyncadd.s32 $0xFFFFFFFF  }
0xbd: {  	_ =	strace $0x90000048  }
0xbe: {  	_ =	sfence  }
0xbf: {  	s30 =	sld [smem:$0x0];
	_ =	sdelay $0x2  }
0xc0: {  	s31 =	sshll.u32 s1, $0xD;
	s1 =	sshrl.u32 s1, $0x2  }
0xc1: {  	s3 =	sand.u32 $0x4000, s31;
	s1 =	sadd.s32 s1, s30  }
0xc2: {  	s0 =	sor.u32 s3, s0;
	s1 =	sshll.u32 s1, $0x11  }
0xc3: {  	s0 =	sor.u32 s1, s0  }
0xc4: {  	s0 =	sadd.s32 $0x8F2B, s0  }
0xc5: {  	[sflag:s0] =	ssyncadd.remote.s32 $0x1  }
0xc6: {  	_ =	sfence.sel $0xFFFF  }
0xc7: {  	[dreg:$0x0] =	wrdreg $0xFFFFFFFF;
	(pc) =	sbr.abs _section_cstart, $3  }
0xc8: {  	[dreg:$0x1] =	wrdreg $0xFFFFFFFF  }
0xc9: {  	_ =	task.clear_ibuf [dreg:s8], $0x2FFFF;
	_ =	strace $0x9FFFFFFF  }
0xca: {  	(tm) =	ssettm $0x7FFFFFFF  }
0xcb: {  	_ =	shalt  }
tec
execute0_lowered:
.L_overlay_start_1:
0x0: {  	(tag) =	ssettag $0x1  }
0x1: {  	s0 =	rddreg [dreg:$0x0]  }
0x2: {  	s1 =	rddreg [dreg:$0x1]  }
0x3: {  	s3 =	rddreg [dreg:$0x3];
	s4 =	simm.s32 $0x0;
	s2 =	srdreg.scid  }
0x4: {  	s15 =	stileid.u32;
	s29 =	simm.s32 $0x6400;
	s30 =	simm.s32 $0x1  }
0x5: {  	s31 =	simm.s32 $0x9;
	[smem:$0x7FF] =	sst s4;
	s2 =	sand.u32 $0x1, s2  }
0x6: {  	s6 =	sadd.s32 $0xC00, s0;
	s9 =	smul.u32 $0xC580, s15;
	s7 =	sadd.s32 $0x19400, s0  }
0x7: {  	s0 =	sadd.s32 $0x31C00, s0;
	p1 =	seq.s32 s15, $0xF;
	_ =	strace $0x80000047  }
0x8: {  	s5 =	ssub.s32 $0x2, s2;
	s14 =	smul.u32 $0xC5800, s2;
	p0 =	seq.s32 s2, $0x1  }
0x9: {  	s8 =	sshrl.u32 s5, $0x1;
	s28 =	sadd.s32 s9, s3;
	s16 =	sadd.s32 $0x2800, s9  }
0xa: {  	s10 =	sadd.s32 $0x5000, s9;
	s18 =	sadd.s32 $0x7800, s9;
	s19 =	sadd.s32 $0xA000, s9  }
0xb: {  	s5 =	ssub.s32 s5, s8;
	s11 =	sadd.s32 s16, s3;
	s17 =	sadd.s32 s10, s3  }
0xc: {  	s12 =	sadd.s32 s18, s3;
	s13 =	sadd.s32 s19, s3;
	s20 =	sadd.s32 s9, s14  }
0xd: {  	s8 =	sadd.s32 s14, s16;
	s9 =	simm.s32 $0x5;
	[dreg:$0x5] =	wrdreg s28  }
0xe: {  	s22 =	sadd.s32 s14, s10;
	s23 =	sadd.s32 s14, s18;
	[dreg:$0x6] =	wrdreg s11  }
0xf: {  	s24 =	sadd.s32 s14, s19;
	s16 =	simm.s32 $0xB400;
	[dreg:$0x7] =	wrdreg s17  }
0x10: {  	s19 =	simm.s32 $0x6;
	s10 =	simm.s32 $0x7;
	[dreg:$0x8] =	wrdreg s12  }
0x11: {  	s14 =	simm.s32 $0x8;
	s18 =	simm.s32 $0xA;
	[dreg:$0x9] =	wrdreg s13  }
0x12: {  	s13 =	simm.s32 $0x5;
	s2 =	sshrl.u32 s20, $0x3;
	s8 =	sshrl.u32 s8, $0x3  }
0x13: {  	s9 =	simm.s32 @!p1 $0x8;
	s26 =	smax.u32 s5, $0x1;
	s20 =	smul.u32 $0x5000, s15  }
0x14: {  	s12 =	simm.s32 $0x100;
	s5 =	simm.s32 $0x2;
	s17 =	simm.s32 $0x3  }
0x15: {  	s15 =	simm.s32 $0x280;
	s11 =	simm.s32 $0x0;
	[dreg:$0xa] =	wrdreg s9  }
0x16: {  	s2 =	sadd.s32 s0, s2;
	s21 =	sadd.s32 s0, s8;
	s8 =	sshrl.u32 s23, $0x3  }
0x17: {  	s9 =	sshrl.u32 s24, $0x3;
	[dreg:$0x10] =	wrdreg s26;
	s23 =	simm.s32 $0xB  }
0x18: {  	s24 =	simm.s32 $0xA00;
	s26 =	simm.s32 $0x3C00;
	[dreg:$0xb] =	wrdreg s2  }
0x19: {  	[dreg:$0xc] =	wrdreg s21;
	s2 =	sshrl.u32 s22, $0x3;
	s25 =	sadd.s32 s0, s8  }
0x1a: {  	s22 =	simm.s32 $0x1400;
	s21 =	simm.s32 $0xA80;
	[dreg:$0x11] =	wrdreg s20  }
0x1b: {  	s8 =	simm.s32 $0x4;
	s2 =	sadd.s32 s0, s2;
	[dreg:$0xe] =	wrdreg s25  }
0x1c: {  	s0 =	sadd.s32 s0, s9;
	s25 =	simm.s32 $0x80;
	[dreg:$0xd] =	wrdreg s2  }
0x1d: {  	v0 =	vimm.s32 $0x0;
	[dreg:$0xf] =	wrdreg s0;
	s0 =	simm.s32 $0x8C00;
	s2 =	simm.s32 $0xB00  }
.LBB2_1:
0x1e: {  	[dreg:$0x12] =	wrdreg s11  }
0x1f: {  	s9 =	rddreg [dreg:$0x2]  }
0x20: {  	[tilespmem:s22], [sflag:$0xB] =	stream.linear.gather [hbm4b:s9+s4], $0x2800, $0x38;
	[tilespmem:$0x1A180] =	vst v63  }
0x21: {  	_ =	swait.ge [sflag:s23], $0x2800  }
0x22: {  	[sflag:s23] =	ssyncset.done $0x0  }
0x23: {  	[sflag:s23] =	ssyncadd.s32 $0xFFFFD800  }
0x24: {  	[spmem:s28] =	stream.linear.scatter [tilespmem:s22], [sflag:$0xB], $0x2800, $0x38;
	[tilespmem:$0x1A180] =	vst v63  }
0x25: {  	_ =	swait.ge [sflag:s23], $0x2800  }
0x26: {  	[sflag:s23] =	ssyncset.done $0x0  }
0x27: {  	s11 =	rddreg [dreg:$0x6];
	[sflag:s23] =	ssyncadd.s32 $0xFFFFD800  }
0x28: {  	[spmem:s11] =	stream.linear.scatter [tilespmem:s22], [sflag:$0xB], $0x2800, $0x38;
	[tilespmem:$0x1A180] =	vst v63  }
0x29: {  	_ =	swait.ge [sflag:s23], $0x2800  }
0x2a: {  	[sflag:s23] =	ssyncset.done $0x0  }
0x2b: {  	s28 =	rddreg [dreg:$0x7];
	[sflag:s23] =	ssyncadd.s32 $0xFFFFD800  }
0x2c: {  	[spmem:s28] =	stream.linear.scatter [tilespmem:s22], [sflag:$0xB], $0x2800, $0x38;
	[tilespmem:$0x1A180] =	vst v63  }
0x2d: {  	_ =	swait.ge [sflag:s23], $0x2800  }
0x2e: {  	[sflag:s23] =	ssyncset.done $0x0  }
0x2f: {  	s11 =	rddreg [dreg:$0x8];
	[sflag:s23] =	ssyncadd.s32 $0xFFFFD800  }
0x30: {  	[spmem:s11] =	stream.linear.scatter [tilespmem:s22], [sflag:$0xB], $0x2800, $0x38;
	[tilespmem:$0x1A180] =	vst v63  }
0x31: {  	_ =	swait.ge [sflag:s23], $0x2800  }
0x32: {  	[sflag:s23] =	ssyncset.done $0x0  }
0x33: {  	s28 =	rddreg [dreg:$0x9];
	[sflag:s23] =	ssyncadd.s32 $0xFFFFD800  }
0x34: {  	[spmem:s28] =	stream.linear.scatter [tilespmem:s22], [sflag:$0xB], $0x2580, $0x38;
	[tilespmem:$0x1A180] =	vst v63  }
.Ltmp0:
0x35: {  	_ =	swait.ge [sflag:s23], $0x2580;
	(pc) =	sbr.rel @!p0 .LBB2_2-.Ltmp0, $3  }
0x36: {  	[sflag:s23] =	ssyncset.done $0x0  }
0x37: {  	[sflag:s23] =	ssyncadd.s32 $0xFFFFDA80  }
0x38: {  	[bflag:$0x0] =	sbarrier.arrive $0xFFFF;
	_ =	sdelay $0x1  }
0x39: {  	s9 =	rddreg [dreg:$0xa]  }
0x3a: {  	p2 =	sne.s32 s9, $0x1  }
.Ltmp1:
0x3b: {  	_ = 	snop;
	(pc) =	sbr.rel @!p2 .LBB2_13-.Ltmp1, $3  }
0x3c: {  	_ =	sdelay $0x1  }
0x3d: {  	s11 =	sadd.s32 $0x4E200, s20;
	p1 =	por $0x0, $0x0  }
0x3e: {  	s28 =	simm.s32 $0x200;
	s9 =	sadd.s32 $0xFFFFFFFF, s9;
	s11 =	sshrl.u32 s11, $0x3  }
0x3f: {  	s11 =	sadd.s32 s1, s11  }
0x40: {  	[tilespmem:s4], [sflag:$0xB] =	stream.linear.gather [hbm4b:s11+s4], $0xA00, $0x38;
	[tilespmem:$0x1A180] =	vst v63  }
0x41: {  	_ =	swait.ge [sflag:s23], $0xA00  }
0x42: {  	s15 =	sshrl.u32 s20, $0x3;
	[sflag:s23] =	ssyncset.done $0x0  }
0x43: {  	s11 =	sadd.s32 s1, s15;
	[sflag:s23] =	ssyncadd.s32 $0xFFFFF600  }
0x44: {  	[tilespmem:s24], [sflag:$0xB] =	stream.linear.gather [hbm4b:s11+s4], $0xA00, $0x38;
	[tilespmem:$0x1A180] =	vst v63  }
0x45: {  	_ =	swait.ge [sflag:s23], $0xA00  }
0x46: {  	[sflag:s23] =	ssyncset.done $0x0  }
0x47: {  	[sflag:s23] =	ssyncadd.s32 $0xFFFFF600  }
0x48: {  	[tilespmem:s22], [sflag:$0x1] =	stream.indirect.gather [hbm4b:s7+s25], $0x50, s4, s25, $0xb8;
	[tilespmem:$0x1A180] =	vst v63  }
0x49: {  	_ = 	snop  }
0x4a: {  	[tilespmem:s26], [sflag:$0x2] =	stream.indirect.gather [hbm4b:s7+s25], $0x50, s25, s25, $0xb8;
	[tilespmem:$0x1A180] =	vst v63  }
0x4b: {  	_ = 	snop  }
0x4c: {  	[tilespmem:s29], [sflag:$0x3] =	stream.indirect.gather [hbm4b:s7+s25], $0x50, s12, s25, $0xb8;
	[tilespmem:$0x1A180] =	vst v63  }
0x4d: {  	_ =	swait.ge [sflag:s30], $0x2800  }
0x4e: {  	[sflag:s30] =	ssyncset.done $0x0  }
0x4f: {  	[sflag:s30] =	ssyncadd.s32 $0xFFFFD800  }
0x50: {  	[spmem:s3] =	stream.indirect.scatter.add.f32 [tilespmem:s22], [sflag:$0x6], $0x50, s24, s25, $0xb8;
	[tilespmem:$0x1A180] =	vst v63  }
0x51: {  	s24 =	simm.s32 $0x180  }
0x52: {  	[tilespmem:s0], [sflag:$0x4] =	stream.indirect.gather [hbm4b:s7+s25], $0x50, s24, s25, $0xb8;
	[tilespmem:$0x1A180] =	vst v63  }
0x53: {  	_ =	swait.ge [sflag:s5], $0x2800  }
0x54: {  	[sflag:s5] =	ssyncset.done $0x0  }
0x55: {  	s11 =	simm.s32 $0xA80;
	[sflag:s5] =	ssyncadd.s32 $0xFFFFD800  }
0x56: {  	[spmem:s3] =	stream.indirect.scatter.add.f32 [tilespmem:s26], [sflag:$0x7], $0x50, s11, s25, $0xb8;
	[tilespmem:$0x1A180] =	vst v63  }
0x57: {  	s15 =	simm.s32 $0x200  }
0x58: {  	[tilespmem:s16], [sflag:$0x5] =	stream.indirect.gather [hbm4b:s7+s25], $0x50, s15, s25, $0xb8;
	[tilespmem:$0x1A180] =	vst v63  }
0x59: {  	_ =	swait.ge [sflag:s17], $0x2800  }
0x5a: {  	[sflag:s17] =	ssyncset.done $0x0  }
0x5b: {  	s2 =	simm.s32 $0xB00;
	[sflag:s17] =	ssyncadd.s32 $0xFFFFD800  }
0x5c: {  	[spmem:s3] =	stream.indirect.scatter.add.f32 [tilespmem:s29], [sflag:$0x8], $0x50, s2, s25, $0xb8;
	[tilespmem:$0x1A180] =	vst v63  }
0x5d: {  	_ =	swait.ge [sflag:s19], $0x2800  }
0x5e: {  	[sflag:s19] =	ssyncset.done $0x0  }
0x5f: {  	s21 =	simm.s32 $0x280;
	[sflag:s19] =	ssyncadd.s32 $0xFFFFD800  }
0x60: {  	[tilespmem:s22], [sflag:$0x1] =	stream.indirect.gather [hbm4b:s7+s25], $0x50, s21, s25, $0xb8;
	[tilespmem:$0x1A180] =	vst v63  }
0x61: {  	_ =	swait.ge [sflag:s8], $0x2800  }
0x62: {  	[sflag:s8] =	ssyncset.done $0x0  }
0x63: {  	s21 =	simm.s32 $0xB80;
	[sflag:s8] =	ssyncadd.s32 $0xFFFFD800  }
0x64: {  	[spmem:s3] =	stream.indirect.scatter.add.f32 [tilespmem:s0], [sflag:$0x9], $0x50, s21, s25, $0xb8;
	[tilespmem:$0x1A180] =	vst v63  }
0x65: {  	_ =	swait.ge [sflag:s10], $0x2800  }
0x66: {  	[sflag:s10] =	ssyncset.done $0x0  }
0x67: {  	s24 =	simm.s32 $0x300;
	[sflag:s10] =	ssyncadd.s32 $0xFFFFD800  }
0x68: {  	[tilespmem:s26], [sflag:$0x2] =	stream.indirect.gather [hbm4b:s7+s25], $0x50, s24, s25, $0xb8;
	[tilespmem:$0x1A180] =	vst v63  }
0x69: {  	_ =	swait.ge [sflag:s13], $0x2800  }
0x6a: {  	[sflag:s13] =	ssyncset.done $0x0  }
0x6b: {  	s11 =	simm.s32 $0xC00;
	[sflag:s13] =	ssyncadd.s32 $0xFFFFD800  }
0x6c: {  	[spmem:s3] =	stream.indirect.scatter.add.f32 [tilespmem:s16], [sflag:$0xA], $0x50, s11, s25, $0xb8;
	[tilespmem:$0x1A180] =	vst v63  }
0x6d: {  	_ =	swait.ge [sflag:s14], $0x2800  }
0x6e: {  	[sflag:s14] =	ssyncset.done $0x0  }
0x6f: {  	s15 =	simm.s32 $0x380;
	[sflag:s14] =	ssyncadd.s32 $0xFFFFD800  }
0x70: {  	[tilespmem:s29], [sflag:$0x3] =	stream.indirect.gather [hbm4b:s7+s25], $0x50, s15, s25, $0xb8;
	[tilespmem:$0x1A180] =	vst v63  }
0x71: {  	_ =	swait.ge [sflag:s30], $0x2800  }
0x72: {  	[sflag:s30] =	ssyncset.done $0x0  }
0x73: {  	s21 =	simm.s32 $0xC80;
	[sflag:s30] =	ssyncadd.s32 $0xFFFFD800  }
0x74: {  	[spmem:s3] =	stream.indirect.scatter.add.f32 [tilespmem:s22], [sflag:$0x6], $0x50, s21, s25, $0xb8;
	[tilespmem:$0x1A180] =	vst v63  }
0x75: {  	_ =	swait.ge [sflag:s31], $0x2800  }
0x76: {  	[sflag:s31] =	ssyncset.done $0x0  }
0x77: {  	s24 =	simm.s32 $0x400;
	[sflag:s31] =	ssyncadd.s32 $0xFFFFD800  }
0x78: {  	[tilespmem:s0], [sflag:$0x4] =	stream.indirect.gather [hbm4b:s7+s25], $0x50, s24, s25, $0xb8;
	[tilespmem:$0x1A180] =	vst v63  }
0x79: {  	_ =	swait.ge [sflag:s5], $0x2800  }
0x7a: {  	[sflag:s5] =	ssyncset.done $0x0  }
0x7b: {  	s15 =	simm.s32 $0xD00;
	[sflag:s5] =	ssyncadd.s32 $0xFFFFD800  }
0x7c: {  	[spmem:s3] =	stream.indirect.scatter.add.f32 [tilespmem:s26], [sflag:$0x7], $0x50, s15, s25, $0xb8;
	[tilespmem:$0x1A180] =	vst v63  }
0x7d: {  	_ =	swait.ge [sflag:s18], $0x2800  }
0x7e: {  	[sflag:s18] =	ssyncset.done $0x0  }
0x7f: {  	s21 =	simm.s32 $0x480;
	[sflag:s18] =	ssyncadd.s32 $0xFFFFD800  }
0x80: {  	[tilespmem:s16], [sflag:$0x5] =	stream.indirect.gather [hbm4b:s7+s25], $0x50, s21, s25, $0xb8;
	[tilespmem:$0x1A180] =	vst v63  }
0x81: {  	_ =	swait.ge [sflag:s17], $0x2800  }
0x82: {  	[sflag:s17] =	ssyncset.done $0x0  }
0x83: {  	s24 =	simm.s32 $0xD80;
	[sflag:s17] =	ssyncadd.s32 $0xFFFFD800  }
0x84: {  	[spmem:s3] =	stream.indirect.scatter.add.f32 [tilespmem:s29], [sflag:$0x8], $0x50, s24, s25, $0xb8;
	[tilespmem:$0x1A180] =	vst v63  }
0x85: {  	_ =	swait.ge [sflag:s19], $0x2800  }
0x86: {  	[sflag:s19] =	ssyncset.done $0x0  }
0x87: {  	s15 =	simm.s32 $0x500;
	[sflag:s19] =	ssyncadd.s32 $0xFFFFD800  }
0x88: {  	[tilespmem:s22], [sflag:$0x1] =	stream.indirect.gather [hbm4b:s7+s25], $0x50, s15, s25, $0xb8;
	[tilespmem:$0x1A180] =	vst v63  }
0x89: {  	_ =	swait.ge [sflag:s8], $0x2800  }
0x8a: {  	[sflag:s8] =	ssyncset.done $0x0  }
0x8b: {  	s21 =	simm.s32 $0xE00;
	[sflag:s8] =	ssyncadd.s32 $0xFFFFD800  }
0x8c: {  	[spmem:s3] =	stream.indirect.scatter.add.f32 [tilespmem:s0], [sflag:$0x9], $0x50, s21, s25, $0xb8;
	[tilespmem:$0x1A180] =	vst v63  }
0x8d: {  	_ =	swait.ge [sflag:s10], $0x2800  }
0x8e: {  	[sflag:s10] =	ssyncset.done $0x0  }
0x8f: {  	s24 =	simm.s32 $0x580;
	[sflag:s10] =	ssyncadd.s32 $0xFFFFD800  }
0x90: {  	[tilespmem:s26], [sflag:$0x2] =	stream.indirect.gather [hbm4b:s7+s25], $0x50, s24, s25, $0xb8;
	[tilespmem:$0x1A180] =	vst v63  }
0x91: {  	_ =	swait.ge [sflag:s13], $0x2800  }
0x92: {  	[sflag:s13] =	ssyncset.done $0x0  }
0x93: {  	s15 =	simm.s32 $0xE80;
	[sflag:s13] =	ssyncadd.s32 $0xFFFFD800  }
0x94: {  	[spmem:s3] =	stream.indirect.scatter.add.f32 [tilespmem:s16], [sflag:$0xA], $0x50, s15, s25, $0xb8;
	[tilespmem:$0x1A180] =	vst v63  }
0x95: {  	_ =	swait.ge [sflag:s14], $0x2800  }
0x96: {  	[sflag:s14] =	ssyncset.done $0x0  }
0x97: {  	s21 =	simm.s32 $0x600;
	[sflag:s14] =	ssyncadd.s32 $0xFFFFD800  }
0x98: {  	[tilespmem:s29], [sflag:$0x3] =	stream.indirect.gather [hbm4b:s7+s25], $0x50, s21, s25, $0xb8;
	[tilespmem:$0x1A180] =	vst v63  }
0x99: {  	_ =	swait.ge [sflag:s30], $0x2800  }
0x9a: {  	[sflag:s30] =	ssyncset.done $0x0  }
0x9b: {  	s24 =	simm.s32 $0xF00;
	[sflag:s30] =	ssyncadd.s32 $0xFFFFD800  }
0x9c: {  	[spmem:s3] =	stream.indirect.scatter.add.f32 [tilespmem:s22], [sflag:$0x6], $0x50, s24, s25, $0xb8;
	[tilespmem:$0x1A180] =	vst v63  }
0x9d: {  	_ =	swait.ge [sflag:s31], $0x2800  }
0x9e: {  	[sflag:s31] =	ssyncset.done $0x0  }
0x9f: {  	s15 =	simm.s32 $0x680;
	[sflag:s31] =	ssyncadd.s32 $0xFFFFD800  }
0xa0: {  	[tilespmem:s0], [sflag:$0x4] =	stream.indirect.gather [hbm4b:s7+s25], $0x50, s15, s25, $0xb8;
	[tilespmem:$0x1A180] =	vst v63  }
0xa1: {  	_ =	swait.ge [sflag:s5], $0x2800  }
0xa2: {  	[sflag:s5] =	ssyncset.done $0x0  }
0xa3: {  	s21 =	simm.s32 $0xF80;
	[sflag:s5] =	ssyncadd.s32 $0xFFFFD800  }
0xa4: {  	[spmem:s3] =	stream.indirect.scatter.add.f32 [tilespmem:s26], [sflag:$0x7], $0x50, s21, s25, $0xb8;
	[tilespmem:$0x1A180] =	vst v63  }
0xa5: {  	_ =	swait.ge [sflag:s18], $0x2800  }
0xa6: {  	[sflag:s18] =	ssyncset.done $0x0  }
0xa7: {  	s24 =	simm.s32 $0x700;
	[sflag:s18] =	ssyncadd.s32 $0xFFFFD800  }
0xa8: {  	[tilespmem:s16], [sflag:$0x5] =	stream.indirect.gather [hbm4b:s7+s25], $0x50, s24, s25, $0xb8;
	[tilespmem:$0x1A180] =	vst v63  }
0xa9: {  	_ =	swait.ge [sflag:s17], $0x2800  }
0xaa: {  	[sflag:s17] =	ssyncset.done $0x0  }
0xab: {  	s15 =	simm.s32 $0x1000;
	[sflag:s17] =	ssyncadd.s32 $0xFFFFD800  }
0xac: {  	[spmem:s3] =	stream.indirect.scatter.add.f32 [tilespmem:s29], [sflag:$0x8], $0x50, s15, s25, $0xb8;
	[tilespmem:$0x1A180] =	vst v63  }
0xad: {  	_ =	swait.ge [sflag:s19], $0x2800  }
0xae: {  	[sflag:s19] =	ssyncset.done $0x0  }
0xaf: {  	s21 =	simm.s32 $0x780;
	[sflag:s19] =	ssyncadd.s32 $0xFFFFD800  }
0xb0: {  	[tilespmem:s22], [sflag:$0x1] =	stream.indirect.gather [hbm4b:s7+s25], $0x50, s21, s25, $0xb8;
	[tilespmem:$0x1A180] =	vst v63  }
0xb1: {  	_ =	swait.ge [sflag:s8], $0x2800  }
0xb2: {  	[sflag:s8] =	ssyncset.done $0x0  }
0xb3: {  	s24 =	simm.s32 $0x1080;
	[sflag:s8] =	ssyncadd.s32 $0xFFFFD800  }
0xb4: {  	[spmem:s3] =	stream.indirect.scatter.add.f32 [tilespmem:s0], [sflag:$0x9], $0x50, s24, s25, $0xb8;
	[tilespmem:$0x1A180] =	vst v63  }
0xb5: {  	_ =	swait.ge [sflag:s10], $0x2800  }
0xb6: {  	[sflag:s10] =	ssyncset.done $0x0  }
0xb7: {  	s15 =	simm.s32 $0x800;
	[sflag:s10] =	ssyncadd.s32 $0xFFFFD800  }
0xb8: {  	[tilespmem:s26], [sflag:$0x2] =	stream.indirect.gather [hbm4b:s7+s25], $0x50, s15, s25, $0xb8;
	[tilespmem:$0x1A180] =	vst v63  }
0xb9: {  	_ =	swait.ge [sflag:s13], $0x2800  }
0xba: {  	[sflag:s13] =	ssyncset.done $0x0  }
0xbb: {  	s21 =	simm.s32 $0x1100;
	[sflag:s13] =	ssyncadd.s32 $0xFFFFD800  }
0xbc: {  	[spmem:s3] =	stream.indirect.scatter.add.f32 [tilespmem:s16], [sflag:$0xA], $0x50, s21, s25, $0xb8;
	[tilespmem:$0x1A180] =	vst v63  }
0xbd: {  	_ =	swait.ge [sflag:s14], $0x2800  }
0xbe: {  	[sflag:s14] =	ssyncset.done $0x0  }
0xbf: {  	s24 =	simm.s32 $0x880;
	[sflag:s14] =	ssyncadd.s32 $0xFFFFD800  }
0xc0: {  	[tilespmem:s29], [sflag:$0x3] =	stream.indirect.gather [hbm4b:s7+s25], $0x50, s24, s25, $0xb8;
	[tilespmem:$0x1A180] =	vst v63  }
0xc1: {  	_ =	swait.ge [sflag:s30], $0x2800  }
0xc2: {  	[sflag:s30] =	ssyncset.done $0x0  }
0xc3: {  	s15 =	simm.s32 $0x1180;
	[sflag:s30] =	ssyncadd.s32 $0xFFFFD800  }
0xc4: {  	[spmem:s3] =	stream.indirect.scatter.add.f32 [tilespmem:s22], [sflag:$0x6], $0x50, s15, s25, $0xb8;
	[tilespmem:$0x1A180] =	vst v63  }
0xc5: {  	_ =	swait.ge [sflag:s31], $0x2800  }
0xc6: {  	[sflag:s31] =	ssyncset.done $0x0  }
0xc7: {  	s21 =	simm.s32 $0x900;
	[sflag:s31] =	ssyncadd.s32 $0xFFFFD800  }
0xc8: {  	[tilespmem:s0], [sflag:$0x4] =	stream.indirect.gather [hbm4b:s7+s25], $0x50, s21, s25, $0xb8;
	[tilespmem:$0x1A180] =	vst v63  }
0xc9: {  	_ =	swait.ge [sflag:s5], $0x2800  }
0xca: {  	[sflag:s5] =	ssyncset.done $0x0  }
0xcb: {  	s24 =	simm.s32 $0x1200;
	[sflag:s5] =	ssyncadd.s32 $0xFFFFD800  }
0xcc: {  	[spmem:s3] =	stream.indirect.scatter.add.f32 [tilespmem:s26], [sflag:$0x7], $0x50, s24, s25, $0xb8;
	[tilespmem:$0x1A180] =	vst v63  }
0xcd: {  	_ =	swait.ge [sflag:s18], $0x2800  }
0xce: {  	[sflag:s18] =	ssyncset.done $0x0  }
0xcf: {  	s15 =	simm.s32 $0x980;
	[sflag:s18] =	ssyncadd.s32 $0xFFFFD800  }
0xd0: {  	[tilespmem:s16], [sflag:$0x5] =	stream.indirect.gather [hbm4b:s7+s25], $0x50, s15, s25, $0xb8;
	[tilespmem:$0x1A180] =	vst v63  }
0xd1: {  	_ =	swait.ge [sflag:s17], $0x2800  }
0xd2: {  	[sflag:s17] =	ssyncset.done $0x0  }
0xd3: {  	s28 =	simm.s32 $0x1280;
	[sflag:s17] =	ssyncadd.s32 $0xFFFFD800  }
0xd4: {  	[spmem:s3] =	stream.indirect.scatter.add.f32 [tilespmem:s29], [sflag:$0x8], $0x50, s28, s25, $0xb8;
	[tilespmem:$0x1A180] =	vst v63  }
0xd5: {  	_ =	swait.ge [sflag:s8], $0x2800  }
0xd6: {  	[sflag:s8] =	ssyncset.done $0x0  }
0xd7: {  	s24 =	simm.s32 $0x1300;
	[sflag:s8] =	ssyncadd.s32 $0xFFFFD800  }
0xd8: {  	[spmem:s3] =	stream.indirect.scatter.add.f32 [tilespmem:s0], [sflag:$0x9], $0x50, s24, s25, $0xb8;
	[tilespmem:$0x1A180] =	vst v63  }
0xd9: {  	_ =	swait.ge [sflag:s13], $0x2800  }
0xda: {  	[sflag:s13] =	ssyncset.done $0x0  }
0xdb: {  	s21 =	simm.s32 $0x1380;
	[sflag:s13] =	ssyncadd.s32 $0xFFFFD800  }
0xdc: {  	[spmem:s3] =	stream.indirect.scatter.add.f32 [tilespmem:s16], [sflag:$0xA], $0x50, s21, s25, $0xb8;
	[tilespmem:$0x1A180] =	vst v63  }
0xdd: {  	_ =	swait.ge [sflag:s19], $0x2800  }
0xde: {  	[sflag:s19] =	ssyncset.done $0x0  }
0xdf: {  	[sflag:s19] =	ssyncadd.s32 $0xFFFFD800  }
0xe0: {  	_ =	swait.ge [sflag:s10], $0x2800  }
0xe1: {  	[sflag:s10] =	ssyncset.done $0x0  }
0xe2: {  	[sflag:s10] =	ssyncadd.s32 $0xFFFFD800  }
0xe3: {  	_ =	swait.ge [sflag:s14], $0x2800  }
0xe4: {  	[sflag:s14] =	ssyncset.done $0x0  }
0xe5: {  	p2 =	sne.s32 s9, $0x1;
	[sflag:s14] =	ssyncadd.s32 $0xFFFFD800  }
.Ltmp2:
0xe6: {  	_ =	swait.ge [sflag:s31], $0x2800;
	(pc) =	sbr.rel @!p2 .LBB2_10-.Ltmp2, $4  }
0xe7: {  	[sflag:s31] =	ssyncset.done $0x0  }
0xe8: {  	s20 =	sadd.s32 $0xA00, s20;
	s9 =	sadd.s32 $0xFFFFFFFF, s9;
	[sflag:s31] =	ssyncadd.s32 $0xFFFFD800  }
0xe9: {  	p1 =	por $0x1, $0x1;
	s11 =	sadd.s32 $0x4E200, s20;
	_ =	swait.ge [sflag:s18], $0x2800  }
0xea: {  	s2 =	simm.s32 $0xA00;
	s11 =	sshrl.u32 s11, $0x3;
	[sflag:s18] =	ssyncset.done $0x0  }
.LBB2_11:
0xeb: {  	p2 =	sne.s32 s9, $0x1;
	s11 =	sadd.s32 s1, s11;
	[sflag:s18] =	ssyncadd.s32 $0xFFFFD800  }
0xec: {  	[tilespmem:s4], [sflag:$0xB] =	stream.linear.gather [hbm4b:s11+s4], $0xA00, $0x38;
	[tilespmem:$0x1A180] =	vst v63  }
0xed: {  	s9 =	sadd.s32 $0xFFFFFFFF, s9;
	_ =	swait.ge [sflag:s23], $0xA00  }
0xee: {  	s11 =	sshrl.u32 s20, $0x3;
	[sflag:s23] =	ssyncset.done $0x0  }
0xef: {  	s11 =	sadd.s32 s1, s11;
	[sflag:s23] =	ssyncadd.s32 $0xFFFFF600  }
0xf0: {  	[tilespmem:s2], [sflag:$0xB] =	stream.linear.gather [hbm4b:s11+s4], $0xA00, $0x38;
	[tilespmem:$0x1A180] =	vst v63  }
0xf1: {  	_ =	swait.ge [sflag:s23], $0xA00  }
0xf2: {  	[sflag:s23] =	ssyncset.done $0x0  }
0xf3: {  	[sflag:s23] =	ssyncadd.s32 $0xFFFFF600  }
0xf4: {  	[tilespmem:s22], [sflag:$0x1] =	stream.indirect.gather [hbm4b:s7+s25], $0x50, s4, s25, $0xb8;
	[tilespmem:$0x1A180] =	vst v63  }
0xf5: {  	_ = 	snop  }
0xf6: {  	[tilespmem:s26], [sflag:$0x2] =	stream.indirect.gather [hbm4b:s7+s25], $0x50, s25, s25, $0xb8;
	[tilespmem:$0x1A180] =	vst v63  }
0xf7: {  	_ = 	snop  }
0xf8: {  	[tilespmem:s29], [sflag:$0x3] =	stream.indirect.gather [hbm4b:s7+s25], $0x50, s12, s25, $0xb8;
	[tilespmem:$0x1A180] =	vst v63  }
0xf9: {  	_ =	swait.ge [sflag:s30], $0x2800  }
0xfa: {  	[sflag:s30] =	ssyncset.done $0x0  }
0xfb: {  	[sflag:s30] =	ssyncadd.s32 $0xFFFFD800  }
0xfc: {  	[spmem:s3] =	stream.indirect.scatter.add.f32 [tilespmem:s22], [sflag:$0x6], $0x50, s2, s25, $0xb8;
	[tilespmem:$0x1A180] =	vst v63  }
0xfd: {  	s11 =	simm.s32 $0x180  }
0xfe: {  	[tilespmem:s0], [sflag:$0x4] =	stream.indirect.gather [hbm4b:s7+s25], $0x50, s11, s25, $0xb8;
	[tilespmem:$0x1A180] =	vst v63  }
0xff: {  	_ =	swait.ge [sflag:s5], $0x2800  }
0x100: {  	[sflag:s5] =	ssyncset.done $0x0  }
0x101: {  	s11 =	simm.s32 $0xA80;
	[sflag:s5] =	ssyncadd.s32 $0xFFFFD800  }
0x102: {  	[spmem:s3] =	stream.indirect.scatter.add.f32 [tilespmem:s26], [sflag:$0x7], $0x50, s11, s25, $0xb8;
	[tilespmem:$0x1A180] =	vst v63  }
0x103: {  	s11 =	simm.s32 $0x200  }
0x104: {  	[tilespmem:s16], [sflag:$0x5] =	stream.indirect.gather [hbm4b:s7+s25], $0x50, s11, s25, $0xb8;
	[tilespmem:$0x1A180] =	vst v63  }
0x105: {  	_ =	swait.ge [sflag:s17], $0x2800  }
0x106: {  	[sflag:s17] =	ssyncset.done $0x0  }
0x107: {  	s11 =	simm.s32 $0xB00;
	[sflag:s17] =	ssyncadd.s32 $0xFFFFD800  }
0x108: {  	[spmem:s3] =	stream.indirect.scatter.add.f32 [tilespmem:s29], [sflag:$0x8], $0x50, s11, s25, $0xb8;
	[tilespmem:$0x1A180] =	vst v63  }
0x109: {  	_ =	swait.ge [sflag:s19], $0x2800  }
0x10a: {  	[sflag:s19] =	ssyncset.done $0x0  }
0x10b: {  	s11 =	simm.s32 $0x280;
	[sflag:s19] =	ssyncadd.s32 $0xFFFFD800  }
0x10c: {  	[tilespmem:s22], [sflag:$0x1] =	stream.indirect.gather [hbm4b:s7+s25], $0x50, s11, s25, $0xb8;
	[tilespmem:$0x1A180] =	vst v63  }
0x10d: {  	_ =	swait.ge [sflag:s8], $0x2800  }
0x10e: {  	[sflag:s8] =	ssyncset.done $0x0  }
0x10f: {  	s11 =	simm.s32 $0xB80;
	[sflag:s8] =	ssyncadd.s32 $0xFFFFD800  }
0x110: {  	[spmem:s3] =	stream.indirect.scatter.add.f32 [tilespmem:s0], [sflag:$0x9], $0x50, s11, s25, $0xb8;
	[tilespmem:$0x1A180] =	vst v63  }
0x111: {  	_ =	swait.ge [sflag:s10], $0x2800  }
0x112: {  	[sflag:s10] =	ssyncset.done $0x0  }
0x113: {  	s11 =	simm.s32 $0x300;
	[sflag:s10] =	ssyncadd.s32 $0xFFFFD800  }
0x114: {  	[tilespmem:s26], [sflag:$0x2] =	stream.indirect.gather [hbm4b:s7+s25], $0x50, s11, s25, $0xb8;
	[tilespmem:$0x1A180] =	vst v63  }
0x115: {  	_ =	swait.ge [sflag:s13], $0x2800  }
0x116: {  	[sflag:s13] =	ssyncset.done $0x0  }
0x117: {  	s11 =	simm.s32 $0xC00;
	[sflag:s13] =	ssyncadd.s32 $0xFFFFD800  }
0x118: {  	[spmem:s3] =	stream.indirect.scatter.add.f32 [tilespmem:s16], [sflag:$0xA], $0x50, s11, s25, $0xb8;
	[tilespmem:$0x1A180] =	vst v63  }
0x119: {  	_ =	swait.ge [sflag:s14], $0x2800  }
0x11a: {  	[sflag:s14] =	ssyncset.done $0x0  }
0x11b: {  	s11 =	simm.s32 $0x380;
	[sflag:s14] =	ssyncadd.s32 $0xFFFFD800  }
0x11c: {  	[tilespmem:s29], [sflag:$0x3] =	stream.indirect.gather [hbm4b:s7+s25], $0x50, s11, s25, $0xb8;
	[tilespmem:$0x1A180] =	vst v63  }
0x11d: {  	_ =	swait.ge [sflag:s30], $0x2800  }
0x11e: {  	[sflag:s30] =	ssyncset.done $0x0  }
0x11f: {  	s11 =	simm.s32 $0xC80;
	[sflag:s30] =	ssyncadd.s32 $0xFFFFD800  }
0x120: {  	[spmem:s3] =	stream.indirect.scatter.add.f32 [tilespmem:s22], [sflag:$0x6], $0x50, s11, s25, $0xb8;
	[tilespmem:$0x1A180] =	vst v63  }
0x121: {  	_ =	swait.ge [sflag:s31], $0x2800  }
0x122: {  	[sflag:s31] =	ssyncset.done $0x0  }
0x123: {  	s11 =	simm.s32 $0x400;
	[sflag:s31] =	ssyncadd.s32 $0xFFFFD800  }
0x124: {  	[tilespmem:s0], [sflag:$0x4] =	stream.indirect.gather [hbm4b:s7+s25], $0x50, s11, s25, $0xb8;
	[tilespmem:$0x1A180] =	vst v63  }
0x125: {  	_ =	swait.ge [sflag:s5], $0x2800  }
0x126: {  	[sflag:s5] =	ssyncset.done $0x0  }
0x127: {  	s11 =	simm.s32 $0xD00;
	[sflag:s5] =	ssyncadd.s32 $0xFFFFD800  }
0x128: {  	[spmem:s3] =	stream.indirect.scatter.add.f32 [tilespmem:s26], [sflag:$0x7], $0x50, s11, s25, $0xb8;
	[tilespmem:$0x1A180] =	vst v63  }
0x129: {  	_ =	swait.ge [sflag:s18], $0x2800  }
0x12a: {  	[sflag:s18] =	ssyncset.done $0x0  }
0x12b: {  	s11 =	simm.s32 $0x480;
	[sflag:s18] =	ssyncadd.s32 $0xFFFFD800  }
0x12c: {  	[tilespmem:s16], [sflag:$0x5] =	stream.indirect.gather [hbm4b:s7+s25], $0x50, s11, s25, $0xb8;
	[tilespmem:$0x1A180] =	vst v63  }
0x12d: {  	_ =	swait.ge [sflag:s17], $0x2800  }
0x12e: {  	[sflag:s17] =	ssyncset.done $0x0  }
0x12f: {  	s11 =	simm.s32 $0xD80;
	[sflag:s17] =	ssyncadd.s32 $0xFFFFD800  }
0x130: {  	[spmem:s3] =	stream.indirect.scatter.add.f32 [tilespmem:s29], [sflag:$0x8], $0x50, s11, s25, $0xb8;
	[tilespmem:$0x1A180] =	vst v63  }
0x131: {  	_ =	swait.ge [sflag:s19], $0x2800  }
0x132: {  	[sflag:s19] =	ssyncset.done $0x0  }
0x133: {  	s11 =	simm.s32 $0x500;
	[sflag:s19] =	ssyncadd.s32 $0xFFFFD800  }
0x134: {  	[tilespmem:s22], [sflag:$0x1] =	stream.indirect.gather [hbm4b:s7+s25], $0x50, s11, s25, $0xb8;
	[tilespmem:$0x1A180] =	vst v63  }
0x135: {  	_ =	swait.ge [sflag:s8], $0x2800  }
0x136: {  	[sflag:s8] =	ssyncset.done $0x0  }
0x137: {  	s11 =	simm.s32 $0xE00;
	[sflag:s8] =	ssyncadd.s32 $0xFFFFD800  }
0x138: {  	[spmem:s3] =	stream.indirect.scatter.add.f32 [tilespmem:s0], [sflag:$0x9], $0x50, s11, s25, $0xb8;
	[tilespmem:$0x1A180] =	vst v63  }
0x139: {  	_ =	swait.ge [sflag:s10], $0x2800  }
0x13a: {  	[sflag:s10] =	ssyncset.done $0x0  }
0x13b: {  	s11 =	simm.s32 $0x580;
	[sflag:s10] =	ssyncadd.s32 $0xFFFFD800  }
0x13c: {  	[tilespmem:s26], [sflag:$0x2] =	stream.indirect.gather [hbm4b:s7+s25], $0x50, s11, s25, $0xb8;
	[tilespmem:$0x1A180] =	vst v63  }
0x13d: {  	_ =	swait.ge [sflag:s13], $0x2800  }
0x13e: {  	[sflag:s13] =	ssyncset.done $0x0  }
0x13f: {  	s11 =	simm.s32 $0xE80;
	[sflag:s13] =	ssyncadd.s32 $0xFFFFD800  }
0x140: {  	[spmem:s3] =	stream.indirect.scatter.add.f32 [tilespmem:s16], [sflag:$0xA], $0x50, s11, s25, $0xb8;
	[tilespmem:$0x1A180] =	vst v63  }
0x141: {  	_ =	swait.ge [sflag:s14], $0x2800  }
0x142: {  	[sflag:s14] =	ssyncset.done $0x0  }
0x143: {  	s11 =	simm.s32 $0x600;
	[sflag:s14] =	ssyncadd.s32 $0xFFFFD800  }
0x144: {  	[tilespmem:s29], [sflag:$0x3] =	stream.indirect.gather [hbm4b:s7+s25], $0x50, s11, s25, $0xb8;
	[tilespmem:$0x1A180] =	vst v63  }
0x145: {  	_ =	swait.ge [sflag:s30], $0x2800  }
0x146: {  	[sflag:s30] =	ssyncset.done $0x0  }
0x147: {  	s11 =	simm.s32 $0xF00;
	[sflag:s30] =	ssyncadd.s32 $0xFFFFD800  }
0x148: {  	[spmem:s3] =	stream.indirect.scatter.add.f32 [tilespmem:s22], [sflag:$0x6], $0x50, s11, s25, $0xb8;
	[tilespmem:$0x1A180] =	vst v63  }
0x149: {  	_ =	swait.ge [sflag:s31], $0x2800  }
0x14a: {  	[sflag:s31] =	ssyncset.done $0x0  }
0x14b: {  	s11 =	simm.s32 $0x680;
	[sflag:s31] =	ssyncadd.s32 $0xFFFFD800  }
0x14c: {  	[tilespmem:s0], [sflag:$0x4] =	stream.indirect.gather [hbm4b:s7+s25], $0x50, s11, s25, $0xb8;
	[tilespmem:$0x1A180] =	vst v63  }
0x14d: {  	_ =	swait.ge [sflag:s5], $0x2800  }
0x14e: {  	[sflag:s5] =	ssyncset.done $0x0  }
0x14f: {  	s11 =	simm.s32 $0xF80;
	[sflag:s5] =	ssyncadd.s32 $0xFFFFD800  }
0x150: {  	[spmem:s3] =	stream.indirect.scatter.add.f32 [tilespmem:s26], [sflag:$0x7], $0x50, s11, s25, $0xb8;
	[tilespmem:$0x1A180] =	vst v63  }
0x151: {  	_ =	swait.ge [sflag:s18], $0x2800  }
0x152: {  	[sflag:s18] =	ssyncset.done $0x0  }
0x153: {  	s11 =	simm.s32 $0x700;
	[sflag:s18] =	ssyncadd.s32 $0xFFFFD800  }
0x154: {  	[tilespmem:s16], [sflag:$0x5] =	stream.indirect.gather [hbm4b:s7+s25], $0x50, s11, s25, $0xb8;
	[tilespmem:$0x1A180] =	vst v63  }
0x155: {  	_ =	swait.ge [sflag:s17], $0x2800  }
0x156: {  	[sflag:s17] =	ssyncset.done $0x0  }
0x157: {  	s11 =	simm.s32 $0x1000;
	[sflag:s17] =	ssyncadd.s32 $0xFFFFD800  }
0x158: {  	[spmem:s3] =	stream.indirect.scatter.add.f32 [tilespmem:s29], [sflag:$0x8], $0x50, s11, s25, $0xb8;
	[tilespmem:$0x1A180] =	vst v63  }
0x159: {  	_ =	swait.ge [sflag:s19], $0x2800  }
0x15a: {  	[sflag:s19] =	ssyncset.done $0x0  }
0x15b: {  	s11 =	simm.s32 $0x780;
	[sflag:s19] =	ssyncadd.s32 $0xFFFFD800  }
0x15c: {  	[tilespmem:s22], [sflag:$0x1] =	stream.indirect.gather [hbm4b:s7+s25], $0x50, s11, s25, $0xb8;
	[tilespmem:$0x1A180] =	vst v63  }
0x15d: {  	_ =	swait.ge [sflag:s8], $0x2800  }
0x15e: {  	[sflag:s8] =	ssyncset.done $0x0  }
0x15f: {  	s11 =	simm.s32 $0x1080;
	[sflag:s8] =	ssyncadd.s32 $0xFFFFD800  }
0x160: {  	[spmem:s3] =	stream.indirect.scatter.add.f32 [tilespmem:s0], [sflag:$0x9], $0x50, s11, s25, $0xb8;
	[tilespmem:$0x1A180] =	vst v63  }
0x161: {  	_ =	swait.ge [sflag:s10], $0x2800  }
0x162: {  	[sflag:s10] =	ssyncset.done $0x0  }
0x163: {  	s11 =	simm.s32 $0x800;
	[sflag:s10] =	ssyncadd.s32 $0xFFFFD800  }
0x164: {  	[tilespmem:s26], [sflag:$0x2] =	stream.indirect.gather [hbm4b:s7+s25], $0x50, s11, s25, $0xb8;
	[tilespmem:$0x1A180] =	vst v63  }
0x165: {  	_ =	swait.ge [sflag:s13], $0x2800  }
0x166: {  	[sflag:s13] =	ssyncset.done $0x0  }
0x167: {  	s11 =	simm.s32 $0x1100;
	[sflag:s13] =	ssyncadd.s32 $0xFFFFD800  }
0x168: {  	[spmem:s3] =	stream.indirect.scatter.add.f32 [tilespmem:s16], [sflag:$0xA], $0x50, s11, s25, $0xb8;
	[tilespmem:$0x1A180] =	vst v63  }
0x169: {  	_ =	swait.ge [sflag:s14], $0x2800  }
0x16a: {  	[sflag:s14] =	ssyncset.done $0x0  }
0x16b: {  	s11 =	simm.s32 $0x880;
	[sflag:s14] =	ssyncadd.s32 $0xFFFFD800  }
0x16c: {  	[tilespmem:s29], [sflag:$0x3] =	stream.indirect.gather [hbm4b:s7+s25], $0x50, s11, s25, $0xb8;
	[tilespmem:$0x1A180] =	vst v63  }
0x16d: {  	_ =	swait.ge [sflag:s30], $0x2800  }
0x16e: {  	[sflag:s30] =	ssyncset.done $0x0  }
0x16f: {  	s11 =	simm.s32 $0x1180;
	[sflag:s30] =	ssyncadd.s32 $0xFFFFD800  }
0x170: {  	[spmem:s3] =	stream.indirect.scatter.add.f32 [tilespmem:s22], [sflag:$0x6], $0x50, s11, s25, $0xb8;
	[tilespmem:$0x1A180] =	vst v63  }
0x171: {  	_ =	swait.ge [sflag:s31], $0x2800  }
0x172: {  	[sflag:s31] =	ssyncset.done $0x0  }
0x173: {  	s11 =	simm.s32 $0x900;
	[sflag:s31] =	ssyncadd.s32 $0xFFFFD800  }
0x174: {  	[tilespmem:s0], [sflag:$0x4] =	stream.indirect.gather [hbm4b:s7+s25], $0x50, s11, s25, $0xb8;
	[tilespmem:$0x1A180] =	vst v63  }
0x175: {  	_ =	swait.ge [sflag:s5], $0x2800  }
0x176: {  	[sflag:s5] =	ssyncset.done $0x0  }
0x177: {  	s11 =	simm.s32 $0x1200;
	[sflag:s5] =	ssyncadd.s32 $0xFFFFD800  }
0x178: {  	[spmem:s3] =	stream.indirect.scatter.add.f32 [tilespmem:s26], [sflag:$0x7], $0x50, s11, s25, $0xb8;
	[tilespmem:$0x1A180] =	vst v63  }
0x179: {  	_ =	swait.ge [sflag:s18], $0x2800  }
0x17a: {  	[sflag:s18] =	ssyncset.done $0x0  }
0x17b: {  	[sflag:s18] =	ssyncadd.s32 $0xFFFFD800  }
0x17c: {  	[tilespmem:s16], [sflag:$0x5] =	stream.indirect.gather [hbm4b:s7+s25], $0x50, s15, s25, $0xb8;
	[tilespmem:$0x1A180] =	vst v63  }
0x17d: {  	_ =	swait.ge [sflag:s17], $0x2800  }
0x17e: {  	[sflag:s17] =	ssyncset.done $0x0  }
0x17f: {  	[sflag:s17] =	ssyncadd.s32 $0xFFFFD800  }
0x180: {  	[spmem:s3] =	stream.indirect.scatter.add.f32 [tilespmem:s29], [sflag:$0x8], $0x50, s28, s25, $0xb8;
	[tilespmem:$0x1A180] =	vst v63  }
0x181: {  	_ =	swait.ge [sflag:s8], $0x2800  }
0x182: {  	[sflag:s8] =	ssyncset.done $0x0  }
0x183: {  	[sflag:s8] =	ssyncadd.s32 $0xFFFFD800  }
0x184: {  	[spmem:s3] =	stream.indirect.scatter.add.f32 [tilespmem:s0], [sflag:$0x9], $0x50, s24, s25, $0xb8;
	[tilespmem:$0x1A180] =	vst v63  }
0x185: {  	_ =	swait.ge [sflag:s13], $0x2800  }
0x186: {  	[sflag:s13] =	ssyncset.done $0x0  }
0x187: {  	[sflag:s13] =	ssyncadd.s32 $0xFFFFD800  }
0x188: {  	[spmem:s3] =	stream.indirect.scatter.add.f32 [tilespmem:s16], [sflag:$0xA], $0x50, s21, s25, $0xb8;
	[tilespmem:$0x1A180] =	vst v63  }
0x189: {  	_ =	swait.ge [sflag:s19], $0x2800  }
0x18a: {  	[sflag:s19] =	ssyncset.done $0x0  }
0x18b: {  	[sflag:s19] =	ssyncadd.s32 $0xFFFFD800  }
0x18c: {  	_ =	swait.ge [sflag:s10], $0x2800  }
0x18d: {  	[sflag:s10] =	ssyncset.done $0x0  }
0x18e: {  	[sflag:s10] =	ssyncadd.s32 $0xFFFFD800  }
0x18f: {  	_ =	swait.ge [sflag:s14], $0x2800  }
0x190: {  	[sflag:s14] =	ssyncset.done $0x0  }
0x191: {  	[sflag:s14] =	ssyncadd.s32 $0xFFFFD800  }
.Ltmp3:
0x192: {  	_ =	swait.ge [sflag:s31], $0x2800;
	(pc) =	sbr.rel @p2 .LBB2_11-.Ltmp3, $4  }
0x193: {  	[sflag:s31] =	ssyncset.done $0x0  }
0x194: {  	s20 =	sadd.s32 $0xA00, s20;
	[sflag:s31] =	ssyncadd.s32 $0xFFFFD800  }
0x195: {  	s11 =	sadd.s32 $0x4E200, s20;
	_ =	swait.ge [sflag:s18], $0x2800  }
0x196: {  	s11 =	sshrl.u32 s11, $0x3;
	[sflag:s18] =	ssyncset.done $0x0  }
0x197: {  	s21 =	simm.s32 $0xA80;
	s28 =	simm.s32 $0x200  }
0x198: {  	s2 =	simm.s32 $0xB00;
	s15 =	simm.s32 $0x280;
	s24 =	simm.s32 $0xA00  }
.LBB2_13:
0x199: {  	s9 =	sadd.s32 s1, s11;
	[sflag:s18] =	ssyncadd.s32 @p1 $0xFFFFD800  }
0x19a: {  	[tilespmem:s4], [sflag:$0xB] =	stream.linear.gather [hbm4b:s9+s4], $0xA00, $0x38;
	[tilespmem:$0x1A180] =	vst v63  }
0x19b: {  	_ =	swait.ge [sflag:s23], $0xA00  }
0x19c: {  	s11 =	sshrl.u32 s20, $0x3;
	[sflag:s23] =	ssyncset.done $0x0  }
0x19d: {  	s9 =	sadd.s32 s1, s11;
	[sflag:s23] =	ssyncadd.s32 $0xFFFFF600  }
0x19e: {  	[tilespmem:s24], [sflag:$0xB] =	stream.linear.gather [hbm4b:s9+s4], $0xA00, $0x38;
	[tilespmem:$0x1A180] =	vst v63  }
0x19f: {  	_ =	swait.ge [sflag:s23], $0xA00  }
0x1a0: {  	[sflag:s23] =	ssyncset.done $0x0  }
0x1a1: {  	[sflag:s23] =	ssyncadd.s32 $0xFFFFF600  }
0x1a2: {  	[tilespmem:s22], [sflag:$0x1] =	stream.indirect.gather [hbm4b:s7+s25], $0x50, s4, s25, $0xb8;
	[tilespmem:$0x1A180] =	vst v63  }
0x1a3: {  	_ = 	snop  }
0x1a4: {  	[tilespmem:s26], [sflag:$0x2] =	stream.indirect.gather [hbm4b:s7+s25], $0x50, s25, s25, $0xb8;
	[tilespmem:$0x1A180] =	vst v63  }
0x1a5: {  	_ = 	snop  }
0x1a6: {  	[tilespmem:s29], [sflag:$0x3] =	stream.indirect.gather [hbm4b:s7+s25], $0x50, s12, s25, $0xb8;
	[tilespmem:$0x1A180] =	vst v63  }
0x1a7: {  	_ =	swait.ge [sflag:s30], $0x2800  }
0x1a8: {  	[sflag:s30] =	ssyncset.done $0x0  }
0x1a9: {  	[sflag:s30] =	ssyncadd.s32 $0xFFFFD800  }
0x1aa: {  	[spmem:s3] =	stream.indirect.scatter.add.f32 [tilespmem:s22], [sflag:$0x6], $0x50, s24, s25, $0xb8;
	[tilespmem:$0x1A180] =	vst v63  }
0x1ab: {  	s20 =	simm.s32 $0x180  }
0x1ac: {  	[tilespmem:s0], [sflag:$0x4] =	stream.indirect.gather [hbm4b:s7+s25], $0x50, s20, s25, $0xb8;
	[tilespmem:$0x1A180] =	vst v63  }
0x1ad: {  	_ =	swait.ge [sflag:s5], $0x2800  }
0x1ae: {  	[sflag:s5] =	ssyncset.done $0x0  }
0x1af: {  	[sflag:s5] =	ssyncadd.s32 $0xFFFFD800  }
0x1b0: {  	[spmem:s3] =	stream.indirect.scatter.add.f32 [tilespmem:s26], [sflag:$0x7], $0x50, s21, s25, $0xb8;
	[tilespmem:$0x1A180] =	vst v63  }
0x1b1: {  	_ = 	snop  }
0x1b2: {  	[tilespmem:s16], [sflag:$0x5] =	stream.indirect.gather [hbm4b:s7+s25], $0x50, s28, s25, $0xb8;
	[tilespmem:$0x1A180] =	vst v63  }
0x1b3: {  	_ =	swait.ge [sflag:s17], $0x2800  }
0x1b4: {  	[sflag:s17] =	ssyncset.done $0x0  }
0x1b5: {  	[sflag:s17] =	ssyncadd.s32 $0xFFFFD800  }
0x1b6: {  	[spmem:s3] =	stream.indirect.scatter.add.f32 [tilespmem:s29], [sflag:$0x8], $0x50, s2, s25, $0xb8;
	[tilespmem:$0x1A180] =	vst v63  }
0x1b7: {  	_ =	swait.ge [sflag:s19], $0x2800  }
0x1b8: {  	[sflag:s19] =	ssyncset.done $0x0  }
0x1b9: {  	[sflag:s19] =	ssyncadd.s32 $0xFFFFD800  }
0x1ba: {  	[tilespmem:s22], [sflag:$0x1] =	stream.indirect.gather [hbm4b:s7+s25], $0x50, s15, s25, $0xb8;
	[tilespmem:$0x1A180] =	vst v63  }
0x1bb: {  	_ =	swait.ge [sflag:s8], $0x2800  }
0x1bc: {  	[sflag:s8] =	ssyncset.done $0x0  }
0x1bd: {  	s28 =	simm.s32 $0xB80;
	[sflag:s8] =	ssyncadd.s32 $0xFFFFD800  }
0x1be: {  	[spmem:s3] =	stream.indirect.scatter.add.f32 [tilespmem:s0], [sflag:$0x9], $0x50, s28, s25, $0xb8;
	[tilespmem:$0x1A180] =	vst v63  }
0x1bf: {  	_ =	swait.ge [sflag:s10], $0x2800  }
0x1c0: {  	[sflag:s10] =	ssyncset.done $0x0  }
0x1c1: {  	s1 =	simm.s32 $0x300;
	[sflag:s10] =	ssyncadd.s32 $0xFFFFD800  }
0x1c2: {  	[tilespmem:s26], [sflag:$0x2] =	stream.indirect.gather [hbm4b:s7+s25], $0x50, s1, s25, $0xb8;
	[tilespmem:$0x1A180] =	vst v63  }
0x1c3: {  	_ =	swait.ge [sflag:s13], $0x2800  }
0x1c4: {  	[sflag:s13] =	ssyncset.done $0x0  }
0x1c5: {  	s11 =	simm.s32 $0xC00;
	[sflag:s13] =	ssyncadd.s32 $0xFFFFD800  }
0x1c6: {  	[spmem:s3] =	stream.indirect.scatter.add.f32 [tilespmem:s16], [sflag:$0xA], $0x50, s11, s25, $0xb8;
	[tilespmem:$0x1A180] =	vst v63  }
0x1c7: {  	_ =	swait.ge [sflag:s14], $0x2800  }
0x1c8: {  	[sflag:s14] =	ssyncset.done $0x0  }
0x1c9: {  	s12 =	simm.s32 $0x380;
	[sflag:s14] =	ssyncadd.s32 $0xFFFFD800  }
0x1ca: {  	[tilespmem:s29], [sflag:$0x3] =	stream.indirect.gather [hbm4b:s7+s25], $0x50, s12, s25, $0xb8;
	[tilespmem:$0x1A180] =	vst v63  }
0x1cb: {  	_ =	swait.ge [sflag:s30], $0x2800  }
0x1cc: {  	[sflag:s30] =	ssyncset.done $0x0  }
0x1cd: {  	s20 =	simm.s32 $0xC80;
	[sflag:s30] =	ssyncadd.s32 $0xFFFFD800  }
0x1ce: {  	[spmem:s3] =	stream.indirect.scatter.add.f32 [tilespmem:s22], [sflag:$0x6], $0x50, s20, s25, $0xb8;
	[tilespmem:$0x1A180] =	vst v63  }
0x1cf: {  	_ =	swait.ge [sflag:s31], $0x2800  }
0x1d0: {  	[sflag:s31] =	ssyncset.done $0x0  }
0x1d1: {  	s21 =	simm.s32 $0x400;
	[sflag:s31] =	ssyncadd.s32 $0xFFFFD800  }
0x1d2: {  	[tilespmem:s0], [sflag:$0x4] =	stream.indirect.gather [hbm4b:s7+s25], $0x50, s21, s25, $0xb8;
	[tilespmem:$0x1A180] =	vst v63  }
0x1d3: {  	_ =	swait.ge [sflag:s5], $0x2800  }
0x1d4: {  	[sflag:s5] =	ssyncset.done $0x0  }
0x1d5: {  	s28 =	simm.s32 $0xD00;
	[sflag:s5] =	ssyncadd.s32 $0xFFFFD800  }
0x1d6: {  	[spmem:s3] =	stream.indirect.scatter.add.f32 [tilespmem:s26], [sflag:$0x7], $0x50, s28, s25, $0xb8;
	[tilespmem:$0x1A180] =	vst v63  }
0x1d7: {  	_ =	swait.ge [sflag:s18], $0x2800  }
0x1d8: {  	[sflag:s18] =	ssyncset.done $0x0  }
0x1d9: {  	s9 =	simm.s32 $0x480;
	[sflag:s18] =	ssyncadd.s32 $0xFFFFD800  }
0x1da: {  	[tilespmem:s16], [sflag:$0x5] =	stream.indirect.gather [hbm4b:s7+s25], $0x50, s9, s25, $0xb8;
	[tilespmem:$0x1A180] =	vst v63  }
0x1db: {  	_ =	swait.ge [sflag:s17], $0x2800  }
0x1dc: {  	[sflag:s17] =	ssyncset.done $0x0  }
0x1dd: {  	s11 =	simm.s32 $0xD80;
	[sflag:s17] =	ssyncadd.s32 $0xFFFFD800  }
0x1de: {  	[spmem:s3] =	stream.indirect.scatter.add.f32 [tilespmem:s29], [sflag:$0x8], $0x50, s11, s25, $0xb8;
	[tilespmem:$0x1A180] =	vst v63  }
0x1df: {  	_ =	swait.ge [sflag:s19], $0x2800  }
0x1e0: {  	[sflag:s19] =	ssyncset.done $0x0  }
0x1e1: {  	s12 =	simm.s32 $0x500;
	[sflag:s19] =	ssyncadd.s32 $0xFFFFD800  }
0x1e2: {  	[tilespmem:s22], [sflag:$0x1] =	stream.indirect.gather [hbm4b:s7+s25], $0x50, s12, s25, $0xb8;
	[tilespmem:$0x1A180] =	vst v63  }
0x1e3: {  	_ =	swait.ge [sflag:s8], $0x2800  }
0x1e4: {  	[sflag:s8] =	ssyncset.done $0x0  }
0x1e5: {  	s20 =	simm.s32 $0xE00;
	[sflag:s8] =	ssyncadd.s32 $0xFFFFD800  }
0x1e6: {  	[spmem:s3] =	stream.indirect.scatter.add.f32 [tilespmem:s0], [sflag:$0x9], $0x50, s20, s25, $0xb8;
	[tilespmem:$0x1A180] =	vst v63  }
0x1e7: {  	_ =	swait.ge [sflag:s10], $0x2800  }
0x1e8: {  	[sflag:s10] =	ssyncset.done $0x0  }
0x1e9: {  	s21 =	simm.s32 $0x580;
	[sflag:s10] =	ssyncadd.s32 $0xFFFFD800  }
0x1ea: {  	[tilespmem:s26], [sflag:$0x2] =	stream.indirect.gather [hbm4b:s7+s25], $0x50, s21, s25, $0xb8;
	[tilespmem:$0x1A180] =	vst v63  }
0x1eb: {  	_ =	swait.ge [sflag:s13], $0x2800  }
0x1ec: {  	[sflag:s13] =	ssyncset.done $0x0  }
0x1ed: {  	s28 =	simm.s32 $0xE80;
	[sflag:s13] =	ssyncadd.s32 $0xFFFFD800  }
0x1ee: {  	[spmem:s3] =	stream.indirect.scatter.add.f32 [tilespmem:s16], [sflag:$0xA], $0x50, s28, s25, $0xb8;
	[tilespmem:$0x1A180] =	vst v63  }
0x1ef: {  	_ =	swait.ge [sflag:s14], $0x2800  }
0x1f0: {  	[sflag:s14] =	ssyncset.done $0x0  }
0x1f1: {  	s9 =	simm.s32 $0x600;
	[sflag:s14] =	ssyncadd.s32 $0xFFFFD800  }
0x1f2: {  	[tilespmem:s29], [sflag:$0x3] =	stream.indirect.gather [hbm4b:s7+s25], $0x50, s9, s25, $0xb8;
	[tilespmem:$0x1A180] =	vst v63  }
0x1f3: {  	_ =	swait.ge [sflag:s30], $0x2800  }
0x1f4: {  	[sflag:s30] =	ssyncset.done $0x0  }
0x1f5: {  	s11 =	simm.s32 $0xF00;
	[sflag:s30] =	ssyncadd.s32 $0xFFFFD800  }
0x1f6: {  	[spmem:s3] =	stream.indirect.scatter.add.f32 [tilespmem:s22], [sflag:$0x6], $0x50, s11, s25, $0xb8;
	[tilespmem:$0x1A180] =	vst v63  }
0x1f7: {  	_ =	swait.ge [sflag:s31], $0x2800  }
0x1f8: {  	[sflag:s31] =	ssyncset.done $0x0  }
0x1f9: {  	s12 =	simm.s32 $0x680;
	[sflag:s31] =	ssyncadd.s32 $0xFFFFD800  }
0x1fa: {  	[tilespmem:s0], [sflag:$0x4] =	stream.indirect.gather [hbm4b:s7+s25], $0x50, s12, s25, $0xb8;
	[tilespmem:$0x1A180] =	vst v63  }
0x1fb: {  	_ =	swait.ge [sflag:s5], $0x2800  }
0x1fc: {  	[sflag:s5] =	ssyncset.done $0x0  }
0x1fd: {  	s20 =	simm.s32 $0xF80;
	[sflag:s5] =	ssyncadd.s32 $0xFFFFD800  }
0x1fe: {  	[spmem:s3] =	stream.indirect.scatter.add.f32 [tilespmem:s26], [sflag:$0x7], $0x50, s20, s25, $0xb8;
	[tilespmem:$0x1A180] =	vst v63  }
0x1ff: {  	_ =	swait.ge [sflag:s18], $0x2800  }
0x200: {  	[sflag:s18] =	ssyncset.done $0x0  }
0x201: {  	s21 =	simm.s32 $0x700;
	[sflag:s18] =	ssyncadd.s32 $0xFFFFD800  }
0x202: {  	[tilespmem:s16], [sflag:$0x5] =	stream.indirect.gather [hbm4b:s7+s25], $0x50, s21, s25, $0xb8;
	[tilespmem:$0x1A180] =	vst v63  }
0x203: {  	_ =	swait.ge [sflag:s17], $0x2800  }
0x204: {  	[sflag:s17] =	ssyncset.done $0x0  }
0x205: {  	s28 =	simm.s32 $0x1000;
	[sflag:s17] =	ssyncadd.s32 $0xFFFFD800  }
0x206: {  	[spmem:s3] =	stream.indirect.scatter.add.f32 [tilespmem:s29], [sflag:$0x8], $0x50, s28, s25, $0xb8;
	[tilespmem:$0x1A180] =	vst v63  }
0x207: {  	_ =	swait.ge [sflag:s19], $0x2800  }
0x208: {  	[sflag:s19] =	ssyncset.done $0x0  }
0x209: {  	s9 =	simm.s32 $0x780;
	[sflag:s19] =	ssyncadd.s32 $0xFFFFD800  }
0x20a: {  	[tilespmem:s22], [sflag:$0x1] =	stream.indirect.gather [hbm4b:s7+s25], $0x50, s9, s25, $0xb8;
	[tilespmem:$0x1A180] =	vst v63  }
0x20b: {  	_ =	swait.ge [sflag:s8], $0x2800  }
0x20c: {  	[sflag:s8] =	ssyncset.done $0x0  }
0x20d: {  	s11 =	simm.s32 $0x1080;
	[sflag:s8] =	ssyncadd.s32 $0xFFFFD800  }
0x20e: {  	[spmem:s3] =	stream.indirect.scatter.add.f32 [tilespmem:s0], [sflag:$0x9], $0x50, s11, s25, $0xb8;
	[tilespmem:$0x1A180] =	vst v63  }
0x20f: {  	_ =	swait.ge [sflag:s10], $0x2800  }
0x210: {  	[sflag:s10] =	ssyncset.done $0x0  }
0x211: {  	s12 =	simm.s32 $0x800;
	[sflag:s10] =	ssyncadd.s32 $0xFFFFD800  }
0x212: {  	[tilespmem:s26], [sflag:$0x2] =	stream.indirect.gather [hbm4b:s7+s25], $0x50, s12, s25, $0xb8;
	[tilespmem:$0x1A180] =	vst v63  }
0x213: {  	_ =	swait.ge [sflag:s13], $0x2800  }
0x214: {  	[sflag:s13] =	ssyncset.done $0x0  }
0x215: {  	s20 =	simm.s32 $0x1100;
	[sflag:s13] =	ssyncadd.s32 $0xFFFFD800  }
0x216: {  	[spmem:s3] =	stream.indirect.scatter.add.f32 [tilespmem:s16], [sflag:$0xA], $0x50, s20, s25, $0xb8;
	[tilespmem:$0x1A180] =	vst v63  }
0x217: {  	_ =	swait.ge [sflag:s14], $0x2800  }
0x218: {  	[sflag:s14] =	ssyncset.done $0x0  }
0x219: {  	s21 =	simm.s32 $0x880;
	[sflag:s14] =	ssyncadd.s32 $0xFFFFD800  }
0x21a: {  	[tilespmem:s29], [sflag:$0x3] =	stream.indirect.gather [hbm4b:s7+s25], $0x50, s21, s25, $0xb8;
	[tilespmem:$0x1A180] =	vst v63  }
0x21b: {  	_ =	swait.ge [sflag:s30], $0x2800  }
0x21c: {  	[sflag:s30] =	ssyncset.done $0x0  }
0x21d: {  	s28 =	simm.s32 $0x1180;
	[sflag:s30] =	ssyncadd.s32 $0xFFFFD800  }
0x21e: {  	[spmem:s3] =	stream.indirect.scatter.add.f32 [tilespmem:s22], [sflag:$0x6], $0x50, s28, s25, $0xb8;
	[tilespmem:$0x1A180] =	vst v63  }
0x21f: {  	_ =	swait.ge [sflag:s31], $0x2800  }
0x220: {  	[sflag:s31] =	ssyncset.done $0x0  }
0x221: {  	s9 =	simm.s32 $0x900;
	[sflag:s31] =	ssyncadd.s32 $0xFFFFD800  }
0x222: {  	[tilespmem:s0], [sflag:$0x4] =	stream.indirect.gather [hbm4b:s7+s25], $0x50, s9, s25, $0xb8;
	[tilespmem:$0x1A180] =	vst v63  }
0x223: {  	_ =	swait.ge [sflag:s5], $0x2800  }
0x224: {  	[sflag:s5] =	ssyncset.done $0x0  }
0x225: {  	s11 =	simm.s32 $0x1200;
	[sflag:s5] =	ssyncadd.s32 $0xFFFFD800  }
0x226: {  	[spmem:s3] =	stream.indirect.scatter.add.f32 [tilespmem:s26], [sflag:$0x7], $0x50, s11, s25, $0xb8;
	[tilespmem:$0x1A180] =	vst v63  }
0x227: {  	_ =	swait.ge [sflag:s18], $0x2800  }
0x228: {  	[sflag:s18] =	ssyncset.done $0x0  }
0x229: {  	s12 =	simm.s32 $0x980;
	[sflag:s18] =	ssyncadd.s32 $0xFFFFD800  }
0x22a: {  	[tilespmem:s16], [sflag:$0x5] =	stream.indirect.gather [hbm4b:s7+s25], $0x50, s12, s25, $0xb8;
	[tilespmem:$0x1A180] =	vst v63  }
0x22b: {  	_ =	swait.ge [sflag:s17], $0x2800  }
0x22c: {  	[sflag:s17] =	ssyncset.done $0x0  }
0x22d: {  	s20 =	simm.s32 $0x1280;
	[sflag:s17] =	ssyncadd.s32 $0xFFFFD800  }
0x22e: {  	[spmem:s3] =	stream.indirect.scatter.add.f32 [tilespmem:s29], [sflag:$0x8], $0x50, s20, s25, $0xb8;
	[tilespmem:$0x1A180] =	vst v63  }
0x22f: {  	_ =	swait.ge [sflag:s8], $0x2800  }
0x230: {  	[sflag:s8] =	ssyncset.done $0x0  }
0x231: {  	s21 =	simm.s32 $0x1300;
	[sflag:s8] =	ssyncadd.s32 $0xFFFFD800  }
0x232: {  	[spmem:s3] =	stream.indirect.scatter.add.f32 [tilespmem:s0], [sflag:$0x9], $0x50, s21, s25, $0xb8;
	[tilespmem:$0x1A180] =	vst v63  }
0x233: {  	_ =	swait.ge [sflag:s13], $0x2800  }
0x234: {  	[sflag:s13] =	ssyncset.done $0x0  }
0x235: {  	s28 =	simm.s32 $0x1380;
	[sflag:s13] =	ssyncadd.s32 $0xFFFFD800  }
0x236: {  	[spmem:s3] =	stream.indirect.scatter.add.f32 [tilespmem:s16], [sflag:$0xA], $0x50, s28, s25, $0xb8;
	[tilespmem:$0x1A180] =	vst v63  }
0x237: {  	_ =	swait.ge [sflag:s19], $0x2800  }
0x238: {  	[sflag:s19] =	ssyncset.done $0x0  }
0x239: {  	[sflag:s19] =	ssyncadd.s32 $0xFFFFD800  }
0x23a: {  	_ =	swait.ge [sflag:s10], $0x2800  }
0x23b: {  	[sflag:s10] =	ssyncset.done $0x0  }
0x23c: {  	[sflag:s10] =	ssyncadd.s32 $0xFFFFD800  }
0x23d: {  	_ =	swait.ge [sflag:s14], $0x2800  }
0x23e: {  	[sflag:s14] =	ssyncset.done $0x0  }
0x23f: {  	[sflag:s14] =	ssyncadd.s32 $0xFFFFD800  }
0x240: {  	_ =	swait.ge [sflag:s31], $0x2800  }
.Ltmp4:
0x241: {  	[sflag:s31] =	ssyncset.done $0x0;
	(pc) =	sbr.rel .LBB2_14-.Ltmp4, $4  }
0x242: {  	[sflag:s31] =	ssyncadd.s32 $0xFFFFD800  }
0x243: {  	_ =	swait.ge [sflag:s18], $0x2800  }
0x244: {  	[sflag:s18] =	ssyncset.done $0x0  }
0x245: {  	[sflag:s18] =	ssyncadd.s32 $0xFFFFD800  }
.LBB2_2:
0x246: {  	s9 =	rddreg [dreg:$0xa]  }
0x247: {  	p2 =	seq.s32 s9, $0x1  }
.Ltmp5:
0x248: {  	_ = 	snop;
	(pc) =	sbr.rel @p2 .LBB2_7-.Ltmp5, $3  }
0x249: {  	_ =	sdelay $0x1  }
0x24a: {  	s11 =	sshrl.u32 s20, $0x3  }
0x24b: {  	p1 =	por $0x0, $0x0;
	s28 =	simm.s32 $0x200;
	s9 =	sadd.s32 $0xFFFFFFFF, s9  }
0x24c: {  	s11 =	sadd.s32 s1, s11  }
0x24d: {  	[tilespmem:s4], [sflag:$0xB] =	stream.linear.gather [hbm4b:s11+s4], $0xA00, $0x38;
	[tilespmem:$0x1A180] =	vst v63  }
0x24e: {  	s15 =	sadd.s32 $0x4E200, s20;
	_ =	swait.ge [sflag:s23], $0xA00  }
0x24f: {  	s11 =	sshrl.u32 s15, $0x3;
	[sflag:s23] =	ssyncset.done $0x0  }
0x250: {  	s11 =	sadd.s32 s1, s11;
	[sflag:s23] =	ssyncadd.s32 $0xFFFFF600  }
0x251: {  	[tilespmem:s24], [sflag:$0xB] =	stream.linear.gather [hbm4b:s11+s4], $0xA00, $0x38;
	[tilespmem:$0x1A180] =	vst v63  }
0x252: {  	_ =	swait.ge [sflag:s23], $0xA00  }
0x253: {  	[sflag:s23] =	ssyncset.done $0x0  }
0x254: {  	[sflag:s23] =	ssyncadd.s32 $0xFFFFF600  }
0x255: {  	[tilespmem:s22], [sflag:$0x1] =	stream.indirect.gather [hbm4b:s6+s25], $0x50, s4, s25, $0xb8;
	[tilespmem:$0x1A180] =	vst v63  }
0x256: {  	_ = 	snop  }
0x257: {  	[tilespmem:s26], [sflag:$0x2] =	stream.indirect.gather [hbm4b:s6+s25], $0x50, s25, s25, $0xb8;
	[tilespmem:$0x1A180] =	vst v63  }
0x258: {  	_ = 	snop  }
0x259: {  	[tilespmem:s29], [sflag:$0x3] =	stream.indirect.gather [hbm4b:s6+s25], $0x50, s12, s25, $0xb8;
	[tilespmem:$0x1A180] =	vst v63  }
0x25a: {  	_ =	swait.ge [sflag:s30], $0x2800  }
0x25b: {  	[sflag:s30] =	ssyncset.done $0x0  }
0x25c: {  	[sflag:s30] =	ssyncadd.s32 $0xFFFFD800  }
0x25d: {  	[spmem:s3] =	stream.indirect.scatter.add.f32 [tilespmem:s22], [sflag:$0x6], $0x50, s24, s25, $0xb8;
	[tilespmem:$0x1A180] =	vst v63  }
0x25e: {  	s24 =	simm.s32 $0x180  }
0x25f: {  	[tilespmem:s0], [sflag:$0x4] =	stream.indirect.gather [hbm4b:s6+s25], $0x50, s24, s25, $0xb8;
	[tilespmem:$0x1A180] =	vst v63  }
0x260: {  	_ =	swait.ge [sflag:s5], $0x2800  }
0x261: {  	[sflag:s5] =	ssyncset.done $0x0  }
0x262: {  	s11 =	simm.s32 $0xA80;
	[sflag:s5] =	ssyncadd.s32 $0xFFFFD800  }
0x263: {  	[spmem:s3] =	stream.indirect.scatter.add.f32 [tilespmem:s26], [sflag:$0x7], $0x50, s11, s25, $0xb8;
	[tilespmem:$0x1A180] =	vst v63  }
0x264: {  	s15 =	simm.s32 $0x200  }
0x265: {  	[tilespmem:s16], [sflag:$0x5] =	stream.indirect.gather [hbm4b:s6+s25], $0x50, s15, s25, $0xb8;
	[tilespmem:$0x1A180] =	vst v63  }
0x266: {  	_ =	swait.ge [sflag:s17], $0x2800  }
0x267: {  	[sflag:s17] =	ssyncset.done $0x0  }
0x268: {  	s2 =	simm.s32 $0xB00;
	[sflag:s17] =	ssyncadd.s32 $0xFFFFD800  }
0x269: {  	[spmem:s3] =	stream.indirect.scatter.add.f32 [tilespmem:s29], [sflag:$0x8], $0x50, s2, s25, $0xb8;
	[tilespmem:$0x1A180] =	vst v63  }
0x26a: {  	_ =	swait.ge [sflag:s19], $0x2800  }
0x26b: {  	[sflag:s19] =	ssyncset.done $0x0  }
0x26c: {  	s21 =	simm.s32 $0x280;
	[sflag:s19] =	ssyncadd.s32 $0xFFFFD800  }
0x26d: {  	[tilespmem:s22], [sflag:$0x1] =	stream.indirect.gather [hbm4b:s6+s25], $0x50, s21, s25, $0xb8;
	[tilespmem:$0x1A180] =	vst v63  }
0x26e: {  	_ =	swait.ge [sflag:s8], $0x2800  }
0x26f: {  	[sflag:s8] =	ssyncset.done $0x0  }
0x270: {  	s21 =	simm.s32 $0xB80;
	[sflag:s8] =	ssyncadd.s32 $0xFFFFD800  }
0x271: {  	[spmem:s3] =	stream.indirect.scatter.add.f32 [tilespmem:s0], [sflag:$0x9], $0x50, s21, s25, $0xb8;
	[tilespmem:$0x1A180] =	vst v63  }
0x272: {  	_ =	swait.ge [sflag:s10], $0x2800  }
0x273: {  	[sflag:s10] =	ssyncset.done $0x0  }
0x274: {  	s24 =	simm.s32 $0x300;
	[sflag:s10] =	ssyncadd.s32 $0xFFFFD800  }
0x275: {  	[tilespmem:s26], [sflag:$0x2] =	stream.indirect.gather [hbm4b:s6+s25], $0x50, s24, s25, $0xb8;
	[tilespmem:$0x1A180] =	vst v63  }
0x276: {  	_ =	swait.ge [sflag:s13], $0x2800  }
0x277: {  	[sflag:s13] =	ssyncset.done $0x0  }
0x278: {  	s11 =	simm.s32 $0xC00;
	[sflag:s13] =	ssyncadd.s32 $0xFFFFD800  }
0x279: {  	[spmem:s3] =	stream.indirect.scatter.add.f32 [tilespmem:s16], [sflag:$0xA], $0x50, s11, s25, $0xb8;
	[tilespmem:$0x1A180] =	vst v63  }
0x27a: {  	_ =	swait.ge [sflag:s14], $0x2800  }
0x27b: {  	[sflag:s14] =	ssyncset.done $0x0  }
0x27c: {  	s15 =	simm.s32 $0x380;
	[sflag:s14] =	ssyncadd.s32 $0xFFFFD800  }
0x27d: {  	[tilespmem:s29], [sflag:$0x3] =	stream.indirect.gather [hbm4b:s6+s25], $0x50, s15, s25, $0xb8;
	[tilespmem:$0x1A180] =	vst v63  }
0x27e: {  	_ =	swait.ge [sflag:s30], $0x2800  }
0x27f: {  	[sflag:s30] =	ssyncset.done $0x0  }
0x280: {  	s21 =	simm.s32 $0xC80;
	[sflag:s30] =	ssyncadd.s32 $0xFFFFD800  }
0x281: {  	[spmem:s3] =	stream.indirect.scatter.add.f32 [tilespmem:s22], [sflag:$0x6], $0x50, s21, s25, $0xb8;
	[tilespmem:$0x1A180] =	vst v63  }
0x282: {  	_ =	swait.ge [sflag:s31], $0x2800  }
0x283: {  	[sflag:s31] =	ssyncset.done $0x0  }
0x284: {  	s24 =	simm.s32 $0x400;
	[sflag:s31] =	ssyncadd.s32 $0xFFFFD800  }
0x285: {  	[tilespmem:s0], [sflag:$0x4] =	stream.indirect.gather [hbm4b:s6+s25], $0x50, s24, s25, $0xb8;
	[tilespmem:$0x1A180] =	vst v63  }
0x286: {  	_ =	swait.ge [sflag:s5], $0x2800  }
0x287: {  	[sflag:s5] =	ssyncset.done $0x0  }
0x288: {  	s15 =	simm.s32 $0xD00;
	[sflag:s5] =	ssyncadd.s32 $0xFFFFD800  }
0x289: {  	[spmem:s3] =	stream.indirect.scatter.add.f32 [tilespmem:s26], [sflag:$0x7], $0x50, s15, s25, $0xb8;
	[tilespmem:$0x1A180] =	vst v63  }
0x28a: {  	_ =	swait.ge [sflag:s18], $0x2800  }
0x28b: {  	[sflag:s18] =	ssyncset.done $0x0  }
0x28c: {  	s21 =	simm.s32 $0x480;
	[sflag:s18] =	ssyncadd.s32 $0xFFFFD800  }
0x28d: {  	[tilespmem:s16], [sflag:$0x5] =	stream.indirect.gather [hbm4b:s6+s25], $0x50, s21, s25, $0xb8;
	[tilespmem:$0x1A180] =	vst v63  }
0x28e: {  	_ =	swait.ge [sflag:s17], $0x2800  }
0x28f: {  	[sflag:s17] =	ssyncset.done $0x0  }
0x290: {  	s24 =	simm.s32 $0xD80;
	[sflag:s17] =	ssyncadd.s32 $0xFFFFD800  }
0x291: {  	[spmem:s3] =	stream.indirect.scatter.add.f32 [tilespmem:s29], [sflag:$0x8], $0x50, s24, s25, $0xb8;
	[tilespmem:$0x1A180] =	vst v63  }
0x292: {  	_ =	swait.ge [sflag:s19], $0x2800  }
0x293: {  	[sflag:s19] =	ssyncset.done $0x0  }
0x294: {  	s15 =	simm.s32 $0x500;
	[sflag:s19] =	ssyncadd.s32 $0xFFFFD800  }
0x295: {  	[tilespmem:s22], [sflag:$0x1] =	stream.indirect.gather [hbm4b:s6+s25], $0x50, s15, s25, $0xb8;
	[tilespmem:$0x1A180] =	vst v63  }
0x296: {  	_ =	swait.ge [sflag:s8], $0x2800  }
0x297: {  	[sflag:s8] =	ssyncset.done $0x0  }
0x298: {  	s21 =	simm.s32 $0xE00;
	[sflag:s8] =	ssyncadd.s32 $0xFFFFD800  }
0x299: {  	[spmem:s3] =	stream.indirect.scatter.add.f32 [tilespmem:s0], [sflag:$0x9], $0x50, s21, s25, $0xb8;
	[tilespmem:$0x1A180] =	vst v63  }
0x29a: {  	_ =	swait.ge [sflag:s10], $0x2800  }
0x29b: {  	[sflag:s10] =	ssyncset.done $0x0  }
0x29c: {  	s24 =	simm.s32 $0x580;
	[sflag:s10] =	ssyncadd.s32 $0xFFFFD800  }
0x29d: {  	[tilespmem:s26], [sflag:$0x2] =	stream.indirect.gather [hbm4b:s6+s25], $0x50, s24, s25, $0xb8;
	[tilespmem:$0x1A180] =	vst v63  }
0x29e: {  	_ =	swait.ge [sflag:s13], $0x2800  }
0x29f: {  	[sflag:s13] =	ssyncset.done $0x0  }
0x2a0: {  	s15 =	simm.s32 $0xE80;
	[sflag:s13] =	ssyncadd.s32 $0xFFFFD800  }
0x2a1: {  	[spmem:s3] =	stream.indirect.scatter.add.f32 [tilespmem:s16], [sflag:$0xA], $0x50, s15, s25, $0xb8;
	[tilespmem:$0x1A180] =	vst v63  }
0x2a2: {  	_ =	swait.ge [sflag:s14], $0x2800  }
0x2a3: {  	[sflag:s14] =	ssyncset.done $0x0  }
0x2a4: {  	s21 =	simm.s32 $0x600;
	[sflag:s14] =	ssyncadd.s32 $0xFFFFD800  }
0x2a5: {  	[tilespmem:s29], [sflag:$0x3] =	stream.indirect.gather [hbm4b:s6+s25], $0x50, s21, s25, $0xb8;
	[tilespmem:$0x1A180] =	vst v63  }
0x2a6: {  	_ =	swait.ge [sflag:s30], $0x2800  }
0x2a7: {  	[sflag:s30] =	ssyncset.done $0x0  }
0x2a8: {  	s24 =	simm.s32 $0xF00;
	[sflag:s30] =	ssyncadd.s32 $0xFFFFD800  }
0x2a9: {  	[spmem:s3] =	stream.indirect.scatter.add.f32 [tilespmem:s22], [sflag:$0x6], $0x50, s24, s25, $0xb8;
	[tilespmem:$0x1A180] =	vst v63  }
0x2aa: {  	_ =	swait.ge [sflag:s31], $0x2800  }
0x2ab: {  	[sflag:s31] =	ssyncset.done $0x0  }
0x2ac: {  	s15 =	simm.s32 $0x680;
	[sflag:s31] =	ssyncadd.s32 $0xFFFFD800  }
0x2ad: {  	[tilespmem:s0], [sflag:$0x4] =	stream.indirect.gather [hbm4b:s6+s25], $0x50, s15, s25, $0xb8;
	[tilespmem:$0x1A180] =	vst v63  }
0x2ae: {  	_ =	swait.ge [sflag:s5], $0x2800  }
0x2af: {  	[sflag:s5] =	ssyncset.done $0x0  }
0x2b0: {  	s21 =	simm.s32 $0xF80;
	[sflag:s5] =	ssyncadd.s32 $0xFFFFD800  }
0x2b1: {  	[spmem:s3] =	stream.indirect.scatter.add.f32 [tilespmem:s26], [sflag:$0x7], $0x50, s21, s25, $0xb8;
	[tilespmem:$0x1A180] =	vst v63  }
0x2b2: {  	_ =	swait.ge [sflag:s18], $0x2800  }
0x2b3: {  	[sflag:s18] =	ssyncset.done $0x0  }
0x2b4: {  	s24 =	simm.s32 $0x700;
	[sflag:s18] =	ssyncadd.s32 $0xFFFFD800  }
0x2b5: {  	[tilespmem:s16], [sflag:$0x5] =	stream.indirect.gather [hbm4b:s6+s25], $0x50, s24, s25, $0xb8;
	[tilespmem:$0x1A180] =	vst v63  }
0x2b6: {  	_ =	swait.ge [sflag:s17], $0x2800  }
0x2b7: {  	[sflag:s17] =	ssyncset.done $0x0  }
0x2b8: {  	s15 =	simm.s32 $0x1000;
	[sflag:s17] =	ssyncadd.s32 $0xFFFFD800  }
0x2b9: {  	[spmem:s3] =	stream.indirect.scatter.add.f32 [tilespmem:s29], [sflag:$0x8], $0x50, s15, s25, $0xb8;
	[tilespmem:$0x1A180] =	vst v63  }
0x2ba: {  	_ =	swait.ge [sflag:s19], $0x2800  }
0x2bb: {  	[sflag:s19] =	ssyncset.done $0x0  }
0x2bc: {  	s21 =	simm.s32 $0x780;
	[sflag:s19] =	ssyncadd.s32 $0xFFFFD800  }
0x2bd: {  	[tilespmem:s22], [sflag:$0x1] =	stream.indirect.gather [hbm4b:s6+s25], $0x50, s21, s25, $0xb8;
	[tilespmem:$0x1A180] =	vst v63  }
0x2be: {  	_ =	swait.ge [sflag:s8], $0x2800  }
0x2bf: {  	[sflag:s8] =	ssyncset.done $0x0  }
0x2c0: {  	s24 =	simm.s32 $0x1080;
	[sflag:s8] =	ssyncadd.s32 $0xFFFFD800  }
0x2c1: {  	[spmem:s3] =	stream.indirect.scatter.add.f32 [tilespmem:s0], [sflag:$0x9], $0x50, s24, s25, $0xb8;
	[tilespmem:$0x1A180] =	vst v63  }
0x2c2: {  	_ =	swait.ge [sflag:s10], $0x2800  }
0x2c3: {  	[sflag:s10] =	ssyncset.done $0x0  }
0x2c4: {  	s15 =	simm.s32 $0x800;
	[sflag:s10] =	ssyncadd.s32 $0xFFFFD800  }
0x2c5: {  	[tilespmem:s26], [sflag:$0x2] =	stream.indirect.gather [hbm4b:s6+s25], $0x50, s15, s25, $0xb8;
	[tilespmem:$0x1A180] =	vst v63  }
0x2c6: {  	_ =	swait.ge [sflag:s13], $0x2800  }
0x2c7: {  	[sflag:s13] =	ssyncset.done $0x0  }
0x2c8: {  	s21 =	simm.s32 $0x1100;
	[sflag:s13] =	ssyncadd.s32 $0xFFFFD800  }
0x2c9: {  	[spmem:s3] =	stream.indirect.scatter.add.f32 [tilespmem:s16], [sflag:$0xA], $0x50, s21, s25, $0xb8;
	[tilespmem:$0x1A180] =	vst v63  }
0x2ca: {  	_ =	swait.ge [sflag:s14], $0x2800  }
0x2cb: {  	[sflag:s14] =	ssyncset.done $0x0  }
0x2cc: {  	s24 =	simm.s32 $0x880;
	[sflag:s14] =	ssyncadd.s32 $0xFFFFD800  }
0x2cd: {  	[tilespmem:s29], [sflag:$0x3] =	stream.indirect.gather [hbm4b:s6+s25], $0x50, s24, s25, $0xb8;
	[tilespmem:$0x1A180] =	vst v63  }
0x2ce: {  	_ =	swait.ge [sflag:s30], $0x2800  }
0x2cf: {  	[sflag:s30] =	ssyncset.done $0x0  }
0x2d0: {  	s15 =	simm.s32 $0x1180;
	[sflag:s30] =	ssyncadd.s32 $0xFFFFD800  }
0x2d1: {  	[spmem:s3] =	stream.indirect.scatter.add.f32 [tilespmem:s22], [sflag:$0x6], $0x50, s15, s25, $0xb8;
	[tilespmem:$0x1A180] =	vst v63  }
0x2d2: {  	_ =	swait.ge [sflag:s31], $0x2800  }
0x2d3: {  	[sflag:s31] =	ssyncset.done $0x0  }
0x2d4: {  	s21 =	simm.s32 $0x900;
	[sflag:s31] =	ssyncadd.s32 $0xFFFFD800  }
0x2d5: {  	[tilespmem:s0], [sflag:$0x4] =	stream.indirect.gather [hbm4b:s6+s25], $0x50, s21, s25, $0xb8;
	[tilespmem:$0x1A180] =	vst v63  }
0x2d6: {  	_ =	swait.ge [sflag:s5], $0x2800  }
0x2d7: {  	[sflag:s5] =	ssyncset.done $0x0  }
0x2d8: {  	s24 =	simm.s32 $0x1200;
	[sflag:s5] =	ssyncadd.s32 $0xFFFFD800  }
0x2d9: {  	[spmem:s3] =	stream.indirect.scatter.add.f32 [tilespmem:s26], [sflag:$0x7], $0x50, s24, s25, $0xb8;
	[tilespmem:$0x1A180] =	vst v63  }
0x2da: {  	_ =	swait.ge [sflag:s18], $0x2800  }
0x2db: {  	[sflag:s18] =	ssyncset.done $0x0  }
0x2dc: {  	s15 =	simm.s32 $0x980;
	[sflag:s18] =	ssyncadd.s32 $0xFFFFD800  }
0x2dd: {  	[tilespmem:s16], [sflag:$0x5] =	stream.indirect.gather [hbm4b:s6+s25], $0x50, s15, s25, $0xb8;
	[tilespmem:$0x1A180] =	vst v63  }
0x2de: {  	_ =	swait.ge [sflag:s17], $0x2800  }
0x2df: {  	[sflag:s17] =	ssyncset.done $0x0  }
0x2e0: {  	s28 =	simm.s32 $0x1280;
	[sflag:s17] =	ssyncadd.s32 $0xFFFFD800  }
0x2e1: {  	[spmem:s3] =	stream.indirect.scatter.add.f32 [tilespmem:s29], [sflag:$0x8], $0x50, s28, s25, $0xb8;
	[tilespmem:$0x1A180] =	vst v63  }
0x2e2: {  	_ =	swait.ge [sflag:s8], $0x2800  }
0x2e3: {  	[sflag:s8] =	ssyncset.done $0x0  }
0x2e4: {  	s24 =	simm.s32 $0x1300;
	[sflag:s8] =	ssyncadd.s32 $0xFFFFD800  }
0x2e5: {  	[spmem:s3] =	stream.indirect.scatter.add.f32 [tilespmem:s0], [sflag:$0x9], $0x50, s24, s25, $0xb8;
	[tilespmem:$0x1A180] =	vst v63  }
0x2e6: {  	_ =	swait.ge [sflag:s13], $0x2800  }
0x2e7: {  	[sflag:s13] =	ssyncset.done $0x0  }
0x2e8: {  	s21 =	simm.s32 $0x1380;
	[sflag:s13] =	ssyncadd.s32 $0xFFFFD800  }
0x2e9: {  	[spmem:s3] =	stream.indirect.scatter.add.f32 [tilespmem:s16], [sflag:$0xA], $0x50, s21, s25, $0xb8;
	[tilespmem:$0x1A180] =	vst v63  }
0x2ea: {  	_ =	swait.ge [sflag:s19], $0x2800  }
0x2eb: {  	[sflag:s19] =	ssyncset.done $0x0  }
0x2ec: {  	[sflag:s19] =	ssyncadd.s32 $0xFFFFD800  }
0x2ed: {  	_ =	swait.ge [sflag:s10], $0x2800  }
0x2ee: {  	[sflag:s10] =	ssyncset.done $0x0  }
0x2ef: {  	[sflag:s10] =	ssyncadd.s32 $0xFFFFD800  }
0x2f0: {  	_ =	swait.ge [sflag:s14], $0x2800  }
0x2f1: {  	[sflag:s14] =	ssyncset.done $0x0  }
0x2f2: {  	p2 =	seq.s32 s9, $0x1;
	[sflag:s14] =	ssyncadd.s32 $0xFFFFD800  }
.Ltmp6:
0x2f3: {  	_ =	swait.ge [sflag:s31], $0x2800;
	(pc) =	sbr.rel @p2 .LBB2_4-.Ltmp6, $4  }
0x2f4: {  	[sflag:s31] =	ssyncset.done $0x0  }
0x2f5: {  	s9 =	sadd.s32 $0xFFFFFFFF, s9;
	[sflag:s31] =	ssyncadd.s32 $0xFFFFD800  }
0x2f6: {  	s20 =	sadd.s32 $0xA00, s20;
	p1 =	por $0x1, $0x1;
	_ =	swait.ge [sflag:s18], $0x2800  }
0x2f7: {  	s2 =	simm.s32 $0xA00;
	s11 =	sshrl.u32 s20, $0x3;
	[sflag:s18] =	ssyncset.done $0x0  }
.LBB2_5:
0x2f8: {  	p2 =	seq.s32 s9, $0x1;
	s11 =	sadd.s32 s1, s11;
	[sflag:s18] =	ssyncadd.s32 $0xFFFFD800  }
0x2f9: {  	[tilespmem:s4], [sflag:$0xB] =	stream.linear.gather [hbm4b:s11+s4], $0xA00, $0x38;
	[tilespmem:$0x1A180] =	vst v63  }
0x2fa: {  	s9 =	sadd.s32 $0xFFFFFFFF, s9;
	s11 =	sadd.s32 $0x4E200, s20;
	_ =	swait.ge [sflag:s23], $0xA00  }
0x2fb: {  	s11 =	sshrl.u32 s11, $0x3;
	[sflag:s23] =	ssyncset.done $0x0  }
0x2fc: {  	s11 =	sadd.s32 s1, s11;
	[sflag:s23] =	ssyncadd.s32 $0xFFFFF600  }
0x2fd: {  	[tilespmem:s2], [sflag:$0xB] =	stream.linear.gather [hbm4b:s11+s4], $0xA00, $0x38;
	[tilespmem:$0x1A180] =	vst v63  }
0x2fe: {  	_ =	swait.ge [sflag:s23], $0xA00  }
0x2ff: {  	[sflag:s23] =	ssyncset.done $0x0  }
0x300: {  	[sflag:s23] =	ssyncadd.s32 $0xFFFFF600  }
0x301: {  	[tilespmem:s22], [sflag:$0x1] =	stream.indirect.gather [hbm4b:s6+s25], $0x50, s4, s25, $0xb8;
	[tilespmem:$0x1A180] =	vst v63  }
0x302: {  	_ = 	snop  }
0x303: {  	[tilespmem:s26], [sflag:$0x2] =	stream.indirect.gather [hbm4b:s6+s25], $0x50, s25, s25, $0xb8;
	[tilespmem:$0x1A180] =	vst v63  }
0x304: {  	_ = 	snop  }
0x305: {  	[tilespmem:s29], [sflag:$0x3] =	stream.indirect.gather [hbm4b:s6+s25], $0x50, s12, s25, $0xb8;
	[tilespmem:$0x1A180] =	vst v63  }
0x306: {  	_ =	swait.ge [sflag:s30], $0x2800  }
0x307: {  	[sflag:s30] =	ssyncset.done $0x0  }
0x308: {  	[sflag:s30] =	ssyncadd.s32 $0xFFFFD800  }
0x309: {  	[spmem:s3] =	stream.indirect.scatter.add.f32 [tilespmem:s22], [sflag:$0x6], $0x50, s2, s25, $0xb8;
	[tilespmem:$0x1A180] =	vst v63  }
0x30a: {  	s11 =	simm.s32 $0x180  }
0x30b: {  	[tilespmem:s0], [sflag:$0x4] =	stream.indirect.gather [hbm4b:s6+s25], $0x50, s11, s25, $0xb8;
	[tilespmem:$0x1A180] =	vst v63  }
0x30c: {  	_ =	swait.ge [sflag:s5], $0x2800  }
0x30d: {  	[sflag:s5] =	ssyncset.done $0x0  }
0x30e: {  	s11 =	simm.s32 $0xA80;
	[sflag:s5] =	ssyncadd.s32 $0xFFFFD800  }
0x30f: {  	[spmem:s3] =	stream.indirect.scatter.add.f32 [tilespmem:s26], [sflag:$0x7], $0x50, s11, s25, $0xb8;
	[tilespmem:$0x1A180] =	vst v63  }
0x310: {  	s11 =	simm.s32 $0x200  }
0x311: {  	[tilespmem:s16], [sflag:$0x5] =	stream.indirect.gather [hbm4b:s6+s25], $0x50, s11, s25, $0xb8;
	[tilespmem:$0x1A180] =	vst v63  }
0x312: {  	_ =	swait.ge [sflag:s17], $0x2800  }
0x313: {  	[sflag:s17] =	ssyncset.done $0x0  }
0x314: {  	s11 =	simm.s32 $0xB00;
	[sflag:s17] =	ssyncadd.s32 $0xFFFFD800  }
0x315: {  	[spmem:s3] =	stream.indirect.scatter.add.f32 [tilespmem:s29], [sflag:$0x8], $0x50, s11, s25, $0xb8;
	[tilespmem:$0x1A180] =	vst v63  }
0x316: {  	_ =	swait.ge [sflag:s19], $0x2800  }
0x317: {  	[sflag:s19] =	ssyncset.done $0x0  }
0x318: {  	s11 =	simm.s32 $0x280;
	[sflag:s19] =	ssyncadd.s32 $0xFFFFD800  }
0x319: {  	[tilespmem:s22], [sflag:$0x1] =	stream.indirect.gather [hbm4b:s6+s25], $0x50, s11, s25, $0xb8;
	[tilespmem:$0x1A180] =	vst v63  }
0x31a: {  	_ =	swait.ge [sflag:s8], $0x2800  }
0x31b: {  	[sflag:s8] =	ssyncset.done $0x0  }
0x31c: {  	s11 =	simm.s32 $0xB80;
	[sflag:s8] =	ssyncadd.s32 $0xFFFFD800  }
0x31d: {  	[spmem:s3] =	stream.indirect.scatter.add.f32 [tilespmem:s0], [sflag:$0x9], $0x50, s11, s25, $0xb8;
	[tilespmem:$0x1A180] =	vst v63  }
0x31e: {  	_ =	swait.ge [sflag:s10], $0x2800  }
0x31f: {  	[sflag:s10] =	ssyncset.done $0x0  }
0x320: {  	s11 =	simm.s32 $0x300;
	[sflag:s10] =	ssyncadd.s32 $0xFFFFD800  }
0x321: {  	[tilespmem:s26], [sflag:$0x2] =	stream.indirect.gather [hbm4b:s6+s25], $0x50, s11, s25, $0xb8;
	[tilespmem:$0x1A180] =	vst v63  }
0x322: {  	_ =	swait.ge [sflag:s13], $0x2800  }
0x323: {  	[sflag:s13] =	ssyncset.done $0x0  }
0x324: {  	s11 =	simm.s32 $0xC00;
	[sflag:s13] =	ssyncadd.s32 $0xFFFFD800  }
0x325: {  	[spmem:s3] =	stream.indirect.scatter.add.f32 [tilespmem:s16], [sflag:$0xA], $0x50, s11, s25, $0xb8;
	[tilespmem:$0x1A180] =	vst v63  }
0x326: {  	_ =	swait.ge [sflag:s14], $0x2800  }
0x327: {  	[sflag:s14] =	ssyncset.done $0x0  }
0x328: {  	s11 =	simm.s32 $0x380;
	[sflag:s14] =	ssyncadd.s32 $0xFFFFD800  }
0x329: {  	[tilespmem:s29], [sflag:$0x3] =	stream.indirect.gather [hbm4b:s6+s25], $0x50, s11, s25, $0xb8;
	[tilespmem:$0x1A180] =	vst v63  }
0x32a: {  	_ =	swait.ge [sflag:s30], $0x2800  }
0x32b: {  	[sflag:s30] =	ssyncset.done $0x0  }
0x32c: {  	s11 =	simm.s32 $0xC80;
	[sflag:s30] =	ssyncadd.s32 $0xFFFFD800  }
0x32d: {  	[spmem:s3] =	stream.indirect.scatter.add.f32 [tilespmem:s22], [sflag:$0x6], $0x50, s11, s25, $0xb8;
	[tilespmem:$0x1A180] =	vst v63  }
0x32e: {  	_ =	swait.ge [sflag:s31], $0x2800  }
0x32f: {  	[sflag:s31] =	ssyncset.done $0x0  }
0x330: {  	s11 =	simm.s32 $0x400;
	[sflag:s31] =	ssyncadd.s32 $0xFFFFD800  }
0x331: {  	[tilespmem:s0], [sflag:$0x4] =	stream.indirect.gather [hbm4b:s6+s25], $0x50, s11, s25, $0xb8;
	[tilespmem:$0x1A180] =	vst v63  }
0x332: {  	_ =	swait.ge [sflag:s5], $0x2800  }
0x333: {  	[sflag:s5] =	ssyncset.done $0x0  }
0x334: {  	s11 =	simm.s32 $0xD00;
	[sflag:s5] =	ssyncadd.s32 $0xFFFFD800  }
0x335: {  	[spmem:s3] =	stream.indirect.scatter.add.f32 [tilespmem:s26], [sflag:$0x7], $0x50, s11, s25, $0xb8;
	[tilespmem:$0x1A180] =	vst v63  }
0x336: {  	_ =	swait.ge [sflag:s18], $0x2800  }
0x337: {  	[sflag:s18] =	ssyncset.done $0x0  }
0x338: {  	s11 =	simm.s32 $0x480;
	[sflag:s18] =	ssyncadd.s32 $0xFFFFD800  }
0x339: {  	[tilespmem:s16], [sflag:$0x5] =	stream.indirect.gather [hbm4b:s6+s25], $0x50, s11, s25, $0xb8;
	[tilespmem:$0x1A180] =	vst v63  }
0x33a: {  	_ =	swait.ge [sflag:s17], $0x2800  }
0x33b: {  	[sflag:s17] =	ssyncset.done $0x0  }
0x33c: {  	s11 =	simm.s32 $0xD80;
	[sflag:s17] =	ssyncadd.s32 $0xFFFFD800  }
0x33d: {  	[spmem:s3] =	stream.indirect.scatter.add.f32 [tilespmem:s29], [sflag:$0x8], $0x50, s11, s25, $0xb8;
	[tilespmem:$0x1A180] =	vst v63  }
0x33e: {  	_ =	swait.ge [sflag:s19], $0x2800  }
0x33f: {  	[sflag:s19] =	ssyncset.done $0x0  }
0x340: {  	s11 =	simm.s32 $0x500;
	[sflag:s19] =	ssyncadd.s32 $0xFFFFD800  }
0x341: {  	[tilespmem:s22], [sflag:$0x1] =	stream.indirect.gather [hbm4b:s6+s25], $0x50, s11, s25, $0xb8;
	[tilespmem:$0x1A180] =	vst v63  }
0x342: {  	_ =	swait.ge [sflag:s8], $0x2800  }
0x343: {  	[sflag:s8] =	ssyncset.done $0x0  }
0x344: {  	s11 =	simm.s32 $0xE00;
	[sflag:s8] =	ssyncadd.s32 $0xFFFFD800  }
0x345: {  	[spmem:s3] =	stream.indirect.scatter.add.f32 [tilespmem:s0], [sflag:$0x9], $0x50, s11, s25, $0xb8;
	[tilespmem:$0x1A180] =	vst v63  }
0x346: {  	_ =	swait.ge [sflag:s10], $0x2800  }
0x347: {  	[sflag:s10] =	ssyncset.done $0x0  }
0x348: {  	s11 =	simm.s32 $0x580;
	[sflag:s10] =	ssyncadd.s32 $0xFFFFD800  }
0x349: {  	[tilespmem:s26], [sflag:$0x2] =	stream.indirect.gather [hbm4b:s6+s25], $0x50, s11, s25, $0xb8;
	[tilespmem:$0x1A180] =	vst v63  }
0x34a: {  	_ =	swait.ge [sflag:s13], $0x2800  }
0x34b: {  	[sflag:s13] =	ssyncset.done $0x0  }
0x34c: {  	s11 =	simm.s32 $0xE80;
	[sflag:s13] =	ssyncadd.s32 $0xFFFFD800  }
0x34d: {  	[spmem:s3] =	stream.indirect.scatter.add.f32 [tilespmem:s16], [sflag:$0xA], $0x50, s11, s25, $0xb8;
	[tilespmem:$0x1A180] =	vst v63  }
0x34e: {  	_ =	swait.ge [sflag:s14], $0x2800  }
0x34f: {  	[sflag:s14] =	ssyncset.done $0x0  }
0x350: {  	s11 =	simm.s32 $0x600;
	[sflag:s14] =	ssyncadd.s32 $0xFFFFD800  }
0x351: {  	[tilespmem:s29], [sflag:$0x3] =	stream.indirect.gather [hbm4b:s6+s25], $0x50, s11, s25, $0xb8;
	[tilespmem:$0x1A180] =	vst v63  }
0x352: {  	_ =	swait.ge [sflag:s30], $0x2800  }
0x353: {  	[sflag:s30] =	ssyncset.done $0x0  }
0x354: {  	s11 =	simm.s32 $0xF00;
	[sflag:s30] =	ssyncadd.s32 $0xFFFFD800  }
0x355: {  	[spmem:s3] =	stream.indirect.scatter.add.f32 [tilespmem:s22], [sflag:$0x6], $0x50, s11, s25, $0xb8;
	[tilespmem:$0x1A180] =	vst v63  }
0x356: {  	_ =	swait.ge [sflag:s31], $0x2800  }
0x357: {  	[sflag:s31] =	ssyncset.done $0x0  }
0x358: {  	s11 =	simm.s32 $0x680;
	[sflag:s31] =	ssyncadd.s32 $0xFFFFD800  }
0x359: {  	[tilespmem:s0], [sflag:$0x4] =	stream.indirect.gather [hbm4b:s6+s25], $0x50, s11, s25, $0xb8;
	[tilespmem:$0x1A180] =	vst v63  }
0x35a: {  	_ =	swait.ge [sflag:s5], $0x2800  }
0x35b: {  	[sflag:s5] =	ssyncset.done $0x0  }
0x35c: {  	s11 =	simm.s32 $0xF80;
	[sflag:s5] =	ssyncadd.s32 $0xFFFFD800  }
0x35d: {  	[spmem:s3] =	stream.indirect.scatter.add.f32 [tilespmem:s26], [sflag:$0x7], $0x50, s11, s25, $0xb8;
	[tilespmem:$0x1A180] =	vst v63  }
0x35e: {  	_ =	swait.ge [sflag:s18], $0x2800  }
0x35f: {  	[sflag:s18] =	ssyncset.done $0x0  }
0x360: {  	s11 =	simm.s32 $0x700;
	[sflag:s18] =	ssyncadd.s32 $0xFFFFD800  }
0x361: {  	[tilespmem:s16], [sflag:$0x5] =	stream.indirect.gather [hbm4b:s6+s25], $0x50, s11, s25, $0xb8;
	[tilespmem:$0x1A180] =	vst v63  }
0x362: {  	_ =	swait.ge [sflag:s17], $0x2800  }
0x363: {  	[sflag:s17] =	ssyncset.done $0x0  }
0x364: {  	s11 =	simm.s32 $0x1000;
	[sflag:s17] =	ssyncadd.s32 $0xFFFFD800  }
0x365: {  	[spmem:s3] =	stream.indirect.scatter.add.f32 [tilespmem:s29], [sflag:$0x8], $0x50, s11, s25, $0xb8;
	[tilespmem:$0x1A180] =	vst v63  }
0x366: {  	_ =	swait.ge [sflag:s19], $0x2800  }
0x367: {  	[sflag:s19] =	ssyncset.done $0x0  }
0x368: {  	s11 =	simm.s32 $0x780;
	[sflag:s19] =	ssyncadd.s32 $0xFFFFD800  }
0x369: {  	[tilespmem:s22], [sflag:$0x1] =	stream.indirect.gather [hbm4b:s6+s25], $0x50, s11, s25, $0xb8;
	[tilespmem:$0x1A180] =	vst v63  }
0x36a: {  	_ =	swait.ge [sflag:s8], $0x2800  }
0x36b: {  	[sflag:s8] =	ssyncset.done $0x0  }
0x36c: {  	s11 =	simm.s32 $0x1080;
	[sflag:s8] =	ssyncadd.s32 $0xFFFFD800  }
0x36d: {  	[spmem:s3] =	stream.indirect.scatter.add.f32 [tilespmem:s0], [sflag:$0x9], $0x50, s11, s25, $0xb8;
	[tilespmem:$0x1A180] =	vst v63  }
0x36e: {  	_ =	swait.ge [sflag:s10], $0x2800  }
0x36f: {  	[sflag:s10] =	ssyncset.done $0x0  }
0x370: {  	s11 =	simm.s32 $0x800;
	[sflag:s10] =	ssyncadd.s32 $0xFFFFD800  }
0x371: {  	[tilespmem:s26], [sflag:$0x2] =	stream.indirect.gather [hbm4b:s6+s25], $0x50, s11, s25, $0xb8;
	[tilespmem:$0x1A180] =	vst v63  }
0x372: {  	_ =	swait.ge [sflag:s13], $0x2800  }
0x373: {  	[sflag:s13] =	ssyncset.done $0x0  }
0x374: {  	s11 =	simm.s32 $0x1100;
	[sflag:s13] =	ssyncadd.s32 $0xFFFFD800  }
0x375: {  	[spmem:s3] =	stream.indirect.scatter.add.f32 [tilespmem:s16], [sflag:$0xA], $0x50, s11, s25, $0xb8;
	[tilespmem:$0x1A180] =	vst v63  }
0x376: {  	_ =	swait.ge [sflag:s14], $0x2800  }
0x377: {  	[sflag:s14] =	ssyncset.done $0x0  }
0x378: {  	s11 =	simm.s32 $0x880;
	[sflag:s14] =	ssyncadd.s32 $0xFFFFD800  }
0x379: {  	[tilespmem:s29], [sflag:$0x3] =	stream.indirect.gather [hbm4b:s6+s25], $0x50, s11, s25, $0xb8;
	[tilespmem:$0x1A180] =	vst v63  }
0x37a: {  	_ =	swait.ge [sflag:s30], $0x2800  }
0x37b: {  	[sflag:s30] =	ssyncset.done $0x0  }
0x37c: {  	s11 =	simm.s32 $0x1180;
	[sflag:s30] =	ssyncadd.s32 $0xFFFFD800  }
0x37d: {  	[spmem:s3] =	stream.indirect.scatter.add.f32 [tilespmem:s22], [sflag:$0x6], $0x50, s11, s25, $0xb8;
	[tilespmem:$0x1A180] =	vst v63  }
0x37e: {  	_ =	swait.ge [sflag:s31], $0x2800  }
0x37f: {  	[sflag:s31] =	ssyncset.done $0x0  }
0x380: {  	s11 =	simm.s32 $0x900;
	[sflag:s31] =	ssyncadd.s32 $0xFFFFD800  }
0x381: {  	[tilespmem:s0], [sflag:$0x4] =	stream.indirect.gather [hbm4b:s6+s25], $0x50, s11, s25, $0xb8;
	[tilespmem:$0x1A180] =	vst v63  }
0x382: {  	_ =	swait.ge [sflag:s5], $0x2800  }
0x383: {  	[sflag:s5] =	ssyncset.done $0x0  }
0x384: {  	s11 =	simm.s32 $0x1200;
	[sflag:s5] =	ssyncadd.s32 $0xFFFFD800  }
0x385: {  	[spmem:s3] =	stream.indirect.scatter.add.f32 [tilespmem:s26], [sflag:$0x7], $0x50, s11, s25, $0xb8;
	[tilespmem:$0x1A180] =	vst v63  }
0x386: {  	_ =	swait.ge [sflag:s18], $0x2800  }
0x387: {  	[sflag:s18] =	ssyncset.done $0x0  }
0x388: {  	[sflag:s18] =	ssyncadd.s32 $0xFFFFD800  }
0x389: {  	[tilespmem:s16], [sflag:$0x5] =	stream.indirect.gather [hbm4b:s6+s25], $0x50, s15, s25, $0xb8;
	[tilespmem:$0x1A180] =	vst v63  }
0x38a: {  	_ =	swait.ge [sflag:s17], $0x2800  }
0x38b: {  	[sflag:s17] =	ssyncset.done $0x0  }
0x38c: {  	[sflag:s17] =	ssyncadd.s32 $0xFFFFD800  }
0x38d: {  	[spmem:s3] =	stream.indirect.scatter.add.f32 [tilespmem:s29], [sflag:$0x8], $0x50, s28, s25, $0xb8;
	[tilespmem:$0x1A180] =	vst v63  }
0x38e: {  	_ =	swait.ge [sflag:s8], $0x2800  }
0x38f: {  	[sflag:s8] =	ssyncset.done $0x0  }
0x390: {  	[sflag:s8] =	ssyncadd.s32 $0xFFFFD800  }
0x391: {  	[spmem:s3] =	stream.indirect.scatter.add.f32 [tilespmem:s0], [sflag:$0x9], $0x50, s24, s25, $0xb8;
	[tilespmem:$0x1A180] =	vst v63  }
0x392: {  	_ =	swait.ge [sflag:s13], $0x2800  }
0x393: {  	[sflag:s13] =	ssyncset.done $0x0  }
0x394: {  	[sflag:s13] =	ssyncadd.s32 $0xFFFFD800  }
0x395: {  	[spmem:s3] =	stream.indirect.scatter.add.f32 [tilespmem:s16], [sflag:$0xA], $0x50, s21, s25, $0xb8;
	[tilespmem:$0x1A180] =	vst v63  }
0x396: {  	_ =	swait.ge [sflag:s19], $0x2800  }
0x397: {  	[sflag:s19] =	ssyncset.done $0x0  }
0x398: {  	[sflag:s19] =	ssyncadd.s32 $0xFFFFD800  }
0x399: {  	_ =	swait.ge [sflag:s10], $0x2800  }
0x39a: {  	[sflag:s10] =	ssyncset.done $0x0  }
0x39b: {  	[sflag:s10] =	ssyncadd.s32 $0xFFFFD800  }
0x39c: {  	_ =	swait.ge [sflag:s14], $0x2800  }
0x39d: {  	[sflag:s14] =	ssyncset.done $0x0  }
0x39e: {  	[sflag:s14] =	ssyncadd.s32 $0xFFFFD800  }
.Ltmp7:
0x39f: {  	_ =	swait.ge [sflag:s31], $0x2800;
	(pc) =	sbr.rel @!p2 .LBB2_5-.Ltmp7, $4  }
0x3a0: {  	[sflag:s31] =	ssyncset.done $0x0  }
0x3a1: {  	[sflag:s31] =	ssyncadd.s32 $0xFFFFD800  }
0x3a2: {  	s20 =	sadd.s32 $0xA00, s20;
	_ =	swait.ge [sflag:s18], $0x2800  }
0x3a3: {  	s11 =	sshrl.u32 s20, $0x3;
	[sflag:s18] =	ssyncset.done $0x0  }
0x3a4: {  	s21 =	simm.s32 $0xA80;
	s28 =	simm.s32 $0x200  }
0x3a5: {  	s2 =	simm.s32 $0xB00;
	s15 =	simm.s32 $0x280;
	s24 =	simm.s32 $0xA00  }
.LBB2_7:
0x3a6: {  	s9 =	sadd.s32 s1, s11;
	[sflag:s18] =	ssyncadd.s32 @p1 $0xFFFFD800  }
0x3a7: {  	[tilespmem:s4], [sflag:$0xB] =	stream.linear.gather [hbm4b:s9+s4], $0xA00, $0x38;
	[tilespmem:$0x1A180] =	vst v63  }
0x3a8: {  	s11 =	sadd.s32 $0x4E200, s20;
	_ =	swait.ge [sflag:s23], $0xA00  }
0x3a9: {  	s9 =	sshrl.u32 s11, $0x3;
	[sflag:s23] =	ssyncset.done $0x0  }
0x3aa: {  	s9 =	sadd.s32 s1, s9;
	[sflag:s23] =	ssyncadd.s32 $0xFFFFF600  }
0x3ab: {  	[tilespmem:s24], [sflag:$0xB] =	stream.linear.gather [hbm4b:s9+s4], $0xA00, $0x38;
	[tilespmem:$0x1A180] =	vst v63  }
0x3ac: {  	_ =	swait.ge [sflag:s23], $0xA00  }
0x3ad: {  	[sflag:s23] =	ssyncset.done $0x0  }
0x3ae: {  	[sflag:s23] =	ssyncadd.s32 $0xFFFFF600  }
0x3af: {  	[tilespmem:s22], [sflag:$0x1] =	stream.indirect.gather [hbm4b:s6+s25], $0x50, s4, s25, $0xb8;
	[tilespmem:$0x1A180] =	vst v63  }
0x3b0: {  	_ = 	snop  }
0x3b1: {  	[tilespmem:s26], [sflag:$0x2] =	stream.indirect.gather [hbm4b:s6+s25], $0x50, s25, s25, $0xb8;
	[tilespmem:$0x1A180] =	vst v63  }
0x3b2: {  	_ = 	snop  }
0x3b3: {  	[tilespmem:s29], [sflag:$0x3] =	stream.indirect.gather [hbm4b:s6+s25], $0x50, s12, s25, $0xb8;
	[tilespmem:$0x1A180] =	vst v63  }
0x3b4: {  	_ =	swait.ge [sflag:s30], $0x2800  }
0x3b5: {  	[sflag:s30] =	ssyncset.done $0x0  }
0x3b6: {  	[sflag:s30] =	ssyncadd.s32 $0xFFFFD800  }
0x3b7: {  	[spmem:s3] =	stream.indirect.scatter.add.f32 [tilespmem:s22], [sflag:$0x6], $0x50, s24, s25, $0xb8;
	[tilespmem:$0x1A180] =	vst v63  }
0x3b8: {  	s20 =	simm.s32 $0x180  }
0x3b9: {  	[tilespmem:s0], [sflag:$0x4] =	stream.indirect.gather [hbm4b:s6+s25], $0x50, s20, s25, $0xb8;
	[tilespmem:$0x1A180] =	vst v63  }
0x3ba: {  	_ =	swait.ge [sflag:s5], $0x2800  }
0x3bb: {  	[sflag:s5] =	ssyncset.done $0x0  }
0x3bc: {  	[sflag:s5] =	ssyncadd.s32 $0xFFFFD800  }
0x3bd: {  	[spmem:s3] =	stream.indirect.scatter.add.f32 [tilespmem:s26], [sflag:$0x7], $0x50, s21, s25, $0xb8;
	[tilespmem:$0x1A180] =	vst v63  }
0x3be: {  	_ = 	snop  }
0x3bf: {  	[tilespmem:s16], [sflag:$0x5] =	stream.indirect.gather [hbm4b:s6+s25], $0x50, s28, s25, $0xb8;
	[tilespmem:$0x1A180] =	vst v63  }
0x3c0: {  	_ =	swait.ge [sflag:s17], $0x2800  }
0x3c1: {  	[sflag:s17] =	ssyncset.done $0x0  }
0x3c2: {  	[sflag:s17] =	ssyncadd.s32 $0xFFFFD800  }
0x3c3: {  	[spmem:s3] =	stream.indirect.scatter.add.f32 [tilespmem:s29], [sflag:$0x8], $0x50, s2, s25, $0xb8;
	[tilespmem:$0x1A180] =	vst v63  }
0x3c4: {  	_ =	swait.ge [sflag:s19], $0x2800  }
0x3c5: {  	[sflag:s19] =	ssyncset.done $0x0  }
0x3c6: {  	[sflag:s19] =	ssyncadd.s32 $0xFFFFD800  }
0x3c7: {  	[tilespmem:s22], [sflag:$0x1] =	stream.indirect.gather [hbm4b:s6+s25], $0x50, s15, s25, $0xb8;
	[tilespmem:$0x1A180] =	vst v63  }
0x3c8: {  	_ =	swait.ge [sflag:s8], $0x2800  }
0x3c9: {  	[sflag:s8] =	ssyncset.done $0x0  }
0x3ca: {  	s28 =	simm.s32 $0xB80;
	[sflag:s8] =	ssyncadd.s32 $0xFFFFD800  }
0x3cb: {  	[spmem:s3] =	stream.indirect.scatter.add.f32 [tilespmem:s0], [sflag:$0x9], $0x50, s28, s25, $0xb8;
	[tilespmem:$0x1A180] =	vst v63  }
0x3cc: {  	_ =	swait.ge [sflag:s10], $0x2800  }
0x3cd: {  	[sflag:s10] =	ssyncset.done $0x0  }
0x3ce: {  	s1 =	simm.s32 $0x300;
	[sflag:s10] =	ssyncadd.s32 $0xFFFFD800  }
0x3cf: {  	[tilespmem:s26], [sflag:$0x2] =	stream.indirect.gather [hbm4b:s6+s25], $0x50, s1, s25, $0xb8;
	[tilespmem:$0x1A180] =	vst v63  }
0x3d0: {  	_ =	swait.ge [sflag:s13], $0x2800  }
0x3d1: {  	[sflag:s13] =	ssyncset.done $0x0  }
0x3d2: {  	s11 =	simm.s32 $0xC00;
	[sflag:s13] =	ssyncadd.s32 $0xFFFFD800  }
0x3d3: {  	[spmem:s3] =	stream.indirect.scatter.add.f32 [tilespmem:s16], [sflag:$0xA], $0x50, s11, s25, $0xb8;
	[tilespmem:$0x1A180] =	vst v63  }
0x3d4: {  	_ =	swait.ge [sflag:s14], $0x2800  }
0x3d5: {  	[sflag:s14] =	ssyncset.done $0x0  }
0x3d6: {  	s12 =	simm.s32 $0x380;
	[sflag:s14] =	ssyncadd.s32 $0xFFFFD800  }
0x3d7: {  	[tilespmem:s29], [sflag:$0x3] =	stream.indirect.gather [hbm4b:s6+s25], $0x50, s12, s25, $0xb8;
	[tilespmem:$0x1A180] =	vst v63  }
0x3d8: {  	_ =	swait.ge [sflag:s30], $0x2800  }
0x3d9: {  	[sflag:s30] =	ssyncset.done $0x0  }
0x3da: {  	s20 =	simm.s32 $0xC80;
	[sflag:s30] =	ssyncadd.s32 $0xFFFFD800  }
0x3db: {  	[spmem:s3] =	stream.indirect.scatter.add.f32 [tilespmem:s22], [sflag:$0x6], $0x50, s20, s25, $0xb8;
	[tilespmem:$0x1A180] =	vst v63  }
0x3dc: {  	_ =	swait.ge [sflag:s31], $0x2800  }
0x3dd: {  	[sflag:s31] =	ssyncset.done $0x0  }
0x3de: {  	s21 =	simm.s32 $0x400;
	[sflag:s31] =	ssyncadd.s32 $0xFFFFD800  }
0x3df: {  	[tilespmem:s0], [sflag:$0x4] =	stream.indirect.gather [hbm4b:s6+s25], $0x50, s21, s25, $0xb8;
	[tilespmem:$0x1A180] =	vst v63  }
0x3e0: {  	_ =	swait.ge [sflag:s5], $0x2800  }
0x3e1: {  	[sflag:s5] =	ssyncset.done $0x0  }
0x3e2: {  	s28 =	simm.s32 $0xD00;
	[sflag:s5] =	ssyncadd.s32 $0xFFFFD800  }
0x3e3: {  	[spmem:s3] =	stream.indirect.scatter.add.f32 [tilespmem:s26], [sflag:$0x7], $0x50, s28, s25, $0xb8;
	[tilespmem:$0x1A180] =	vst v63  }
0x3e4: {  	_ =	swait.ge [sflag:s18], $0x2800  }
0x3e5: {  	[sflag:s18] =	ssyncset.done $0x0  }
0x3e6: {  	s9 =	simm.s32 $0x480;
	[sflag:s18] =	ssyncadd.s32 $0xFFFFD800  }
0x3e7: {  	[tilespmem:s16], [sflag:$0x5] =	stream.indirect.gather [hbm4b:s6+s25], $0x50, s9, s25, $0xb8;
	[tilespmem:$0x1A180] =	vst v63  }
0x3e8: {  	_ =	swait.ge [sflag:s17], $0x2800  }
0x3e9: {  	[sflag:s17] =	ssyncset.done $0x0  }
0x3ea: {  	s11 =	simm.s32 $0xD80;
	[sflag:s17] =	ssyncadd.s32 $0xFFFFD800  }
0x3eb: {  	[spmem:s3] =	stream.indirect.scatter.add.f32 [tilespmem:s29], [sflag:$0x8], $0x50, s11, s25, $0xb8;
	[tilespmem:$0x1A180] =	vst v63  }
0x3ec: {  	_ =	swait.ge [sflag:s19], $0x2800  }
0x3ed: {  	[sflag:s19] =	ssyncset.done $0x0  }
0x3ee: {  	s12 =	simm.s32 $0x500;
	[sflag:s19] =	ssyncadd.s32 $0xFFFFD800  }
0x3ef: {  	[tilespmem:s22], [sflag:$0x1] =	stream.indirect.gather [hbm4b:s6+s25], $0x50, s12, s25, $0xb8;
	[tilespmem:$0x1A180] =	vst v63  }
0x3f0: {  	_ =	swait.ge [sflag:s8], $0x2800  }
0x3f1: {  	[sflag:s8] =	ssyncset.done $0x0  }
0x3f2: {  	s20 =	simm.s32 $0xE00;
	[sflag:s8] =	ssyncadd.s32 $0xFFFFD800  }
0x3f3: {  	[spmem:s3] =	stream.indirect.scatter.add.f32 [tilespmem:s0], [sflag:$0x9], $0x50, s20, s25, $0xb8;
	[tilespmem:$0x1A180] =	vst v63  }
0x3f4: {  	_ =	swait.ge [sflag:s10], $0x2800  }
0x3f5: {  	[sflag:s10] =	ssyncset.done $0x0  }
0x3f6: {  	s21 =	simm.s32 $0x580;
	[sflag:s10] =	ssyncadd.s32 $0xFFFFD800  }
0x3f7: {  	[tilespmem:s26], [sflag:$0x2] =	stream.indirect.gather [hbm4b:s6+s25], $0x50, s21, s25, $0xb8;
	[tilespmem:$0x1A180] =	vst v63  }
0x3f8: {  	_ =	swait.ge [sflag:s13], $0x2800  }
0x3f9: {  	[sflag:s13] =	ssyncset.done $0x0  }
0x3fa: {  	s28 =	simm.s32 $0xE80;
	[sflag:s13] =	ssyncadd.s32 $0xFFFFD800  }
0x3fb: {  	[spmem:s3] =	stream.indirect.scatter.add.f32 [tilespmem:s16], [sflag:$0xA], $0x50, s28, s25, $0xb8;
	[tilespmem:$0x1A180] =	vst v63  }
0x3fc: {  	_ =	swait.ge [sflag:s14], $0x2800  }
0x3fd: {  	[sflag:s14] =	ssyncset.done $0x0  }
0x3fe: {  	s9 =	simm.s32 $0x600;
	[sflag:s14] =	ssyncadd.s32 $0xFFFFD800  }
0x3ff: {  	[tilespmem:s29], [sflag:$0x3] =	stream.indirect.gather [hbm4b:s6+s25], $0x50, s9, s25, $0xb8;
	[tilespmem:$0x1A180] =	vst v63  }
0x400: {  	_ =	swait.ge [sflag:s30], $0x2800  }
0x401: {  	[sflag:s30] =	ssyncset.done $0x0  }
0x402: {  	s11 =	simm.s32 $0xF00;
	[sflag:s30] =	ssyncadd.s32 $0xFFFFD800  }
0x403: {  	[spmem:s3] =	stream.indirect.scatter.add.f32 [tilespmem:s22], [sflag:$0x6], $0x50, s11, s25, $0xb8;
	[tilespmem:$0x1A180] =	vst v63  }
0x404: {  	_ =	swait.ge [sflag:s31], $0x2800  }
0x405: {  	[sflag:s31] =	ssyncset.done $0x0  }
0x406: {  	s12 =	simm.s32 $0x680;
	[sflag:s31] =	ssyncadd.s32 $0xFFFFD800  }
0x407: {  	[tilespmem:s0], [sflag:$0x4] =	stream.indirect.gather [hbm4b:s6+s25], $0x50, s12, s25, $0xb8;
	[tilespmem:$0x1A180] =	vst v63  }
0x408: {  	_ =	swait.ge [sflag:s5], $0x2800  }
0x409: {  	[sflag:s5] =	ssyncset.done $0x0  }
0x40a: {  	s20 =	simm.s32 $0xF80;
	[sflag:s5] =	ssyncadd.s32 $0xFFFFD800  }
0x40b: {  	[spmem:s3] =	stream.indirect.scatter.add.f32 [tilespmem:s26], [sflag:$0x7], $0x50, s20, s25, $0xb8;
	[tilespmem:$0x1A180] =	vst v63  }
0x40c: {  	_ =	swait.ge [sflag:s18], $0x2800  }
0x40d: {  	[sflag:s18] =	ssyncset.done $0x0  }
0x40e: {  	s21 =	simm.s32 $0x700;
	[sflag:s18] =	ssyncadd.s32 $0xFFFFD800  }
0x40f: {  	[tilespmem:s16], [sflag:$0x5] =	stream.indirect.gather [hbm4b:s6+s25], $0x50, s21, s25, $0xb8;
	[tilespmem:$0x1A180] =	vst v63  }
0x410: {  	_ =	swait.ge [sflag:s17], $0x2800  }
0x411: {  	[sflag:s17] =	ssyncset.done $0x0  }
0x412: {  	s28 =	simm.s32 $0x1000;
	[sflag:s17] =	ssyncadd.s32 $0xFFFFD800  }
0x413: {  	[spmem:s3] =	stream.indirect.scatter.add.f32 [tilespmem:s29], [sflag:$0x8], $0x50, s28, s25, $0xb8;
	[tilespmem:$0x1A180] =	vst v63  }
0x414: {  	_ =	swait.ge [sflag:s19], $0x2800  }
0x415: {  	[sflag:s19] =	ssyncset.done $0x0  }
0x416: {  	s9 =	simm.s32 $0x780;
	[sflag:s19] =	ssyncadd.s32 $0xFFFFD800  }
0x417: {  	[tilespmem:s22], [sflag:$0x1] =	stream.indirect.gather [hbm4b:s6+s25], $0x50, s9, s25, $0xb8;
	[tilespmem:$0x1A180] =	vst v63  }
0x418: {  	_ =	swait.ge [sflag:s8], $0x2800  }
0x419: {  	[sflag:s8] =	ssyncset.done $0x0  }
0x41a: {  	s11 =	simm.s32 $0x1080;
	[sflag:s8] =	ssyncadd.s32 $0xFFFFD800  }
0x41b: {  	[spmem:s3] =	stream.indirect.scatter.add.f32 [tilespmem:s0], [sflag:$0x9], $0x50, s11, s25, $0xb8;
	[tilespmem:$0x1A180] =	vst v63  }
0x41c: {  	_ =	swait.ge [sflag:s10], $0x2800  }
0x41d: {  	[sflag:s10] =	ssyncset.done $0x0  }
0x41e: {  	s12 =	simm.s32 $0x800;
	[sflag:s10] =	ssyncadd.s32 $0xFFFFD800  }
0x41f: {  	[tilespmem:s26], [sflag:$0x2] =	stream.indirect.gather [hbm4b:s6+s25], $0x50, s12, s25, $0xb8;
	[tilespmem:$0x1A180] =	vst v63  }
0x420: {  	_ =	swait.ge [sflag:s13], $0x2800  }
0x421: {  	[sflag:s13] =	ssyncset.done $0x0  }
0x422: {  	s20 =	simm.s32 $0x1100;
	[sflag:s13] =	ssyncadd.s32 $0xFFFFD800  }
0x423: {  	[spmem:s3] =	stream.indirect.scatter.add.f32 [tilespmem:s16], [sflag:$0xA], $0x50, s20, s25, $0xb8;
	[tilespmem:$0x1A180] =	vst v63  }
0x424: {  	_ =	swait.ge [sflag:s14], $0x2800  }
0x425: {  	[sflag:s14] =	ssyncset.done $0x0  }
0x426: {  	s21 =	simm.s32 $0x880;
	[sflag:s14] =	ssyncadd.s32 $0xFFFFD800  }
0x427: {  	[tilespmem:s29], [sflag:$0x3] =	stream.indirect.gather [hbm4b:s6+s25], $0x50, s21, s25, $0xb8;
	[tilespmem:$0x1A180] =	vst v63  }
0x428: {  	_ =	swait.ge [sflag:s30], $0x2800  }
0x429: {  	[sflag:s30] =	ssyncset.done $0x0  }
0x42a: {  	s28 =	simm.s32 $0x1180;
	[sflag:s30] =	ssyncadd.s32 $0xFFFFD800  }
0x42b: {  	[spmem:s3] =	stream.indirect.scatter.add.f32 [tilespmem:s22], [sflag:$0x6], $0x50, s28, s25, $0xb8;
	[tilespmem:$0x1A180] =	vst v63  }
0x42c: {  	_ =	swait.ge [sflag:s31], $0x2800  }
0x42d: {  	[sflag:s31] =	ssyncset.done $0x0  }
0x42e: {  	s9 =	simm.s32 $0x900;
	[sflag:s31] =	ssyncadd.s32 $0xFFFFD800  }
0x42f: {  	[tilespmem:s0], [sflag:$0x4] =	stream.indirect.gather [hbm4b:s6+s25], $0x50, s9, s25, $0xb8;
	[tilespmem:$0x1A180] =	vst v63  }
0x430: {  	_ =	swait.ge [sflag:s5], $0x2800  }
0x431: {  	[sflag:s5] =	ssyncset.done $0x0  }
0x432: {  	s11 =	simm.s32 $0x1200;
	[sflag:s5] =	ssyncadd.s32 $0xFFFFD800  }
0x433: {  	[spmem:s3] =	stream.indirect.scatter.add.f32 [tilespmem:s26], [sflag:$0x7], $0x50, s11, s25, $0xb8;
	[tilespmem:$0x1A180] =	vst v63  }
0x434: {  	_ =	swait.ge [sflag:s18], $0x2800  }
0x435: {  	[sflag:s18] =	ssyncset.done $0x0  }
0x436: {  	s12 =	simm.s32 $0x980;
	[sflag:s18] =	ssyncadd.s32 $0xFFFFD800  }
0x437: {  	[tilespmem:s16], [sflag:$0x5] =	stream.indirect.gather [hbm4b:s6+s25], $0x50, s12, s25, $0xb8;
	[tilespmem:$0x1A180] =	vst v63  }
0x438: {  	_ =	swait.ge [sflag:s17], $0x2800  }
0x439: {  	[sflag:s17] =	ssyncset.done $0x0  }
0x43a: {  	s20 =	simm.s32 $0x1280;
	[sflag:s17] =	ssyncadd.s32 $0xFFFFD800  }
0x43b: {  	[spmem:s3] =	stream.indirect.scatter.add.f32 [tilespmem:s29], [sflag:$0x8], $0x50, s20, s25, $0xb8;
	[tilespmem:$0x1A180] =	vst v63  }
0x43c: {  	_ =	swait.ge [sflag:s8], $0x2800  }
0x43d: {  	[sflag:s8] =	ssyncset.done $0x0  }
0x43e: {  	s21 =	simm.s32 $0x1300;
	[sflag:s8] =	ssyncadd.s32 $0xFFFFD800  }
0x43f: {  	[spmem:s3] =	stream.indirect.scatter.add.f32 [tilespmem:s0], [sflag:$0x9], $0x50, s21, s25, $0xb8;
	[tilespmem:$0x1A180] =	vst v63  }
0x440: {  	_ =	swait.ge [sflag:s13], $0x2800  }
0x441: {  	[sflag:s13] =	ssyncset.done $0x0  }
0x442: {  	s28 =	simm.s32 $0x1380;
	[sflag:s13] =	ssyncadd.s32 $0xFFFFD800  }
0x443: {  	[spmem:s3] =	stream.indirect.scatter.add.f32 [tilespmem:s16], [sflag:$0xA], $0x50, s28, s25, $0xb8;
	[tilespmem:$0x1A180] =	vst v63  }
0x444: {  	_ =	swait.ge [sflag:s19], $0x2800  }
0x445: {  	[sflag:s19] =	ssyncset.done $0x0  }
0x446: {  	[sflag:s19] =	ssyncadd.s32 $0xFFFFD800  }
0x447: {  	_ =	swait.ge [sflag:s10], $0x2800  }
0x448: {  	[sflag:s10] =	ssyncset.done $0x0  }
0x449: {  	[sflag:s10] =	ssyncadd.s32 $0xFFFFD800  }
0x44a: {  	_ =	swait.ge [sflag:s14], $0x2800  }
0x44b: {  	[sflag:s14] =	ssyncset.done $0x0  }
0x44c: {  	[sflag:s14] =	ssyncadd.s32 $0xFFFFD800  }
0x44d: {  	_ =	swait.ge [sflag:s31], $0x2800  }
0x44e: {  	[sflag:s31] =	ssyncset.done $0x0  }
0x44f: {  	[sflag:s31] =	ssyncadd.s32 $0xFFFFD800  }
0x450: {  	_ =	swait.ge [sflag:s18], $0x2800  }
0x451: {  	[sflag:s18] =	ssyncset.done $0x0  }
0x452: {  	[sflag:s18] =	ssyncadd.s32 $0xFFFFD800  }
.LBB2_14:
0x453: {  	[bflag:$0x0] =	sbarrier.arrive $0xFFFF  }
0x454: {  	s1 =	rddreg [dreg:$0x5]  }
0x455: {  	[tilespmem:s22], [sflag:$0xB] =	stream.linear.gather [spmem:s1], $0x2800, $0x38;
	[tilespmem:$0x1A180] =	vst v63  }
0x456: {  	_ =	swait.ge [sflag:s23], $0x2800  }
0x457: {  	[sflag:s23] =	ssyncset.done $0x0  }
0x458: {  	s11 =	simm.s32 $0x0;
	[sflag:s23] =	ssyncadd.s32 $0xFFFFD800  }
0x459: {  	v1 =	vld [tilespmem:s11+$0x1440];
	_ =	sdelay $0x4  }
0x45a: {  	v1 =	vmax.f32 v1, $1.000000000e+00  }
0x45b: {  	(erf) = vrcp.f32 v1;
	_ =	sdelay $0x1  }
0x45c: {  	s20 =	simm.s32 $0x50  }
0x45d: {  	v3 =	vld [tilespmem:s20+$0x1440];
	_ =	sdelay $0x3  }
0x45e: {  	s9 =	simm.s32 $0xA0;
	v6 =	vld [tilespmem:s11+$0x1400]  }
0x45f: {  	v2 =	vld [tilespmem:s9+$0x1440];
	v5 =	vmax.f32 v3, $1.000000000e+00  }
0x460: {  	v4 =	vld [tilespmem:s11+$0x1410];
	v1 =	vpop (erf);
	(erf) = vrcp.f32 v5  }
0x461: {  	v3 =	vld [tilespmem:s11+$0x1420]  }
0x462: {  	v5 =	vld [tilespmem:s11+$0x1430];
	v1 =	vperm.xlane v1, v0;
	_ =	sdelay $0x1  }
0x463: {  	s12 =	simm.s32 $0x3C0;
	v6 =	vmul.f32 v6, v1  }
.LBB2_15:
0x464: {  	s21 =	sshra.s32 s12, $0x2;
	p1 =	sne.s32 s12, $0x9EC0;
	v4 =	vmul.f32 v4, v1  }
0x465: {  	v7 =	vld [tilespmem:s21+$0x1440];
	[tilespmem:s11+$0x1400] =	vst v6;
	v3 =	vmul.f32 v3, v1  }
0x466: {  	v8 =	vmax.f32 v2, $1.000000000e+00;
	v6 =	vld [tilespmem:s20+$0x1400];
	[tilespmem:s11+$0x1410] =	vst v4;
	v1 =	vmul.f32 v5, v1  }
.Ltmp8:
0x467: {  	(erf) = vrcp.f32 v8;
	v4 =	vld [tilespmem:s20+$0x1410];
	[tilespmem:s11+$0x1420] =	vst v3;
	(pc) =	sbr.rel @p1 .LBB2_15-.Ltmp8, $4  }
0x468: {  	v3 =	vld [tilespmem:s20+$0x1420];
	v2 =	vpop (erf);
	[tilespmem:s11+$0x1430] =	vst v1;
	s11 =	smov.u32 s20;
	s20 =	smov.u32 s9;
	s9 =	smov.u32 s21  }
0x469: {  	v1 =	vperm.xlane v2, v0;
	v5 =	vld [tilespmem:s11+$0x1430]  }
0x46a: {  	v2 =	vmov v7  }
0x46b: {  	s12 =	sadd.s32 $0x140, s12;
	v6 =	vmul.f32 v6, v1  }
0x46c: {  	_ = 	snop  }
0x46d: {  	v4 =	vmul.f32 v4, v1  }
0x46e: {  	[tilespmem:s11+$0x1400] =	vst v6;
	v3 =	vmul.f32 v3, v1  }
0x46f: {  	v2 =	vmax.f32 v2, $1.000000000e+00;
	v6 =	vld [tilespmem:s20+$0x1400];
	[tilespmem:s11+$0x1410] =	vst v4;
	v1 =	vmul.f32 v5, v1  }
0x470: {  	v4 =	vld [tilespmem:s20+$0x1410];
	[tilespmem:s11+$0x1420] =	vst v3;
	v7 =	vpop (erf);
	(erf) = vrcp.f32 v2  }
0x471: {  	v2 =	vld [tilespmem:s20+$0x1420];
	[tilespmem:s11+$0x1430] =	vst v1  }
0x472: {  	v3 =	vperm.xlane v7, v0;
	v5 =	vld [tilespmem:s20+$0x1430];
	_ =	sdelay $0x1  }
0x473: {  	v1 =	vmul.f32 v6, v3  }
0x474: {  	v4 =	vmul.f32 v4, v3  }
0x475: {  	[tilespmem:s20+$0x1400] =	vst v1;
	v2 =	vmul.f32 v2, v3  }
0x476: {  	v1 =	vld [tilespmem:s9+$0x1400];
	[tilespmem:s20+$0x1410] =	vst v4;
	v3 =	vmul.f32 v5, v3  }
0x477: {  	v4 =	vld [tilespmem:s9+$0x1410];
	[tilespmem:s20+$0x1420] =	vst v2  }
0x478: {  	v2 =	vld [tilespmem:s9+$0x1420];
	[tilespmem:s20+$0x1430] =	vst v3;
	v5 =	vpop (erf)  }
0x479: {  	v3 =	vperm.xlane v5, v0;
	v5 =	vld [tilespmem:s9+$0x1430];
	_ =	sdelay $0x1  }
0x47a: {  	v1 =	vmul.f32 v1, v3  }
0x47b: {  	v4 =	vmul.f32 v4, v3  }
0x47c: {  	[tilespmem:s9+$0x1400] =	vst v1;
	v1 =	vmul.f32 v2, v3  }
0x47d: {  	[tilespmem:s9+$0x1410] =	vst v4;
	v2 =	vmul.f32 v5, v3  }
0x47e: {  	[tilespmem:s9+$0x1420] =	vst v1  }
0x47f: {  	s21 =	rddreg [dreg:$0xb];
	s20 =	simm.s32 $0x0;
	[tilespmem:s9+$0x1430] =	vst v2  }
0x480: {  	[hbm4b:s21+s20] =	stream.linear.scatter [tilespmem:s22], [sflag:$0xB], $0x2800, $0x38;
	[tilespmem:$0x1A180] =	vst v63  }
0x481: {  	_ =	swait.ge [sflag:s23], $0x2800  }
0x482: {  	[sflag:s23] =	ssyncset.done $0x0  }
0x483: {  	s28 =	rddreg [dreg:$0x6];
	[sflag:s23] =	ssyncadd.s32 $0xFFFFD800  }
0x484: {  	[tilespmem:s22], [sflag:$0xB] =	stream.linear.gather [spmem:s28], $0x2800, $0x38;
	[tilespmem:$0x1A180] =	vst v63  }
0x485: {  	_ =	swait.ge [sflag:s23], $0x2800  }
0x486: {  	[sflag:s23] =	ssyncset.done $0x0  }
0x487: {  	s11 =	simm.s32 $0x0;
	[sflag:s23] =	ssyncadd.s32 $0xFFFFD800  }
0x488: {  	v1 =	vld [tilespmem:s11+$0x1440];
	_ =	sdelay $0x4  }
0x489: {  	v1 =	vmax.f32 v1, $1.000000000e+00  }
0x48a: {  	(erf) = vrcp.f32 v1;
	_ =	sdelay $0x1  }
0x48b: {  	s20 =	simm.s32 $0x50  }
0x48c: {  	v3 =	vld [tilespmem:s20+$0x1440];
	_ =	sdelay $0x3  }
0x48d: {  	s9 =	simm.s32 $0xA0;
	v6 =	vld [tilespmem:s11+$0x1400]  }
0x48e: {  	v2 =	vld [tilespmem:s9+$0x1440];
	v5 =	vmax.f32 v3, $1.000000000e+00  }
0x48f: {  	v4 =	vld [tilespmem:s11+$0x1410];
	v1 =	vpop (erf);
	(erf) = vrcp.f32 v5  }
0x490: {  	v3 =	vld [tilespmem:s11+$0x1420]  }
0x491: {  	v5 =	vld [tilespmem:s11+$0x1430];
	v1 =	vperm.xlane v1, v0;
	_ =	sdelay $0x1  }
0x492: {  	s12 =	simm.s32 $0x3C0;
	s1 =	rddreg [dreg:$0x1];
	v6 =	vmul.f32 v6, v1  }
.LBB2_17:
0x493: {  	s21 =	sshra.s32 s12, $0x2;
	p1 =	sne.s32 s12, $0x9EC0;
	v4 =	vmul.f32 v4, v1  }
0x494: {  	v7 =	vld [tilespmem:s21+$0x1440];
	[tilespmem:s11+$0x1400] =	vst v6;
	v3 =	vmul.f32 v3, v1  }
0x495: {  	v8 =	vmax.f32 v2, $1.000000000e+00;
	v6 =	vld [tilespmem:s20+$0x1400];
	[tilespmem:s11+$0x1410] =	vst v4;
	v1 =	vmul.f32 v5, v1  }
.Ltmp9:
0x496: {  	(erf) = vrcp.f32 v8;
	v4 =	vld [tilespmem:s20+$0x1410];
	[tilespmem:s11+$0x1420] =	vst v3;
	(pc) =	sbr.rel @p1 .LBB2_17-.Ltmp9, $4  }
0x497: {  	v3 =	vld [tilespmem:s20+$0x1420];
	v2 =	vpop (erf);
	[tilespmem:s11+$0x1430] =	vst v1;
	s11 =	smov.u32 s20;
	s20 =	smov.u32 s9;
	s9 =	smov.u32 s21  }
0x498: {  	v1 =	vperm.xlane v2, v0;
	v5 =	vld [tilespmem:s11+$0x1430]  }
0x499: {  	v2 =	vmov v7  }
0x49a: {  	s12 =	sadd.s32 $0x140, s12;
	v6 =	vmul.f32 v6, v1  }
0x49b: {  	_ = 	snop  }
0x49c: {  	v4 =	vmul.f32 v4, v1  }
0x49d: {  	[tilespmem:s11+$0x1400] =	vst v6;
	v3 =	vmul.f32 v3, v1  }
0x49e: {  	v2 =	vmax.f32 v2, $1.000000000e+00;
	v6 =	vld [tilespmem:s20+$0x1400];
	[tilespmem:s11+$0x1410] =	vst v4;
	v1 =	vmul.f32 v5, v1  }
0x49f: {  	v4 =	vld [tilespmem:s20+$0x1410];
	[tilespmem:s11+$0x1420] =	vst v3;
	v7 =	vpop (erf);
	(erf) = vrcp.f32 v2  }
0x4a0: {  	v2 =	vld [tilespmem:s20+$0x1420];
	[tilespmem:s11+$0x1430] =	vst v1  }
0x4a1: {  	v3 =	vperm.xlane v7, v0;
	v5 =	vld [tilespmem:s20+$0x1430];
	_ =	sdelay $0x1  }
0x4a2: {  	v1 =	vmul.f32 v6, v3  }
0x4a3: {  	v4 =	vmul.f32 v4, v3  }
0x4a4: {  	[tilespmem:s20+$0x1400] =	vst v1;
	v2 =	vmul.f32 v2, v3  }
0x4a5: {  	v1 =	vld [tilespmem:s9+$0x1400];
	[tilespmem:s20+$0x1410] =	vst v4;
	v3 =	vmul.f32 v5, v3  }
0x4a6: {  	v4 =	vld [tilespmem:s9+$0x1410];
	[tilespmem:s20+$0x1420] =	vst v2  }
0x4a7: {  	v2 =	vld [tilespmem:s9+$0x1420];
	[tilespmem:s20+$0x1430] =	vst v3;
	v5 =	vpop (erf)  }
0x4a8: {  	v3 =	vperm.xlane v5, v0;
	v5 =	vld [tilespmem:s9+$0x1430];
	_ =	sdelay $0x1  }
0x4a9: {  	v1 =	vmul.f32 v1, v3  }
0x4aa: {  	v4 =	vmul.f32 v4, v3  }
0x4ab: {  	[tilespmem:s9+$0x1400] =	vst v1;
	v1 =	vmul.f32 v2, v3  }
0x4ac: {  	[tilespmem:s9+$0x1410] =	vst v4;
	v2 =	vmul.f32 v5, v3  }
0x4ad: {  	[tilespmem:s9+$0x1420] =	vst v1  }
0x4ae: {  	s21 =	rddreg [dreg:$0xc];
	s20 =	simm.s32 $0x0;
	[tilespmem:s9+$0x1430] =	vst v2  }
0x4af: {  	[hbm4b:s21+s20] =	stream.linear.scatter [tilespmem:s22], [sflag:$0xB], $0x2800, $0x38;
	[tilespmem:$0x1A180] =	vst v63  }
0x4b0: {  	_ =	swait.ge [sflag:s23], $0x2800  }
0x4b1: {  	[sflag:s23] =	ssyncset.done $0x0  }
0x4b2: {  	s28 =	rddreg [dreg:$0x7];
	[sflag:s23] =	ssyncadd.s32 $0xFFFFD800  }
0x4b3: {  	[tilespmem:s22], [sflag:$0xB] =	stream.linear.gather [spmem:s28], $0x2800, $0x38;
	[tilespmem:$0x1A180] =	vst v63  }
0x4b4: {  	_ =	swait.ge [sflag:s23], $0x2800  }
0x4b5: {  	[sflag:s23] =	ssyncset.done $0x0  }
0x4b6: {  	s11 =	simm.s32 $0x0;
	[sflag:s23] =	ssyncadd.s32 $0xFFFFD800  }
0x4b7: {  	v1 =	vld [tilespmem:s11+$0x1440];
	_ =	sdelay $0x4  }
0x4b8: {  	v1 =	vmax.f32 v1, $1.000000000e+00  }
0x4b9: {  	(erf) = vrcp.f32 v1;
	_ =	sdelay $0x1  }
0x4ba: {  	s20 =	simm.s32 $0x50  }
0x4bb: {  	v3 =	vld [tilespmem:s20+$0x1440];
	_ =	sdelay $0x3  }
0x4bc: {  	s9 =	simm.s32 $0xA0;
	v6 =	vld [tilespmem:s11+$0x1400]  }
0x4bd: {  	v2 =	vld [tilespmem:s9+$0x1440];
	v5 =	vmax.f32 v3, $1.000000000e+00  }
0x4be: {  	v4 =	vld [tilespmem:s11+$0x1410];
	v1 =	vpop (erf);
	(erf) = vrcp.f32 v5  }
0x4bf: {  	v3 =	vld [tilespmem:s11+$0x1420]  }
0x4c0: {  	v5 =	vld [tilespmem:s11+$0x1430];
	v1 =	vperm.xlane v1, v0;
	_ =	sdelay $0x1  }
0x4c1: {  	s12 =	simm.s32 $0x3C0;
	v6 =	vmul.f32 v6, v1  }
.LBB2_19:
0x4c2: {  	s21 =	sshra.s32 s12, $0x2;
	p1 =	sne.s32 s12, $0x9EC0;
	v4 =	vmul.f32 v4, v1  }
0x4c3: {  	v7 =	vld [tilespmem:s21+$0x1440];
	[tilespmem:s11+$0x1400] =	vst v6;
	v3 =	vmul.f32 v3, v1  }
0x4c4: {  	v8 =	vmax.f32 v2, $1.000000000e+00;
	v6 =	vld [tilespmem:s20+$0x1400];
	[tilespmem:s11+$0x1410] =	vst v4;
	v1 =	vmul.f32 v5, v1  }
.Ltmp10:
0x4c5: {  	(erf) = vrcp.f32 v8;
	v4 =	vld [tilespmem:s20+$0x1410];
	[tilespmem:s11+$0x1420] =	vst v3;
	(pc) =	sbr.rel @p1 .LBB2_19-.Ltmp10, $4  }
0x4c6: {  	v3 =	vld [tilespmem:s20+$0x1420];
	v2 =	vpop (erf);
	[tilespmem:s11+$0x1430] =	vst v1;
	s11 =	smov.u32 s20;
	s20 =	smov.u32 s9;
	s9 =	smov.u32 s21  }
0x4c7: {  	v1 =	vperm.xlane v2, v0;
	v5 =	vld [tilespmem:s11+$0x1430]  }
0x4c8: {  	v2 =	vmov v7  }
0x4c9: {  	s12 =	sadd.s32 $0x140, s12;
	v6 =	vmul.f32 v6, v1  }
0x4ca: {  	_ = 	snop  }
0x4cb: {  	v4 =	vmul.f32 v4, v1  }
0x4cc: {  	[tilespmem:s11+$0x1400] =	vst v6;
	v3 =	vmul.f32 v3, v1  }
0x4cd: {  	v2 =	vmax.f32 v2, $1.000000000e+00;
	v6 =	vld [tilespmem:s20+$0x1400];
	[tilespmem:s11+$0x1410] =	vst v4;
	v1 =	vmul.f32 v5, v1  }
0x4ce: {  	v4 =	vld [tilespmem:s20+$0x1410];
	[tilespmem:s11+$0x1420] =	vst v3;
	v7 =	vpop (erf);
	(erf) = vrcp.f32 v2  }
0x4cf: {  	v2 =	vld [tilespmem:s20+$0x1420];
	[tilespmem:s11+$0x1430] =	vst v1  }
0x4d0: {  	v3 =	vperm.xlane v7, v0;
	v5 =	vld [tilespmem:s20+$0x1430];
	_ =	sdelay $0x1  }
0x4d1: {  	v1 =	vmul.f32 v6, v3  }
0x4d2: {  	v4 =	vmul.f32 v4, v3  }
0x4d3: {  	[tilespmem:s20+$0x1400] =	vst v1;
	v2 =	vmul.f32 v2, v3  }
0x4d4: {  	v1 =	vld [tilespmem:s9+$0x1400];
	[tilespmem:s20+$0x1410] =	vst v4;
	v3 =	vmul.f32 v5, v3  }
0x4d5: {  	v4 =	vld [tilespmem:s9+$0x1410];
	[tilespmem:s20+$0x1420] =	vst v2  }
0x4d6: {  	v2 =	vld [tilespmem:s9+$0x1420];
	[tilespmem:s20+$0x1430] =	vst v3;
	v5 =	vpop (erf)  }
0x4d7: {  	v3 =	vperm.xlane v5, v0;
	v5 =	vld [tilespmem:s9+$0x1430];
	_ =	sdelay $0x1  }
0x4d8: {  	v1 =	vmul.f32 v1, v3  }
0x4d9: {  	v4 =	vmul.f32 v4, v3  }
0x4da: {  	[tilespmem:s9+$0x1400] =	vst v1;
	v1 =	vmul.f32 v2, v3  }
0x4db: {  	[tilespmem:s9+$0x1410] =	vst v4;
	v2 =	vmul.f32 v5, v3  }
0x4dc: {  	[tilespmem:s9+$0x1420] =	vst v1  }
0x4dd: {  	s21 =	rddreg [dreg:$0xd];
	s20 =	simm.s32 $0x0;
	[tilespmem:s9+$0x1430] =	vst v2  }
0x4de: {  	[hbm4b:s21+s20] =	stream.linear.scatter [tilespmem:s22], [sflag:$0xB], $0x2800, $0x38;
	[tilespmem:$0x1A180] =	vst v63  }
0x4df: {  	_ =	swait.ge [sflag:s23], $0x2800  }
0x4e0: {  	[sflag:s23] =	ssyncset.done $0x0  }
0x4e1: {  	s28 =	rddreg [dreg:$0x8];
	[sflag:s23] =	ssyncadd.s32 $0xFFFFD800  }
0x4e2: {  	[tilespmem:s22], [sflag:$0xB] =	stream.linear.gather [spmem:s28], $0x2800, $0x38;
	[tilespmem:$0x1A180] =	vst v63  }
0x4e3: {  	_ =	swait.ge [sflag:s23], $0x2800  }
0x4e4: {  	[sflag:s23] =	ssyncset.done $0x0  }
0x4e5: {  	s11 =	simm.s32 $0x0;
	[sflag:s23] =	ssyncadd.s32 $0xFFFFD800  }
0x4e6: {  	v1 =	vld [tilespmem:s11+$0x1440];
	_ =	sdelay $0x4  }
0x4e7: {  	v1 =	vmax.f32 v1, $1.000000000e+00  }
0x4e8: {  	(erf) = vrcp.f32 v1;
	_ =	sdelay $0x1  }
0x4e9: {  	s20 =	simm.s32 $0x50  }
0x4ea: {  	v3 =	vld [tilespmem:s20+$0x1440];
	_ =	sdelay $0x3  }
0x4eb: {  	s9 =	simm.s32 $0xA0;
	v6 =	vld [tilespmem:s11+$0x1400]  }
0x4ec: {  	v2 =	vld [tilespmem:s9+$0x1440];
	v5 =	vmax.f32 v3, $1.000000000e+00  }
0x4ed: {  	v4 =	vld [tilespmem:s11+$0x1410];
	v1 =	vpop (erf);
	(erf) = vrcp.f32 v5  }
0x4ee: {  	v3 =	vld [tilespmem:s11+$0x1420]  }
0x4ef: {  	v5 =	vld [tilespmem:s11+$0x1430];
	v1 =	vperm.xlane v1, v0;
	_ =	sdelay $0x1  }
0x4f0: {  	s12 =	simm.s32 $0x3C0;
	v6 =	vmul.f32 v6, v1  }
.LBB2_21:
0x4f1: {  	s21 =	sshra.s32 s12, $0x2;
	p1 =	sne.s32 s12, $0x9EC0;
	v4 =	vmul.f32 v4, v1  }
0x4f2: {  	v7 =	vld [tilespmem:s21+$0x1440];
	[tilespmem:s11+$0x1400] =	vst v6;
	v3 =	vmul.f32 v3, v1  }
0x4f3: {  	v8 =	vmax.f32 v2, $1.000000000e+00;
	v6 =	vld [tilespmem:s20+$0x1400];
	[tilespmem:s11+$0x1410] =	vst v4;
	v1 =	vmul.f32 v5, v1  }
.Ltmp11:
0x4f4: {  	(erf) = vrcp.f32 v8;
	v4 =	vld [tilespmem:s20+$0x1410];
	[tilespmem:s11+$0x1420] =	vst v3;
	(pc) =	sbr.rel @p1 .LBB2_21-.Ltmp11, $4  }
0x4f5: {  	v3 =	vld [tilespmem:s20+$0x1420];
	v2 =	vpop (erf);
	[tilespmem:s11+$0x1430] =	vst v1;
	s11 =	smov.u32 s20;
	s20 =	smov.u32 s9;
	s9 =	smov.u32 s21  }
0x4f6: {  	v1 =	vperm.xlane v2, v0;
	v5 =	vld [tilespmem:s11+$0x1430]  }
0x4f7: {  	v2 =	vmov v7  }
0x4f8: {  	s12 =	sadd.s32 $0x140, s12;
	v6 =	vmul.f32 v6, v1  }
0x4f9: {  	_ = 	snop  }
0x4fa: {  	v4 =	vmul.f32 v4, v1  }
0x4fb: {  	[tilespmem:s11+$0x1400] =	vst v6;
	v3 =	vmul.f32 v3, v1  }
0x4fc: {  	v2 =	vmax.f32 v2, $1.000000000e+00;
	v6 =	vld [tilespmem:s20+$0x1400];
	[tilespmem:s11+$0x1410] =	vst v4;
	v1 =	vmul.f32 v5, v1  }
0x4fd: {  	v4 =	vld [tilespmem:s20+$0x1410];
	[tilespmem:s11+$0x1420] =	vst v3;
	v7 =	vpop (erf);
	(erf) = vrcp.f32 v2  }
0x4fe: {  	v2 =	vld [tilespmem:s20+$0x1420];
	[tilespmem:s11+$0x1430] =	vst v1  }
0x4ff: {  	v3 =	vperm.xlane v7, v0;
	v5 =	vld [tilespmem:s20+$0x1430];
	_ =	sdelay $0x1  }
0x500: {  	v1 =	vmul.f32 v6, v3  }
0x501: {  	v4 =	vmul.f32 v4, v3  }
0x502: {  	[tilespmem:s20+$0x1400] =	vst v1;
	v2 =	vmul.f32 v2, v3  }
0x503: {  	v1 =	vld [tilespmem:s9+$0x1400];
	[tilespmem:s20+$0x1410] =	vst v4;
	v3 =	vmul.f32 v5, v3  }
0x504: {  	v4 =	vld [tilespmem:s9+$0x1410];
	[tilespmem:s20+$0x1420] =	vst v2  }
0x505: {  	v2 =	vld [tilespmem:s9+$0x1420];
	[tilespmem:s20+$0x1430] =	vst v3;
	v5 =	vpop (erf)  }
0x506: {  	v3 =	vperm.xlane v5, v0;
	v5 =	vld [tilespmem:s9+$0x1430];
	_ =	sdelay $0x1  }
0x507: {  	v1 =	vmul.f32 v1, v3  }
0x508: {  	v4 =	vmul.f32 v4, v3  }
0x509: {  	[tilespmem:s9+$0x1400] =	vst v1;
	v1 =	vmul.f32 v2, v3  }
0x50a: {  	[tilespmem:s9+$0x1410] =	vst v4;
	v2 =	vmul.f32 v5, v3  }
0x50b: {  	[tilespmem:s9+$0x1420] =	vst v1  }
0x50c: {  	s21 =	rddreg [dreg:$0xe];
	s20 =	simm.s32 $0x0;
	[tilespmem:s9+$0x1430] =	vst v2  }
0x50d: {  	[hbm4b:s21+s20] =	stream.linear.scatter [tilespmem:s22], [sflag:$0xB], $0x2800, $0x38;
	[tilespmem:$0x1A180] =	vst v63  }
0x50e: {  	_ =	swait.ge [sflag:s23], $0x2800  }
0x50f: {  	[sflag:s23] =	ssyncset.done $0x0  }
0x510: {  	s28 =	rddreg [dreg:$0x9];
	[sflag:s23] =	ssyncadd.s32 $0xFFFFD800  }
0x511: {  	[tilespmem:s22], [sflag:$0xB] =	stream.linear.gather [spmem:s28], $0x2580, $0x38;
	[tilespmem:$0x1A180] =	vst v63  }
0x512: {  	_ =	swait.ge [sflag:s23], $0x2580  }
0x513: {  	[sflag:s23] =	ssyncset.done $0x0  }
0x514: {  	s11 =	simm.s32 $0x0;
	[sflag:s23] =	ssyncadd.s32 $0xFFFFDA80  }
0x515: {  	v1 =	vld [tilespmem:s11+$0x1440];
	_ =	sdelay $0x4  }
0x516: {  	v1 =	vmax.f32 v1, $1.000000000e+00  }
0x517: {  	(erf) = vrcp.f32 v1;
	_ =	sdelay $0x1  }
0x518: {  	s20 =	simm.s32 $0x50  }
0x519: {  	v3 =	vld [tilespmem:s20+$0x1440];
	_ =	sdelay $0x3  }
0x51a: {  	s9 =	simm.s32 $0xA0;
	v6 =	vld [tilespmem:s11+$0x1400]  }
0x51b: {  	v2 =	vld [tilespmem:s9+$0x1440];
	v5 =	vmax.f32 v3, $1.000000000e+00  }
0x51c: {  	v4 =	vld [tilespmem:s11+$0x1410];
	v1 =	vpop (erf);
	(erf) = vrcp.f32 v5  }
0x51d: {  	v3 =	vld [tilespmem:s11+$0x1420]  }
0x51e: {  	v5 =	vld [tilespmem:s11+$0x1430];
	v1 =	vperm.xlane v1, v0;
	_ =	sdelay $0x1  }
0x51f: {  	s12 =	simm.s32 $0x3C0;
	v6 =	vmul.f32 v6, v1  }
.LBB2_23:
0x520: {  	s21 =	sshra.s32 s12, $0x2;
	p1 =	sne.s32 s12, $0x94C0;
	v4 =	vmul.f32 v4, v1  }
0x521: {  	v7 =	vld [tilespmem:s21+$0x1440];
	[tilespmem:s11+$0x1400] =	vst v6;
	v3 =	vmul.f32 v3, v1  }
0x522: {  	v8 =	vmax.f32 v2, $1.000000000e+00;
	v6 =	vld [tilespmem:s20+$0x1400];
	[tilespmem:s11+$0x1410] =	vst v4;
	v1 =	vmul.f32 v5, v1  }
.Ltmp12:
0x523: {  	(erf) = vrcp.f32 v8;
	v4 =	vld [tilespmem:s20+$0x1410];
	[tilespmem:s11+$0x1420] =	vst v3;
	(pc) =	sbr.rel @p1 .LBB2_23-.Ltmp12, $4  }
0x524: {  	v3 =	vld [tilespmem:s20+$0x1420];
	v2 =	vpop (erf);
	[tilespmem:s11+$0x1430] =	vst v1;
	s11 =	smov.u32 s20;
	s20 =	smov.u32 s9;
	s9 =	smov.u32 s21  }
0x525: {  	v1 =	vperm.xlane v2, v0;
	v5 =	vld [tilespmem:s11+$0x1430]  }
0x526: {  	v2 =	vmov v7  }
0x527: {  	s12 =	sadd.s32 $0x140, s12;
	v6 =	vmul.f32 v6, v1  }
0x528: {  	_ = 	snop  }
0x529: {  	v4 =	vmul.f32 v4, v1  }
0x52a: {  	[tilespmem:s11+$0x1400] =	vst v6;
	v3 =	vmul.f32 v3, v1  }
0x52b: {  	v2 =	vmax.f32 v2, $1.000000000e+00;
	v6 =	vld [tilespmem:s20+$0x1400];
	[tilespmem:s11+$0x1410] =	vst v4;
	v1 =	vmul.f32 v5, v1  }
0x52c: {  	v4 =	vld [tilespmem:s20+$0x1410];
	[tilespmem:s11+$0x1420] =	vst v3;
	v7 =	vpop (erf);
	(erf) = vrcp.f32 v2  }
0x52d: {  	v2 =	vld [tilespmem:s20+$0x1420];
	[tilespmem:s11+$0x1430] =	vst v1  }
0x52e: {  	v3 =	vperm.xlane v7, v0;
	v61 =	vld [tilespmem:s20+$0x1430];
	_ =	sdelay $0x1  }
0x52f: {  	v1 =	vmul.f32 v6, v3  }
0x530: {  	v4 =	vmul.f32 v4, v3  }
0x531: {  	[tilespmem:s20+$0x1400] =	vst v1;
	v2 =	vmul.f32 v2, v3  }
0x532: {  	v1 =	vld [tilespmem:s9+$0x1400];
	[tilespmem:s20+$0x1410] =	vst v4;
	v3 =	vmul.f32 v61, v3  }
0x533: {  	v4 =	vld [tilespmem:s9+$0x1410];
	[tilespmem:s20+$0x1420] =	vst v2  }
0x534: {  	v2 =	vld [tilespmem:s9+$0x1420];
	[tilespmem:s20+$0x1430] =	vst v3;
	v62 =	vpop (erf)  }
0x535: {  	v63 =	vld [tilespmem:s9+$0x1430];
	v3 =	vperm.xlane v62, v0;
	_ =	sdelay $0x1  }
0x536: {  	v1 =	vmul.f32 v1, v3  }
0x537: {  	v4 =	vmul.f32 v4, v3  }
0x538: {  	[tilespmem:s9+$0x1400] =	vst v1;
	v1 =	vmul.f32 v2, v3  }
0x539: {  	[tilespmem:s9+$0x1410] =	vst v4;
	v2 =	vmul.f32 v63, v3  }
0x53a: {  	[tilespmem:s9+$0x1420] =	vst v1  }
0x53b: {  	s12 =	rddreg [dreg:$0xf];
	[tilespmem:s9+$0x1430] =	vst v2  }
0x53c: {  	[hbm4b:s12+s4] =	stream.linear.scatter [tilespmem:s22], [sflag:$0xB], $0x2580, $0x38;
	[tilespmem:$0x1A180] =	vst v63  }
0x53d: {  	_ =	swait.ge [sflag:s23], $0x2580  }
0x53e: {  	s20 =	rddreg [dreg:$0x12]  }
0x53f: {  	s21 =	rddreg [dreg:$0x10];
	s11 =	sadd.s32 $0x1, s20  }
0x540: {  	p1 =	sne.s32 s11, s21  }
.Ltmp13:
0x541: {  	_ = 	snop;
	(pc) =	sbr.rel @p1 .LBB2_1-.Ltmp13, $4  }
.Ltmp14:
0x542: {  	_ = 	snop;
	(pc) =	sbr.rel @!p1 .LBB2_25-.Ltmp14, $4  }
0x543: {  	_ = 	snop  }
0x544: {  	s12 =	simm.s32 $0x100;
	[sflag:s23] =	ssyncset.done $0x0;
	s28 =	rddreg [dreg:$0x5]  }
0x545: {  	[sflag:s23] =	ssyncadd.s32 $0xFFFFDA80;
	s20 =	rddreg [dreg:$0x11];
	s21 =	simm.s32 $0xA80  }
0x546: {  	_ = 	snop  }
.LBB2_10:
.Ltmp15:
0x547: {  	(pc) =	sbr.rel .LBB2_13-.Ltmp15, $3  }
0x548: {  	_ =	sdelay $0x1  }
0x549: {  	s21 =	simm.s32 $0xA80;
	s28 =	simm.s32 $0x200  }
0x54a: {  	s2 =	simm.s32 $0xB00;
	s15 =	simm.s32 $0x280;
	s24 =	simm.s32 $0xA00  }
.LBB2_4:
.Ltmp16:
0x54b: {  	(pc) =	sbr.rel .LBB2_7-.Ltmp16, $3  }
0x54c: {  	_ =	sdelay $0x1  }
0x54d: {  	s21 =	simm.s32 $0xA80;
	s28 =	simm.s32 $0x200  }
0x54e: {  	s2 =	simm.s32 $0xB00;
	s15 =	simm.s32 $0x280;
	s24 =	simm.s32 $0xA00  }
.LBB2_25:
0x54f: {  	_ =	sfence.sel $0x180000  }
0x550: {  	[bflag:$0x0] =	sbarrier.arrive $0xFFFF  }
0x551: {  	_ =	strace $0x90000047  }
0x552: {  	s0 =	stileid.u32;
	[bflag:$0x2] =	sbarrier.arrive $0xFFFF  }
0x553: {  	p0 =	sne.s32 s0, $0x0;
	s0 =	rddreg [dreg:$0x4]  }
0x554: {  	s0 =	sadd.s32 @!p0 $0x100000, s0  }
0x555: {  	[sflag:s0] =	ssyncadd.tile.s32 @!p0 $0x1;
	_ =	shalt  }
.Lfunc_end2:
_tile_overlayer_lowered:
.L_overlay_start_2:
0x556: {  	(tag) =	ssettag $0x2  }
0x557: {  	s0 =	rddreg [dreg:$0x0];
	s2 =	stileid.u32  }
0x558: {  	s1 =	rddreg [dreg:$0x1];
	p0 =	sne.s32 s2, $0x0  }
0x559: {  	s3 =	rddreg [dreg:$0x2];
	[bflag:$0x3] =	sbarrier.arrive $0xFFFF;
	s2 =	simm.s32 @!p0 $0x1C0B  }
0x55a: {  	[timem:s3], [sflag:s2] =	dma.local @!p0 [hbm:s0], s1  }
0x55b: {  	s0 =	simm.s32 @!p0 $0xB  }
0x55c: {  	_ =	swait.ge @!p0 [sflag:s0], s1  }
0x55d: {  	s1 =	ssub.s32 @!p0 $0x0, s1;
	[sflag:s0] =	ssyncset.done @!p0 $0x0  }
0x55e: {  	[sflag:s0] =	ssyncadd.s32 @!p0 s1  }
0x55f: {  	[bflag:$0x3] =	sbarrier.arrive $0xFFFF  }
0x560: {  	_ =	shalt  }

</sc_bundles>
